<compile_context>
chip_gen: v7x
topology: tpu7x:2x2x1
jax: 0.10.2.dev20260603
libtpu: 0.0.44.dev20260713+nightly
codegen_flags: <defaults>
</compile_context>

<pallas_src>
import functools

import jax
import jax.numpy as jnp
from jax import lax
from jax.experimental import pallas as pl
from jax.experimental.pallas import tpu as pltpu
from jax.experimental.pallas import tpu_sc as plsc

N_SPATIAL = 10000
N_SPHERE = 2883
D = 256
H = 128
E = 160000
NF = 78

NC, NS = 2, 16
NW = NC * NS

E_P = E

G_EPW = E_P // NW
G_C = 40
G_NCH = G_EPW // G_C

S_EPT = E_P // NS
S_C = 80
S_NCH = S_EPT // S_C
N_ACC = N_SPATIAL + 8
S_RPT = 624
S_TAIL = N_SPATIAL - NS * S_RPT

RE = 640
RN = 2000

_F32 = jnp.float32


def _ln(h, g, b):
    mu = jnp.mean(h, axis=1, keepdims=True)
    var = jnp.mean((h - mu) ** 2, axis=1, keepdims=True)
    return (h - mu) * lax.rsqrt(var + 1e-5) * g + b


def _full(shape):
    return pl.BlockSpec(shape, lambda i: (0,) * len(shape))



def _prep_body(sn, wp, ws, sp_out, as_out):
    sp = jnp.dot(sn[...], wp[...], preferred_element_type=_F32)
    sp_out[...] = sp
    as_out[...] = jnp.dot(sp, ws[...], preferred_element_type=_F32)


def _prep(sphere_nodes, wp, ws):
    return pl.pallas_call(
        _prep_body,
        out_shape=(jax.ShapeDtypeStruct((N_SPHERE, D), _F32),
                   jax.ShapeDtypeStruct((N_SPHERE, D), _F32)),
    )(sphere_nodes, wp, ws)


def _edge0_body(ef, g, w1, b1, gl, bl, w2, b2, o0, o1):
    x = (jnp.dot(ef[...], w1[...], preferred_element_type=_F32)
         + g[...] + b1[...])
    h = _ln(jnp.maximum(x, 0.0), gl[...], bl[...])
    y = jnp.dot(h, w2[...], preferred_element_type=_F32) + b2[...]
    o0[...] = y[:, :H]
    o1[...] = y[:, H:]


def _edge0(ef, g, w1, b1, gl, bl, w2, b2):
    grid = (E_P // RE,)
    return pl.pallas_call(
        _edge0_body,
        grid=grid,
        in_specs=[
            pl.BlockSpec((RE, 3), lambda i: (i, 0)),
            pl.BlockSpec((RE, D), lambda i: (i, 0)),
            _full((3, D)), _full((1, D)), _full((1, D)), _full((1, D)),
            _full((D, D)), _full((1, D)),
        ],
        out_specs=(pl.BlockSpec((RE, H), lambda i: (i, 0)),
                   pl.BlockSpec((RE, H), lambda i: (i, 0))),
        out_shape=(jax.ShapeDtypeStruct((E_P, H), _F32),
                   jax.ShapeDtypeStruct((E_P, H), _F32)),
    )(ef, g, w1, b1, gl, bl, w2, b2)


def _edge_body(e0, e1, g, w1a, w1b, b1, gl, bl, w2, b2, o0, o1):
    x = (jnp.dot(e0[...], w1a[...], preferred_element_type=_F32)
         + jnp.dot(e1[...], w1b[...], preferred_element_type=_F32)
         + g[...] + b1[...])
    h = _ln(jnp.maximum(x, 0.0), gl[...], bl[...])
    y = jnp.dot(h, w2[...], preferred_element_type=_F32) + b2[...]
    o0[...] = y[:, :H]
    o1[...] = y[:, H:]


def _edge(e0, e1, g, w1a, w1b, b1, gl, bl, w2, b2):
    grid = (E_P // RE,)
    return pl.pallas_call(
        _edge_body,
        grid=grid,
        in_specs=[
            pl.BlockSpec((RE, H), lambda i: (i, 0)),
            pl.BlockSpec((RE, H), lambda i: (i, 0)),
            pl.BlockSpec((RE, D), lambda i: (i, 0)),
            _full((H, D)), _full((H, D)), _full((1, D)), _full((1, D)),
            _full((1, D)), _full((D, D)), _full((1, D)),
        ],
        out_specs=(pl.BlockSpec((RE, H), lambda i: (i, 0)),
                   pl.BlockSpec((RE, H), lambda i: (i, 0))),
        out_shape=(jax.ShapeDtypeStruct((E_P, H), _F32),
                   jax.ShapeDtypeStruct((E_P, H), _F32)),
    )(e0, e1, g, w1a, w1b, b1, gl, bl, w2, b2)


def _nsp0_body(m0, m1, w1a, w1b, b1, gl, bl, w2, b2, wr, s_out, a_out):
    x = (jnp.dot(m0[...], w1a[...], preferred_element_type=_F32)
         + jnp.dot(m1[...], w1b[...], preferred_element_type=_F32) + b1[...])
    h = _ln(jnp.maximum(x, 0.0), gl[...], bl[...])
    s = jnp.dot(h, w2[...], preferred_element_type=_F32) + b2[...]
    s_out[...] = s
    a_out[...] = jnp.dot(s, wr[...], preferred_element_type=_F32)


def _nsp0(m0, m1, w1a, w1b, b1, gl, bl, w2, b2, wr):
    grid = (N_SPATIAL // RN,)
    return pl.pallas_call(
        _nsp0_body,
        grid=grid,
        in_specs=[
            pl.BlockSpec((RN, H), lambda i: (i, 0)),
            pl.BlockSpec((RN, H), lambda i: (i, 0)),
            _full((H, D)), _full((H, D)), _full((1, D)), _full((1, D)),
            _full((1, D)), _full((D, D)), _full((1, D)), _full((D, D)),
        ],
        out_specs=(pl.BlockSpec((RN, D), lambda i: (i, 0)),
                   pl.BlockSpec((RN, D), lambda i: (i, 0))),
        out_shape=(jax.ShapeDtypeStruct((N_SPATIAL, D), _F32),
                   jax.ShapeDtypeStruct((N_SPATIAL, D), _F32)),
    )(m0, m1, w1a, w1b, b1, gl, bl, w2, b2, wr)


def _nsp_body(sp, m0, m1, w1t, w1a, w1b, b1, gl, bl, w2, b2, wr, s_out, a_out):
    x = (jnp.dot(sp[...], w1t[...], preferred_element_type=_F32)
         + jnp.dot(m0[...], w1a[...], preferred_element_type=_F32)
         + jnp.dot(m1[...], w1b[...], preferred_element_type=_F32) + b1[...])
    h = _ln(jnp.maximum(x, 0.0), gl[...], bl[...])
    s = jnp.dot(h, w2[...], preferred_element_type=_F32) + b2[...]
    s_out[...] = s
    a_out[...] = jnp.dot(s, wr[...], preferred_element_type=_F32)


def _nsp(sp, m0, m1, w1t, w1a, w1b, b1, gl, bl, w2, b2, wr):
    grid = (N_SPATIAL // RN,)
    return pl.pallas_call(
        _nsp_body,
        grid=grid,
        in_specs=[
            pl.BlockSpec((RN, D), lambda i: (i, 0)),
            pl.BlockSpec((RN, H), lambda i: (i, 0)),
            pl.BlockSpec((RN, H), lambda i: (i, 0)),
            _full((D, D)), _full((H, D)), _full((H, D)), _full((1, D)),
            _full((1, D)), _full((1, D)), _full((D, D)), _full((1, D)),
            _full((D, D)),
        ],
        out_specs=(pl.BlockSpec((RN, D), lambda i: (i, 0)),
                   pl.BlockSpec((RN, D), lambda i: (i, 0))),
        out_shape=(jax.ShapeDtypeStruct((N_SPATIAL, D), _F32),
                   jax.ShapeDtypeStruct((N_SPATIAL, D), _F32)),
    )(sp, m0, m1, w1t, w1a, w1b, b1, gl, bl, w2, b2, wr)


def _nsph_body(sn, w1t, b1, gl, bl, w2, b2, ws, s_out, a_out):
    x = jnp.dot(sn[...], w1t[...], preferred_element_type=_F32) + b1[...]
    h = _ln(jnp.maximum(x, 0.0), gl[...], bl[...])
    s = jnp.dot(h, w2[...], preferred_element_type=_F32) + b2[...]
    s_out[...] = s
    a_out[...] = jnp.dot(s, ws[...], preferred_element_type=_F32)


def _nsph(sn, w1t, b1, gl, bl, w2, b2, ws):
    return pl.pallas_call(
        _nsph_body,
        out_shape=(jax.ShapeDtypeStruct((N_SPHERE, D), _F32),
                   jax.ShapeDtypeStruct((N_SPHERE, D), _F32)),
    )(sn, w1t, b1, gl, bl, w2, b2, ws)


def _nfin_body(sp, m0, m1, w1t, w1a, w1b, b1, gl, bl, w2, b2,
               fw1, fb1, fgl, fbl, fw2, fb2, out):
    x = (jnp.dot(sp[...], w1t[...], preferred_element_type=_F32)
         + jnp.dot(m0[...], w1a[...], preferred_element_type=_F32)
         + jnp.dot(m1[...], w1b[...], preferred_element_type=_F32) + b1[...])
    h = _ln(jnp.maximum(x, 0.0), gl[...], bl[...])
    s = jnp.dot(h, w2[...], preferred_element_type=_F32) + b2[...]
    x2 = jnp.dot(s, fw1[...], preferred_element_type=_F32) + fb1[...]
    h2 = _ln(jnp.maximum(x2, 0.0), fgl[...], fbl[...])
    out[...] = jnp.dot(h2, fw2[...], preferred_element_type=_F32) + fb2[...]


def _nfin(sp, m0, m1, w1t, w1a, w1b, b1, gl, bl, w2, b2,
          fw1, fb1, fgl, fbl, fw2, fb2):
    grid = (N_SPATIAL // RN,)
    return pl.pallas_call(
        _nfin_body,
        grid=grid,
        in_specs=[
            pl.BlockSpec((RN, D), lambda i: (i, 0)),
            pl.BlockSpec((RN, H), lambda i: (i, 0)),
            pl.BlockSpec((RN, H), lambda i: (i, 0)),
            _full((D, D)), _full((H, D)), _full((H, D)), _full((1, D)),
            _full((1, D)), _full((1, D)), _full((D, D)), _full((1, D)),
            _full((D, D)), _full((1, D)), _full((1, D)), _full((1, D)),
            _full((D, NF)), _full((1, NF)),
        ],
        out_specs=pl.BlockSpec((RN, NF), lambda i: (i, 0)),
        out_shape=jax.ShapeDtypeStruct((N_SPATIAL, NF), _F32),
    )(sp, m0, m1, w1t, w1a, w1b, b1, gl, bl, w2, b2,
      fw1, fb1, fgl, fbl, fw2, fb2)



def _sc_mesh():
    return plsc.VectorSubcoreMesh(core_axis_name="c", subcore_axis_name="s",
                                  num_cores=NC, num_subcores=NS)




def _gather1(table, sidx3):
    @functools.partial(
        pl.kernel,
        out_type=jax.ShapeDtypeStruct((E_P, D), _F32),
        mesh=_sc_mesh(),
        scratch_types=[pltpu.VMEM((G_NCH, G_C), jnp.int32),
                       pltpu.VMEM((G_C, D), _F32)],
    )
    def k(tab_hbm, idx_hbm, out_hbm, idx_v, buf):
        wid = lax.axis_index("s") * NC + lax.axis_index("c")
        base = wid * G_EPW
        pltpu.sync_copy(idx_hbm.at[wid], idx_v)

        def chunk(kk, _):
            pltpu.sync_copy(tab_hbm.at[idx_v.at[kk]], buf)
            pltpu.sync_copy(buf, out_hbm.at[pl.ds(base + kk * G_C, G_C)])
            return 0

        lax.fori_loop(0, G_NCH, chunk, 0)

    return k(table, sidx3)


def _gather2(tab_s, tab_r, sidx3, ridx3):
    @functools.partial(
        pl.kernel,
        out_type=jax.ShapeDtypeStruct((E_P, D), _F32),
        mesh=_sc_mesh(),
        scratch_types=[pltpu.VMEM((G_NCH, G_C), jnp.int32),
                       pltpu.VMEM((G_NCH, G_C), jnp.int32),
                       pltpu.VMEM((G_C, D), _F32),
                       pltpu.VMEM((G_C, D), _F32)],
    )
    def k(ts_hbm, tr_hbm, sidx_hbm, ridx_hbm, out_hbm, sv, rv, ba, bb):
        wid = lax.axis_index("s") * NC + lax.axis_index("c")
        base = wid * G_EPW
        pltpu.sync_copy(sidx_hbm.at[wid], sv)
        pltpu.sync_copy(ridx_hbm.at[wid], rv)

        def chunk(kk, _):
            pltpu.sync_copy(ts_hbm.at[sv.at[kk]], ba)
            pltpu.sync_copy(tr_hbm.at[rv.at[kk]], bb)

            def addrow(r, _):
                for v in range(D // 16):
                    sl = pl.ds(v * 16, 16)
                    ba[r, sl] = ba[r, sl] + bb[r, sl]
                return 0

            lax.fori_loop(0, G_C, addrow, 0)
            pltpu.sync_copy(ba, out_hbm.at[pl.ds(base + kk * G_C, G_C)])
            return 0

        lax.fori_loop(0, G_NCH, chunk, 0)

    return k(tab_s, tab_r, sidx3, ridx3)


def _segsum(e0, e1, ridx3):
    @functools.partial(
        pl.kernel,
        out_type=(jax.ShapeDtypeStruct((N_SPATIAL, H), _F32),
                  jax.ShapeDtypeStruct((N_SPATIAL, H), _F32)),
        mesh=_sc_mesh(),
        scratch_types=[pltpu.VMEM((S_NCH, S_C), jnp.int32),
                       pltpu.VMEM((S_C, H), _F32),
                       pltpu.VMEM_SHARED((N_ACC, H), _F32)],
    )
    def k(e0_hbm, e1_hbm, idx_hbm, o0_hbm, o1_hbm, idx_v, buf, acc):
        cid = lax.axis_index("c")
        sid = lax.axis_index("s")

        zv = jnp.zeros((16,), _F32)

        def zrow(r, _):
            for v in range(H // 16):
                buf[r, pl.ds(v * 16, 16)] = zv
            return 0

        lax.fori_loop(0, S_C, zrow, 0)
        zbase = sid * S_RPT
        for j in range(S_RPT // S_C):
            pltpu.sync_copy(buf, acc.at[pl.ds(zbase + j * S_C, S_C)])
        rem = S_RPT % S_C
        if rem:
            pltpu.sync_copy(buf.at[pl.ds(0, rem)],
                            acc.at[pl.ds(zbase + (S_RPT // S_C) * S_C, rem)])

        @pl.when(sid == NS - 1)
        def _():
            pltpu.sync_copy(buf.at[pl.ds(0, S_TAIL)],
                            acc.at[pl.ds(NS * S_RPT, S_TAIL)])

        pltpu.sync_copy(idx_hbm.at[sid], idx_v)
        plsc.subcore_barrier()

        base = sid * S_EPT

        def chunk(kk, _):
            off = base + kk * S_C

            @pl.when(cid == 0)
            def _():
                pltpu.sync_copy(e0_hbm.at[pl.ds(off, S_C)], buf)

            @pl.when(cid == 1)
            def _():
                pltpu.sync_copy(e1_hbm.at[pl.ds(off, S_C)], buf)

            pltpu.sync_copy(buf, acc.at[idx_v.at[kk]], add=True)
            return 0

        lax.fori_loop(0, S_NCH, chunk, 0)
        plsc.subcore_barrier()

        rows = pl.ds(sid * S_RPT, S_RPT)
        tail = pl.ds(NS * S_RPT, S_TAIL)
        is_last = sid == NS - 1

        @pl.when(cid == 0)
        def _():
            pltpu.sync_copy(acc.at[rows], o0_hbm.at[rows])

        @pl.when(jnp.logical_and(cid == 0, is_last))
        def _():
            pltpu.sync_copy(acc.at[tail], o0_hbm.at[tail])

        @pl.when(cid == 1)
        def _():
            pltpu.sync_copy(acc.at[rows], o1_hbm.at[rows])

        @pl.when(jnp.logical_and(cid == 1, is_last))
        def _():
            pltpu.sync_copy(acc.at[tail], o1_hbm.at[tail])

    return k(e0, e1, ridx3)



def kernel(sphere_nodes, edge_features, senders, receivers, params):
    p = params
    pad = E_P - E
    sidx3 = jnp.pad(senders - N_SPATIAL, (0, pad)).reshape(NW, G_NCH, G_C)
    ridx3 = jnp.pad(receivers, (0, pad)).reshape(NW, G_NCH, G_C)
    ridx_t = jnp.pad(receivers, (0, pad),
                     constant_values=N_SPATIAL).reshape(NS, S_NCH, S_C)
    ef_p = jnp.pad(edge_features, ((0, pad), (0, 0)))

    def row(v):
        return v.reshape(1, -1)

    sphere_proj, a_s0 = _prep(sphere_nodes, p['Wp'], p['eW1_0'][3:3 + D])
    g0 = _gather1(a_s0, sidx3)
    e0a, e0b = _edge0(ef_p, g0, p['eW1_0'][0:3], row(p['eb1_0']),
                      row(p['eg_0']), row(p['ebt_0']), p['eW2_0'], row(p['eb2_0']))
    m0a, m0b = _segsum(e0a, e0b, ridx_t)
    spatial, a_r = _nsp0(m0a, m0b, p['nW1_0'][D:D + H], p['nW1_0'][D + H:2 * D],
                         row(p['nb1_0']), row(p['ng_0']), row(p['nbt_0']),
                         p['nW2_0'], row(p['nb2_0']), p['eW1_1'][2 * D:3 * D])
    sphere, a_s = _nsph(sphere_proj, p['nW1_0'][0:D], row(p['nb1_0']),
                        row(p['ng_0']), row(p['nbt_0']), p['nW2_0'],
                        row(p['nb2_0']), p['eW1_1'][D:2 * D])

    g1 = _gather2(a_s, a_r, sidx3, ridx3)
    e1a, e1b = _edge(e0a, e0b, g1, p['eW1_1'][0:H], p['eW1_1'][H:D],
                     row(p['eb1_1']), row(p['eg_1']), row(p['ebt_1']),
                     p['eW2_1'], row(p['eb2_1']))
    m1a, m1b = _segsum(e1a, e1b, ridx_t)
    spatial, a_r = _nsp(spatial, m1a, m1b, p['nW1_1'][0:D],
                        p['nW1_1'][D:D + H], p['nW1_1'][D + H:2 * D],
                        row(p['nb1_1']), row(p['ng_1']), row(p['nbt_1']),
                        p['nW2_1'], row(p['nb2_1']), p['eW1_2'][2 * D:3 * D])
    _, a_s = _nsph(sphere, p['nW1_1'][0:D], row(p['nb1_1']),
                   row(p['ng_1']), row(p['nbt_1']), p['nW2_1'],
                   row(p['nb2_1']), p['eW1_2'][D:2 * D])

    g2 = _gather2(a_s, a_r, sidx3, ridx3)
    e2a, e2b = _edge(e1a, e1b, g2, p['eW1_2'][0:H], p['eW1_2'][H:D],
                     row(p['eb1_2']), row(p['eg_2']), row(p['ebt_2']),
                     p['eW2_2'], row(p['eb2_2']))
    m2a, m2b = _segsum(e2a, e2b, ridx_t)
    out = _nfin(spatial, m2a, m2b, p['nW1_2'][0:D],
                p['nW1_2'][D:D + H], p['nW1_2'][D + H:2 * D],
                row(p['nb1_2']), row(p['ng_2']), row(p['nbt_2']),
                p['nW2_2'], row(p['nb2_2']),
                p['fW1'], row(p['fb1']), row(p['fg']), row(p['fbt']),
                p['fW2'], row(p['fb2']))
    return out

# --- scband reference (transcript-rebuilt; emitter-appended) ---
"""Pipeline reference for scband-decoder-gnn-50663434224159 (READ-ONLY COPY).

The authoritative reference and input builder live on the scoring server;
editing this copy changes nothing except your own understanding.
"""

import jax, jax.numpy as jnp
import numpy as np

N_LAT = 100
N_LON = 100
N_SPATIAL = N_LAT * N_LON
N_SPHERE = 2883
D = 256
E = 160000
N_FEATURES = 6 * 13
N_STEPS = 3


def _mlp(x, W1, b1, g, beta, W2, b2):
    # hk.Sequential([Linear, relu, LayerNorm(axis=-1), Linear])
    h = x @ W1 + b1
    h = jax.nn.relu(h)
    mu = jnp.mean(h, axis=-1, keepdims=True)
    var = jnp.var(h, axis=-1, keepdims=True)
    h = (h - mu) / jnp.sqrt(var + 1e-5) * g + beta
    return h @ W2 + b2


def setup_inputs(seed: int = 0):
    key = jax.random.key(seed)
    ks = jax.random.split(key, 8)
    sphere_nodes = jax.random.normal(ks[0], (N_SPHERE, D), dtype=jnp.float32)
    # bipartite decoding edges: sphere (offset by N_SPATIAL in concat node array) -> spatial
    senders = jax.random.randint(ks[1], (E,), N_SPATIAL, N_SPATIAL + N_SPHERE).astype(jnp.int32)
    receivers = jax.random.randint(ks[2], (E,), 0, N_SPATIAL).astype(jnp.int32)
    edge_features = jax.random.normal(ks[3], (E, 3), dtype=jnp.float32)
    params = {}
    pk = ks[4]
    def nxt():
        nonlocal pk
        pk, sub = jax.random.split(pk)
        return sub
    # mlp_project weight for sphere nodes (target_feature_dim=256)
    params['Wp'] = jax.random.normal(nxt(), (D, D), dtype=jnp.float32) * jnp.sqrt(2.0 / (D + D))
    for i in range(N_STEPS):
        ein = (3 if i == 0 else D) + 2 * D
        params['eW1_%d' % i] = jax.random.normal(nxt(), (ein, D), dtype=jnp.float32) * 0.02
        params['eb1_%d' % i] = jnp.zeros((D,), jnp.float32)
        params['eg_%d' % i] = jnp.ones((D,), jnp.float32)
        params['ebt_%d' % i] = jnp.zeros((D,), jnp.float32)
        params['eW2_%d' % i] = jax.random.normal(nxt(), (D, D), dtype=jnp.float32) * 0.02
        params['eb2_%d' % i] = jnp.zeros((D,), jnp.float32)
        params['nW1_%d' % i] = jax.random.normal(nxt(), (2 * D, D), dtype=jnp.float32) * 0.02
        params['nb1_%d' % i] = jnp.zeros((D,), jnp.float32)
        params['ng_%d' % i] = jnp.ones((D,), jnp.float32)
        params['nbt_%d' % i] = jnp.zeros((D,), jnp.float32)
        params['nW2_%d' % i] = jax.random.normal(nxt(), (D, D), dtype=jnp.float32) * 0.02
        params['nb2_%d' % i] = jnp.zeros((D,), jnp.float32)
    params['fW1'] = jax.random.normal(nxt(), (D, D), dtype=jnp.float32) * 0.02
    params['fb1'] = jnp.zeros((D,), jnp.float32)
    params['fg'] = jnp.ones((D,), jnp.float32)
    params['fbt'] = jnp.zeros((D,), jnp.float32)
    params['fW2'] = jax.random.normal(nxt(), (D, N_FEATURES), dtype=jnp.float32) * 0.02
    params['fb2'] = jnp.zeros((N_FEATURES,), jnp.float32)
    return {'sphere_nodes': sphere_nodes, 'edge_features': edge_features,
            'senders': senders, 'receivers': receivers, 'params': params}


def reference(sphere_nodes, edge_features, senders, receivers, params):
    # spatial latent nodes initialized to zeros, as in DecoderGNN.__call__
    spatial = jnp.zeros((N_SPATIAL, D), jnp.float32)
    sphere_proj = sphere_nodes @ params['Wp']
    nodes = jnp.concatenate([spatial, sphere_proj], axis=0)
    edges = edge_features
    n_total = N_SPATIAL + N_SPHERE
    for i in range(N_STEPS):
        s = nodes[senders]
        r = nodes[receivers]
        edge_in = jnp.concatenate([edges, s, r], axis=1)
        edges = _mlp(edge_in, params['eW1_%d' % i], params['eb1_%d' % i], params['eg_%d' % i],
                     params['ebt_%d' % i], params['eW2_%d' % i], params['eb2_%d' % i])
        messages = jax.ops.segment_sum(edges, receivers, num_segments=n_total)
        node_in = jnp.concatenate([nodes, messages], axis=1)
        nodes = _mlp(node_in, params['nW1_%d' % i], params['nb1_%d' % i], params['ng_%d' % i],
                     params['nbt_%d' % i], params['nW2_%d' % i], params['nb2_%d' % i])
    spatial_out = nodes[:N_SPATIAL]
    return _mlp(spatial_out, params['fW1'], params['fb1'], params['fg'], params['fbt'], params['fW2'], params['fb2'])

if __name__ == "__main__":
    import jax
    _d = setup_inputs()
    print(jax.jit(kernel)(*tuple(_d.values())))

</pallas_src>

<mosaic_0001>
#map = affine_map<(d0, d1) -> (0, 0)>
#map1 = affine_map<(d0, d1) -> (0, 0, 0)>
module attributes {stable_mosaic.version = 14 : i64} {
  func.func @k(%arg0: i32, %arg1: i32, %arg2: memref<160000x128xf32, #tpu.memory_space<hbm>>, %arg3: memref<160000x128xf32, #tpu.memory_space<hbm>>, %arg4: memref<16x125x80xi32, #tpu.memory_space<hbm>>, %arg5: memref<10000x128xf32, #tpu.memory_space<hbm>>, %arg6: memref<10000x128xf32, #tpu.memory_space<hbm>>, %arg7: memref<125x80xi32, #tpu.memory_space<vmem>>, %arg8: memref<80x128xf32, #tpu.memory_space<vmem>>, %arg9: memref<10008x128xf32, #tpu.memory_space<vmem_shared>>) attributes {dimension_semantics = [#tpu.dimension_semantics<core_parallel>, #tpu.dimension_semantics<subcore_parallel>], iteration_bounds = array<i64: 2, 16>, scalar_prefetch = 0 : i64, scratch_operands = 3 : i64, tpu.core_type = #tpu.core_type<sc_vector_subcore>, window_params = [{transform_indices = #map}, {transform_indices = #map}, {transform_indices = #map1}, {transform_indices = #map}, {transform_indices = #map}]} {
    %broadcast_in_dim3A = arith.constant 0.000000e+00 : f32
    %broadcast_in_dim3A_0 = vector.broadcast %broadcast_in_dim3A : f32 to vector<16xf32>
    %scan3A = arith.constant 0 : i32
    %scan3A_1 = arith.constant 0 : i32
    %scan3A_2 = arith.constant 80 : i32
    %scan3A_3 = arith.addi %scan3A_1, %scan3A_2 : i32
    %scan3A_4 = arith.constant 1 : i32
    %scan3A_5 = scf.for %scan3A_60 = %scan3A_1 to %scan3A_3 step %scan3A_4 iter_args(%scan3A_61 = %scan3A) -> (i32)  : i32 {
      %swap3A = arith.index_cast %scan3A_60 : i32 to index
      %swap3A_62 = arith.constant 0 : index
      %swap3A_63 = tpu.vector_load %arg8[%swap3A, %swap3A_62] {strides = array<i32>} : memref<80x128xf32, #tpu.memory_space<vmem>>, vector<1x16xf32>,
      %swap3A_64 = vector.shape_cast %swap3A_63 : vector<1x16xf32> to vector<16xf32>
      %swap3A_65 = vector.shape_cast %broadcast_in_dim3A_0 : vector<16xf32> to vector<1x16xf32>
      tpu.vector_store %arg8[%swap3A, %swap3A_62], %swap3A_65 {strides = array<i32>} : memref<80x128xf32, #tpu.memory_space<vmem>>, vector<1x16xf32>,
      %swap3A_66 = arith.index_cast %scan3A_60 : i32 to index
      %swap3A_67 = arith.constant 16 : index
      %swap3A_68 = tpu.vector_load %arg8[%swap3A_66, %swap3A_67] {strides = array<i32>} : memref<80x128xf32, #tpu.memory_space<vmem>>, vector<1x16xf32>,
      %swap3A_69 = vector.shape_cast %swap3A_68 : vector<1x16xf32> to vector<16xf32>
      %swap3A_70 = vector.shape_cast %broadcast_in_dim3A_0 : vector<16xf32> to vector<1x16xf32>
      tpu.vector_store %arg8[%swap3A_66, %swap3A_67], %swap3A_70 {strides = array<i32>} : memref<80x128xf32, #tpu.memory_space<vmem>>, vector<1x16xf32>,
      %swap3A_71 = arith.index_cast %scan3A_60 : i32 to index
      %swap3A_72 = arith.constant 32 : index
      %swap3A_73 = tpu.vector_load %arg8[%swap3A_71, %swap3A_72] {strides = array<i32>} : memref<80x128xf32, #tpu.memory_space<vmem>>, vector<1x16xf32>,
      %swap3A_74 = vector.shape_cast %swap3A_73 : vector<1x16xf32> to vector<16xf32>
      %swap3A_75 = vector.shape_cast %broadcast_in_dim3A_0 : vector<16xf32> to vector<1x16xf32>
      tpu.vector_store %arg8[%swap3A_71, %swap3A_72], %swap3A_75 {strides = array<i32>} : memref<80x128xf32, #tpu.memory_space<vmem>>, vector<1x16xf32>,
      %swap3A_76 = arith.index_cast %scan3A_60 : i32 to index
      %swap3A_77 = arith.constant 48 : index
      %swap3A_78 = tpu.vector_load %arg8[%swap3A_76, %swap3A_77] {strides = array<i32>} : memref<80x128xf32, #tpu.memory_space<vmem>>, vector<1x16xf32>,
      %swap3A_79 = vector.shape_cast %swap3A_78 : vector<1x16xf32> to vector<16xf32>
      %swap3A_80 = vector.shape_cast %broadcast_in_dim3A_0 : vector<16xf32> to vector<1x16xf32>
      tpu.vector_store %arg8[%swap3A_76, %swap3A_77], %swap3A_80 {strides = array<i32>} : memref<80x128xf32, #tpu.memory_space<vmem>>, vector<1x16xf32>,
      %swap3A_81 = arith.index_cast %scan3A_60 : i32 to index
      %swap3A_82 = arith.constant 64 : index
      %swap3A_83 = tpu.vector_load %arg8[%swap3A_81, %swap3A_82] {strides = array<i32>} : memref<80x128xf32, #tpu.memory_space<vmem>>, vector<1x16xf32>,
      %swap3A_84 = vector.shape_cast %swap3A_83 : vector<1x16xf32> to vector<16xf32>
      %swap3A_85 = vector.shape_cast %broadcast_in_dim3A_0 : vector<16xf32> to vector<1x16xf32>
      tpu.vector_store %arg8[%swap3A_81, %swap3A_82], %swap3A_85 {strides = array<i32>} : memref<80x128xf32, #tpu.memory_space<vmem>>, vector<1x16xf32>,
      %swap3A_86 = arith.index_cast %scan3A_60 : i32 to index
      %swap3A_87 = arith.constant 80 : index
      %swap3A_88 = tpu.vector_load %arg8[%swap3A_86, %swap3A_87] {strides = array<i32>} : memref<80x128xf32, #tpu.memory_space<vmem>>, vector<1x16xf32>,
      %swap3A_89 = vector.shape_cast %swap3A_88 : vector<1x16xf32> to vector<16xf32>
      %swap3A_90 = vector.shape_cast %broadcast_in_dim3A_0 : vector<16xf32> to vector<1x16xf32>
      tpu.vector_store %arg8[%swap3A_86, %swap3A_87], %swap3A_90 {strides = array<i32>} : memref<80x128xf32, #tpu.memory_space<vmem>>, vector<1x16xf32>,
      %swap3A_91 = arith.index_cast %scan3A_60 : i32 to index
      %swap3A_92 = arith.constant 96 : index
      %swap3A_93 = tpu.vector_load %arg8[%swap3A_91, %swap3A_92] {strides = array<i32>} : memref<80x128xf32, #tpu.memory_space<vmem>>, vector<1x16xf32>,
      %swap3A_94 = vector.shape_cast %swap3A_93 : vector<1x16xf32> to vector<16xf32>
      %swap3A_95 = vector.shape_cast %broadcast_in_dim3A_0 : vector<16xf32> to vector<1x16xf32>
      tpu.vector_store %arg8[%swap3A_91, %swap3A_92], %swap3A_95 {strides = array<i32>} : memref<80x128xf32, #tpu.memory_space<vmem>>, vector<1x16xf32>,
      %swap3A_96 = arith.index_cast %scan3A_60 : i32 to index
      %swap3A_97 = arith.constant 112 : index
      %swap3A_98 = tpu.vector_load %arg8[%swap3A_96, %swap3A_97] {strides = array<i32>} : memref<80x128xf32, #tpu.memory_space<vmem>>, vector<1x16xf32>,
      %swap3A_99 = vector.shape_cast %swap3A_98 : vector<1x16xf32> to vector<16xf32>
      %swap3A_100 = vector.shape_cast %broadcast_in_dim3A_0 : vector<16xf32> to vector<1x16xf32>
      tpu.vector_store %arg8[%swap3A_96, %swap3A_97], %swap3A_100 {strides = array<i32>} : memref<80x128xf32, #tpu.memory_space<vmem>>, vector<1x16xf32>,
      %scan3A_101 = arith.constant 0 : i32
      scf.yield %scan3A_101 : i32
    }
    %scan3A_6 = arith.constant 80 : i32
    %mul3A = arith.constant 624 : i32
    %mul3A_7 = arith.muli %arg1, %mul3A : i32
    %add3A = arith.constant 0 : i32
    %add3A_8 = arith.addi %mul3A_7, %add3A : i32
    "tpu.region"() ({
      %run_scoped3A = tpu.sem_alloc : memref<!tpu.dma_semaphore, #tpu.memory_space<semaphore_mem>>
      %dma_start3A = arith.constant 0 : i32
      %dma_start3A_60 = tpu.memref_slice %arg9[%add3A_8, %dma_start3A] : memref<10008x128xf32, #tpu.memory_space<vmem_shared>> -> memref<80x128xf32, #tpu.memory_space<vmem_shared>>
      %dma_start3A_61 = arith.constant 0 : i32
      %dma_start3A_62 = tpu.memref_slice %arg9[%add3A_8, %dma_start3A_61] : memref<10008x128xf32, #tpu.memory_space<vmem_shared>> -> memref<80x128xf32, #tpu.memory_space<vmem_shared>>
      tpu.enqueue_dma source(%arg8 : memref<80x128xf32, #tpu.memory_space<vmem>>) target(%dma_start3A_62 : memref<80x128xf32, #tpu.memory_space<vmem_shared>>) target_semaphore(%run_scoped3A : memref<!tpu.dma_semaphore, #tpu.memory_space<semaphore_mem>>)
      %dma_wait3A = arith.constant 0 : i32
      %dma_wait3A_63 = tpu.memref_slice %arg9[%add3A_8, %dma_wait3A] : memref<10008x128xf32, #tpu.memory_space<vmem_shared>> -> memref<80x128xf32, #tpu.memory_space<vmem_shared>>
      %dma_wait3A_64 = arith.constant 0 : i32
      %dma_wait3A_65 = tpu.memref_slice %arg9[%add3A_8, %dma_wait3A_64] : memref<10008x128xf32, #tpu.memory_space<vmem_shared>> -> memref<80x128xf32, #tpu.memory_space<vmem_shared>>
      tpu.wait_dma2 semaphore(%run_scoped3A : memref<!tpu.dma_semaphore, #tpu.memory_space<semaphore_mem>>) src(%arg8 : memref<80x128xf32, #tpu.memory_space<vmem>>) dst(%dma_wait3A_65 : memref<80x128xf32, #tpu.memory_space<vmem_shared>>)
      tpu.yield
    }) : () -> ()
    %add3A_9 = arith.constant 80 : i32
    %add3A_10 = arith.addi %mul3A_7, %add3A_9 : i32
    "tpu.region"() ({
      %run_scoped3A = tpu.sem_alloc : memref<!tpu.dma_semaphore, #tpu.memory_space<semaphore_mem>>
      %dma_start3A = arith.constant 0 : i32
      %dma_start3A_60 = tpu.memref_slice %arg9[%add3A_10, %dma_start3A] : memref<10008x128xf32, #tpu.memory_space<vmem_shared>> -> memref<80x128xf32, #tpu.memory_space<vmem_shared>>
      %dma_start3A_61 = arith.constant 0 : i32
      %dma_start3A_62 = tpu.memref_slice %arg9[%add3A_10, %dma_start3A_61] : memref<10008x128xf32, #tpu.memory_space<vmem_shared>> -> memref<80x128xf32, #tpu.memory_space<vmem_shared>>
      tpu.enqueue_dma source(%arg8 : memref<80x128xf32, #tpu.memory_space<vmem>>) target(%dma_start3A_62 : memref<80x128xf32, #tpu.memory_space<vmem_shared>>) target_semaphore(%run_scoped3A : memref<!tpu.dma_semaphore, #tpu.memory_space<semaphore_mem>>)
      %dma_wait3A = arith.constant 0 : i32
      %dma_wait3A_63 = tpu.memref_slice %arg9[%add3A_10, %dma_wait3A] : memref<10008x128xf32, #tpu.memory_space<vmem_shared>> -> memref<80x128xf32, #tpu.memory_space<vmem_shared>>
      %dma_wait3A_64 = arith.constant 0 : i32
      %dma_wait3A_65 = tpu.memref_slice %arg9[%add3A_10, %dma_wait3A_64] : memref<10008x128xf32, #tpu.memory_space<vmem_shared>> -> memref<80x128xf32, #tpu.memory_space<vmem_shared>>
      tpu.wait_dma2 semaphore(%run_scoped3A : memref<!tpu.dma_semaphore, #tpu.memory_space<semaphore_mem>>) src(%arg8 : memref<80x128xf32, #tpu.memory_space<vmem>>) dst(%dma_wait3A_65 : memref<80x128xf32, #tpu.memory_space<vmem_shared>>)
      tpu.yield
    }) : () -> ()
    %add3A_11 = arith.constant 160 : i32
    %add3A_12 = arith.addi %mul3A_7, %add3A_11 : i32
    "tpu.region"() ({
      %run_scoped3A = tpu.sem_alloc : memref<!tpu.dma_semaphore, #tpu.memory_space<semaphore_mem>>
      %dma_start3A = arith.constant 0 : i32
      %dma_start3A_60 = tpu.memref_slice %arg9[%add3A_12, %dma_start3A] : memref<10008x128xf32, #tpu.memory_space<vmem_shared>> -> memref<80x128xf32, #tpu.memory_space<vmem_shared>>
      %dma_start3A_61 = arith.constant 0 : i32
      %dma_start3A_62 = tpu.memref_slice %arg9[%add3A_12, %dma_start3A_61] : memref<10008x128xf32, #tpu.memory_space<vmem_shared>> -> memref<80x128xf32, #tpu.memory_space<vmem_shared>>
      tpu.enqueue_dma source(%arg8 : memref<80x128xf32, #tpu.memory_space<vmem>>) target(%dma_start3A_62 : memref<80x128xf32, #tpu.memory_space<vmem_shared>>) target_semaphore(%run_scoped3A : memref<!tpu.dma_semaphore, #tpu.memory_space<semaphore_mem>>)
      %dma_wait3A = arith.constant 0 : i32
      %dma_wait3A_63 = tpu.memref_slice %arg9[%add3A_12, %dma_wait3A] : memref<10008x128xf32, #tpu.memory_space<vmem_shared>> -> memref<80x128xf32, #tpu.memory_space<vmem_shared>>
      %dma_wait3A_64 = arith.constant 0 : i32
      %dma_wait3A_65 = tpu.memref_slice %arg9[%add3A_12, %dma_wait3A_64] : memref<10008x128xf32, #tpu.memory_space<vmem_shared>> -> memref<80x128xf32, #tpu.memory_space<vmem_shared>>
      tpu.wait_dma2 semaphore(%run_scoped3A : memref<!tpu.dma_semaphore, #tpu.memory_space<semaphore_mem>>) src(%arg8 : memref<80x128xf32, #tpu.memory_space<vmem>>) dst(%dma_wait3A_65 : memref<80x128xf32, #tpu.memory_space<vmem_shared>>)
      tpu.yield
    }) : () -> ()
    %add3A_13 = arith.constant 240 : i32
    %add3A_14 = arith.addi %mul3A_7, %add3A_13 : i32
    "tpu.region"() ({
      %run_scoped3A = tpu.sem_alloc : memref<!tpu.dma_semaphore, #tpu.memory_space<semaphore_mem>>
      %dma_start3A = arith.constant 0 : i32
      %dma_start3A_60 = tpu.memref_slice %arg9[%add3A_14, %dma_start3A] : memref<10008x128xf32, #tpu.memory_space<vmem_shared>> -> memref<80x128xf32, #tpu.memory_space<vmem_shared>>
      %dma_start3A_61 = arith.constant 0 : i32
      %dma_start3A_62 = tpu.memref_slice %arg9[%add3A_14, %dma_start3A_61] : memref<10008x128xf32, #tpu.memory_space<vmem_shared>> -> memref<80x128xf32, #tpu.memory_space<vmem_shared>>
      tpu.enqueue_dma source(%arg8 : memref<80x128xf32, #tpu.memory_space<vmem>>) target(%dma_start3A_62 : memref<80x128xf32, #tpu.memory_space<vmem_shared>>) target_semaphore(%run_scoped3A : memref<!tpu.dma_semaphore, #tpu.memory_space<semaphore_mem>>)
      %dma_wait3A = arith.constant 0 : i32
      %dma_wait3A_63 = tpu.memref_slice %arg9[%add3A_14, %dma_wait3A] : memref<10008x128xf32, #tpu.memory_space<vmem_shared>> -> memref<80x128xf32, #tpu.memory_space<vmem_shared>>
      %dma_wait3A_64 = arith.constant 0 : i32
      %dma_wait3A_65 = tpu.memref_slice %arg9[%add3A_14, %dma_wait3A_64] : memref<10008x128xf32, #tpu.memory_space<vmem_shared>> -> memref<80x128xf32, #tpu.memory_space<vmem_shared>>
      tpu.wait_dma2 semaphore(%run_scoped3A : memref<!tpu.dma_semaphore, #tpu.memory_space<semaphore_mem>>) src(%arg8 : memref<80x128xf32, #tpu.memory_space<vmem>>) dst(%dma_wait3A_65 : memref<80x128xf32, #tpu.memory_space<vmem_shared>>)
      tpu.yield
    }) : () -> ()
    %add3A_15 = arith.constant 320 : i32
    %add3A_16 = arith.addi %mul3A_7, %add3A_15 : i32
    "tpu.region"() ({
      %run_scoped3A = tpu.sem_alloc : memref<!tpu.dma_semaphore, #tpu.memory_space<semaphore_mem>>
      %dma_start3A = arith.constant 0 : i32
      %dma_start3A_60 = tpu.memref_slice %arg9[%add3A_16, %dma_start3A] : memref<10008x128xf32, #tpu.memory_space<vmem_shared>> -> memref<80x128xf32, #tpu.memory_space<vmem_shared>>
      %dma_start3A_61 = arith.constant 0 : i32
      %dma_start3A_62 = tpu.memref_slice %arg9[%add3A_16, %dma_start3A_61] : memref<10008x128xf32, #tpu.memory_space<vmem_shared>> -> memref<80x128xf32, #tpu.memory_space<vmem_shared>>
      tpu.enqueue_dma source(%arg8 : memref<80x128xf32, #tpu.memory_space<vmem>>) target(%dma_start3A_62 : memref<80x128xf32, #tpu.memory_space<vmem_shared>>) target_semaphore(%run_scoped3A : memref<!tpu.dma_semaphore, #tpu.memory_space<semaphore_mem>>)
      %dma_wait3A = arith.constant 0 : i32
      %dma_wait3A_63 = tpu.memref_slice %arg9[%add3A_16, %dma_wait3A] : memref<10008x128xf32, #tpu.memory_space<vmem_shared>> -> memref<80x128xf32, #tpu.memory_space<vmem_shared>>
      %dma_wait3A_64 = arith.constant 0 : i32
      %dma_wait3A_65 = tpu.memref_slice %arg9[%add3A_16, %dma_wait3A_64] : memref<10008x128xf32, #tpu.memory_space<vmem_shared>> -> memref<80x128xf32, #tpu.memory_space<vmem_shared>>
      tpu.wait_dma2 semaphore(%run_scoped3A : memref<!tpu.dma_semaphore, #tpu.memory_space<semaphore_mem>>) src(%arg8 : memref<80x128xf32, #tpu.memory_space<vmem>>) dst(%dma_wait3A_65 : memref<80x128xf32, #tpu.memory_space<vmem_shared>>)
      tpu.yield
    }) : () -> ()
    %add3A_17 = arith.constant 400 : i32
    %add3A_18 = arith.addi %mul3A_7, %add3A_17 : i32
    "tpu.region"() ({
      %run_scoped3A = tpu.sem_alloc : memref<!tpu.dma_semaphore, #tpu.memory_space<semaphore_mem>>
      %dma_start3A = arith.constant 0 : i32
      %dma_start3A_60 = tpu.memref_slice %arg9[%add3A_18, %dma_start3A] : memref<10008x128xf32, #tpu.memory_space<vmem_shared>> -> memref<80x128xf32, #tpu.memory_space<vmem_shared>>
      %dma_start3A_61 = arith.constant 0 : i32
      %dma_start3A_62 = tpu.memref_slice %arg9[%add3A_18, %dma_start3A_61] : memref<10008x128xf32, #tpu.memory_space<vmem_shared>> -> memref<80x128xf32, #tpu.memory_space<vmem_shared>>
      tpu.enqueue_dma source(%arg8 : memref<80x128xf32, #tpu.memory_space<vmem>>) target(%dma_start3A_62 : memref<80x128xf32, #tpu.memory_space<vmem_shared>>) target_semaphore(%run_scoped3A : memref<!tpu.dma_semaphore, #tpu.memory_space<semaphore_mem>>)
      %dma_wait3A = arith.constant 0 : i32
      %dma_wait3A_63 = tpu.memref_slice %arg9[%add3A_18, %dma_wait3A] : memref<10008x128xf32, #tpu.memory_space<vmem_shared>> -> memref<80x128xf32, #tpu.memory_space<vmem_shared>>
      %dma_wait3A_64 = arith.constant 0 : i32
      %dma_wait3A_65 = tpu.memref_slice %arg9[%add3A_18, %dma_wait3A_64] : memref<10008x128xf32, #tpu.memory_space<vmem_shared>> -> memref<80x128xf32, #tpu.memory_space<vmem_shared>>
      tpu.wait_dma2 semaphore(%run_scoped3A : memref<!tpu.dma_semaphore, #tpu.memory_space<semaphore_mem>>) src(%arg8 : memref<80x128xf32, #tpu.memory_space<vmem>>) dst(%dma_wait3A_65 : memref<80x128xf32, #tpu.memory_space<vmem_shared>>)
      tpu.yield
    }) : () -> ()
    %add3A_19 = arith.constant 480 : i32
    %add3A_20 = arith.addi %mul3A_7, %add3A_19 : i32
    "tpu.region"() ({
      %run_scoped3A = tpu.sem_alloc : memref<!tpu.dma_semaphore, #tpu.memory_space<semaphore_mem>>
      %dma_start3A = arith.constant 0 : i32
      %dma_start3A_60 = tpu.memref_slice %arg9[%add3A_20, %dma_start3A] : memref<10008x128xf32, #tpu.memory_space<vmem_shared>> -> memref<80x128xf32, #tpu.memory_space<vmem_shared>>
      %dma_start3A_61 = arith.constant 0 : i32
      %dma_start3A_62 = tpu.memref_slice %arg9[%add3A_20, %dma_start3A_61] : memref<10008x128xf32, #tpu.memory_space<vmem_shared>> -> memref<80x128xf32, #tpu.memory_space<vmem_shared>>
      tpu.enqueue_dma source(%arg8 : memref<80x128xf32, #tpu.memory_space<vmem>>) target(%dma_start3A_62 : memref<80x128xf32, #tpu.memory_space<vmem_shared>>) target_semaphore(%run_scoped3A : memref<!tpu.dma_semaphore, #tpu.memory_space<semaphore_mem>>)
      %dma_wait3A = arith.constant 0 : i32
      %dma_wait3A_63 = tpu.memref_slice %arg9[%add3A_20, %dma_wait3A] : memref<10008x128xf32, #tpu.memory_space<vmem_shared>> -> memref<80x128xf32, #tpu.memory_space<vmem_shared>>
      %dma_wait3A_64 = arith.constant 0 : i32
      %dma_wait3A_65 = tpu.memref_slice %arg9[%add3A_20, %dma_wait3A_64] : memref<10008x128xf32, #tpu.memory_space<vmem_shared>> -> memref<80x128xf32, #tpu.memory_space<vmem_shared>>
      tpu.wait_dma2 semaphore(%run_scoped3A : memref<!tpu.dma_semaphore, #tpu.memory_space<semaphore_mem>>) src(%arg8 : memref<80x128xf32, #tpu.memory_space<vmem>>) dst(%dma_wait3A_65 : memref<80x128xf32, #tpu.memory_space<vmem_shared>>)
      tpu.yield
    }) : () -> ()
    %add3A_21 = arith.constant 560 : i32
    %add3A_22 = arith.addi %mul3A_7, %add3A_21 : i32
    "tpu.region"() ({
      %run_scoped3A = tpu.sem_alloc : memref<!tpu.dma_semaphore, #tpu.memory_space<semaphore_mem>>
      %dma_start3A = arith.constant 0 : i32
      %dma_start3A_60 = arith.constant 0 : i32
      %dma_start3A_61 = tpu.memref_slice %arg8[%dma_start3A, %dma_start3A_60] : memref<80x128xf32, #tpu.memory_space<vmem>> -> memref<64x128xf32, #tpu.memory_space<vmem>>
      %dma_start3A_62 = arith.constant 0 : i32
      %dma_start3A_63 = tpu.memref_slice %arg9[%add3A_22, %dma_start3A_62] : memref<10008x128xf32, #tpu.memory_space<vmem_shared>> -> memref<64x128xf32, #tpu.memory_space<vmem_shared>>
      %dma_start3A_64 = arith.constant 0 : i32
      %dma_start3A_65 = tpu.memref_slice %arg9[%add3A_22, %dma_start3A_64] : memref<10008x128xf32, #tpu.memory_space<vmem_shared>> -> memref<64x128xf32, #tpu.memory_space<vmem_shared>>
      %dma_start3A_66 = arith.constant 0 : i32
      %dma_start3A_67 = arith.constant 0 : i32
      %dma_start3A_68 = tpu.memref_slice %arg8[%dma_start3A_66, %dma_start3A_67] : memref<80x128xf32, #tpu.memory_space<vmem>> -> memref<64x128xf32, #tpu.memory_space<vmem>>
      tpu.enqueue_dma source(%dma_start3A_68 : memref<64x128xf32, #tpu.memory_space<vmem>>) target(%dma_start3A_65 : memref<64x128xf32, #tpu.memory_space<vmem_shared>>) target_semaphore(%run_scoped3A : memref<!tpu.dma_semaphore, #tpu.memory_space<semaphore_mem>>)
      %dma_wait3A = arith.constant 0 : i32
      %dma_wait3A_69 = arith.constant 0 : i32
      %dma_wait3A_70 = tpu.memref_slice %arg8[%dma_wait3A, %dma_wait3A_69] : memref<80x128xf32, #tpu.memory_space<vmem>> -> memref<64x128xf32, #tpu.memory_space<vmem>>
      %dma_wait3A_71 = arith.constant 0 : i32
      %dma_wait3A_72 = tpu.memref_slice %arg9[%add3A_22, %dma_wait3A_71] : memref<10008x128xf32, #tpu.memory_space<vmem_shared>> -> memref<64x128xf32, #tpu.memory_space<vmem_shared>>
      %dma_wait3A_73 = arith.constant 0 : i32
      %dma_wait3A_74 = tpu.memref_slice %arg9[%add3A_22, %dma_wait3A_73] : memref<10008x128xf32, #tpu.memory_space<vmem_shared>> -> memref<64x128xf32, #tpu.memory_space<vmem_shared>>
      %dma_wait3A_75 = arith.constant 0 : i32
      %dma_wait3A_76 = arith.constant 0 : i32
      %dma_wait3A_77 = tpu.memref_slice %arg8[%dma_wait3A_75, %dma_wait3A_76] : memref<80x128xf32, #tpu.memory_space<vmem>> -> memref<64x128xf32, #tpu.memory_space<vmem>>
      tpu.wait_dma2 semaphore(%run_scoped3A : memref<!tpu.dma_semaphore, #tpu.memory_space<semaphore_mem>>) src(%dma_wait3A_77 : memref<64x128xf32, #tpu.memory_space<vmem>>) dst(%dma_wait3A_74 : memref<64x128xf32, #tpu.memory_space<vmem_shared>>)
      tpu.yield
    }) : () -> ()
    %eq3A = arith.constant 15 : i32
    %eq3A_23 = arith.cmpi eq, %arg1, %eq3A : i32
    %convert_element_type3A = arith.extui %eq3A_23 : i1 to i32
    %cond3A = arith.constant 0 : i32
    %cond3A_24 = arith.cmpi ne, %convert_element_type3A, %cond3A : i32
    scf.if %cond3A_24 {
      "tpu.region"() ({
        %run_scoped3A = tpu.sem_alloc : memref<!tpu.dma_semaphore, #tpu.memory_space<semaphore_mem>>
        %dma_start3A = arith.constant 0 : i32
        %dma_start3A_60 = arith.constant 0 : i32
        %dma_start3A_61 = tpu.memref_slice %arg8[%dma_start3A, %dma_start3A_60] : memref<80x128xf32, #tpu.memory_space<vmem>> -> memref<16x128xf32, #tpu.memory_space<vmem>>
        %dma_start3A_62 = arith.constant 9984 : i32
        %dma_start3A_63 = arith.constant 0 : i32
        %dma_start3A_64 = tpu.memref_slice %arg9[%dma_start3A_62, %dma_start3A_63] : memref<10008x128xf32, #tpu.memory_space<vmem_shared>> -> memref<16x128xf32, #tpu.memory_space<vmem_shared>>
        %dma_start3A_65 = arith.constant 9984 : i32
        %dma_start3A_66 = arith.constant 0 : i32
        %dma_start3A_67 = tpu.memref_slice %arg9[%dma_start3A_65, %dma_start3A_66] : memref<10008x128xf32, #tpu.memory_space<vmem_shared>> -> memref<16x128xf32, #tpu.memory_space<vmem_shared>>
        %dma_start3A_68 = arith.constant 0 : i32
        %dma_start3A_69 = arith.constant 0 : i32
        %dma_start3A_70 = tpu.memref_slice %arg8[%dma_start3A_68, %dma_start3A_69] : memref<80x128xf32, #tpu.memory_space<vmem>> -> memref<16x128xf32, #tpu.memory_space<vmem>>
        tpu.enqueue_dma source(%dma_start3A_70 : memref<16x128xf32, #tpu.memory_space<vmem>>) target(%dma_start3A_67 : memref<16x128xf32, #tpu.memory_space<vmem_shared>>) target_semaphore(%run_scoped3A : memref<!tpu.dma_semaphore, #tpu.memory_space<semaphore_mem>>)
        %dma_wait3A = arith.constant 0 : i32
        %dma_wait3A_71 = arith.constant 0 : i32
        %dma_wait3A_72 = tpu.memref_slice %arg8[%dma_wait3A, %dma_wait3A_71] : memref<80x128xf32, #tpu.memory_space<vmem>> -> memref<16x128xf32, #tpu.memory_space<vmem>>
        %dma_wait3A_73 = arith.constant 9984 : i32
        %dma_wait3A_74 = arith.constant 0 : i32
        %dma_wait3A_75 = tpu.memref_slice %arg9[%dma_wait3A_73, %dma_wait3A_74] : memref<10008x128xf32, #tpu.memory_space<vmem_shared>> -> memref<16x128xf32, #tpu.memory_space<vmem_shared>>
        %dma_wait3A_76 = arith.constant 9984 : i32
        %dma_wait3A_77 = arith.constant 0 : i32
        %dma_wait3A_78 = tpu.memref_slice %arg9[%dma_wait3A_76, %dma_wait3A_77] : memref<10008x128xf32, #tpu.memory_space<vmem_shared>> -> memref<16x128xf32, #tpu.memory_space<vmem_shared>>
        %dma_wait3A_79 = arith.constant 0 : i32
        %dma_wait3A_80 = arith.constant 0 : i32
        %dma_wait3A_81 = tpu.memref_slice %arg8[%dma_wait3A_79, %dma_wait3A_80] : memref<80x128xf32, #tpu.memory_space<vmem>> -> memref<16x128xf32, #tpu.memory_space<vmem>>
        tpu.wait_dma2 semaphore(%run_scoped3A : memref<!tpu.dma_semaphore, #tpu.memory_space<semaphore_mem>>) src(%dma_wait3A_81 : memref<16x128xf32, #tpu.memory_space<vmem>>) dst(%dma_wait3A_78 : memref<16x128xf32, #tpu.memory_space<vmem_shared>>)
        tpu.yield
      }) : () -> ()
    } else {
    }
    "tpu.region"() ({
      %run_scoped3A = tpu.sem_alloc : memref<!tpu.dma_semaphore, #tpu.memory_space<semaphore_mem>>
      %dma_start3A = arith.constant 0 : i32
      %dma_start3A_60 = arith.constant 0 : i32
      %dma_start3A_61 = tpu.memref_slice %arg4[%arg1, %dma_start3A, %dma_start3A_60] : memref<16x125x80xi32, #tpu.memory_space<hbm>> -> memref<1x125x80xi32, #tpu.memory_space<hbm>>
      %dma_start3A_62 = tpu.memref_squeeze %dma_start3A_61 : memref<1x125x80xi32, #tpu.memory_space<hbm>> -> memref<125x80xi32, #tpu.memory_space<hbm>>
      %dma_start3A_63 = arith.constant 0 : i32
      %dma_start3A_64 = arith.constant 0 : i32
      %dma_start3A_65 = tpu.memref_slice %arg4[%arg1, %dma_start3A_63, %dma_start3A_64] : memref<16x125x80xi32, #tpu.memory_space<hbm>> -> memref<1x125x80xi32, #tpu.memory_space<hbm>>
      %dma_start3A_66 = tpu.memref_squeeze %dma_start3A_65 : memref<1x125x80xi32, #tpu.memory_space<hbm>> -> memref<125x80xi32, #tpu.memory_space<hbm>>
      tpu.enqueue_dma source(%dma_start3A_66 : memref<125x80xi32, #tpu.memory_space<hbm>>) target(%arg7 : memref<125x80xi32, #tpu.memory_space<vmem>>) target_semaphore(%run_scoped3A : memref<!tpu.dma_semaphore, #tpu.memory_space<semaphore_mem>>)
      %dma_wait3A = arith.constant 0 : i32
      %dma_wait3A_67 = arith.constant 0 : i32
      %dma_wait3A_68 = tpu.memref_slice %arg4[%arg1, %dma_wait3A, %dma_wait3A_67] : memref<16x125x80xi32, #tpu.memory_space<hbm>> -> memref<1x125x80xi32, #tpu.memory_space<hbm>>
      %dma_wait3A_69 = tpu.memref_squeeze %dma_wait3A_68 : memref<1x125x80xi32, #tpu.memory_space<hbm>> -> memref<125x80xi32, #tpu.memory_space<hbm>>
      %dma_wait3A_70 = arith.constant 0 : i32
      %dma_wait3A_71 = arith.constant 0 : i32
      %dma_wait3A_72 = tpu.memref_slice %arg4[%arg1, %dma_wait3A_70, %dma_wait3A_71] : memref<16x125x80xi32, #tpu.memory_space<hbm>> -> memref<1x125x80xi32, #tpu.memory_space<hbm>>
      %dma_wait3A_73 = tpu.memref_squeeze %dma_wait3A_72 : memref<1x125x80xi32, #tpu.memory_space<hbm>> -> memref<125x80xi32, #tpu.memory_space<hbm>>
      tpu.wait_dma2 semaphore(%run_scoped3A : memref<!tpu.dma_semaphore, #tpu.memory_space<semaphore_mem>>) src(%dma_wait3A_73 : memref<125x80xi32, #tpu.memory_space<hbm>>) dst(%arg7 : memref<125x80xi32, #tpu.memory_space<vmem>>)
      tpu.yield
    }) : () -> ()
    %barrier3A = arith.constant 0 : index
    tpu.barrier barrier_id(%barrier3A)
    %mul3A_25 = arith.constant 10000 : i32
    %mul3A_26 = arith.muli %arg1, %mul3A_25 : i32
    %scan3A_27 = arith.constant 0 : i32
    %scan3A_28 = arith.constant 0 : i32
    %scan3A_29 = arith.constant 125 : i32
    %scan3A_30 = arith.addi %scan3A_28, %scan3A_29 : i32
    %scan3A_31 = arith.constant 1 : i32
    %scan3A_32 = scf.for %scan3A_60 = %scan3A_28 to %scan3A_30 step %scan3A_31 iter_args(%scan3A_61 = %scan3A_27) -> (i32)  : i32 {
      %mul3A_62 = arith.constant 80 : i32
      %mul3A_63 = arith.muli %scan3A_60, %mul3A_62 : i32
      %add3A_64 = arith.addi %mul3A_26, %mul3A_63 : i32
      %eq3A_65 = arith.constant 0 : i32
      %eq3A_66 = arith.cmpi eq, %arg0, %eq3A_65 : i32
      %convert_element_type3A_67 = arith.extui %eq3A_66 : i1 to i32
      %cond3A_68 = arith.constant 0 : i32
      %cond3A_69 = arith.cmpi ne, %convert_element_type3A_67, %cond3A_68 : i32
      scf.if %cond3A_69 {
        "tpu.region"() ({
          %run_scoped3A = tpu.sem_alloc : memref<!tpu.dma_semaphore, #tpu.memory_space<semaphore_mem>>
          %dma_start3A = arith.constant 0 : i32
          %dma_start3A_76 = tpu.memref_slice %arg2[%add3A_64, %dma_start3A] : memref<160000x128xf32, #tpu.memory_space<hbm>> -> memref<80x128xf32, #tpu.memory_space<hbm>>
          %dma_start3A_77 = arith.constant 0 : i32
          %dma_start3A_78 = tpu.memref_slice %arg2[%add3A_64, %dma_start3A_77] : memref<160000x128xf32, #tpu.memory_space<hbm>> -> memref<80x128xf32, #tpu.memory_space<hbm>>
          tpu.enqueue_dma source(%dma_start3A_78 : memref<80x128xf32, #tpu.memory_space<hbm>>) target(%arg8 : memref<80x128xf32, #tpu.memory_space<vmem>>) target_semaphore(%run_scoped3A : memref<!tpu.dma_semaphore, #tpu.memory_space<semaphore_mem>>)
          %dma_wait3A = arith.constant 0 : i32
          %dma_wait3A_79 = tpu.memref_slice %arg2[%add3A_64, %dma_wait3A] : memref<160000x128xf32, #tpu.memory_space<hbm>> -> memref<80x128xf32, #tpu.memory_space<hbm>>
          %dma_wait3A_80 = arith.constant 0 : i32
          %dma_wait3A_81 = tpu.memref_slice %arg2[%add3A_64, %dma_wait3A_80] : memref<160000x128xf32, #tpu.memory_space<hbm>> -> memref<80x128xf32, #tpu.memory_space<hbm>>
          tpu.wait_dma2 semaphore(%run_scoped3A : memref<!tpu.dma_semaphore, #tpu.memory_space<semaphore_mem>>) src(%dma_wait3A_81 : memref<80x128xf32, #tpu.memory_space<hbm>>) dst(%arg8 : memref<80x128xf32, #tpu.memory_space<vmem>>)
          tpu.yield
        }) : () -> ()
      } else {
      }
      %eq3A_70 = arith.constant 1 : i32
      %eq3A_71 = arith.cmpi eq, %arg0, %eq3A_70 : i32
      %convert_element_type3A_72 = arith.extui %eq3A_71 : i1 to i32
      %cond3A_73 = arith.constant 0 : i32
      %cond3A_74 = arith.cmpi ne, %convert_element_type3A_72, %cond3A_73 : i32
      scf.if %cond3A_74 {
        "tpu.region"() ({
          %run_scoped3A = tpu.sem_alloc : memref<!tpu.dma_semaphore, #tpu.memory_space<semaphore_mem>>
          %dma_start3A = arith.constant 0 : i32
          %dma_start3A_76 = tpu.memref_slice %arg3[%add3A_64, %dma_start3A] : memref<160000x128xf32, #tpu.memory_space<hbm>> -> memref<80x128xf32, #tpu.memory_space<hbm>>
          %dma_start3A_77 = arith.constant 0 : i32
          %dma_start3A_78 = tpu.memref_slice %arg3[%add3A_64, %dma_start3A_77] : memref<160000x128xf32, #tpu.memory_space<hbm>> -> memref<80x128xf32, #tpu.memory_space<hbm>>
          tpu.enqueue_dma source(%dma_start3A_78 : memref<80x128xf32, #tpu.memory_space<hbm>>) target(%arg8 : memref<80x128xf32, #tpu.memory_space<vmem>>) target_semaphore(%run_scoped3A : memref<!tpu.dma_semaphore, #tpu.memory_space<semaphore_mem>>)
          %dma_wait3A = arith.constant 0 : i32
          %dma_wait3A_79 = tpu.memref_slice %arg3[%add3A_64, %dma_wait3A] : memref<160000x128xf32, #tpu.memory_space<hbm>> -> memref<80x128xf32, #tpu.memory_space<hbm>>
          %dma_wait3A_80 = arith.constant 0 : i32
          %dma_wait3A_81 = tpu.memref_slice %arg3[%add3A_64, %dma_wait3A_80] : memref<160000x128xf32, #tpu.memory_space<hbm>> -> memref<80x128xf32, #tpu.memory_space<hbm>>
          tpu.wait_dma2 semaphore(%run_scoped3A : memref<!tpu.dma_semaphore, #tpu.memory_space<semaphore_mem>>) src(%dma_wait3A_81 : memref<80x128xf32, #tpu.memory_space<hbm>>) dst(%arg8 : memref<80x128xf32, #tpu.memory_space<vmem>>)
          tpu.yield
        }) : () -> ()
      } else {
      }
      "tpu.region"() ({
        %run_scoped3A = tpu.sem_alloc : memref<!tpu.dma_semaphore, #tpu.memory_space<semaphore_mem>>
        %dma_start3A = arith.constant 0 : i32
        %dma_start3A_76 = tpu.memref_slice %arg7[%scan3A_60, %dma_start3A] : memref<125x80xi32, #tpu.memory_space<vmem>> -> memref<1x80xi32, #tpu.memory_space<vmem>>
        %dma_start3A_77 = tpu.memref_squeeze %dma_start3A_76 : memref<1x80xi32, #tpu.memory_space<vmem>> -> memref<80xi32, #tpu.memory_space<vmem>>
        %dma_start3A_78 = arith.constant 0 : i32
        %dma_start3A_79 = arith.constant 0 : i32
        %dma_start3A_80 = tpu.memref_slice %arg9[%dma_start3A_78, %dma_start3A_79] : memref<10008x128xf32, #tpu.memory_space<vmem_shared>> -> memref<10008x128xf32, #tpu.memory_space<vmem_shared>>
        tpu.enqueue_indirect_dma source(%arg8 : memref<80x128xf32, #tpu.memory_space<vmem>>) target(%dma_start3A_80 : memref<10008x128xf32, #tpu.memory_space<vmem_shared>>) offsets(%dma_start3A_77 : memref<80xi32, #tpu.memory_space<vmem>>) semaphore(%run_scoped3A : memref<!tpu.dma_semaphore, #tpu.memory_space<semaphore_mem>>) {add = true}
        %dma_wait3A = arith.constant 0 : i32
        %dma_wait3A_81 = tpu.memref_slice %arg7[%scan3A_60, %dma_wait3A] : memref<125x80xi32, #tpu.memory_space<vmem>> -> memref<1x80xi32, #tpu.memory_space<vmem>>
        %dma_wait3A_82 = tpu.memref_squeeze %dma_wait3A_81 : memref<1x80xi32, #tpu.memory_space<vmem>> -> memref<80xi32, #tpu.memory_space<vmem>>
        %dma_wait3A_83 = arith.constant 0 : i32
        %dma_wait3A_84 = arith.constant 0 : i32
        %dma_wait3A_85 = tpu.memref_slice %arg9[%dma_wait3A_83, %dma_wait3A_84] : memref<10008x128xf32, #tpu.memory_space<vmem_shared>> -> memref<10008x128xf32, #tpu.memory_space<vmem_shared>>
        tpu.wait_indirect_dma semaphore(%run_scoped3A : memref<!tpu.dma_semaphore, #tpu.memory_space<semaphore_mem>>) src(%arg8 : memref<80x128xf32, #tpu.memory_space<vmem>>) dst(%dma_wait3A_85 : memref<10008x128xf32, #tpu.memory_space<vmem_shared>>)
        tpu.yield
      }) : () -> ()
      %scan3A_75 = arith.constant 0 : i32
      scf.yield %scan3A_75 : i32
    }
    %scan3A_33 = arith.constant 125 : i32
    %barrier3A_34 = arith.constant 0 : index
    tpu.barrier barrier_id(%barrier3A_34)
    %mul3A_35 = arith.constant 624 : i32
    %mul3A_36 = arith.muli %arg1, %mul3A_35 : i32
    %eq3A_37 = arith.constant 15 : i32
    %eq3A_38 = arith.cmpi eq, %arg1, %eq3A_37 : i32
    %eq3A_39 = arith.constant 0 : i32
    %eq3A_40 = arith.cmpi eq, %arg0, %eq3A_39 : i32
    %convert_element_type3A_41 = arith.extui %eq3A_40 : i1 to i32
    %cond3A_42 = arith.constant 0 : i32
    %cond3A_43 = arith.cmpi ne, %convert_element_type3A_41, %cond3A_42 : i32
    scf.if %cond3A_43 {
      "tpu.region"() ({
        %run_scoped3A = tpu.sem_alloc : memref<!tpu.dma_semaphore, #tpu.memory_space<semaphore_mem>>
        %dma_start3A = arith.constant 0 : i32
        %dma_start3A_60 = tpu.memref_slice %arg5[%mul3A_36, %dma_start3A] : memref<10000x128xf32, #tpu.memory_space<hbm>> -> memref<624x128xf32, #tpu.memory_space<hbm>>
        %dma_start3A_61 = arith.constant 0 : i32
        %dma_start3A_62 = tpu.memref_slice %arg9[%mul3A_36, %dma_start3A_61] : memref<10008x128xf32, #tpu.memory_space<vmem_shared>> -> memref<624x128xf32, #tpu.memory_space<vmem_shared>>
        tpu.enqueue_dma source(%dma_start3A_62 : memref<624x128xf32, #tpu.memory_space<vmem_shared>>) target(%dma_start3A_60 : memref<624x128xf32, #tpu.memory_space<hbm>>) target_semaphore(%run_scoped3A : memref<!tpu.dma_semaphore, #tpu.memory_space<semaphore_mem>>)
        %dma_wait3A = arith.constant 0 : i32
        %dma_wait3A_63 = tpu.memref_slice %arg5[%mul3A_36, %dma_wait3A] : memref<10000x128xf32, #tpu.memory_space<hbm>> -> memref<624x128xf32, #tpu.memory_space<hbm>>
        %dma_wait3A_64 = arith.constant 0 : i32
        %dma_wait3A_65 = tpu.memref_slice %arg9[%mul3A_36, %dma_wait3A_64] : memref<10008x128xf32, #tpu.memory_space<vmem_shared>> -> memref<624x128xf32, #tpu.memory_space<vmem_shared>>
        tpu.wait_dma2 semaphore(%run_scoped3A : memref<!tpu.dma_semaphore, #tpu.memory_space<semaphore_mem>>) src(%dma_wait3A_65 : memref<624x128xf32, #tpu.memory_space<vmem_shared>>) dst(%dma_wait3A_63 : memref<624x128xf32, #tpu.memory_space<hbm>>)
        tpu.yield
      }) : () -> ()
    } else {
    }
    %eq3A_44 = arith.constant 0 : i32
    %eq3A_45 = arith.cmpi eq, %arg0, %eq3A_44 : i32
    %and3A = arith.andi %eq3A_45, %eq3A_38 : i1
    %convert_element_type3A_46 = arith.extui %and3A : i1 to i32
    %cond3A_47 = arith.constant 0 : i32
    %cond3A_48 = arith.cmpi ne, %convert_element_type3A_46, %cond3A_47 : i32
    scf.if %cond3A_48 {
      "tpu.region"() ({
        %run_scoped3A = tpu.sem_alloc : memref<!tpu.dma_semaphore, #tpu.memory_space<semaphore_mem>>
        %dma_start3A = arith.constant 9984 : i32
        %dma_start3A_60 = arith.constant 0 : i32
        %dma_start3A_61 = tpu.memref_slice %arg5[%dma_start3A, %dma_start3A_60] : memref<10000x128xf32, #tpu.memory_space<hbm>> -> memref<16x128xf32, #tpu.memory_space<hbm>>
        %dma_start3A_62 = arith.constant 9984 : i32
        %dma_start3A_63 = arith.constant 0 : i32
        %dma_start3A_64 = tpu.memref_slice %arg9[%dma_start3A_62, %dma_start3A_63] : memref<10008x128xf32, #tpu.memory_space<vmem_shared>> -> memref<16x128xf32, #tpu.memory_space<vmem_shared>>
        tpu.enqueue_dma source(%dma_start3A_64 : memref<16x128xf32, #tpu.memory_space<vmem_shared>>) target(%dma_start3A_61 : memref<16x128xf32, #tpu.memory_space<hbm>>) target_semaphore(%run_scoped3A : memref<!tpu.dma_semaphore, #tpu.memory_space<semaphore_mem>>)
        %dma_wait3A = arith.constant 9984 : i32
        %dma_wait3A_65 = arith.constant 0 : i32
        %dma_wait3A_66 = tpu.memref_slice %arg5[%dma_wait3A, %dma_wait3A_65] : memref<10000x128xf32, #tpu.memory_space<hbm>> -> memref<16x128xf32, #tpu.memory_space<hbm>>
        %dma_wait3A_67 = arith.constant 9984 : i32
        %dma_wait3A_68 = arith.constant 0 : i32
        %dma_wait3A_69 = tpu.memref_slice %arg9[%dma_wait3A_67, %dma_wait3A_68] : memref<10008x128xf32, #tpu.memory_space<vmem_shared>> -> memref<16x128xf32, #tpu.memory_space<vmem_shared>>
        tpu.wait_dma2 semaphore(%run_scoped3A : memref<!tpu.dma_semaphore, #tpu.memory_space<semaphore_mem>>) src(%dma_wait3A_69 : memref<16x128xf32, #tpu.memory_space<vmem_shared>>) dst(%dma_wait3A_66 : memref<16x128xf32, #tpu.memory_space<hbm>>)
        tpu.yield
      }) : () -> ()
    } else {
    }
    %eq3A_49 = arith.constant 1 : i32
    %eq3A_50 = arith.cmpi eq, %arg0, %eq3A_49 : i32
    %convert_element_type3A_51 = arith.extui %eq3A_50 : i1 to i32
    %cond3A_52 = arith.constant 0 : i32
    %cond3A_53 = arith.cmpi ne, %convert_element_type3A_51, %cond3A_52 : i32
    scf.if %cond3A_53 {
      "tpu.region"() ({
        %run_scoped3A = tpu.sem_alloc : memref<!tpu.dma_semaphore, #tpu.memory_space<semaphore_mem>>
        %dma_start3A = arith.constant 0 : i32
        %dma_start3A_60 = tpu.memref_slice %arg6[%mul3A_36, %dma_start3A] : memref<10000x128xf32, #tpu.memory_space<hbm>> -> memref<624x128xf32, #tpu.memory_space<hbm>>
        %dma_start3A_61 = arith.constant 0 : i32
        %dma_start3A_62 = tpu.memref_slice %arg9[%mul3A_36, %dma_start3A_61] : memref<10008x128xf32, #tpu.memory_space<vmem_shared>> -> memref<624x128xf32, #tpu.memory_space<vmem_shared>>
        tpu.enqueue_dma source(%dma_start3A_62 : memref<624x128xf32, #tpu.memory_space<vmem_shared>>) target(%dma_start3A_60 : memref<624x128xf32, #tpu.memory_space<hbm>>) target_semaphore(%run_scoped3A : memref<!tpu.dma_semaphore, #tpu.memory_space<semaphore_mem>>)
        %dma_wait3A = arith.constant 0 : i32
        %dma_wait3A_63 = tpu.memref_slice %arg6[%mul3A_36, %dma_wait3A] : memref<10000x128xf32, #tpu.memory_space<hbm>> -> memref<624x128xf32, #tpu.memory_space<hbm>>
        %dma_wait3A_64 = arith.constant 0 : i32
        %dma_wait3A_65 = tpu.memref_slice %arg9[%mul3A_36, %dma_wait3A_64] : memref<10008x128xf32, #tpu.memory_space<vmem_shared>> -> memref<624x128xf32, #tpu.memory_space<vmem_shared>>
        tpu.wait_dma2 semaphore(%run_scoped3A : memref<!tpu.dma_semaphore, #tpu.memory_space<semaphore_mem>>) src(%dma_wait3A_65 : memref<624x128xf32, #tpu.memory_space<vmem_shared>>) dst(%dma_wait3A_63 : memref<624x128xf32, #tpu.memory_space<hbm>>)
        tpu.yield
      }) : () -> ()
    } else {
    }
    %eq3A_54 = arith.constant 1 : i32
    %eq3A_55 = arith.cmpi eq, %arg0, %eq3A_54 : i32
    %and3A_56 = arith.andi %eq3A_55, %eq3A_38 : i1
    %convert_element_type3A_57 = arith.extui %and3A_56 : i1 to i32
    %cond3A_58 = arith.constant 0 : i32
    %cond3A_59 = arith.cmpi ne, %convert_element_type3A_57, %cond3A_58 : i32
    scf.if %cond3A_59 {
      "tpu.region"() ({
        %run_scoped3A = tpu.sem_alloc : memref<!tpu.dma_semaphore, #tpu.memory_space<semaphore_mem>>
        %dma_start3A = arith.constant 9984 : i32
        %dma_start3A_60 = arith.constant 0 : i32
        %dma_start3A_61 = tpu.memref_slice %arg6[%dma_start3A, %dma_start3A_60] : memref<10000x128xf32, #tpu.memory_space<hbm>> -> memref<16x128xf32, #tpu.memory_space<hbm>>
        %dma_start3A_62 = arith.constant 9984 : i32
        %dma_start3A_63 = arith.constant 0 : i32
        %dma_start3A_64 = tpu.memref_slice %arg9[%dma_start3A_62, %dma_start3A_63] : memref<10008x128xf32, #tpu.memory_space<vmem_shared>> -> memref<16x128xf32, #tpu.memory_space<vmem_shared>>
        tpu.enqueue_dma source(%dma_start3A_64 : memref<16x128xf32, #tpu.memory_space<vmem_shared>>) target(%dma_start3A_61 : memref<16x128xf32, #tpu.memory_space<hbm>>) target_semaphore(%run_scoped3A : memref<!tpu.dma_semaphore, #tpu.memory_space<semaphore_mem>>)
        %dma_wait3A = arith.constant 9984 : i32
        %dma_wait3A_65 = arith.constant 0 : i32
        %dma_wait3A_66 = tpu.memref_slice %arg6[%dma_wait3A, %dma_wait3A_65] : memref<10000x128xf32, #tpu.memory_space<hbm>> -> memref<16x128xf32, #tpu.memory_space<hbm>>
        %dma_wait3A_67 = arith.constant 9984 : i32
        %dma_wait3A_68 = arith.constant 0 : i32
        %dma_wait3A_69 = tpu.memref_slice %arg9[%dma_wait3A_67, %dma_wait3A_68] : memref<10008x128xf32, #tpu.memory_space<vmem_shared>> -> memref<16x128xf32, #tpu.memory_space<vmem_shared>>
        tpu.wait_dma2 semaphore(%run_scoped3A : memref<!tpu.dma_semaphore, #tpu.memory_space<semaphore_mem>>) src(%dma_wait3A_69 : memref<16x128xf32, #tpu.memory_space<vmem_shared>>) dst(%dma_wait3A_66 : memref<16x128xf32, #tpu.memory_space<hbm>>)
        tpu.yield
      }) : () -> ()
    } else {
    }
    return
  }
}

#map = affine_map<(d0, d1) -> (0, 0)>
#map1 = affine_map<(d0, d1) -> (0, 0, 0)>
module attributes {stable_mosaic.version = 14 : i64} {
  func.func @k(%arg0: i32, %arg1: i32, %arg2: memref<2883x256xf32, #tpu.memory_space<hbm>>, %arg3: memref<32x125x40xi32, #tpu.memory_space<hbm>>, %arg4: memref<160000x256xf32, #tpu.memory_space<hbm>>, %arg5: memref<125x40xi32, #tpu.memory_space<vmem>>, %arg6: memref<40x256xf32, #tpu.memory_space<vmem>>) attributes {dimension_semantics = [#tpu.dimension_semantics<core_parallel>, #tpu.dimension_semantics<subcore_parallel>], iteration_bounds = array<i64: 2, 16>, scalar_prefetch = 0 : i64, scratch_operands = 2 : i64, tpu.core_type = #tpu.core_type<sc_vector_subcore>, window_params = [{transform_indices = #map}, {transform_indices = #map1}, {transform_indices = #map}]} {
    %mul3A = arith.constant 2 : i32
    %mul3A_0 = arith.muli %arg1, %mul3A : i32
    %add3A = arith.addi %mul3A_0, %arg0 : i32
    %mul3A_1 = arith.constant 5000 : i32
    %mul3A_2 = arith.muli %add3A, %mul3A_1 : i32
    "tpu.region"() ({
      %run_scoped3A = tpu.sem_alloc : memref<!tpu.dma_semaphore, #tpu.memory_space<semaphore_mem>>
      %dma_start3A = arith.constant 0 : i32
      %dma_start3A_9 = arith.constant 0 : i32
      %dma_start3A_10 = tpu.memref_slice %arg3[%add3A, %dma_start3A, %dma_start3A_9] : memref<32x125x40xi32, #tpu.memory_space<hbm>> -> memref<1x125x40xi32, #tpu.memory_space<hbm>>
      %dma_start3A_11 = tpu.memref_squeeze %dma_start3A_10 : memref<1x125x40xi32, #tpu.memory_space<hbm>> -> memref<125x40xi32, #tpu.memory_space<hbm>>
      %dma_start3A_12 = arith.constant 0 : i32
      %dma_start3A_13 = arith.constant 0 : i32
      %dma_start3A_14 = tpu.memref_slice %arg3[%add3A, %dma_start3A_12, %dma_start3A_13] : memref<32x125x40xi32, #tpu.memory_space<hbm>> -> memref<1x125x40xi32, #tpu.memory_space<hbm>>
      %dma_start3A_15 = tpu.memref_squeeze %dma_start3A_14 : memref<1x125x40xi32, #tpu.memory_space<hbm>> -> memref<125x40xi32, #tpu.memory_space<hbm>>
      tpu.enqueue_dma source(%dma_start3A_15 : memref<125x40xi32, #tpu.memory_space<hbm>>) target(%arg5 : memref<125x40xi32, #tpu.memory_space<vmem>>) target_semaphore(%run_scoped3A : memref<!tpu.dma_semaphore, #tpu.memory_space<semaphore_mem>>)
      %dma_wait3A = arith.constant 0 : i32
      %dma_wait3A_16 = arith.constant 0 : i32
      %dma_wait3A_17 = tpu.memref_slice %arg3[%add3A, %dma_wait3A, %dma_wait3A_16] : memref<32x125x40xi32, #tpu.memory_space<hbm>> -> memref<1x125x40xi32, #tpu.memory_space<hbm>>
      %dma_wait3A_18 = tpu.memref_squeeze %dma_wait3A_17 : memref<1x125x40xi32, #tpu.memory_space<hbm>> -> memref<125x40xi32, #tpu.memory_space<hbm>>
      %dma_wait3A_19 = arith.constant 0 : i32
      %dma_wait3A_20 = arith.constant 0 : i32
      %dma_wait3A_21 = tpu.memref_slice %arg3[%add3A, %dma_wait3A_19, %dma_wait3A_20] : memref<32x125x40xi32, #tpu.memory_space<hbm>> -> memref<1x125x40xi32, #tpu.memory_space<hbm>>
      %dma_wait3A_22 = tpu.memref_squeeze %dma_wait3A_21 : memref<1x125x40xi32, #tpu.memory_space<hbm>> -> memref<125x40xi32, #tpu.memory_space<hbm>>
      tpu.wait_dma2 semaphore(%run_scoped3A : memref<!tpu.dma_semaphore, #tpu.memory_space<semaphore_mem>>) src(%dma_wait3A_22 : memref<125x40xi32, #tpu.memory_space<hbm>>) dst(%arg5 : memref<125x40xi32, #tpu.memory_space<vmem>>)
      tpu.yield
    }) : () -> ()
    %scan3A = arith.constant 0 : i32
    %scan3A_3 = arith.constant 0 : i32
    %scan3A_4 = arith.constant 125 : i32
    %scan3A_5 = arith.addi %scan3A_3, %scan3A_4 : i32
    %scan3A_6 = arith.constant 1 : i32
    %scan3A_7 = scf.for %scan3A_9 = %scan3A_3 to %scan3A_5 step %scan3A_6 iter_args(%scan3A_10 = %scan3A) -> (i32)  : i32 {
      "tpu.region"() ({
        %run_scoped3A = tpu.sem_alloc : memref<!tpu.dma_semaphore, #tpu.memory_space<semaphore_mem>>
        %dma_start3A = arith.constant 0 : i32
        %dma_start3A_15 = tpu.memref_slice %arg5[%scan3A_9, %dma_start3A] : memref<125x40xi32, #tpu.memory_space<vmem>> -> memref<1x40xi32, #tpu.memory_space<vmem>>
        %dma_start3A_16 = tpu.memref_squeeze %dma_start3A_15 : memref<1x40xi32, #tpu.memory_space<vmem>> -> memref<40xi32, #tpu.memory_space<vmem>>
        %dma_start3A_17 = arith.constant 0 : i32
        %dma_start3A_18 = arith.constant 0 : i32
        %dma_start3A_19 = tpu.memref_slice %arg2[%dma_start3A_17, %dma_start3A_18] : memref<2883x256xf32, #tpu.memory_space<hbm>> -> memref<2883x256xf32, #tpu.memory_space<hbm>>
        tpu.enqueue_indirect_dma source(%dma_start3A_19 : memref<2883x256xf32, #tpu.memory_space<hbm>>) target(%arg6 : memref<40x256xf32, #tpu.memory_space<vmem>>) offsets(%dma_start3A_16 : memref<40xi32, #tpu.memory_space<vmem>>) semaphore(%run_scoped3A : memref<!tpu.dma_semaphore, #tpu.memory_space<semaphore_mem>>)
        %dma_wait3A = arith.constant 0 : i32
        %dma_wait3A_20 = tpu.memref_slice %arg5[%scan3A_9, %dma_wait3A] : memref<125x40xi32, #tpu.memory_space<vmem>> -> memref<1x40xi32, #tpu.memory_space<vmem>>
        %dma_wait3A_21 = tpu.memref_squeeze %dma_wait3A_20 : memref<1x40xi32, #tpu.memory_space<vmem>> -> memref<40xi32, #tpu.memory_space<vmem>>
        %dma_wait3A_22 = arith.constant 0 : i32
        %dma_wait3A_23 = arith.constant 0 : i32
        %dma_wait3A_24 = tpu.memref_slice %arg2[%dma_wait3A_22, %dma_wait3A_23] : memref<2883x256xf32, #tpu.memory_space<hbm>> -> memref<2883x256xf32, #tpu.memory_space<hbm>>
        tpu.wait_indirect_dma semaphore(%run_scoped3A : memref<!tpu.dma_semaphore, #tpu.memory_space<semaphore_mem>>) src(%dma_wait3A_24 : memref<2883x256xf32, #tpu.memory_space<hbm>>) dst(%arg6 : memref<40x256xf32, #tpu.memory_space<vmem>>)
        tpu.yield
      }) : () -> ()
      %mul3A_11 = arith.constant 40 : i32
      %mul3A_12 = arith.muli %scan3A_9, %mul3A_11 : i32
      %add3A_13 = arith.addi %mul3A_2, %mul3A_12 : i32
      "tpu.region"() ({
        %run_scoped3A = tpu.sem_alloc : memref<!tpu.dma_semaphore, #tpu.memory_space<semaphore_mem>>
        %dma_start3A = arith.constant 0 : i32
        %dma_start3A_15 = tpu.memref_slice %arg4[%add3A_13, %dma_start3A] : memref<160000x256xf32, #tpu.memory_space<hbm>> -> memref<40x256xf32, #tpu.memory_space<hbm>>
        %dma_start3A_16 = arith.constant 0 : i32
        %dma_start3A_17 = tpu.memref_slice %arg4[%add3A_13, %dma_start3A_16] : memref<160000x256xf32, #tpu.memory_space<hbm>> -> memref<40x256xf32, #tpu.memory_space<hbm>>
        tpu.enqueue_dma source(%arg6 : memref<40x256xf32, #tpu.memory_space<vmem>>) target(%dma_start3A_17 : memref<40x256xf32, #tpu.memory_space<hbm>>) target_semaphore(%run_scoped3A : memref<!tpu.dma_semaphore, #tpu.memory_space<semaphore_mem>>)
        %dma_wait3A = arith.constant 0 : i32
        %dma_wait3A_18 = tpu.memref_slice %arg4[%add3A_13, %dma_wait3A] : memref<160000x256xf32, #tpu.memory_space<hbm>> -> memref<40x256xf32, #tpu.memory_space<hbm>>
        %dma_wait3A_19 = arith.constant 0 : i32
        %dma_wait3A_20 = tpu.memref_slice %arg4[%add3A_13, %dma_wait3A_19] : memref<160000x256xf32, #tpu.memory_space<hbm>> -> memref<40x256xf32, #tpu.memory_space<hbm>>
        tpu.wait_dma2 semaphore(%run_scoped3A : memref<!tpu.dma_semaphore, #tpu.memory_space<semaphore_mem>>) src(%arg6 : memref<40x256xf32, #tpu.memory_space<vmem>>) dst(%dma_wait3A_20 : memref<40x256xf32, #tpu.memory_space<hbm>>)
        tpu.yield
      }) : () -> ()
      %scan3A_14 = arith.constant 0 : i32
      scf.yield %scan3A_14 : i32
    }
    %scan3A_8 = arith.constant 125 : i32
    return
  }
}

#map = affine_map<(d0, d1) -> (0, 0)>
#map1 = affine_map<(d0, d1) -> (0, 0, 0)>
module attributes {stable_mosaic.version = 14 : i64} {
  func.func @k(%arg0: i32, %arg1: i32, %arg2: memref<2883x256xf32, #tpu.memory_space<hbm>>, %arg3: memref<10000x256xf32, #tpu.memory_space<hbm>>, %arg4: memref<32x125x40xi32, #tpu.memory_space<hbm>>, %arg5: memref<32x125x40xi32, #tpu.memory_space<hbm>>, %arg6: memref<160000x256xf32, #tpu.memory_space<hbm>>, %arg7: memref<125x40xi32, #tpu.memory_space<vmem>>, %arg8: memref<125x40xi32, #tpu.memory_space<vmem>>, %arg9: memref<40x256xf32, #tpu.memory_space<vmem>>, %arg10: memref<40x256xf32, #tpu.memory_space<vmem>>) attributes {dimension_semantics = [#tpu.dimension_semantics<core_parallel>, #tpu.dimension_semantics<subcore_parallel>], iteration_bounds = array<i64: 2, 16>, scalar_prefetch = 0 : i64, scratch_operands = 4 : i64, tpu.core_type = #tpu.core_type<sc_vector_subcore>, window_params = [{transform_indices = #map}, {transform_indices = #map}, {transform_indices = #map1}, {transform_indices = #map1}, {transform_indices = #map}]} {
    %mul3A = arith.constant 2 : i32
    %mul3A_0 = arith.muli %arg1, %mul3A : i32
    %add3A = arith.addi %mul3A_0, %arg0 : i32
    %mul3A_1 = arith.constant 5000 : i32
    %mul3A_2 = arith.muli %add3A, %mul3A_1 : i32
    "tpu.region"() ({
      %run_scoped3A = tpu.sem_alloc : memref<!tpu.dma_semaphore, #tpu.memory_space<semaphore_mem>>
      %dma_start3A = arith.constant 0 : i32
      %dma_start3A_9 = arith.constant 0 : i32
      %dma_start3A_10 = tpu.memref_slice %arg4[%add3A, %dma_start3A, %dma_start3A_9] : memref<32x125x40xi32, #tpu.memory_space<hbm>> -> memref<1x125x40xi32, #tpu.memory_space<hbm>>
      %dma_start3A_11 = tpu.memref_squeeze %dma_start3A_10 : memref<1x125x40xi32, #tpu.memory_space<hbm>> -> memref<125x40xi32, #tpu.memory_space<hbm>>
      %dma_start3A_12 = arith.constant 0 : i32
      %dma_start3A_13 = arith.constant 0 : i32
      %dma_start3A_14 = tpu.memref_slice %arg4[%add3A, %dma_start3A_12, %dma_start3A_13] : memref<32x125x40xi32, #tpu.memory_space<hbm>> -> memref<1x125x40xi32, #tpu.memory_space<hbm>>
      %dma_start3A_15 = tpu.memref_squeeze %dma_start3A_14 : memref<1x125x40xi32, #tpu.memory_space<hbm>> -> memref<125x40xi32, #tpu.memory_space<hbm>>
      tpu.enqueue_dma source(%dma_start3A_15 : memref<125x40xi32, #tpu.memory_space<hbm>>) target(%arg7 : memref<125x40xi32, #tpu.memory_space<vmem>>) target_semaphore(%run_scoped3A : memref<!tpu.dma_semaphore, #tpu.memory_space<semaphore_mem>>)
      %dma_wait3A = arith.constant 0 : i32
      %dma_wait3A_16 = arith.constant 0 : i32
      %dma_wait3A_17 = tpu.memref_slice %arg4[%add3A, %dma_wait3A, %dma_wait3A_16] : memref<32x125x40xi32, #tpu.memory_space<hbm>> -> memref<1x125x40xi32, #tpu.memory_space<hbm>>
      %dma_wait3A_18 = tpu.memref_squeeze %dma_wait3A_17 : memref<1x125x40xi32, #tpu.memory_space<hbm>> -> memref<125x40xi32, #tpu.memory_space<hbm>>
      %dma_wait3A_19 = arith.constant 0 : i32
      %dma_wait3A_20 = arith.constant 0 : i32
      %dma_wait3A_21 = tpu.memref_slice %arg4[%add3A, %dma_wait3A_19, %dma_wait3A_20] : memref<32x125x40xi32, #tpu.memory_space<hbm>> -> memref<1x125x40xi32, #tpu.memory_space<hbm>>
      %dma_wait3A_22 = tpu.memref_squeeze %dma_wait3A_21 : memref<1x125x40xi32, #tpu.memory_space<hbm>> -> memref<125x40xi32, #tpu.memory_space<hbm>>
      tpu.wait_dma2 semaphore(%run_scoped3A : memref<!tpu.dma_semaphore, #tpu.memory_space<semaphore_mem>>) src(%dma_wait3A_22 : memref<125x40xi32, #tpu.memory_space<hbm>>) dst(%arg7 : memref<125x40xi32, #tpu.memory_space<vmem>>)
      tpu.yield
    }) : () -> ()
    "tpu.region"() ({
      %run_scoped3A = tpu.sem_alloc : memref<!tpu.dma_semaphore, #tpu.memory_space<semaphore_mem>>
      %dma_start3A = arith.constant 0 : i32
      %dma_start3A_9 = arith.constant 0 : i32
      %dma_start3A_10 = tpu.memref_slice %arg5[%add3A, %dma_start3A, %dma_start3A_9] : memref<32x125x40xi32, #tpu.memory_space<hbm>> -> memref<1x125x40xi32, #tpu.memory_space<hbm>>
      %dma_start3A_11 = tpu.memref_squeeze %dma_start3A_10 : memref<1x125x40xi32, #tpu.memory_space<hbm>> -> memref<125x40xi32, #tpu.memory_space<hbm>>
      %dma_start3A_12 = arith.constant 0 : i32
      %dma_start3A_13 = arith.constant 0 : i32
      %dma_start3A_14 = tpu.memref_slice %arg5[%add3A, %dma_start3A_12, %dma_start3A_13] : memref<32x125x40xi32, #tpu.memory_space<hbm>> -> memref<1x125x40xi32, #tpu.memory_space<hbm>>
      %dma_start3A_15 = tpu.memref_squeeze %dma_start3A_14 : memref<1x125x40xi32, #tpu.memory_space<hbm>> -> memref<125x40xi32, #tpu.memory_space<hbm>>
      tpu.enqueue_dma source(%dma_start3A_15 : memref<125x40xi32, #tpu.memory_space<hbm>>) target(%arg8 : memref<125x40xi32, #tpu.memory_space<vmem>>) target_semaphore(%run_scoped3A : memref<!tpu.dma_semaphore, #tpu.memory_space<semaphore_mem>>)
      %dma_wait3A = arith.constant 0 : i32
      %dma_wait3A_16 = arith.constant 0 : i32
      %dma_wait3A_17 = tpu.memref_slice %arg5[%add3A, %dma_wait3A, %dma_wait3A_16] : memref<32x125x40xi32, #tpu.memory_space<hbm>> -> memref<1x125x40xi32, #tpu.memory_space<hbm>>
      %dma_wait3A_18 = tpu.memref_squeeze %dma_wait3A_17 : memref<1x125x40xi32, #tpu.memory_space<hbm>> -> memref<125x40xi32, #tpu.memory_space<hbm>>
      %dma_wait3A_19 = arith.constant 0 : i32
      %dma_wait3A_20 = arith.constant 0 : i32
      %dma_wait3A_21 = tpu.memref_slice %arg5[%add3A, %dma_wait3A_19, %dma_wait3A_20] : memref<32x125x40xi32, #tpu.memory_space<hbm>> -> memref<1x125x40xi32, #tpu.memory_space<hbm>>
      %dma_wait3A_22 = tpu.memref_squeeze %dma_wait3A_21 : memref<1x125x40xi32, #tpu.memory_space<hbm>> -> memref<125x40xi32, #tpu.memory_space<hbm>>
      tpu.wait_dma2 semaphore(%run_scoped3A : memref<!tpu.dma_semaphore, #tpu.memory_space<semaphore_mem>>) src(%dma_wait3A_22 : memref<125x40xi32, #tpu.memory_space<hbm>>) dst(%arg8 : memref<125x40xi32, #tpu.memory_space<vmem>>)
      tpu.yield
    }) : () -> ()
    %scan3A = arith.constant 0 : i32
    %scan3A_3 = arith.constant 0 : i32
    %scan3A_4 = arith.constant 125 : i32
    %scan3A_5 = arith.addi %scan3A_3, %scan3A_4 : i32
    %scan3A_6 = arith.constant 1 : i32
    %scan3A_7 = scf.for %scan3A_9 = %scan3A_3 to %scan3A_5 step %scan3A_6 iter_args(%scan3A_10 = %scan3A) -> (i32)  : i32 {
      "tpu.region"() ({
        %run_scoped3A = tpu.sem_alloc : memref<!tpu.dma_semaphore, #tpu.memory_space<semaphore_mem>>
        %dma_start3A = arith.constant 0 : i32
        %dma_start3A_22 = tpu.memref_slice %arg7[%scan3A_9, %dma_start3A] : memref<125x40xi32, #tpu.memory_space<vmem>> -> memref<1x40xi32, #tpu.memory_space<vmem>>
        %dma_start3A_23 = tpu.memref_squeeze %dma_start3A_22 : memref<1x40xi32, #tpu.memory_space<vmem>> -> memref<40xi32, #tpu.memory_space<vmem>>
        %dma_start3A_24 = arith.constant 0 : i32
        %dma_start3A_25 = arith.constant 0 : i32
        %dma_start3A_26 = tpu.memref_slice %arg2[%dma_start3A_24, %dma_start3A_25] : memref<2883x256xf32, #tpu.memory_space<hbm>> -> memref<2883x256xf32, #tpu.memory_space<hbm>>
        tpu.enqueue_indirect_dma source(%dma_start3A_26 : memref<2883x256xf32, #tpu.memory_space<hbm>>) target(%arg9 : memref<40x256xf32, #tpu.memory_space<vmem>>) offsets(%dma_start3A_23 : memref<40xi32, #tpu.memory_space<vmem>>) semaphore(%run_scoped3A : memref<!tpu.dma_semaphore, #tpu.memory_space<semaphore_mem>>)
        %dma_wait3A = arith.constant 0 : i32
        %dma_wait3A_27 = tpu.memref_slice %arg7[%scan3A_9, %dma_wait3A] : memref<125x40xi32, #tpu.memory_space<vmem>> -> memref<1x40xi32, #tpu.memory_space<vmem>>
        %dma_wait3A_28 = tpu.memref_squeeze %dma_wait3A_27 : memref<1x40xi32, #tpu.memory_space<vmem>> -> memref<40xi32, #tpu.memory_space<vmem>>
        %dma_wait3A_29 = arith.constant 0 : i32
        %dma_wait3A_30 = arith.constant 0 : i32
        %dma_wait3A_31 = tpu.memref_slice %arg2[%dma_wait3A_29, %dma_wait3A_30] : memref<2883x256xf32, #tpu.memory_space<hbm>> -> memref<2883x256xf32, #tpu.memory_space<hbm>>
        tpu.wait_indirect_dma semaphore(%run_scoped3A : memref<!tpu.dma_semaphore, #tpu.memory_space<semaphore_mem>>) src(%dma_wait3A_31 : memref<2883x256xf32, #tpu.memory_space<hbm>>) dst(%arg9 : memref<40x256xf32, #tpu.memory_space<vmem>>)
        tpu.yield
      }) : () -> ()
      "tpu.region"() ({
        %run_scoped3A = tpu.sem_alloc : memref<!tpu.dma_semaphore, #tpu.memory_space<semaphore_mem>>
        %dma_start3A = arith.constant 0 : i32
        %dma_start3A_22 = tpu.memref_slice %arg8[%scan3A_9, %dma_start3A] : memref<125x40xi32, #tpu.memory_space<vmem>> -> memref<1x40xi32, #tpu.memory_space<vmem>>
        %dma_start3A_23 = tpu.memref_squeeze %dma_start3A_22 : memref<1x40xi32, #tpu.memory_space<vmem>> -> memref<40xi32, #tpu.memory_space<vmem>>
        %dma_start3A_24 = arith.constant 0 : i32
        %dma_start3A_25 = arith.constant 0 : i32
        %dma_start3A_26 = tpu.memref_slice %arg3[%dma_start3A_24, %dma_start3A_25] : memref<10000x256xf32, #tpu.memory_space<hbm>> -> memref<10000x256xf32, #tpu.memory_space<hbm>>
        tpu.enqueue_indirect_dma source(%dma_start3A_26 : memref<10000x256xf32, #tpu.memory_space<hbm>>) target(%arg10 : memref<40x256xf32, #tpu.memory_space<vmem>>) offsets(%dma_start3A_23 : memref<40xi32, #tpu.memory_space<vmem>>) semaphore(%run_scoped3A : memref<!tpu.dma_semaphore, #tpu.memory_space<semaphore_mem>>)
        %dma_wait3A = arith.constant 0 : i32
        %dma_wait3A_27 = tpu.memref_slice %arg8[%scan3A_9, %dma_wait3A] : memref<125x40xi32, #tpu.memory_space<vmem>> -> memref<1x40xi32, #tpu.memory_space<vmem>>
        %dma_wait3A_28 = tpu.memref_squeeze %dma_wait3A_27 : memref<1x40xi32, #tpu.memory_space<vmem>> -> memref<40xi32, #tpu.memory_space<vmem>>
        %dma_wait3A_29 = arith.constant 0 : i32
        %dma_wait3A_30 = arith.constant 0 : i32
        %dma_wait3A_31 = tpu.memref_slice %arg3[%dma_wait3A_29, %dma_wait3A_30] : memref<10000x256xf32, #tpu.memory_space<hbm>> -> memref<10000x256xf32, #tpu.memory_space<hbm>>
        tpu.wait_indirect_dma semaphore(%run_scoped3A : memref<!tpu.dma_semaphore, #tpu.memory_space<semaphore_mem>>) src(%dma_wait3A_31 : memref<10000x256xf32, #tpu.memory_space<hbm>>) dst(%arg10 : memref<40x256xf32, #tpu.memory_space<vmem>>)
        tpu.yield
      }) : () -> ()
      %scan3A_11 = arith.constant 0 : i32
      %scan3A_12 = arith.constant 0 : i32
      %scan3A_13 = arith.constant 40 : i32
      %scan3A_14 = arith.addi %scan3A_12, %scan3A_13 : i32
      %scan3A_15 = arith.constant 1 : i32
      %scan3A_16 = scf.for %scan3A_22 = %scan3A_12 to %scan3A_14 step %scan3A_15 iter_args(%scan3A_23 = %scan3A_11) -> (i32)  : i32 {
        %get3A = arith.index_cast %scan3A_22 : i32 to index
        %get3A_24 = arith.constant 0 : index
        %get3A_25 = tpu.vector_load %arg9[%get3A, %get3A_24] {strides = array<i32>} : memref<40x256xf32, #tpu.memory_space<vmem>>, vector<1x16xf32>,
        %get3A_26 = vector.shape_cast %get3A_25 : vector<1x16xf32> to vector<16xf32>
        %get3A_27 = arith.index_cast %scan3A_22 : i32 to index
        %get3A_28 = arith.constant 0 : index
        %get3A_29 = tpu.vector_load %arg10[%get3A_27, %get3A_28] {strides = array<i32>} : memref<40x256xf32, #tpu.memory_space<vmem>>, vector<1x16xf32>,
        %get3A_30 = vector.shape_cast %get3A_29 : vector<1x16xf32> to vector<16xf32>
        %add3A_31 = arith.addf %get3A_26, %get3A_30 : vector<16xf32>
        %swap3A = arith.index_cast %scan3A_22 : i32 to index
        %swap3A_32 = arith.constant 0 : index
        %swap3A_33 = tpu.vector_load %arg9[%swap3A, %swap3A_32] {strides = array<i32>} : memref<40x256xf32, #tpu.memory_space<vmem>>, vector<1x16xf32>,
        %swap3A_34 = vector.shape_cast %swap3A_33 : vector<1x16xf32> to vector<16xf32>
        %swap3A_35 = vector.shape_cast %add3A_31 : vector<16xf32> to vector<1x16xf32>
        tpu.vector_store %arg9[%swap3A, %swap3A_32], %swap3A_35 {strides = array<i32>} : memref<40x256xf32, #tpu.memory_space<vmem>>, vector<1x16xf32>,
        %get3A_36 = arith.index_cast %scan3A_22 : i32 to index
        %get3A_37 = arith.constant 16 : index
        %get3A_38 = tpu.vector_load %arg9[%get3A_36, %get3A_37] {strides = array<i32>} : memref<40x256xf32, #tpu.memory_space<vmem>>, vector<1x16xf32>,
        %get3A_39 = vector.shape_cast %get3A_38 : vector<1x16xf32> to vector<16xf32>
        %get3A_40 = arith.index_cast %scan3A_22 : i32 to index
        %get3A_41 = arith.constant 16 : index
        %get3A_42 = tpu.vector_load %arg10[%get3A_40, %get3A_41] {strides = array<i32>} : memref<40x256xf32, #tpu.memory_space<vmem>>, vector<1x16xf32>,
        %get3A_43 = vector.shape_cast %get3A_42 : vector<1x16xf32> to vector<16xf32>
        %add3A_44 = arith.addf %get3A_39, %get3A_43 : vector<16xf32>
        %swap3A_45 = arith.index_cast %scan3A_22 : i32 to index
        %swap3A_46 = arith.constant 16 : index
        %swap3A_47 = tpu.vector_load %arg9[%swap3A_45, %swap3A_46] {strides = array<i32>} : memref<40x256xf32, #tpu.memory_space<vmem>>, vector<1x16xf32>,
        %swap3A_48 = vector.shape_cast %swap3A_47 : vector<1x16xf32> to vector<16xf32>
        %swap3A_49 = vector.shape_cast %add3A_44 : vector<16xf32> to vector<1x16xf32>
        tpu.vector_store %arg9[%swap3A_45, %swap3A_46], %swap3A_49 {strides = array<i32>} : memref<40x256xf32, #tpu.memory_space<vmem>>, vector<1x16xf32>,
        %get3A_50 = arith.index_cast %scan3A_22 : i32 to index
        %get3A_51 = arith.constant 32 : index
        %get3A_52 = tpu.vector_load %arg9[%get3A_50, %get3A_51] {strides = array<i32>} : memref<40x256xf32, #tpu.memory_space<vmem>>, vector<1x16xf32>,
        %get3A_53 = vector.shape_cast %get3A_52 : vector<1x16xf32> to vector<16xf32>
        %get3A_54 = arith.index_cast %scan3A_22 : i32 to index
        %get3A_55 = arith.constant 32 : index
        %get3A_56 = tpu.vector_load %arg10[%get3A_54, %get3A_55] {strides = array<i32>} : memref<40x256xf32, #tpu.memory_space<vmem>>, vector<1x16xf32>,
        %get3A_57 = vector.shape_cast %get3A_56 : vector<1x16xf32> to vector<16xf32>
        %add3A_58 = arith.addf %get3A_53, %get3A_57 : vector<16xf32>
        %swap3A_59 = arith.index_cast %scan3A_22 : i32 to index
        %swap3A_60 = arith.constant 32 : index
        %swap3A_61 = tpu.vector_load %arg9[%swap3A_59, %swap3A_60] {strides = array<i32>} : memref<40x256xf32, #tpu.memory_space<vmem>>, vector<1x16xf32>,
        %swap3A_62 = vector.shape_cast %swap3A_61 : vector<1x16xf32> to vector<16xf32>
        %swap3A_63 = vector.shape_cast %add3A_58 : vector<16xf32> to vector<1x16xf32>
        tpu.vector_store %arg9[%swap3A_59, %swap3A_60], %swap3A_63 {strides = array<i32>} : memref<40x256xf32, #tpu.memory_space<vmem>>, vector<1x16xf32>,
        %get3A_64 = arith.index_cast %scan3A_22 : i32 to index
        %get3A_65 = arith.constant 48 : index
        %get3A_66 = tpu.vector_load %arg9[%get3A_64, %get3A_65] {strides = array<i32>} : memref<40x256xf32, #tpu.memory_space<vmem>>, vector<1x16xf32>,
        %get3A_67 = vector.shape_cast %get3A_66 : vector<1x16xf32> to vector<16xf32>
        %get3A_68 = arith.index_cast %scan3A_22 : i32 to index
        %get3A_69 = arith.constant 48 : index
        %get3A_70 = tpu.vector_load %arg10[%get3A_68, %get3A_69] {strides = array<i32>} : memref<40x256xf32, #tpu.memory_space<vmem>>, vector<1x16xf32>,
        %get3A_71 = vector.shape_cast %get3A_70 : vector<1x16xf32> to vector<16xf32>
        %add3A_72 = arith.addf %get3A_67, %get3A_71 : vector<16xf32>
        %swap3A_73 = arith.index_cast %scan3A_22 : i32 to index
        %swap3A_74 = arith.constant 48 : index
        %swap3A_75 = tpu.vector_load %arg9[%swap3A_73, %swap3A_74] {strides = array<i32>} : memref<40x256xf32, #tpu.memory_space<vmem>>, vector<1x16xf32>,
        %swap3A_76 = vector.shape_cast %swap3A_75 : vector<1x16xf32> to vector<16xf32>
        %swap3A_77 = vector.shape_cast %add3A_72 : vector<16xf32> to vector<1x16xf32>
        tpu.vector_store %arg9[%swap3A_73, %swap3A_74], %swap3A_77 {strides = array<i32>} : memref<40x256xf32, #tpu.memory_space<vmem>>, vector<1x16xf32>,
        %get3A_78 = arith.index_cast %scan3A_22 : i32 to index
        %get3A_79 = arith.constant 64 : index
        %get3A_80 = tpu.vector_load %arg9[%get3A_78, %get3A_79] {strides = array<i32>} : memref<40x256xf32, #tpu.memory_space<vmem>>, vector<1x16xf32>,
        %get3A_81 = vector.shape_cast %get3A_80 : vector<1x16xf32> to vector<16xf32>
        %get3A_82 = arith.index_cast %scan3A_22 : i32 to index
        %get3A_83 = arith.constant 64 : index
        %get3A_84 = tpu.vector_load %arg10[%get3A_82, %get3A_83] {strides = array<i32>} : memref<40x256xf32, #tpu.memory_space<vmem>>, vector<1x16xf32>,
        %get3A_85 = vector.shape_cast %get3A_84 : vector<1x16xf32> to vector<16xf32>
        %add3A_86 = arith.addf %get3A_81, %get3A_85 : vector<16xf32>
        %swap3A_87 = arith.index_cast %scan3A_22 : i32 to index
        %swap3A_88 = arith.constant 64 : index
        %swap3A_89 = tpu.vector_load %arg9[%swap3A_87, %swap3A_88] {strides = array<i32>} : memref<40x256xf32, #tpu.memory_space<vmem>>, vector<1x16xf32>,
        %swap3A_90 = vector.shape_cast %swap3A_89 : vector<1x16xf32> to vector<16xf32>
        %swap3A_91 = vector.shape_cast %add3A_86 : vector<16xf32> to vector<1x16xf32>
        tpu.vector_store %arg9[%swap3A_87, %swap3A_88], %swap3A_91 {strides = array<i32>} : memref<40x256xf32, #tpu.memory_space<vmem>>, vector<1x16xf32>,
        %get3A_92 = arith.index_cast %scan3A_22 : i32 to index
        %get3A_93 = arith.constant 80 : index
        %get3A_94 = tpu.vector_load %arg9[%get3A_92, %get3A_93] {strides = array<i32>} : memref<40x256xf32, #tpu.memory_space<vmem>>, vector<1x16xf32>,
        %get3A_95 = vector.shape_cast %get3A_94 : vector<1x16xf32> to vector<16xf32>
        %get3A_96 = arith.index_cast %scan3A_22 : i32 to index
        %get3A_97 = arith.constant 80 : index
        %get3A_98 = tpu.vector_load %arg10[%get3A_96, %get3A_97] {strides = array<i32>} : memref<40x256xf32, #tpu.memory_space<vmem>>, vector<1x16xf32>,
        %get3A_99 = vector.shape_cast %get3A_98 : vector<1x16xf32> to vector<16xf32>
        %add3A_100 = arith.addf %get3A_95, %get3A_99 : vector<16xf32>
        %swap3A_101 = arith.index_cast %scan3A_22 : i32 to index
        %swap3A_102 = arith.constant 80 : index
        %swap3A_103 = tpu.vector_load %arg9[%swap3A_101, %swap3A_102] {strides = array<i32>} : memref<40x256xf32, #tpu.memory_space<vmem>>, vector<1x16xf32>,
        %swap3A_104 = vector.shape_cast %swap3A_103 : vector<1x16xf32> to vector<16xf32>
        %swap3A_105 = vector.shape_cast %add3A_100 : vector<16xf32> to vector<1x16xf32>
        tpu.vector_store %arg9[%swap3A_101, %swap3A_102], %swap3A_105 {strides = array<i32>} : memref<40x256xf32, #tpu.memory_space<vmem>>, vector<1x16xf32>,
        %get3A_106 = arith.index_cast %scan3A_22 : i32 to index
        %get3A_107 = arith.constant 96 : index
        %get3A_108 = tpu.vector_load %arg9[%get3A_106, %get3A_107] {strides = array<i32>} : memref<40x256xf32, #tpu.memory_space<vmem>>, vector<1x16xf32>,
        %get3A_109 = vector.shape_cast %get3A_108 : vector<1x16xf32> to vector<16xf32>
        %get3A_110 = arith.index_cast %scan3A_22 : i32 to index
        %get3A_111 = arith.constant 96 : index
        %get3A_112 = tpu.vector_load %arg10[%get3A_110, %get3A_111] {strides = array<i32>} : memref<40x256xf32, #tpu.memory_space<vmem>>, vector<1x16xf32>,
        %get3A_113 = vector.shape_cast %get3A_112 : vector<1x16xf32> to vector<16xf32>
        %add3A_114 = arith.addf %get3A_109, %get3A_113 : vector<16xf32>
        %swap3A_115 = arith.index_cast %scan3A_22 : i32 to index
        %swap3A_116 = arith.constant 96 : index
        %swap3A_117 = tpu.vector_load %arg9[%swap3A_115, %swap3A_116] {strides = array<i32>} : memref<40x256xf32, #tpu.memory_space<vmem>>, vector<1x16xf32>,
        %swap3A_118 = vector.shape_cast %swap3A_117 : vector<1x16xf32> to vector<16xf32>
        %swap3A_119 = vector.shape_cast %add3A_114 : vector<16xf32> to vector<1x16xf32>
        tpu.vector_store %arg9[%swap3A_115, %swap3A_116], %swap3A_119 {strides = array<i32>} : memref<40x256xf32, #tpu.memory_space<vmem>>, vector<1x16xf32>,
        %get3A_120 = arith.index_cast %scan3A_22 : i32 to index
        %get3A_121 = arith.constant 112 : index
        %get3A_122 = tpu.vector_load %arg9[%get3A_120, %get3A_121] {strides = array<i32>} : memref<40x256xf32, #tpu.memory_space<vmem>>, vector<1x16xf32>,
        %get3A_123 = vector.shape_cast %get3A_122 : vector<1x16xf32> to vector<16xf32>
        %get3A_124 = arith.index_cast %scan3A_22 : i32 to index
        %get3A_125 = arith.constant 112 : index
        %get3A_126 = tpu.vector_load %arg10[%get3A_124, %get3A_125] {strides = array<i32>} : memref<40x256xf32, #tpu.memory_space<vmem>>, vector<1x16xf32>,
        %get3A_127 = vector.shape_cast %get3A_126 : vector<1x16xf32> to vector<16xf32>
        %add3A_128 = arith.addf %get3A_123, %get3A_127 : vector<16xf32>
        %swap3A_129 = arith.index_cast %scan3A_22 : i32 to index
        %swap3A_130 = arith.constant 112 : index
        %swap3A_131 = tpu.vector_load %arg9[%swap3A_129, %swap3A_130] {strides = array<i32>} : memref<40x256xf32, #tpu.memory_space<vmem>>, vector<1x16xf32>,
        %swap3A_132 = vector.shape_cast %swap3A_131 : vector<1x16xf32> to vector<16xf32>
        %swap3A_133 = vector.shape_cast %add3A_128 : vector<16xf32> to vector<1x16xf32>
        tpu.vector_store %arg9[%swap3A_129, %swap3A_130], %swap3A_133 {strides = array<i32>} : memref<40x256xf32, #tpu.memory_space<vmem>>, vector<1x16xf32>,
        %get3A_134 = arith.index_cast %scan3A_22 : i32 to index
        %get3A_135 = arith.constant 128 : index
        %get3A_136 = tpu.vector_load %arg9[%get3A_134, %get3A_135] {strides = array<i32>} : memref<40x256xf32, #tpu.memory_space<vmem>>, vector<1x16xf32>,
        %get3A_137 = vector.shape_cast %get3A_136 : vector<1x16xf32> to vector<16xf32>
        %get3A_138 = arith.index_cast %scan3A_22 : i32 to index
        %get3A_139 = arith.constant 128 : index
        %get3A_140 = tpu.vector_load %arg10[%get3A_138, %get3A_139] {strides = array<i32>} : memref<40x256xf32, #tpu.memory_space<vmem>>, vector<1x16xf32>,
        %get3A_141 = vector.shape_cast %get3A_140 : vector<1x16xf32> to vector<16xf32>
        %add3A_142 = arith.addf %get3A_137, %get3A_141 : vector<16xf32>
        %swap3A_143 = arith.index_cast %scan3A_22 : i32 to index
        %swap3A_144 = arith.constant 128 : index
        %swap3A_145 = tpu.vector_load %arg9[%swap3A_143, %swap3A_144] {strides = array<i32>} : memref<40x256xf32, #tpu.memory_space<vmem>>, vector<1x16xf32>,
        %swap3A_146 = vector.shape_cast %swap3A_145 : vector<1x16xf32> to vector<16xf32>
        %swap3A_147 = vector.shape_cast %add3A_142 : vector<16xf32> to vector<1x16xf32>
        tpu.vector_store %arg9[%swap3A_143, %swap3A_144], %swap3A_147 {strides = array<i32>} : memref<40x256xf32, #tpu.memory_space<vmem>>, vector<1x16xf32>,
        %get3A_148 = arith.index_cast %scan3A_22 : i32 to index
        %get3A_149 = arith.constant 144 : index
        %get3A_150 = tpu.vector_load %arg9[%get3A_148, %get3A_149] {strides = array<i32>} : memref<40x256xf32, #tpu.memory_space<vmem>>, vector<1x16xf32>,
        %get3A_151 = vector.shape_cast %get3A_150 : vector<1x16xf32> to vector<16xf32>
        %get3A_152 = arith.index_cast %scan3A_22 : i32 to index
        %get3A_153 = arith.constant 144 : index
        %get3A_154 = tpu.vector_load %arg10[%get3A_152, %get3A_153] {strides = array<i32>} : memref<40x256xf32, #tpu.memory_space<vmem>>, vector<1x16xf32>,
        %get3A_155 = vector.shape_cast %get3A_154 : vector<1x16xf32> to vector<16xf32>
        %add3A_156 = arith.addf %get3A_151, %get3A_155 : vector<16xf32>
        %swap3A_157 = arith.index_cast %scan3A_22 : i32 to index
        %swap3A_158 = arith.constant 144 : index
        %swap3A_159 = tpu.vector_load %arg9[%swap3A_157, %swap3A_158] {strides = array<i32>} : memref<40x256xf32, #tpu.memory_space<vmem>>, vector<1x16xf32>,
        %swap3A_160 = vector.shape_cast %swap3A_159 : vector<1x16xf32> to vector<16xf32>
        %swap3A_161 = vector.shape_cast %add3A_156 : vector<16xf32> to vector<1x16xf32>
        tpu.vector_store %arg9[%swap3A_157, %swap3A_158], %swap3A_161 {strides = array<i32>} : memref<40x256xf32, #tpu.memory_space<vmem>>, vector<1x16xf32>,
        %get3A_162 = arith.index_cast %scan3A_22 : i32 to index
        %get3A_163 = arith.constant 160 : index
        %get3A_164 = tpu.vector_load %arg9[%get3A_162, %get3A_163] {strides = array<i32>} : memref<40x256xf32, #tpu.memory_space<vmem>>, vector<1x16xf32>,
        %get3A_165 = vector.shape_cast %get3A_164 : vector<1x16xf32> to vector<16xf32>
        %get3A_166 = arith.index_cast %scan3A_22 : i32 to index
        %get3A_167 = arith.constant 160 : index
        %get3A_168 = tpu.vector_load %arg10[%get3A_166, %get3A_167] {strides = array<i32>} : memref<40x256xf32, #tpu.memory_space<vmem>>, vector<1x16xf32>,
        %get3A_169 = vector.shape_cast %get3A_168 : vector<1x16xf32> to vector<16xf32>
        %add3A_170 = arith.addf %get3A_165, %get3A_169 : vector<16xf32>
        %swap3A_171 = arith.index_cast %scan3A_22 : i32 to index
        %swap3A_172 = arith.constant 160 : index
        %swap3A_173 = tpu.vector_load %arg9[%swap3A_171, %swap3A_172] {strides = array<i32>} : memref<40x256xf32, #tpu.memory_space<vmem>>, vector<1x16xf32>,
        %swap3A_174 = vector.shape_cast %swap3A_173 : vector<1x16xf32> to vector<16xf32>
        %swap3A_175 = vector.shape_cast %add3A_170 : vector<16xf32> to vector<1x16xf32>
        tpu.vector_store %arg9[%swap3A_171, %swap3A_172], %swap3A_175 {strides = array<i32>} : memref<40x256xf32, #tpu.memory_space<vmem>>, vector<1x16xf32>,
        %get3A_176 = arith.index_cast %scan3A_22 : i32 to index
        %get3A_177 = arith.constant 176 : index
        %get3A_178 = tpu.vector_load %arg9[%get3A_176, %get3A_177] {strides = array<i32>} : memref<40x256xf32, #tpu.memory_space<vmem>>, vector<1x16xf32>,
        %get3A_179 = vector.shape_cast %get3A_178 : vector<1x16xf32> to vector<16xf32>
        %get3A_180 = arith.index_cast %scan3A_22 : i32 to index
        %get3A_181 = arith.constant 176 : index
        %get3A_182 = tpu.vector_load %arg10[%get3A_180, %get3A_181] {strides = array<i32>} : memref<40x256xf32, #tpu.memory_space<vmem>>, vector<1x16xf32>,
        %get3A_183 = vector.shape_cast %get3A_182 : vector<1x16xf32> to vector<16xf32>
        %add3A_184 = arith.addf %get3A_179, %get3A_183 : vector<16xf32>
        %swap3A_185 = arith.index_cast %scan3A_22 : i32 to index
        %swap3A_186 = arith.constant 176 : index
        %swap3A_187 = tpu.vector_load %arg9[%swap3A_185, %swap3A_186] {strides = array<i32>} : memref<40x256xf32, #tpu.memory_space<vmem>>, vector<1x16xf32>,
        %swap3A_188 = vector.shape_cast %swap3A_187 : vector<1x16xf32> to vector<16xf32>
        %swap3A_189 = vector.shape_cast %add3A_184 : vector<16xf32> to vector<1x16xf32>
        tpu.vector_store %arg9[%swap3A_185, %swap3A_186], %swap3A_189 {strides = array<i32>} : memref<40x256xf32, #tpu.memory_space<vmem>>, vector<1x16xf32>,
        %get3A_190 = arith.index_cast %scan3A_22 : i32 to index
        %get3A_191 = arith.constant 192 : index
        %get3A_192 = tpu.vector_load %arg9[%get3A_190, %get3A_191] {strides = array<i32>} : memref<40x256xf32, #tpu.memory_space<vmem>>, vector<1x16xf32>,
        %get3A_193 = vector.shape_cast %get3A_192 : vector<1x16xf32> to vector<16xf32>
        %get3A_194 = arith.index_cast %scan3A_22 : i32 to index
        %get3A_195 = arith.constant 192 : index
        %get3A_196 = tpu.vector_load %arg10[%get3A_194, %get3A_195] {strides = array<i32>} : memref<40x256xf32, #tpu.memory_space<vmem>>, vector<1x16xf32>,
        %get3A_197 = vector.shape_cast %get3A_196 : vector<1x16xf32> to vector<16xf32>
        %add3A_198 = arith.addf %get3A_193, %get3A_197 : vector<16xf32>
        %swap3A_199 = arith.index_cast %scan3A_22 : i32 to index
        %swap3A_200 = arith.constant 192 : index
        %swap3A_201 = tpu.vector_load %arg9[%swap3A_199, %swap3A_200] {strides = array<i32>} : memref<40x256xf32, #tpu.memory_space<vmem>>, vector<1x16xf32>,
        %swap3A_202 = vector.shape_cast %swap3A_201 : vector<1x16xf32> to vector<16xf32>
        %swap3A_203 = vector.shape_cast %add3A_198 : vector<16xf32> to vector<1x16xf32>
        tpu.vector_store %arg9[%swap3A_199, %swap3A_200], %swap3A_203 {strides = array<i32>} : memref<40x256xf32, #tpu.memory_space<vmem>>, vector<1x16xf32>,
        %get3A_204 = arith.index_cast %scan3A_22 : i32 to index
        %get3A_205 = arith.constant 208 : index
        %get3A_206 = tpu.vector_load %arg9[%get3A_204, %get3A_205] {strides = array<i32>} : memref<40x256xf32, #tpu.memory_space<vmem>>, vector<1x16xf32>,
        %get3A_207 = vector.shape_cast %get3A_206 : vector<1x16xf32> to vector<16xf32>
        %get3A_208 = arith.index_cast %scan3A_22 : i32 to index
        %get3A_209 = arith.constant 208 : index
        %get3A_210 = tpu.vector_load %arg10[%get3A_208, %get3A_209] {strides = array<i32>} : memref<40x256xf32, #tpu.memory_space<vmem>>, vector<1x16xf32>,
        %get3A_211 = vector.shape_cast %get3A_210 : vector<1x16xf32> to vector<16xf32>
        %add3A_212 = arith.addf %get3A_207, %get3A_211 : vector<16xf32>
        %swap3A_213 = arith.index_cast %scan3A_22 : i32 to index
        %swap3A_214 = arith.constant 208 : index
        %swap3A_215 = tpu.vector_load %arg9[%swap3A_213, %swap3A_214] {strides = array<i32>} : memref<40x256xf32, #tpu.memory_space<vmem>>, vector<1x16xf32>,
        %swap3A_216 = vector.shape_cast %swap3A_215 : vector<1x16xf32> to vector<16xf32>
        %swap3A_217 = vector.shape_cast %add3A_212 : vector<16xf32> to vector<1x16xf32>
        tpu.vector_store %arg9[%swap3A_213, %swap3A_214], %swap3A_217 {strides = array<i32>} : memref<40x256xf32, #tpu.memory_space<vmem>>, vector<1x16xf32>,
        %get3A_218 = arith.index_cast %scan3A_22 : i32 to index
        %get3A_219 = arith.constant 224 : index
        %get3A_220 = tpu.vector_load %arg9[%get3A_218, %get3A_219] {strides = array<i32>} : memref<40x256xf32, #tpu.memory_space<vmem>>, vector<1x16xf32>,
        %get3A_221 = vector.shape_cast %get3A_220 : vector<1x16xf32> to vector<16xf32>
        %get3A_222 = arith.index_cast %scan3A_22 : i32 to index
        %get3A_223 = arith.constant 224 : index
        %get3A_224 = tpu.vector_load %arg10[%get3A_222, %get3A_223] {strides = array<i32>} : memref<40x256xf32, #tpu.memory_space<vmem>>, vector<1x16xf32>,
        %get3A_225 = vector.shape_cast %get3A_224 : vector<1x16xf32> to vector<16xf32>
        %add3A_226 = arith.addf %get3A_221, %get3A_225 : vector<16xf32>
        %swap3A_227 = arith.index_cast %scan3A_22 : i32 to index
        %swap3A_228 = arith.constant 224 : index
        %swap3A_229 = tpu.vector_load %arg9[%swap3A_227, %swap3A_228] {strides = array<i32>} : memref<40x256xf32, #tpu.memory_space<vmem>>, vector<1x16xf32>,
        %swap3A_230 = vector.shape_cast %swap3A_229 : vector<1x16xf32> to vector<16xf32>
        %swap3A_231 = vector.shape_cast %add3A_226 : vector<16xf32> to vector<1x16xf32>
        tpu.vector_store %arg9[%swap3A_227, %swap3A_228], %swap3A_231 {strides = array<i32>} : memref<40x256xf32, #tpu.memory_space<vmem>>, vector<1x16xf32>,
        %get3A_232 = arith.index_cast %scan3A_22 : i32 to index
        %get3A_233 = arith.constant 240 : index
        %get3A_234 = tpu.vector_load %arg9[%get3A_232, %get3A_233] {strides = array<i32>} : memref<40x256xf32, #tpu.memory_space<vmem>>, vector<1x16xf32>,
        %get3A_235 = vector.shape_cast %get3A_234 : vector<1x16xf32> to vector<16xf32>
        %get3A_236 = arith.index_cast %scan3A_22 : i32 to index
        %get3A_237 = arith.constant 240 : index
        %get3A_238 = tpu.vector_load %arg10[%get3A_236, %get3A_237] {strides = array<i32>} : memref<40x256xf32, #tpu.memory_space<vmem>>, vector<1x16xf32>,
        %get3A_239 = vector.shape_cast %get3A_238 : vector<1x16xf32> to vector<16xf32>
        %add3A_240 = arith.addf %get3A_235, %get3A_239 : vector<16xf32>
        %swap3A_241 = arith.index_cast %scan3A_22 : i32 to index
        %swap3A_242 = arith.constant 240 : index
        %swap3A_243 = tpu.vector_load %arg9[%swap3A_241, %swap3A_242] {strides = array<i32>} : memref<40x256xf32, #tpu.memory_space<vmem>>, vector<1x16xf32>,
        %swap3A_244 = vector.shape_cast %swap3A_243 : vector<1x16xf32> to vector<16xf32>
        %swap3A_245 = vector.shape_cast %add3A_240 : vector<16xf32> to vector<1x16xf32>
        tpu.vector_store %arg9[%swap3A_241, %swap3A_242], %swap3A_245 {strides = array<i32>} : memref<40x256xf32, #tpu.memory_space<vmem>>, vector<1x16xf32>,
        %scan3A_246 = arith.constant 0 : i32
        scf.yield %scan3A_246 : i32
      }
      %scan3A_17 = arith.constant 40 : i32
      %mul3A_18 = arith.constant 40 : i32
      %mul3A_19 = arith.muli %scan3A_9, %mul3A_18 : i32
      %add3A_20 = arith.addi %mul3A_2, %mul3A_19 : i32
      "tpu.region"() ({
        %run_scoped3A = tpu.sem_alloc : memref<!tpu.dma_semaphore, #tpu.memory_space<semaphore_mem>>
        %dma_start3A = arith.constant 0 : i32
        %dma_start3A_22 = tpu.memref_slice %arg6[%add3A_20, %dma_start3A] : memref<160000x256xf32, #tpu.memory_space<hbm>> -> memref<40x256xf32, #tpu.memory_space<hbm>>
        %dma_start3A_23 = arith.constant 0 : i32
        %dma_start3A_24 = tpu.memref_slice %arg6[%add3A_20, %dma_start3A_23] : memref<160000x256xf32, #tpu.memory_space<hbm>> -> memref<40x256xf32, #tpu.memory_space<hbm>>
        tpu.enqueue_dma source(%arg9 : memref<40x256xf32, #tpu.memory_space<vmem>>) target(%dma_start3A_24 : memref<40x256xf32, #tpu.memory_space<hbm>>) target_semaphore(%run_scoped3A : memref<!tpu.dma_semaphore, #tpu.memory_space<semaphore_mem>>)
        %dma_wait3A = arith.constant 0 : i32
        %dma_wait3A_25 = tpu.memref_slice %arg6[%add3A_20, %dma_wait3A] : memref<160000x256xf32, #tpu.memory_space<hbm>> -> memref<40x256xf32, #tpu.memory_space<hbm>>
        %dma_wait3A_26 = arith.constant 0 : i32
        %dma_wait3A_27 = tpu.memref_slice %arg6[%add3A_20, %dma_wait3A_26] : memref<160000x256xf32, #tpu.memory_space<hbm>> -> memref<40x256xf32, #tpu.memory_space<hbm>>
        tpu.wait_dma2 semaphore(%run_scoped3A : memref<!tpu.dma_semaphore, #tpu.memory_space<semaphore_mem>>) src(%arg9 : memref<40x256xf32, #tpu.memory_space<vmem>>) dst(%dma_wait3A_27 : memref<40x256xf32, #tpu.memory_space<hbm>>)
        tpu.yield
      }) : () -> ()
      %scan3A_21 = arith.constant 0 : i32
      scf.yield %scan3A_21 : i32
    }
    %scan3A_8 = arith.constant 125 : i32
    return
  }
}

#map = affine_map<(d0, d1) -> (0, 0)>
#map1 = affine_map<(d0, d1) -> (0, 0, 0)>
module attributes {stable_mosaic.version = 14 : i64} {
  func.func @k(%arg0: i32, %arg1: i32, %arg2: memref<160000x128xf32, #tpu.memory_space<hbm>>, %arg3: memref<160000x128xf32, #tpu.memory_space<hbm>>, %arg4: memref<16x125x80xi32, #tpu.memory_space<hbm>>, %arg5: memref<10000x128xf32, #tpu.memory_space<hbm>>, %arg6: memref<10000x128xf32, #tpu.memory_space<hbm>>, %arg7: memref<125x80xi32, #tpu.memory_space<vmem>>, %arg8: memref<80x128xf32, #tpu.memory_space<vmem>>, %arg9: memref<10008x128xf32, #tpu.memory_space<vmem_shared>>) attributes {dimension_semantics = [#tpu.dimension_semantics<core_parallel>, #tpu.dimension_semantics<subcore_parallel>], iteration_bounds = array<i64: 2, 16>, scalar_prefetch = 0 : i64, scratch_operands = 3 : i64, tpu.core_type = #tpu.core_type<sc_vector_subcore>, window_params = [{transform_indices = #map}, {transform_indices = #map}, {transform_indices = #map1}, {transform_indices = #map}, {transform_indices = #map}]} {
    %broadcast_in_dim3A = arith.constant 0.000000e+00 : f32
    %broadcast_in_dim3A_0 = vector.broadcast %broadcast_in_dim3A : f32 to vector<16xf32>
    %scan3A = arith.constant 0 : i32
    %scan3A_1 = arith.constant 0 : i32
    %scan3A_2 = arith.constant 80 : i32
    %scan3A_3 = arith.addi %scan3A_1, %scan3A_2 : i32
    %scan3A_4 = arith.constant 1 : i32
    %scan3A_5 = scf.for %scan3A_60 = %scan3A_1 to %scan3A_3 step %scan3A_4 iter_args(%scan3A_61 = %scan3A) -> (i32)  : i32 {
      %swap3A = arith.index_cast %scan3A_60 : i32 to index
      %swap3A_62 = arith.constant 0 : index
      %swap3A_63 = tpu.vector_load %arg8[%swap3A, %swap3A_62] {strides = array<i32>} : memref<80x128xf32, #tpu.memory_space<vmem>>, vector<1x16xf32>,
      %swap3A_64 = vector.shape_cast %swap3A_63 : vector<1x16xf32> to vector<16xf32>
      %swap3A_65 = vector.shape_cast %broadcast_in_dim3A_0 : vector<16xf32> to vector<1x16xf32>
      tpu.vector_store %arg8[%swap3A, %swap3A_62], %swap3A_65 {strides = array<i32>} : memref<80x128xf32, #tpu.memory_space<vmem>>, vector<1x16xf32>,
      %swap3A_66 = arith.index_cast %scan3A_60 : i32 to index
      %swap3A_67 = arith.constant 16 : index
      %swap3A_68 = tpu.vector_load %arg8[%swap3A_66, %swap3A_67] {strides = array<i32>} : memref<80x128xf32, #tpu.memory_space<vmem>>, vector<1x16xf32>,
      %swap3A_69 = vector.shape_cast %swap3A_68 : vector<1x16xf32> to vector<16xf32>
      %swap3A_70 = vector.shape_cast %broadcast_in_dim3A_0 : vector<16xf32> to vector<1x16xf32>
      tpu.vector_store %arg8[%swap3A_66, %swap3A_67], %swap3A_70 {strides = array<i32>} : memref<80x128xf32, #tpu.memory_space<vmem>>, vector<1x16xf32>,
      %swap3A_71 = arith.index_cast %scan3A_60 : i32 to index
      %swap3A_72 = arith.constant 32 : index
      %swap3A_73 = tpu.vector_load %arg8[%swap3A_71, %swap3A_72] {strides = array<i32>} : memref<80x128xf32, #tpu.memory_space<vmem>>, vector<1x16xf32>,
      %swap3A_74 = vector.shape_cast %swap3A_73 : vector<1x16xf32> to vector<16xf32>
      %swap3A_75 = vector.shape_cast %broadcast_in_dim3A_0 : vector<16xf32> to vector<1x16xf32>
      tpu.vector_store %arg8[%swap3A_71, %swap3A_72], %swap3A_75 {strides = array<i32>} : memref<80x128xf32, #tpu.memory_space<vmem>>, vector<1x16xf32>,
      %swap3A_76 = arith.index_cast %scan3A_60 : i32 to index
      %swap3A_77 = arith.constant 48 : index
      %swap3A_78 = tpu.vector_load %arg8[%swap3A_76, %swap3A_77] {strides = array<i32>} : memref<80x128xf32, #tpu.memory_space<vmem>>, vector<1x16xf32>,
      %swap3A_79 = vector.shape_cast %swap3A_78 : vector<1x16xf32> to vector<16xf32>
      %swap3A_80 = vector.shape_cast %broadcast_in_dim3A_0 : vector<16xf32> to vector<1x16xf32>
      tpu.vector_store %arg8[%swap3A_76, %swap3A_77], %swap3A_80 {strides = array<i32>} : memref<80x128xf32, #tpu.memory_space<vmem>>, vector<1x16xf32>,
      %swap3A_81 = arith.index_cast %scan3A_60 : i32 to index
      %swap3A_82 = arith.constant 64 : index
      %swap3A_83 = tpu.vector_load %arg8[%swap3A_81, %swap3A_82] {strides = array<i32>} : memref<80x128xf32, #tpu.memory_space<vmem>>, vector<1x16xf32>,
      %swap3A_84 = vector.shape_cast %swap3A_83 : vector<1x16xf32> to vector<16xf32>
      %swap3A_85 = vector.shape_cast %broadcast_in_dim3A_0 : vector<16xf32> to vector<1x16xf32>
      tpu.vector_store %arg8[%swap3A_81, %swap3A_82], %swap3A_85 {strides = array<i32>} : memref<80x128xf32, #tpu.memory_space<vmem>>, vector<1x16xf32>,
      %swap3A_86 = arith.index_cast %scan3A_60 : i32 to index
      %swap3A_87 = arith.constant 80 : index
      %swap3A_88 = tpu.vector_load %arg8[%swap3A_86, %swap3A_87] {strides = array<i32>} : memref<80x128xf32, #tpu.memory_space<vmem>>, vector<1x16xf32>,
      %swap3A_89 = vector.shape_cast %swap3A_88 : vector<1x16xf32> to vector<16xf32>
      %swap3A_90 = vector.shape_cast %broadcast_in_dim3A_0 : vector<16xf32> to vector<1x16xf32>
      tpu.vector_store %arg8[%swap3A_86, %swap3A_87], %swap3A_90 {strides = array<i32>} : memref<80x128xf32, #tpu.memory_space<vmem>>, vector<1x16xf32>,
      %swap3A_91 = arith.index_cast %scan3A_60 : i32 to index
      %swap3A_92 = arith.constant 96 : index
      %swap3A_93 = tpu.vector_load %arg8[%swap3A_91, %swap3A_92] {strides = array<i32>} : memref<80x128xf32, #tpu.memory_space<vmem>>, vector<1x16xf32>,
      %swap3A_94 = vector.shape_cast %swap3A_93 : vector<1x16xf32> to vector<16xf32>
      %swap3A_95 = vector.shape_cast %broadcast_in_dim3A_0 : vector<16xf32> to vector<1x16xf32>
      tpu.vector_store %arg8[%swap3A_91, %swap3A_92], %swap3A_95 {strides = array<i32>} : memref<80x128xf32, #tpu.memory_space<vmem>>, vector<1x16xf32>,
      %swap3A_96 = arith.index_cast %scan3A_60 : i32 to index
      %swap3A_97 = arith.constant 112 : index
      %swap3A_98 = tpu.vector_load %arg8[%swap3A_96, %swap3A_97] {strides = array<i32>} : memref<80x128xf32, #tpu.memory_space<vmem>>, vector<1x16xf32>,
      %swap3A_99 = vector.shape_cast %swap3A_98 : vector<1x16xf32> to vector<16xf32>
      %swap3A_100 = vector.shape_cast %broadcast_in_dim3A_0 : vector<16xf32> to vector<1x16xf32>
      tpu.vector_store %arg8[%swap3A_96, %swap3A_97], %swap3A_100 {strides = array<i32>} : memref<80x128xf32, #tpu.memory_space<vmem>>, vector<1x16xf32>,
      %scan3A_101 = arith.constant 0 : i32
      scf.yield %scan3A_101 : i32
    }
    %scan3A_6 = arith.constant 80 : i32
    %mul3A = arith.constant 624 : i32
    %mul3A_7 = arith.muli %arg1, %mul3A : i32
    %add3A = arith.constant 0 : i32
    %add3A_8 = arith.addi %mul3A_7, %add3A : i32
    "tpu.region"() ({
      %run_scoped3A = tpu.sem_alloc : memref<!tpu.dma_semaphore, #tpu.memory_space<semaphore_mem>>
      %dma_start3A = arith.constant 0 : i32
      %dma_start3A_60 = tpu.memref_slice %arg9[%add3A_8, %dma_start3A] : memref<10008x128xf32, #tpu.memory_space<vmem_shared>> -> memref<80x128xf32, #tpu.memory_space<vmem_shared>>
      %dma_start3A_61 = arith.constant 0 : i32
      %dma_start3A_62 = tpu.memref_slice %arg9[%add3A_8, %dma_start3A_61] : memref<10008x128xf32, #tpu.memory_space<vmem_shared>> -> memref<80x128xf32, #tpu.memory_space<vmem_shared>>
      tpu.enqueue_dma source(%arg8 : memref<80x128xf32, #tpu.memory_space<vmem>>) target(%dma_start3A_62 : memref<80x128xf32, #tpu.memory_space<vmem_shared>>) target_semaphore(%run_scoped3A : memref<!tpu.dma_semaphore, #tpu.memory_space<semaphore_mem>>)
      %dma_wait3A = arith.constant 0 : i32
      %dma_wait3A_63 = tpu.memref_slice %arg9[%add3A_8, %dma_wait3A] : memref<10008x128xf32, #tpu.memory_space<vmem_shared>> -> memref<80x128xf32, #tpu.memory_space<vmem_shared>>
      %dma_wait3A_64 = arith.constant 0 : i32
      %dma_wait3A_65 = tpu.memref_slice %arg9[%add3A_8, %dma_wait3A_64] : memref<10008x128xf32, #tpu.memory_space<vmem_shared>> -> memref<80x128xf32, #tpu.memory_space<vmem_shared>>
      tpu.wait_dma2 semaphore(%run_scoped3A : memref<!tpu.dma_semaphore, #tpu.memory_space<semaphore_mem>>) src(%arg8 : memref<80x128xf32, #tpu.memory_space<vmem>>) dst(%dma_wait3A_65 : memref<80x128xf32, #tpu.memory_space<vmem_shared>>)
      tpu.yield
    }) : () -> ()
    %add3A_9 = arith.constant 80 : i32
    %add3A_10 = arith.addi %mul3A_7, %add3A_9 : i32
    "tpu.region"() ({
      %run_scoped3A = tpu.sem_alloc : memref<!tpu.dma_semaphore, #tpu.memory_space<semaphore_mem>>
      %dma_start3A = arith.constant 0 : i32
      %dma_start3A_60 = tpu.memref_slice %arg9[%add3A_10, %dma_start3A] : memref<10008x128xf32, #tpu.memory_space<vmem_shared>> -> memref<80x128xf32, #tpu.memory_space<vmem_shared>>
      %dma_start3A_61 = arith.constant 0 : i32
      %dma_start3A_62 = tpu.memref_slice %arg9[%add3A_10, %dma_start3A_61] : memref<10008x128xf32, #tpu.memory_space<vmem_shared>> -> memref<80x128xf32, #tpu.memory_space<vmem_shared>>
      tpu.enqueue_dma source(%arg8 : memref<80x128xf32, #tpu.memory_space<vmem>>) target(%dma_start3A_62 : memref<80x128xf32, #tpu.memory_space<vmem_shared>>) target_semaphore(%run_scoped3A : memref<!tpu.dma_semaphore, #tpu.memory_space<semaphore_mem>>)
      %dma_wait3A = arith.constant 0 : i32
      %dma_wait3A_63 = tpu.memref_slice %arg9[%add3A_10, %dma_wait3A] : memref<10008x128xf32, #tpu.memory_space<vmem_shared>> -> memref<80x128xf32, #tpu.memory_space<vmem_shared>>
      %dma_wait3A_64 = arith.constant 0 : i32
      %dma_wait3A_65 = tpu.memref_slice %arg9[%add3A_10, %dma_wait3A_64] : memref<10008x128xf32, #tpu.memory_space<vmem_shared>> -> memref<80x128xf32, #tpu.memory_space<vmem_shared>>
      tpu.wait_dma2 semaphore(%run_scoped3A : memref<!tpu.dma_semaphore, #tpu.memory_space<semaphore_mem>>) src(%arg8 : memref<80x128xf32, #tpu.memory_space<vmem>>) dst(%dma_wait3A_65 : memref<80x128xf32, #tpu.memory_space<vmem_shared>>)
      tpu.yield
    }) : () -> ()
    %add3A_11 = arith.constant 160 : i32
    %add3A_12 = arith.addi %mul3A_7, %add3A_11 : i32
    "tpu.region"() ({
      %run_scoped3A = tpu.sem_alloc : memref<!tpu.dma_semaphore, #tpu.memory_space<semaphore_mem>>
      %dma_start3A = arith.constant 0 : i32
      %dma_start3A_60 = tpu.memref_slice %arg9[%add3A_12, %dma_start3A] : memref<10008x128xf32, #tpu.memory_space<vmem_shared>> -> memref<80x128xf32, #tpu.memory_space<vmem_shared>>
      %dma_start3A_61 = arith.constant 0 : i32
      %dma_start3A_62 = tpu.memref_slice %arg9[%add3A_12, %dma_start3A_61] : memref<10008x128xf32, #tpu.memory_space<vmem_shared>> -> memref<80x128xf32, #tpu.memory_space<vmem_shared>>
      tpu.enqueue_dma source(%arg8 : memref<80x128xf32, #tpu.memory_space<vmem>>) target(%dma_start3A_62 : memref<80x128xf32, #tpu.memory_space<vmem_shared>>) target_semaphore(%run_scoped3A : memref<!tpu.dma_semaphore, #tpu.memory_space<semaphore_mem>>)
      %dma_wait3A = arith.constant 0 : i32
      %dma_wait3A_63 = tpu.memref_slice %arg9[%add3A_12, %dma_wait3A] : memref<10008x128xf32, #tpu.memory_space<vmem_shared>> -> memref<80x128xf32, #tpu.memory_space<vmem_shared>>
      %dma_wait3A_64 = arith.constant 0 : i32
      %dma_wait3A_65 = tpu.memref_slice %arg9[%add3A_12, %dma_wait3A_64] : memref<10008x128xf32, #tpu.memory_space<vmem_shared>> -> memref<80x128xf32, #tpu.memory_space<vmem_shared>>
      tpu.wait_dma2 semaphore(%run_scoped3A : memref<!tpu.dma_semaphore, #tpu.memory_space<semaphore_mem>>) src(%arg8 : memref<80x128xf32, #tpu.memory_space<vmem>>) dst(%dma_wait3A_65 : memref<80x128xf32, #tpu.memory_space<vmem_shared>>)
      tpu.yield
    }) : () -> ()
    %add3A_13 = arith.constant 240 : i32
    %add3A_14 = arith.addi %mul3A_7, %add3A_13 : i32
    "tpu.region"() ({
      %run_scoped3A = tpu.sem_alloc : memref<!tpu.dma_semaphore, #tpu.memory_space<semaphore_mem>>
      %dma_start3A = arith.constant 0 : i32
      %dma_start3A_60 = tpu.memref_slice %arg9[%add3A_14, %dma_start3A] : memref<10008x128xf32, #tpu.memory_space<vmem_shared>> -> memref<80x128xf32, #tpu.memory_space<vmem_shared>>
      %dma_start3A_61 = arith.constant 0 : i32
      %dma_start3A_62 = tpu.memref_slice %arg9[%add3A_14, %dma_start3A_61] : memref<10008x128xf32, #tpu.memory_space<vmem_shared>> -> memref<80x128xf32, #tpu.memory_space<vmem_shared>>
      tpu.enqueue_dma source(%arg8 : memref<80x128xf32, #tpu.memory_space<vmem>>) target(%dma_start3A_62 : memref<80x128xf32, #tpu.memory_space<vmem_shared>>) target_semaphore(%run_scoped3A : memref<!tpu.dma_semaphore, #tpu.memory_space<semaphore_mem>>)
      %dma_wait3A = arith.constant 0 : i32
      %dma_wait3A_63 = tpu.memref_slice %arg9[%add3A_14, %dma_wait3A] : memref<10008x128xf32, #tpu.memory_space<vmem_shared>> -> memref<80x128xf32, #tpu.memory_space<vmem_shared>>
      %dma_wait3A_64 = arith.constant 0 : i32
      %dma_wait3A_65 = tpu.memref_slice %arg9[%add3A_14, %dma_wait3A_64] : memref<10008x128xf32, #tpu.memory_space<vmem_shared>> -> memref<80x128xf32, #tpu.memory_space<vmem_shared>>
      tpu.wait_dma2 semaphore(%run_scoped3A : memref<!tpu.dma_semaphore, #tpu.memory_space<semaphore_mem>>) src(%arg8 : memref<80x128xf32, #tpu.memory_space<vmem>>) dst(%dma_wait3A_65 : memref<80x128xf32, #tpu.memory_space<vmem_shared>>)
      tpu.yield
    }) : () -> ()
    %add3A_15 = arith.constant 320 : i32
    %add3A_16 = arith.addi %mul3A_7, %add3A_15 : i32
    "tpu.region"() ({
      %run_scoped3A = tpu.sem_alloc : memref<!tpu.dma_semaphore, #tpu.memory_space<semaphore_mem>>
      %dma_start3A = arith.constant 0 : i32
      %dma_start3A_60 = tpu.memref_slice %arg9[%add3A_16, %dma_start3A] : memref<10008x128xf32, #tpu.memory_space<vmem_shared>> -> memref<80x128xf32, #tpu.memory_space<vmem_shared>>
      %dma_start3A_61 = arith.constant 0 : i32
      %dma_start3A_62 = tpu.memref_slice %arg9[%add3A_16, %dma_start3A_61] : memref<10008x128xf32, #tpu.memory_space<vmem_shared>> -> memref<80x128xf32, #tpu.memory_space<vmem_shared>>
      tpu.enqueue_dma source(%arg8 : memref<80x128xf32, #tpu.memory_space<vmem>>) target(%dma_start3A_62 : memref<80x128xf32, #tpu.memory_space<vmem_shared>>) target_semaphore(%run_scoped3A : memref<!tpu.dma_semaphore, #tpu.memory_space<semaphore_mem>>)
      %dma_wait3A = arith.constant 0 : i32
      %dma_wait3A_63 = tpu.memref_slice %arg9[%add3A_16, %dma_wait3A] : memref<10008x128xf32, #tpu.memory_space<vmem_shared>> -> memref<80x128xf32, #tpu.memory_space<vmem_shared>>
      %dma_wait3A_64 = arith.constant 0 : i32
      %dma_wait3A_65 = tpu.memref_slice %arg9[%add3A_16, %dma_wait3A_64] : memref<10008x128xf32, #tpu.memory_space<vmem_shared>> -> memref<80x128xf32, #tpu.memory_space<vmem_shared>>
      tpu.wait_dma2 semaphore(%run_scoped3A : memref<!tpu.dma_semaphore, #tpu.memory_space<semaphore_mem>>) src(%arg8 : memref<80x128xf32, #tpu.memory_space<vmem>>) dst(%dma_wait3A_65 : memref<80x128xf32, #tpu.memory_space<vmem_shared>>)
      tpu.yield
    }) : () -> ()
    %add3A_17 = arith.constant 400 : i32
    %add3A_18 = arith.addi %mul3A_7, %add3A_17 : i32
    "tpu.region"() ({
      %run_scoped3A = tpu.sem_alloc : memref<!tpu.dma_semaphore, #tpu.memory_space<semaphore_mem>>
      %dma_start3A = arith.constant 0 : i32
      %dma_start3A_60 = tpu.memref_slice %arg9[%add3A_18, %dma_start3A] : memref<10008x128xf32, #tpu.memory_space<vmem_shared>> -> memref<80x128xf32, #tpu.memory_space<vmem_shared>>
      %dma_start3A_61 = arith.constant 0 : i32
      %dma_start3A_62 = tpu.memref_slice %arg9[%add3A_18, %dma_start3A_61] : memref<10008x128xf32, #tpu.memory_space<vmem_shared>> -> memref<80x128xf32, #tpu.memory_space<vmem_shared>>
      tpu.enqueue_dma source(%arg8 : memref<80x128xf32, #tpu.memory_space<vmem>>) target(%dma_start3A_62 : memref<80x128xf32, #tpu.memory_space<vmem_shared>>) target_semaphore(%run_scoped3A : memref<!tpu.dma_semaphore, #tpu.memory_space<semaphore_mem>>)
      %dma_wait3A = arith.constant 0 : i32
      %dma_wait3A_63 = tpu.memref_slice %arg9[%add3A_18, %dma_wait3A] : memref<10008x128xf32, #tpu.memory_space<vmem_shared>> -> memref<80x128xf32, #tpu.memory_space<vmem_shared>>
      %dma_wait3A_64 = arith.constant 0 : i32
      %dma_wait3A_65 = tpu.memref_slice %arg9[%add3A_18, %dma_wait3A_64] : memref<10008x128xf32, #tpu.memory_space<vmem_shared>> -> memref<80x128xf32, #tpu.memory_space<vmem_shared>>
      tpu.wait_dma2 semaphore(%run_scoped3A : memref<!tpu.dma_semaphore, #tpu.memory_space<semaphore_mem>>) src(%arg8 : memref<80x128xf32, #tpu.memory_space<vmem>>) dst(%dma_wait3A_65 : memref<80x128xf32, #tpu.memory_space<vmem_shared>>)
      tpu.yield
    }) : () -> ()
    %add3A_19 = arith.constant 480 : i32
    %add3A_20 = arith.addi %mul3A_7, %add3A_19 : i32
    "tpu.region"() ({
      %run_scoped3A = tpu.sem_alloc : memref<!tpu.dma_semaphore, #tpu.memory_space<semaphore_mem>>
      %dma_start3A = arith.constant 0 : i32
      %dma_start3A_60 = tpu.memref_slice %arg9[%add3A_20, %dma_start3A] : memref<10008x128xf32, #tpu.memory_space<vmem_shared>> -> memref<80x128xf32, #tpu.memory_space<vmem_shared>>
      %dma_start3A_61 = arith.constant 0 : i32
      %dma_start3A_62 = tpu.memref_slice %arg9[%add3A_20, %dma_start3A_61] : memref<10008x128xf32, #tpu.memory_space<vmem_shared>> -> memref<80x128xf32, #tpu.memory_space<vmem_shared>>
      tpu.enqueue_dma source(%arg8 : memref<80x128xf32, #tpu.memory_space<vmem>>) target(%dma_start3A_62 : memref<80x128xf32, #tpu.memory_space<vmem_shared>>) target_semaphore(%run_scoped3A : memref<!tpu.dma_semaphore, #tpu.memory_space<semaphore_mem>>)
      %dma_wait3A = arith.constant 0 : i32
      %dma_wait3A_63 = tpu.memref_slice %arg9[%add3A_20, %dma_wait3A] : memref<10008x128xf32, #tpu.memory_space<vmem_shared>> -> memref<80x128xf32, #tpu.memory_space<vmem_shared>>
      %dma_wait3A_64 = arith.constant 0 : i32
      %dma_wait3A_65 = tpu.memref_slice %arg9[%add3A_20, %dma_wait3A_64] : memref<10008x128xf32, #tpu.memory_space<vmem_shared>> -> memref<80x128xf32, #tpu.memory_space<vmem_shared>>
      tpu.wait_dma2 semaphore(%run_scoped3A : memref<!tpu.dma_semaphore, #tpu.memory_space<semaphore_mem>>) src(%arg8 : memref<80x128xf32, #tpu.memory_space<vmem>>) dst(%dma_wait3A_65 : memref<80x128xf32, #tpu.memory_space<vmem_shared>>)
      tpu.yield
    }) : () -> ()
    %add3A_21 = arith.constant 560 : i32
    %add3A_22 = arith.addi %mul3A_7, %add3A_21 : i32
    "tpu.region"() ({
      %run_scoped3A = tpu.sem_alloc : memref<!tpu.dma_semaphore, #tpu.memory_space<semaphore_mem>>
      %dma_start3A = arith.constant 0 : i32
      %dma_start3A_60 = arith.constant 0 : i32
      %dma_start3A_61 = tpu.memref_slice %arg8[%dma_start3A, %dma_start3A_60] : memref<80x128xf32, #tpu.memory_space<vmem>> -> memref<64x128xf32, #tpu.memory_space<vmem>>
      %dma_start3A_62 = arith.constant 0 : i32
      %dma_start3A_63 = tpu.memref_slice %arg9[%add3A_22, %dma_start3A_62] : memref<10008x128xf32, #tpu.memory_space<vmem_shared>> -> memref<64x128xf32, #tpu.memory_space<vmem_shared>>
      %dma_start3A_64 = arith.constant 0 : i32
      %dma_start3A_65 = tpu.memref_slice %arg9[%add3A_22, %dma_start3A_64] : memref<10008x128xf32, #tpu.memory_space<vmem_shared>> -> memref<64x128xf32, #tpu.memory_space<vmem_shared>>
      %dma_start3A_66 = arith.constant 0 : i32
      %dma_start3A_67 = arith.constant 0 : i32
      %dma_start3A_68 = tpu.memref_slice %arg8[%dma_start3A_66, %dma_start3A_67] : memref<80x128xf32, #tpu.memory_space<vmem>> -> memref<64x128xf32, #tpu.memory_space<vmem>>
      tpu.enqueue_dma source(%dma_start3A_68 : memref<64x128xf32, #tpu.memory_space<vmem>>) target(%dma_start3A_65 : memref<64x128xf32, #tpu.memory_space<vmem_shared>>) target_semaphore(%run_scoped3A : memref<!tpu.dma_semaphore, #tpu.memory_space<semaphore_mem>>)
      %dma_wait3A = arith.constant 0 : i32
      %dma_wait3A_69 = arith.constant 0 : i32
      %dma_wait3A_70 = tpu.memref_slice %arg8[%dma_wait3A, %dma_wait3A_69] : memref<80x128xf32, #tpu.memory_space<vmem>> -> memref<64x128xf32, #tpu.memory_space<vmem>>
      %dma_wait3A_71 = arith.constant 0 : i32
      %dma_wait3A_72 = tpu.memref_slice %arg9[%add3A_22, %dma_wait3A_71] : memref<10008x128xf32, #tpu.memory_space<vmem_shared>> -> memref<64x128xf32, #tpu.memory_space<vmem_shared>>
      %dma_wait3A_73 = arith.constant 0 : i32
      %dma_wait3A_74 = tpu.memref_slice %arg9[%add3A_22, %dma_wait3A_73] : memref<10008x128xf32, #tpu.memory_space<vmem_shared>> -> memref<64x128xf32, #tpu.memory_space<vmem_shared>>
      %dma_wait3A_75 = arith.constant 0 : i32
      %dma_wait3A_76 = arith.constant 0 : i32
      %dma_wait3A_77 = tpu.memref_slice %arg8[%dma_wait3A_75, %dma_wait3A_76] : memref<80x128xf32, #tpu.memory_space<vmem>> -> memref<64x128xf32, #tpu.memory_space<vmem>>
      tpu.wait_dma2 semaphore(%run_scoped3A : memref<!tpu.dma_semaphore, #tpu.memory_space<semaphore_mem>>) src(%dma_wait3A_77 : memref<64x128xf32, #tpu.memory_space<vmem>>) dst(%dma_wait3A_74 : memref<64x128xf32, #tpu.memory_space<vmem_shared>>)
      tpu.yield
    }) : () -> ()
    %eq3A = arith.constant 15 : i32
    %eq3A_23 = arith.cmpi eq, %arg1, %eq3A : i32
    %convert_element_type3A = arith.extui %eq3A_23 : i1 to i32
    %cond3A = arith.constant 0 : i32
    %cond3A_24 = arith.cmpi ne, %convert_element_type3A, %cond3A : i32
    scf.if %cond3A_24 {
      "tpu.region"() ({
        %run_scoped3A = tpu.sem_alloc : memref<!tpu.dma_semaphore, #tpu.memory_space<semaphore_mem>>
        %dma_start3A = arith.constant 0 : i32
        %dma_start3A_60 = arith.constant 0 : i32
        %dma_start3A_61 = tpu.memref_slice %arg8[%dma_start3A, %dma_start3A_60] : memref<80x128xf32, #tpu.memory_space<vmem>> -> memref<16x128xf32, #tpu.memory_space<vmem>>
        %dma_start3A_62 = arith.constant 9984 : i32
        %dma_start3A_63 = arith.constant 0 : i32
        %dma_start3A_64 = tpu.memref_slice %arg9[%dma_start3A_62, %dma_start3A_63] : memref<10008x128xf32, #tpu.memory_space<vmem_shared>> -> memref<16x128xf32, #tpu.memory_space<vmem_shared>>
        %dma_start3A_65 = arith.constant 9984 : i32
        %dma_start3A_66 = arith.constant 0 : i32
        %dma_start3A_67 = tpu.memref_slice %arg9[%dma_start3A_65, %dma_start3A_66] : memref<10008x128xf32, #tpu.memory_space<vmem_shared>> -> memref<16x128xf32, #tpu.memory_space<vmem_shared>>
        %dma_start3A_68 = arith.constant 0 : i32
        %dma_start3A_69 = arith.constant 0 : i32
        %dma_start3A_70 = tpu.memref_slice %arg8[%dma_start3A_68, %dma_start3A_69] : memref<80x128xf32, #tpu.memory_space<vmem>> -> memref<16x128xf32, #tpu.memory_space<vmem>>
        tpu.enqueue_dma source(%dma_start3A_70 : memref<16x128xf32, #tpu.memory_space<vmem>>) target(%dma_start3A_67 : memref<16x128xf32, #tpu.memory_space<vmem_shared>>) target_semaphore(%run_scoped3A : memref<!tpu.dma_semaphore, #tpu.memory_space<semaphore_mem>>)
        %dma_wait3A = arith.constant 0 : i32
        %dma_wait3A_71 = arith.constant 0 : i32
        %dma_wait3A_72 = tpu.memref_slice %arg8[%dma_wait3A, %dma_wait3A_71] : memref<80x128xf32, #tpu.memory_space<vmem>> -> memref<16x128xf32, #tpu.memory_space<vmem>>
        %dma_wait3A_73 = arith.constant 9984 : i32
        %dma_wait3A_74 = arith.constant 0 : i32
        %dma_wait3A_75 = tpu.memref_slice %arg9[%dma_wait3A_73, %dma_wait3A_74] : memref<10008x128xf32, #tpu.memory_space<vmem_shared>> -> memref<16x128xf32, #tpu.memory_space<vmem_shared>>
        %dma_wait3A_76 = arith.constant 9984 : i32
        %dma_wait3A_77 = arith.constant 0 : i32
        %dma_wait3A_78 = tpu.memref_slice %arg9[%dma_wait3A_76, %dma_wait3A_77] : memref<10008x128xf32, #tpu.memory_space<vmem_shared>> -> memref<16x128xf32, #tpu.memory_space<vmem_shared>>
        %dma_wait3A_79 = arith.constant 0 : i32
        %dma_wait3A_80 = arith.constant 0 : i32
        %dma_wait3A_81 = tpu.memref_slice %arg8[%dma_wait3A_79, %dma_wait3A_80] : memref<80x128xf32, #tpu.memory_space<vmem>> -> memref<16x128xf32, #tpu.memory_space<vmem>>
        tpu.wait_dma2 semaphore(%run_scoped3A : memref<!tpu.dma_semaphore, #tpu.memory_space<semaphore_mem>>) src(%dma_wait3A_81 : memref<16x128xf32, #tpu.memory_space<vmem>>) dst(%dma_wait3A_78 : memref<16x128xf32, #tpu.memory_space<vmem_shared>>)
        tpu.yield
      }) : () -> ()
    } else {
    }
    "tpu.region"() ({
      %run_scoped3A = tpu.sem_alloc : memref<!tpu.dma_semaphore, #tpu.memory_space<semaphore_mem>>
      %dma_start3A = arith.constant 0 : i32
      %dma_start3A_60 = arith.constant 0 : i32
      %dma_start3A_61 = tpu.memref_slice %arg4[%arg1, %dma_start3A, %dma_start3A_60] : memref<16x125x80xi32, #tpu.memory_space<hbm>> -> memref<1x125x80xi32, #tpu.memory_space<hbm>>
      %dma_start3A_62 = tpu.memref_squeeze %dma_start3A_61 : memref<1x125x80xi32, #tpu.memory_space<hbm>> -> memref<125x80xi32, #tpu.memory_space<hbm>>
      %dma_start3A_63 = arith.constant 0 : i32
      %dma_start3A_64 = arith.constant 0 : i32
      %dma_start3A_65 = tpu.memref_slice %arg4[%arg1, %dma_start3A_63, %dma_start3A_64] : memref<16x125x80xi32, #tpu.memory_space<hbm>> -> memref<1x125x80xi32, #tpu.memory_space<hbm>>
      %dma_start3A_66 = tpu.memref_squeeze %dma_start3A_65 : memref<1x125x80xi32, #tpu.memory_space<hbm>> -> memref<125x80xi32, #tpu.memory_space<hbm>>
      tpu.enqueue_dma source(%dma_start3A_66 : memref<125x80xi32, #tpu.memory_space<hbm>>) target(%arg7 : memref<125x80xi32, #tpu.memory_space<vmem>>) target_semaphore(%run_scoped3A : memref<!tpu.dma_semaphore, #tpu.memory_space<semaphore_mem>>)
      %dma_wait3A = arith.constant 0 : i32
      %dma_wait3A_67 = arith.constant 0 : i32
      %dma_wait3A_68 = tpu.memref_slice %arg4[%arg1, %dma_wait3A, %dma_wait3A_67] : memref<16x125x80xi32, #tpu.memory_space<hbm>> -> memref<1x125x80xi32, #tpu.memory_space<hbm>>
      %dma_wait3A_69 = tpu.memref_squeeze %dma_wait3A_68 : memref<1x125x80xi32, #tpu.memory_space<hbm>> -> memref<125x80xi32, #tpu.memory_space<hbm>>
      %dma_wait3A_70 = arith.constant 0 : i32
      %dma_wait3A_71 = arith.constant 0 : i32
      %dma_wait3A_72 = tpu.memref_slice %arg4[%arg1, %dma_wait3A_70, %dma_wait3A_71] : memref<16x125x80xi32, #tpu.memory_space<hbm>> -> memref<1x125x80xi32, #tpu.memory_space<hbm>>
      %dma_wait3A_73 = tpu.memref_squeeze %dma_wait3A_72 : memref<1x125x80xi32, #tpu.memory_space<hbm>> -> memref<125x80xi32, #tpu.memory_space<hbm>>
      tpu.wait_dma2 semaphore(%run_scoped3A : memref<!tpu.dma_semaphore, #tpu.memory_space<semaphore_mem>>) src(%dma_wait3A_73 : memref<125x80xi32, #tpu.memory_space<hbm>>) dst(%arg7 : memref<125x80xi32, #tpu.memory_space<vmem>>)
      tpu.yield
    }) : () -> ()
    %barrier3A = arith.constant 0 : index
    tpu.barrier barrier_id(%barrier3A)
    %mul3A_25 = arith.constant 10000 : i32
    %mul3A_26 = arith.muli %arg1, %mul3A_25 : i32
    %scan3A_27 = arith.constant 0 : i32
    %scan3A_28 = arith.constant 0 : i32
    %scan3A_29 = arith.constant 125 : i32
    %scan3A_30 = arith.addi %scan3A_28, %scan3A_29 : i32
    %scan3A_31 = arith.constant 1 : i32
    %scan3A_32 = scf.for %scan3A_60 = %scan3A_28 to %scan3A_30 step %scan3A_31 iter_args(%scan3A_61 = %scan3A_27) -> (i32)  : i32 {
      %mul3A_62 = arith.constant 80 : i32
      %mul3A_63 = arith.muli %scan3A_60, %mul3A_62 : i32
      %add3A_64 = arith.addi %mul3A_26, %mul3A_63 : i32
      %eq3A_65 = arith.constant 0 : i32
      %eq3A_66 = arith.cmpi eq, %arg0, %eq3A_65 : i32
      %convert_element_type3A_67 = arith.extui %eq3A_66 : i1 to i32
      %cond3A_68 = arith.constant 0 : i32
      %cond3A_69 = arith.cmpi ne, %convert_element_type3A_67, %cond3A_68 : i32
      scf.if %cond3A_69 {
        "tpu.region"() ({
          %run_scoped3A = tpu.sem_alloc : memref<!tpu.dma_semaphore, #tpu.memory_space<semaphore_mem>>
          %dma_start3A = arith.constant 0 : i32
          %dma_start3A_76 = tpu.memref_slice %arg2[%add3A_64, %dma_start3A] : memref<160000x128xf32, #tpu.memory_space<hbm>> -> memref<80x128xf32, #tpu.memory_space<hbm>>
          %dma_start3A_77 = arith.constant 0 : i32
          %dma_start3A_78 = tpu.memref_slice %arg2[%add3A_64, %dma_start3A_77] : memref<160000x128xf32, #tpu.memory_space<hbm>> -> memref<80x128xf32, #tpu.memory_space<hbm>>
          tpu.enqueue_dma source(%dma_start3A_78 : memref<80x128xf32, #tpu.memory_space<hbm>>) target(%arg8 : memref<80x128xf32, #tpu.memory_space<vmem>>) target_semaphore(%run_scoped3A : memref<!tpu.dma_semaphore, #tpu.memory_space<semaphore_mem>>)
          %dma_wait3A = arith.constant 0 : i32
          %dma_wait3A_79 = tpu.memref_slice %arg2[%add3A_64, %dma_wait3A] : memref<160000x128xf32, #tpu.memory_space<hbm>> -> memref<80x128xf32, #tpu.memory_space<hbm>>
          %dma_wait3A_80 = arith.constant 0 : i32
          %dma_wait3A_81 = tpu.memref_slice %arg2[%add3A_64, %dma_wait3A_80] : memref<160000x128xf32, #tpu.memory_space<hbm>> -> memref<80x128xf32, #tpu.memory_space<hbm>>
          tpu.wait_dma2 semaphore(%run_scoped3A : memref<!tpu.dma_semaphore, #tpu.memory_space<semaphore_mem>>) src(%dma_wait3A_81 : memref<80x128xf32, #tpu.memory_space<hbm>>) dst(%arg8 : memref<80x128xf32, #tpu.memory_space<vmem>>)
          tpu.yield
        }) : () -> ()
      } else {
      }
      %eq3A_70 = arith.constant 1 : i32
      %eq3A_71 = arith.cmpi eq, %arg0, %eq3A_70 : i32
      %convert_element_type3A_72 = arith.extui %eq3A_71 : i1 to i32
      %cond3A_73 = arith.constant 0 : i32
      %cond3A_74 = arith.cmpi ne, %convert_element_type3A_72, %cond3A_73 : i32
      scf.if %cond3A_74 {
        "tpu.region"() ({
          %run_scoped3A = tpu.sem_alloc : memref<!tpu.dma_semaphore, #tpu.memory_space<semaphore_mem>>
          %dma_start3A = arith.constant 0 : i32
          %dma_start3A_76 = tpu.memref_slice %arg3[%add3A_64, %dma_start3A] : memref<160000x128xf32, #tpu.memory_space<hbm>> -> memref<80x128xf32, #tpu.memory_space<hbm>>
          %dma_start3A_77 = arith.constant 0 : i32
          %dma_start3A_78 = tpu.memref_slice %arg3[%add3A_64, %dma_start3A_77] : memref<160000x128xf32, #tpu.memory_space<hbm>> -> memref<80x128xf32, #tpu.memory_space<hbm>>
          tpu.enqueue_dma source(%dma_start3A_78 : memref<80x128xf32, #tpu.memory_space<hbm>>) target(%arg8 : memref<80x128xf32, #tpu.memory_space<vmem>>) target_semaphore(%run_scoped3A : memref<!tpu.dma_semaphore, #tpu.memory_space<semaphore_mem>>)
          %dma_wait3A = arith.constant 0 : i32
          %dma_wait3A_79 = tpu.memref_slice %arg3[%add3A_64, %dma_wait3A] : memref<160000x128xf32, #tpu.memory_space<hbm>> -> memref<80x128xf32, #tpu.memory_space<hbm>>
          %dma_wait3A_80 = arith.constant 0 : i32
          %dma_wait3A_81 = tpu.memref_slice %arg3[%add3A_64, %dma_wait3A_80] : memref<160000x128xf32, #tpu.memory_space<hbm>> -> memref<80x128xf32, #tpu.memory_space<hbm>>
          tpu.wait_dma2 semaphore(%run_scoped3A : memref<!tpu.dma_semaphore, #tpu.memory_space<semaphore_mem>>) src(%dma_wait3A_81 : memref<80x128xf32, #tpu.memory_space<hbm>>) dst(%arg8 : memref<80x128xf32, #tpu.memory_space<vmem>>)
          tpu.yield
        }) : () -> ()
      } else {
      }
      "tpu.region"() ({
        %run_scoped3A = tpu.sem_alloc : memref<!tpu.dma_semaphore, #tpu.memory_space<semaphore_mem>>
        %dma_start3A = arith.constant 0 : i32
        %dma_start3A_76 = tpu.memref_slice %arg7[%scan3A_60, %dma_start3A] : memref<125x80xi32, #tpu.memory_space<vmem>> -> memref<1x80xi32, #tpu.memory_space<vmem>>
        %dma_start3A_77 = tpu.memref_squeeze %dma_start3A_76 : memref<1x80xi32, #tpu.memory_space<vmem>> -> memref<80xi32, #tpu.memory_space<vmem>>
        %dma_start3A_78 = arith.constant 0 : i32
        %dma_start3A_79 = arith.constant 0 : i32
        %dma_start3A_80 = tpu.memref_slice %arg9[%dma_start3A_78, %dma_start3A_79] : memref<10008x128xf32, #tpu.memory_space<vmem_shared>> -> memref<10008x128xf32, #tpu.memory_space<vmem_shared>>
        tpu.enqueue_indirect_dma source(%arg8 : memref<80x128xf32, #tpu.memory_space<vmem>>) target(%dma_start3A_80 : memref<10008x128xf32, #tpu.memory_space<vmem_shared>>) offsets(%dma_start3A_77 : memref<80xi32, #tpu.memory_space<vmem>>) semaphore(%run_scoped3A : memref<!tpu.dma_semaphore, #tpu.memory_space<semaphore_mem>>) {add = true}
        %dma_wait3A = arith.constant 0 : i32
        %dma_wait3A_81 = tpu.memref_slice %arg7[%scan3A_60, %dma_wait3A] : memref<125x80xi32, #tpu.memory_space<vmem>> -> memref<1x80xi32, #tpu.memory_space<vmem>>
        %dma_wait3A_82 = tpu.memref_squeeze %dma_wait3A_81 : memref<1x80xi32, #tpu.memory_space<vmem>> -> memref<80xi32, #tpu.memory_space<vmem>>
        %dma_wait3A_83 = arith.constant 0 : i32
        %dma_wait3A_84 = arith.constant 0 : i32
        %dma_wait3A_85 = tpu.memref_slice %arg9[%dma_wait3A_83, %dma_wait3A_84] : memref<10008x128xf32, #tpu.memory_space<vmem_shared>> -> memref<10008x128xf32, #tpu.memory_space<vmem_shared>>
        tpu.wait_indirect_dma semaphore(%run_scoped3A : memref<!tpu.dma_semaphore, #tpu.memory_space<semaphore_mem>>) src(%arg8 : memref<80x128xf32, #tpu.memory_space<vmem>>) dst(%dma_wait3A_85 : memref<10008x128xf32, #tpu.memory_space<vmem_shared>>)
        tpu.yield
      }) : () -> ()
      %scan3A_75 = arith.constant 0 : i32
      scf.yield %scan3A_75 : i32
    }
    %scan3A_33 = arith.constant 125 : i32
    %barrier3A_34 = arith.constant 0 : index
    tpu.barrier barrier_id(%barrier3A_34)
    %mul3A_35 = arith.constant 624 : i32
    %mul3A_36 = arith.muli %arg1, %mul3A_35 : i32
    %eq3A_37 = arith.constant 15 : i32
    %eq3A_38 = arith.cmpi eq, %arg1, %eq3A_37 : i32
    %eq3A_39 = arith.constant 0 : i32
    %eq3A_40 = arith.cmpi eq, %arg0, %eq3A_39 : i32
    %convert_element_type3A_41 = arith.extui %eq3A_40 : i1 to i32
    %cond3A_42 = arith.constant 0 : i32
    %cond3A_43 = arith.cmpi ne, %convert_element_type3A_41, %cond3A_42 : i32
    scf.if %cond3A_43 {
      "tpu.region"() ({
        %run_scoped3A = tpu.sem_alloc : memref<!tpu.dma_semaphore, #tpu.memory_space<semaphore_mem>>
        %dma_start3A = arith.constant 0 : i32
        %dma_start3A_60 = tpu.memref_slice %arg5[%mul3A_36, %dma_start3A] : memref<10000x128xf32, #tpu.memory_space<hbm>> -> memref<624x128xf32, #tpu.memory_space<hbm>>
        %dma_start3A_61 = arith.constant 0 : i32
        %dma_start3A_62 = tpu.memref_slice %arg9[%mul3A_36, %dma_start3A_61] : memref<10008x128xf32, #tpu.memory_space<vmem_shared>> -> memref<624x128xf32, #tpu.memory_space<vmem_shared>>
        tpu.enqueue_dma source(%dma_start3A_62 : memref<624x128xf32, #tpu.memory_space<vmem_shared>>) target(%dma_start3A_60 : memref<624x128xf32, #tpu.memory_space<hbm>>) target_semaphore(%run_scoped3A : memref<!tpu.dma_semaphore, #tpu.memory_space<semaphore_mem>>)
        %dma_wait3A = arith.constant 0 : i32
        %dma_wait3A_63 = tpu.memref_slice %arg5[%mul3A_36, %dma_wait3A] : memref<10000x128xf32, #tpu.memory_space<hbm>> -> memref<624x128xf32, #tpu.memory_space<hbm>>
        %dma_wait3A_64 = arith.constant 0 : i32
        %dma_wait3A_65 = tpu.memref_slice %arg9[%mul3A_36, %dma_wait3A_64] : memref<10008x128xf32, #tpu.memory_space<vmem_shared>> -> memref<624x128xf32, #tpu.memory_space<vmem_shared>>
        tpu.wait_dma2 semaphore(%run_scoped3A : memref<!tpu.dma_semaphore, #tpu.memory_space<semaphore_mem>>) src(%dma_wait3A_65 : memref<624x128xf32, #tpu.memory_space<vmem_shared>>) dst(%dma_wait3A_63 : memref<624x128xf32, #tpu.memory_space<hbm>>)
        tpu.yield
      }) : () -> ()
    } else {
    }
    %eq3A_44 = arith.constant 0 : i32
    %eq3A_45 = arith.cmpi eq, %arg0, %eq3A_44 : i32
    %and3A = arith.andi %eq3A_45, %eq3A_38 : i1
    %convert_element_type3A_46 = arith.extui %and3A : i1 to i32
    %cond3A_47 = arith.constant 0 : i32
    %cond3A_48 = arith.cmpi ne, %convert_element_type3A_46, %cond3A_47 : i32
    scf.if %cond3A_48 {
      "tpu.region"() ({
        %run_scoped3A = tpu.sem_alloc : memref<!tpu.dma_semaphore, #tpu.memory_space<semaphore_mem>>
        %dma_start3A = arith.constant 9984 : i32
        %dma_start3A_60 = arith.constant 0 : i32
        %dma_start3A_61 = tpu.memref_slice %arg5[%dma_start3A, %dma_start3A_60] : memref<10000x128xf32, #tpu.memory_space<hbm>> -> memref<16x128xf32, #tpu.memory_space<hbm>>
        %dma_start3A_62 = arith.constant 9984 : i32
        %dma_start3A_63 = arith.constant 0 : i32
        %dma_start3A_64 = tpu.memref_slice %arg9[%dma_start3A_62, %dma_start3A_63] : memref<10008x128xf32, #tpu.memory_space<vmem_shared>> -> memref<16x128xf32, #tpu.memory_space<vmem_shared>>
        tpu.enqueue_dma source(%dma_start3A_64 : memref<16x128xf32, #tpu.memory_space<vmem_shared>>) target(%dma_start3A_61 : memref<16x128xf32, #tpu.memory_space<hbm>>) target_semaphore(%run_scoped3A : memref<!tpu.dma_semaphore, #tpu.memory_space<semaphore_mem>>)
        %dma_wait3A = arith.constant 9984 : i32
        %dma_wait3A_65 = arith.constant 0 : i32
        %dma_wait3A_66 = tpu.memref_slice %arg5[%dma_wait3A, %dma_wait3A_65] : memref<10000x128xf32, #tpu.memory_space<hbm>> -> memref<16x128xf32, #tpu.memory_space<hbm>>
        %dma_wait3A_67 = arith.constant 9984 : i32
        %dma_wait3A_68 = arith.constant 0 : i32
        %dma_wait3A_69 = tpu.memref_slice %arg9[%dma_wait3A_67, %dma_wait3A_68] : memref<10008x128xf32, #tpu.memory_space<vmem_shared>> -> memref<16x128xf32, #tpu.memory_space<vmem_shared>>
        tpu.wait_dma2 semaphore(%run_scoped3A : memref<!tpu.dma_semaphore, #tpu.memory_space<semaphore_mem>>) src(%dma_wait3A_69 : memref<16x128xf32, #tpu.memory_space<vmem_shared>>) dst(%dma_wait3A_66 : memref<16x128xf32, #tpu.memory_space<hbm>>)
        tpu.yield
      }) : () -> ()
    } else {
    }
    %eq3A_49 = arith.constant 1 : i32
    %eq3A_50 = arith.cmpi eq, %arg0, %eq3A_49 : i32
    %convert_element_type3A_51 = arith.extui %eq3A_50 : i1 to i32
    %cond3A_52 = arith.constant 0 : i32
    %cond3A_53 = arith.cmpi ne, %convert_element_type3A_51, %cond3A_52 : i32
    scf.if %cond3A_53 {
      "tpu.region"() ({
        %run_scoped3A = tpu.sem_alloc : memref<!tpu.dma_semaphore, #tpu.memory_space<semaphore_mem>>
        %dma_start3A = arith.constant 0 : i32
        %dma_start3A_60 = tpu.memref_slice %arg6[%mul3A_36, %dma_start3A] : memref<10000x128xf32, #tpu.memory_space<hbm>> -> memref<624x128xf32, #tpu.memory_space<hbm>>
        %dma_start3A_61 = arith.constant 0 : i32
        %dma_start3A_62 = tpu.memref_slice %arg9[%mul3A_36, %dma_start3A_61] : memref<10008x128xf32, #tpu.memory_space<vmem_shared>> -> memref<624x128xf32, #tpu.memory_space<vmem_shared>>
        tpu.enqueue_dma source(%dma_start3A_62 : memref<624x128xf32, #tpu.memory_space<vmem_shared>>) target(%dma_start3A_60 : memref<624x128xf32, #tpu.memory_space<hbm>>) target_semaphore(%run_scoped3A : memref<!tpu.dma_semaphore, #tpu.memory_space<semaphore_mem>>)
        %dma_wait3A = arith.constant 0 : i32
        %dma_wait3A_63 = tpu.memref_slice %arg6[%mul3A_36, %dma_wait3A] : memref<10000x128xf32, #tpu.memory_space<hbm>> -> memref<624x128xf32, #tpu.memory_space<hbm>>
        %dma_wait3A_64 = arith.constant 0 : i32
        %dma_wait3A_65 = tpu.memref_slice %arg9[%mul3A_36, %dma_wait3A_64] : memref<10008x128xf32, #tpu.memory_space<vmem_shared>> -> memref<624x128xf32, #tpu.memory_space<vmem_shared>>
        tpu.wait_dma2 semaphore(%run_scoped3A : memref<!tpu.dma_semaphore, #tpu.memory_space<semaphore_mem>>) src(%dma_wait3A_65 : memref<624x128xf32, #tpu.memory_space<vmem_shared>>) dst(%dma_wait3A_63 : memref<624x128xf32, #tpu.memory_space<hbm>>)
        tpu.yield
      }) : () -> ()
    } else {
    }
    %eq3A_54 = arith.constant 1 : i32
    %eq3A_55 = arith.cmpi eq, %arg0, %eq3A_54 : i32
    %and3A_56 = arith.andi %eq3A_55, %eq3A_38 : i1
    %convert_element_type3A_57 = arith.extui %and3A_56 : i1 to i32
    %cond3A_58 = arith.constant 0 : i32
    %cond3A_59 = arith.cmpi ne, %convert_element_type3A_57, %cond3A_58 : i32
    scf.if %cond3A_59 {
      "tpu.region"() ({
        %run_scoped3A = tpu.sem_alloc : memref<!tpu.dma_semaphore, #tpu.memory_space<semaphore_mem>>
        %dma_start3A = arith.constant 9984 : i32
        %dma_start3A_60 = arith.constant 0 : i32
        %dma_start3A_61 = tpu.memref_slice %arg6[%dma_start3A, %dma_start3A_60] : memref<10000x128xf32, #tpu.memory_space<hbm>> -> memref<16x128xf32, #tpu.memory_space<hbm>>
        %dma_start3A_62 = arith.constant 9984 : i32
        %dma_start3A_63 = arith.constant 0 : i32
        %dma_start3A_64 = tpu.memref_slice %arg9[%dma_start3A_62, %dma_start3A_63] : memref<10008x128xf32, #tpu.memory_space<vmem_shared>> -> memref<16x128xf32, #tpu.memory_space<vmem_shared>>
        tpu.enqueue_dma source(%dma_start3A_64 : memref<16x128xf32, #tpu.memory_space<vmem_shared>>) target(%dma_start3A_61 : memref<16x128xf32, #tpu.memory_space<hbm>>) target_semaphore(%run_scoped3A : memref<!tpu.dma_semaphore, #tpu.memory_space<semaphore_mem>>)
        %dma_wait3A = arith.constant 9984 : i32
        %dma_wait3A_65 = arith.constant 0 : i32
        %dma_wait3A_66 = tpu.memref_slice %arg6[%dma_wait3A, %dma_wait3A_65] : memref<10000x128xf32, #tpu.memory_space<hbm>> -> memref<16x128xf32, #tpu.memory_space<hbm>>
        %dma_wait3A_67 = arith.constant 9984 : i32
        %dma_wait3A_68 = arith.constant 0 : i32
        %dma_wait3A_69 = tpu.memref_slice %arg9[%dma_wait3A_67, %dma_wait3A_68] : memref<10008x128xf32, #tpu.memory_space<vmem_shared>> -> memref<16x128xf32, #tpu.memory_space<vmem_shared>>
        tpu.wait_dma2 semaphore(%run_scoped3A : memref<!tpu.dma_semaphore, #tpu.memory_space<semaphore_mem>>) src(%dma_wait3A_69 : memref<16x128xf32, #tpu.memory_space<vmem_shared>>) dst(%dma_wait3A_66 : memref<16x128xf32, #tpu.memory_space<hbm>>)
        tpu.yield
      }) : () -> ()
    } else {
    }
    return
  }
}

#map = affine_map<(d0, d1) -> (0, 0)>
#map1 = affine_map<(d0, d1) -> (0, 0, 0)>
module attributes {stable_mosaic.version = 14 : i64} {
  func.func @k(%arg0: i32, %arg1: i32, %arg2: memref<2883x256xf32, #tpu.memory_space<hbm>>, %arg3: memref<10000x256xf32, #tpu.memory_space<hbm>>, %arg4: memref<32x125x40xi32, #tpu.memory_space<hbm>>, %arg5: memref<32x125x40xi32, #tpu.memory_space<hbm>>, %arg6: memref<160000x256xf32, #tpu.memory_space<hbm>>, %arg7: memref<125x40xi32, #tpu.memory_space<vmem>>, %arg8: memref<125x40xi32, #tpu.memory_space<vmem>>, %arg9: memref<40x256xf32, #tpu.memory_space<vmem>>, %arg10: memref<40x256xf32, #tpu.memory_space<vmem>>) attributes {dimension_semantics = [#tpu.dimension_semantics<core_parallel>, #tpu.dimension_semantics<subcore_parallel>], iteration_bounds = array<i64: 2, 16>, scalar_prefetch = 0 : i64, scratch_operands = 4 : i64, tpu.core_type = #tpu.core_type<sc_vector_subcore>, window_params = [{transform_indices = #map}, {transform_indices = #map}, {transform_indices = #map1}, {transform_indices = #map1}, {transform_indices = #map}]} {
    %mul3A = arith.constant 2 : i32
    %mul3A_0 = arith.muli %arg1, %mul3A : i32
    %add3A = arith.addi %mul3A_0, %arg0 : i32
    %mul3A_1 = arith.constant 5000 : i32
    %mul3A_2 = arith.muli %add3A, %mul3A_1 : i32
    "tpu.region"() ({
      %run_scoped3A = tpu.sem_alloc : memref<!tpu.dma_semaphore, #tpu.memory_space<semaphore_mem>>
      %dma_start3A = arith.constant 0 : i32
      %dma_start3A_9 = arith.constant 0 : i32
      %dma_start3A_10 = tpu.memref_slice %arg4[%add3A, %dma_start3A, %dma_start3A_9] : memref<32x125x40xi32, #tpu.memory_space<hbm>> -> memref<1x125x40xi32, #tpu.memory_space<hbm>>
      %dma_start3A_11 = tpu.memref_squeeze %dma_start3A_10 : memref<1x125x40xi32, #tpu.memory_space<hbm>> -> memref<125x40xi32, #tpu.memory_space<hbm>>
      %dma_start3A_12 = arith.constant 0 : i32
      %dma_start3A_13 = arith.constant 0 : i32
      %dma_start3A_14 = tpu.memref_slice %arg4[%add3A, %dma_start3A_12, %dma_start3A_13] : memref<32x125x40xi32, #tpu.memory_space<hbm>> -> memref<1x125x40xi32, #tpu.memory_space<hbm>>
      %dma_start3A_15 = tpu.memref_squeeze %dma_start3A_14 : memref<1x125x40xi32, #tpu.memory_space<hbm>> -> memref<125x40xi32, #tpu.memory_space<hbm>>
      tpu.enqueue_dma source(%dma_start3A_15 : memref<125x40xi32, #tpu.memory_space<hbm>>) target(%arg7 : memref<125x40xi32, #tpu.memory_space<vmem>>) target_semaphore(%run_scoped3A : memref<!tpu.dma_semaphore, #tpu.memory_space<semaphore_mem>>)
      %dma_wait3A = arith.constant 0 : i32
      %dma_wait3A_16 = arith.constant 0 : i32
      %dma_wait3A_17 = tpu.memref_slice %arg4[%add3A, %dma_wait3A, %dma_wait3A_16] : memref<32x125x40xi32, #tpu.memory_space<hbm>> -> memref<1x125x40xi32, #tpu.memory_space<hbm>>
      %dma_wait3A_18 = tpu.memref_squeeze %dma_wait3A_17 : memref<1x125x40xi32, #tpu.memory_space<hbm>> -> memref<125x40xi32, #tpu.memory_space<hbm>>
      %dma_wait3A_19 = arith.constant 0 : i32
      %dma_wait3A_20 = arith.constant 0 : i32
      %dma_wait3A_21 = tpu.memref_slice %arg4[%add3A, %dma_wait3A_19, %dma_wait3A_20] : memref<32x125x40xi32, #tpu.memory_space<hbm>> -> memref<1x125x40xi32, #tpu.memory_space<hbm>>
      %dma_wait3A_22 = tpu.memref_squeeze %dma_wait3A_21 : memref<1x125x40xi32, #tpu.memory_space<hbm>> -> memref<125x40xi32, #tpu.memory_space<hbm>>
      tpu.wait_dma2 semaphore(%run_scoped3A : memref<!tpu.dma_semaphore, #tpu.memory_space<semaphore_mem>>) src(%dma_wait3A_22 : memref<125x40xi32, #tpu.memory_space<hbm>>) dst(%arg7 : memref<125x40xi32, #tpu.memory_space<vmem>>)
      tpu.yield
    }) : () -> ()
    "tpu.region"() ({
      %run_scoped3A = tpu.sem_alloc : memref<!tpu.dma_semaphore, #tpu.memory_space<semaphore_mem>>
      %dma_start3A = arith.constant 0 : i32
      %dma_start3A_9 = arith.constant 0 : i32
      %dma_start3A_10 = tpu.memref_slice %arg5[%add3A, %dma_start3A, %dma_start3A_9] : memref<32x125x40xi32, #tpu.memory_space<hbm>> -> memref<1x125x40xi32, #tpu.memory_space<hbm>>
      %dma_start3A_11 = tpu.memref_squeeze %dma_start3A_10 : memref<1x125x40xi32, #tpu.memory_space<hbm>> -> memref<125x40xi32, #tpu.memory_space<hbm>>
      %dma_start3A_12 = arith.constant 0 : i32
      %dma_start3A_13 = arith.constant 0 : i32
      %dma_start3A_14 = tpu.memref_slice %arg5[%add3A, %dma_start3A_12, %dma_start3A_13] : memref<32x125x40xi32, #tpu.memory_space<hbm>> -> memref<1x125x40xi32, #tpu.memory_space<hbm>>
      %dma_start3A_15 = tpu.memref_squeeze %dma_start3A_14 : memref<1x125x40xi32, #tpu.memory_space<hbm>> -> memref<125x40xi32, #tpu.memory_space<hbm>>
      tpu.enqueue_dma source(%dma_start3A_15 : memref<125x40xi32, #tpu.memory_space<hbm>>) target(%arg8 : memref<125x40xi32, #tpu.memory_space<vmem>>) target_semaphore(%run_scoped3A : memref<!tpu.dma_semaphore, #tpu.memory_space<semaphore_mem>>)
      %dma_wait3A = arith.constant 0 : i32
      %dma_wait3A_16 = arith.constant 0 : i32
      %dma_wait3A_17 = tpu.memref_slice %arg5[%add3A, %dma_wait3A, %dma_wait3A_16] : memref<32x125x40xi32, #tpu.memory_space<hbm>> -> memref<1x125x40xi32, #tpu.memory_space<hbm>>
      %dma_wait3A_18 = tpu.memref_squeeze %dma_wait3A_17 : memref<1x125x40xi32, #tpu.memory_space<hbm>> -> memref<125x40xi32, #tpu.memory_space<hbm>>
      %dma_wait3A_19 = arith.constant 0 : i32
      %dma_wait3A_20 = arith.constant 0 : i32
      %dma_wait3A_21 = tpu.memref_slice %arg5[%add3A, %dma_wait3A_19, %dma_wait3A_20] : memref<32x125x40xi32, #tpu.memory_space<hbm>> -> memref<1x125x40xi32, #tpu.memory_space<hbm>>
      %dma_wait3A_22 = tpu.memref_squeeze %dma_wait3A_21 : memref<1x125x40xi32, #tpu.memory_space<hbm>> -> memref<125x40xi32, #tpu.memory_space<hbm>>
      tpu.wait_dma2 semaphore(%run_scoped3A : memref<!tpu.dma_semaphore, #tpu.memory_space<semaphore_mem>>) src(%dma_wait3A_22 : memref<125x40xi32, #tpu.memory_space<hbm>>) dst(%arg8 : memref<125x40xi32, #tpu.memory_space<vmem>>)
      tpu.yield
    }) : () -> ()
    %scan3A = arith.constant 0 : i32
    %scan3A_3 = arith.constant 0 : i32
    %scan3A_4 = arith.constant 125 : i32
    %scan3A_5 = arith.addi %scan3A_3, %scan3A_4 : i32
    %scan3A_6 = arith.constant 1 : i32
    %scan3A_7 = scf.for %scan3A_9 = %scan3A_3 to %scan3A_5 step %scan3A_6 iter_args(%scan3A_10 = %scan3A) -> (i32)  : i32 {
      "tpu.region"() ({
        %run_scoped3A = tpu.sem_alloc : memref<!tpu.dma_semaphore, #tpu.memory_space<semaphore_mem>>
        %dma_start3A = arith.constant 0 : i32
        %dma_start3A_22 = tpu.memref_slice %arg7[%scan3A_9, %dma_start3A] : memref<125x40xi32, #tpu.memory_space<vmem>> -> memref<1x40xi32, #tpu.memory_space<vmem>>
        %dma_start3A_23 = tpu.memref_squeeze %dma_start3A_22 : memref<1x40xi32, #tpu.memory_space<vmem>> -> memref<40xi32, #tpu.memory_space<vmem>>
        %dma_start3A_24 = arith.constant 0 : i32
        %dma_start3A_25 = arith.constant 0 : i32
        %dma_start3A_26 = tpu.memref_slice %arg2[%dma_start3A_24, %dma_start3A_25] : memref<2883x256xf32, #tpu.memory_space<hbm>> -> memref<2883x256xf32, #tpu.memory_space<hbm>>
        tpu.enqueue_indirect_dma source(%dma_start3A_26 : memref<2883x256xf32, #tpu.memory_space<hbm>>) target(%arg9 : memref<40x256xf32, #tpu.memory_space<vmem>>) offsets(%dma_start3A_23 : memref<40xi32, #tpu.memory_space<vmem>>) semaphore(%run_scoped3A : memref<!tpu.dma_semaphore, #tpu.memory_space<semaphore_mem>>)
        %dma_wait3A = arith.constant 0 : i32
        %dma_wait3A_27 = tpu.memref_slice %arg7[%scan3A_9, %dma_wait3A] : memref<125x40xi32, #tpu.memory_space<vmem>> -> memref<1x40xi32, #tpu.memory_space<vmem>>
        %dma_wait3A_28 = tpu.memref_squeeze %dma_wait3A_27 : memref<1x40xi32, #tpu.memory_space<vmem>> -> memref<40xi32, #tpu.memory_space<vmem>>
        %dma_wait3A_29 = arith.constant 0 : i32
        %dma_wait3A_30 = arith.constant 0 : i32
        %dma_wait3A_31 = tpu.memref_slice %arg2[%dma_wait3A_29, %dma_wait3A_30] : memref<2883x256xf32, #tpu.memory_space<hbm>> -> memref<2883x256xf32, #tpu.memory_space<hbm>>
        tpu.wait_indirect_dma semaphore(%run_scoped3A : memref<!tpu.dma_semaphore, #tpu.memory_space<semaphore_mem>>) src(%dma_wait3A_31 : memref<2883x256xf32, #tpu.memory_space<hbm>>) dst(%arg9 : memref<40x256xf32, #tpu.memory_space<vmem>>)
        tpu.yield
      }) : () -> ()
      "tpu.region"() ({
        %run_scoped3A = tpu.sem_alloc : memref<!tpu.dma_semaphore, #tpu.memory_space<semaphore_mem>>
        %dma_start3A = arith.constant 0 : i32
        %dma_start3A_22 = tpu.memref_slice %arg8[%scan3A_9, %dma_start3A] : memref<125x40xi32, #tpu.memory_space<vmem>> -> memref<1x40xi32, #tpu.memory_space<vmem>>
        %dma_start3A_23 = tpu.memref_squeeze %dma_start3A_22 : memref<1x40xi32, #tpu.memory_space<vmem>> -> memref<40xi32, #tpu.memory_space<vmem>>
        %dma_start3A_24 = arith.constant 0 : i32
        %dma_start3A_25 = arith.constant 0 : i32
        %dma_start3A_26 = tpu.memref_slice %arg3[%dma_start3A_24, %dma_start3A_25] : memref<10000x256xf32, #tpu.memory_space<hbm>> -> memref<10000x256xf32, #tpu.memory_space<hbm>>
        tpu.enqueue_indirect_dma source(%dma_start3A_26 : memref<10000x256xf32, #tpu.memory_space<hbm>>) target(%arg10 : memref<40x256xf32, #tpu.memory_space<vmem>>) offsets(%dma_start3A_23 : memref<40xi32, #tpu.memory_space<vmem>>) semaphore(%run_scoped3A : memref<!tpu.dma_semaphore, #tpu.memory_space<semaphore_mem>>)
        %dma_wait3A = arith.constant 0 : i32
        %dma_wait3A_27 = tpu.memref_slice %arg8[%scan3A_9, %dma_wait3A] : memref<125x40xi32, #tpu.memory_space<vmem>> -> memref<1x40xi32, #tpu.memory_space<vmem>>
        %dma_wait3A_28 = tpu.memref_squeeze %dma_wait3A_27 : memref<1x40xi32, #tpu.memory_space<vmem>> -> memref<40xi32, #tpu.memory_space<vmem>>
        %dma_wait3A_29 = arith.constant 0 : i32
        %dma_wait3A_30 = arith.constant 0 : i32
        %dma_wait3A_31 = tpu.memref_slice %arg3[%dma_wait3A_29, %dma_wait3A_30] : memref<10000x256xf32, #tpu.memory_space<hbm>> -> memref<10000x256xf32, #tpu.memory_space<hbm>>
        tpu.wait_indirect_dma semaphore(%run_scoped3A : memref<!tpu.dma_semaphore, #tpu.memory_space<semaphore_mem>>) src(%dma_wait3A_31 : memref<10000x256xf32, #tpu.memory_space<hbm>>) dst(%arg10 : memref<40x256xf32, #tpu.memory_space<vmem>>)
        tpu.yield
      }) : () -> ()
      %scan3A_11 = arith.constant 0 : i32
      %scan3A_12 = arith.constant 0 : i32
      %scan3A_13 = arith.constant 40 : i32
      %scan3A_14 = arith.addi %scan3A_12, %scan3A_13 : i32
      %scan3A_15 = arith.constant 1 : i32
      %scan3A_16 = scf.for %scan3A_22 = %scan3A_12 to %scan3A_14 step %scan3A_15 iter_args(%scan3A_23 = %scan3A_11) -> (i32)  : i32 {
        %get3A = arith.index_cast %scan3A_22 : i32 to index
        %get3A_24 = arith.constant 0 : index
        %get3A_25 = tpu.vector_load %arg9[%get3A, %get3A_24] {strides = array<i32>} : memref<40x256xf32, #tpu.memory_space<vmem>>, vector<1x16xf32>,
        %get3A_26 = vector.shape_cast %get3A_25 : vector<1x16xf32> to vector<16xf32>
        %get3A_27 = arith.index_cast %scan3A_22 : i32 to index
        %get3A_28 = arith.constant 0 : index
        %get3A_29 = tpu.vector_load %arg10[%get3A_27, %get3A_28] {strides = array<i32>} : memref<40x256xf32, #tpu.memory_space<vmem>>, vector<1x16xf32>,
        %get3A_30 = vector.shape_cast %get3A_29 : vector<1x16xf32> to vector<16xf32>
        %add3A_31 = arith.addf %get3A_26, %get3A_30 : vector<16xf32>
        %swap3A = arith.index_cast %scan3A_22 : i32 to index
        %swap3A_32 = arith.constant 0 : index
        %swap3A_33 = tpu.vector_load %arg9[%swap3A, %swap3A_32] {strides = array<i32>} : memref<40x256xf32, #tpu.memory_space<vmem>>, vector<1x16xf32>,
        %swap3A_34 = vector.shape_cast %swap3A_33 : vector<1x16xf32> to vector<16xf32>
        %swap3A_35 = vector.shape_cast %add3A_31 : vector<16xf32> to vector<1x16xf32>
        tpu.vector_store %arg9[%swap3A, %swap3A_32], %swap3A_35 {strides = array<i32>} : memref<40x256xf32, #tpu.memory_space<vmem>>, vector<1x16xf32>,
        %get3A_36 = arith.index_cast %scan3A_22 : i32 to index
        %get3A_37 = arith.constant 16 : index
        %get3A_38 = tpu.vector_load %arg9[%get3A_36, %get3A_37] {strides = array<i32>} : memref<40x256xf32, #tpu.memory_space<vmem>>, vector<1x16xf32>,
        %get3A_39 = vector.shape_cast %get3A_38 : vector<1x16xf32> to vector<16xf32>
        %get3A_40 = arith.index_cast %scan3A_22 : i32 to index
        %get3A_41 = arith.constant 16 : index
        %get3A_42 = tpu.vector_load %arg10[%get3A_40, %get3A_41] {strides = array<i32>} : memref<40x256xf32, #tpu.memory_space<vmem>>, vector<1x16xf32>,
        %get3A_43 = vector.shape_cast %get3A_42 : vector<1x16xf32> to vector<16xf32>
        %add3A_44 = arith.addf %get3A_39, %get3A_43 : vector<16xf32>
        %swap3A_45 = arith.index_cast %scan3A_22 : i32 to index
        %swap3A_46 = arith.constant 16 : index
        %swap3A_47 = tpu.vector_load %arg9[%swap3A_45, %swap3A_46] {strides = array<i32>} : memref<40x256xf32, #tpu.memory_space<vmem>>, vector<1x16xf32>,
        %swap3A_48 = vector.shape_cast %swap3A_47 : vector<1x16xf32> to vector<16xf32>
        %swap3A_49 = vector.shape_cast %add3A_44 : vector<16xf32> to vector<1x16xf32>
        tpu.vector_store %arg9[%swap3A_45, %swap3A_46], %swap3A_49 {strides = array<i32>} : memref<40x256xf32, #tpu.memory_space<vmem>>, vector<1x16xf32>,
        %get3A_50 = arith.index_cast %scan3A_22 : i32 to index
        %get3A_51 = arith.constant 32 : index
        %get3A_52 = tpu.vector_load %arg9[%get3A_50, %get3A_51] {strides = array<i32>} : memref<40x256xf32, #tpu.memory_space<vmem>>, vector<1x16xf32>,
        %get3A_53 = vector.shape_cast %get3A_52 : vector<1x16xf32> to vector<16xf32>
        %get3A_54 = arith.index_cast %scan3A_22 : i32 to index
        %get3A_55 = arith.constant 32 : index
        %get3A_56 = tpu.vector_load %arg10[%get3A_54, %get3A_55] {strides = array<i32>} : memref<40x256xf32, #tpu.memory_space<vmem>>, vector<1x16xf32>,
        %get3A_57 = vector.shape_cast %get3A_56 : vector<1x16xf32> to vector<16xf32>
        %add3A_58 = arith.addf %get3A_53, %get3A_57 : vector<16xf32>
        %swap3A_59 = arith.index_cast %scan3A_22 : i32 to index
        %swap3A_60 = arith.constant 32 : index
        %swap3A_61 = tpu.vector_load %arg9[%swap3A_59, %swap3A_60] {strides = array<i32>} : memref<40x256xf32, #tpu.memory_space<vmem>>, vector<1x16xf32>,
        %swap3A_62 = vector.shape_cast %swap3A_61 : vector<1x16xf32> to vector<16xf32>
        %swap3A_63 = vector.shape_cast %add3A_58 : vector<16xf32> to vector<1x16xf32>
        tpu.vector_store %arg9[%swap3A_59, %swap3A_60], %swap3A_63 {strides = array<i32>} : memref<40x256xf32, #tpu.memory_space<vmem>>, vector<1x16xf32>,
        %get3A_64 = arith.index_cast %scan3A_22 : i32 to index
        %get3A_65 = arith.constant 48 : index
        %get3A_66 = tpu.vector_load %arg9[%get3A_64, %get3A_65] {strides = array<i32>} : memref<40x256xf32, #tpu.memory_space<vmem>>, vector<1x16xf32>,
        %get3A_67 = vector.shape_cast %get3A_66 : vector<1x16xf32> to vector<16xf32>
        %get3A_68 = arith.index_cast %scan3A_22 : i32 to index
        %get3A_69 = arith.constant 48 : index
        %get3A_70 = tpu.vector_load %arg10[%get3A_68, %get3A_69] {strides = array<i32>} : memref<40x256xf32, #tpu.memory_space<vmem>>, vector<1x16xf32>,
        %get3A_71 = vector.shape_cast %get3A_70 : vector<1x16xf32> to vector<16xf32>
        %add3A_72 = arith.addf %get3A_67, %get3A_71 : vector<16xf32>
        %swap3A_73 = arith.index_cast %scan3A_22 : i32 to index
        %swap3A_74 = arith.constant 48 : index
        %swap3A_75 = tpu.vector_load %arg9[%swap3A_73, %swap3A_74] {strides = array<i32>} : memref<40x256xf32, #tpu.memory_space<vmem>>, vector<1x16xf32>,
        %swap3A_76 = vector.shape_cast %swap3A_75 : vector<1x16xf32> to vector<16xf32>
        %swap3A_77 = vector.shape_cast %add3A_72 : vector<16xf32> to vector<1x16xf32>
        tpu.vector_store %arg9[%swap3A_73, %swap3A_74], %swap3A_77 {strides = array<i32>} : memref<40x256xf32, #tpu.memory_space<vmem>>, vector<1x16xf32>,
        %get3A_78 = arith.index_cast %scan3A_22 : i32 to index
        %get3A_79 = arith.constant 64 : index
        %get3A_80 = tpu.vector_load %arg9[%get3A_78, %get3A_79] {strides = array<i32>} : memref<40x256xf32, #tpu.memory_space<vmem>>, vector<1x16xf32>,
        %get3A_81 = vector.shape_cast %get3A_80 : vector<1x16xf32> to vector<16xf32>
        %get3A_82 = arith.index_cast %scan3A_22 : i32 to index
        %get3A_83 = arith.constant 64 : index
        %get3A_84 = tpu.vector_load %arg10[%get3A_82, %get3A_83] {strides = array<i32>} : memref<40x256xf32, #tpu.memory_space<vmem>>, vector<1x16xf32>,
        %get3A_85 = vector.shape_cast %get3A_84 : vector<1x16xf32> to vector<16xf32>
        %add3A_86 = arith.addf %get3A_81, %get3A_85 : vector<16xf32>
        %swap3A_87 = arith.index_cast %scan3A_22 : i32 to index
        %swap3A_88 = arith.constant 64 : index
        %swap3A_89 = tpu.vector_load %arg9[%swap3A_87, %swap3A_88] {strides = array<i32>} : memref<40x256xf32, #tpu.memory_space<vmem>>, vector<1x16xf32>,
        %swap3A_90 = vector.shape_cast %swap3A_89 : vector<1x16xf32> to vector<16xf32>
        %swap3A_91 = vector.shape_cast %add3A_86 : vector<16xf32> to vector<1x16xf32>
        tpu.vector_store %arg9[%swap3A_87, %swap3A_88], %swap3A_91 {strides = array<i32>} : memref<40x256xf32, #tpu.memory_space<vmem>>, vector<1x16xf32>,
        %get3A_92 = arith.index_cast %scan3A_22 : i32 to index
        %get3A_93 = arith.constant 80 : index
        %get3A_94 = tpu.vector_load %arg9[%get3A_92, %get3A_93] {strides = array<i32>} : memref<40x256xf32, #tpu.memory_space<vmem>>, vector<1x16xf32>,
        %get3A_95 = vector.shape_cast %get3A_94 : vector<1x16xf32> to vector<16xf32>
        %get3A_96 = arith.index_cast %scan3A_22 : i32 to index
        %get3A_97 = arith.constant 80 : index
        %get3A_98 = tpu.vector_load %arg10[%get3A_96, %get3A_97] {strides = array<i32>} : memref<40x256xf32, #tpu.memory_space<vmem>>, vector<1x16xf32>,
        %get3A_99 = vector.shape_cast %get3A_98 : vector<1x16xf32> to vector<16xf32>
        %add3A_100 = arith.addf %get3A_95, %get3A_99 : vector<16xf32>
        %swap3A_101 = arith.index_cast %scan3A_22 : i32 to index
        %swap3A_102 = arith.constant 80 : index
        %swap3A_103 = tpu.vector_load %arg9[%swap3A_101, %swap3A_102] {strides = array<i32>} : memref<40x256xf32, #tpu.memory_space<vmem>>, vector<1x16xf32>,
        %swap3A_104 = vector.shape_cast %swap3A_103 : vector<1x16xf32> to vector<16xf32>
        %swap3A_105 = vector.shape_cast %add3A_100 : vector<16xf32> to vector<1x16xf32>
        tpu.vector_store %arg9[%swap3A_101, %swap3A_102], %swap3A_105 {strides = array<i32>} : memref<40x256xf32, #tpu.memory_space<vmem>>, vector<1x16xf32>,
        %get3A_106 = arith.index_cast %scan3A_22 : i32 to index
        %get3A_107 = arith.constant 96 : index
        %get3A_108 = tpu.vector_load %arg9[%get3A_106, %get3A_107] {strides = array<i32>} : memref<40x256xf32, #tpu.memory_space<vmem>>, vector<1x16xf32>,
        %get3A_109 = vector.shape_cast %get3A_108 : vector<1x16xf32> to vector<16xf32>
        %get3A_110 = arith.index_cast %scan3A_22 : i32 to index
        %get3A_111 = arith.constant 96 : index
        %get3A_112 = tpu.vector_load %arg10[%get3A_110, %get3A_111] {strides = array<i32>} : memref<40x256xf32, #tpu.memory_space<vmem>>, vector<1x16xf32>,
        %get3A_113 = vector.shape_cast %get3A_112 : vector<1x16xf32> to vector<16xf32>
        %add3A_114 = arith.addf %get3A_109, %get3A_113 : vector<16xf32>
        %swap3A_115 = arith.index_cast %scan3A_22 : i32 to index
        %swap3A_116 = arith.constant 96 : index
        %swap3A_117 = tpu.vector_load %arg9[%swap3A_115, %swap3A_116] {strides = array<i32>} : memref<40x256xf32, #tpu.memory_space<vmem>>, vector<1x16xf32>,
        %swap3A_118 = vector.shape_cast %swap3A_117 : vector<1x16xf32> to vector<16xf32>
        %swap3A_119 = vector.shape_cast %add3A_114 : vector<16xf32> to vector<1x16xf32>
        tpu.vector_store %arg9[%swap3A_115, %swap3A_116], %swap3A_119 {strides = array<i32>} : memref<40x256xf32, #tpu.memory_space<vmem>>, vector<1x16xf32>,
        %get3A_120 = arith.index_cast %scan3A_22 : i32 to index
        %get3A_121 = arith.constant 112 : index
        %get3A_122 = tpu.vector_load %arg9[%get3A_120, %get3A_121] {strides = array<i32>} : memref<40x256xf32, #tpu.memory_space<vmem>>, vector<1x16xf32>,
        %get3A_123 = vector.shape_cast %get3A_122 : vector<1x16xf32> to vector<16xf32>
        %get3A_124 = arith.index_cast %scan3A_22 : i32 to index
        %get3A_125 = arith.constant 112 : index
        %get3A_126 = tpu.vector_load %arg10[%get3A_124, %get3A_125] {strides = array<i32>} : memref<40x256xf32, #tpu.memory_space<vmem>>, vector<1x16xf32>,
        %get3A_127 = vector.shape_cast %get3A_126 : vector<1x16xf32> to vector<16xf32>
        %add3A_128 = arith.addf %get3A_123, %get3A_127 : vector<16xf32>
        %swap3A_129 = arith.index_cast %scan3A_22 : i32 to index
        %swap3A_130 = arith.constant 112 : index
        %swap3A_131 = tpu.vector_load %arg9[%swap3A_129, %swap3A_130] {strides = array<i32>} : memref<40x256xf32, #tpu.memory_space<vmem>>, vector<1x16xf32>,
        %swap3A_132 = vector.shape_cast %swap3A_131 : vector<1x16xf32> to vector<16xf32>
        %swap3A_133 = vector.shape_cast %add3A_128 : vector<16xf32> to vector<1x16xf32>
        tpu.vector_store %arg9[%swap3A_129, %swap3A_130], %swap3A_133 {strides = array<i32>} : memref<40x256xf32, #tpu.memory_space<vmem>>, vector<1x16xf32>,
        %get3A_134 = arith.index_cast %scan3A_22 : i32 to index
        %get3A_135 = arith.constant 128 : index
        %get3A_136 = tpu.vector_load %arg9[%get3A_134, %get3A_135] {strides = array<i32>} : memref<40x256xf32, #tpu.memory_space<vmem>>, vector<1x16xf32>,
        %get3A_137 = vector.shape_cast %get3A_136 : vector<1x16xf32> to vector<16xf32>
        %get3A_138 = arith.index_cast %scan3A_22 : i32 to index
        %get3A_139 = arith.constant 128 : index
        %get3A_140 = tpu.vector_load %arg10[%get3A_138, %get3A_139] {strides = array<i32>} : memref<40x256xf32, #tpu.memory_space<vmem>>, vector<1x16xf32>,
        %get3A_141 = vector.shape_cast %get3A_140 : vector<1x16xf32> to vector<16xf32>
        %add3A_142 = arith.addf %get3A_137, %get3A_141 : vector<16xf32>
        %swap3A_143 = arith.index_cast %scan3A_22 : i32 to index
        %swap3A_144 = arith.constant 128 : index
        %swap3A_145 = tpu.vector_load %arg9[%swap3A_143, %swap3A_144] {strides = array<i32>} : memref<40x256xf32, #tpu.memory_space<vmem>>, vector<1x16xf32>,
        %swap3A_146 = vector.shape_cast %swap3A_145 : vector<1x16xf32> to vector<16xf32>
        %swap3A_147 = vector.shape_cast %add3A_142 : vector<16xf32> to vector<1x16xf32>
        tpu.vector_store %arg9[%swap3A_143, %swap3A_144], %swap3A_147 {strides = array<i32>} : memref<40x256xf32, #tpu.memory_space<vmem>>, vector<1x16xf32>,
        %get3A_148 = arith.index_cast %scan3A_22 : i32 to index
        %get3A_149 = arith.constant 144 : index
        %get3A_150 = tpu.vector_load %arg9[%get3A_148, %get3A_149] {strides = array<i32>} : memref<40x256xf32, #tpu.memory_space<vmem>>, vector<1x16xf32>,
        %get3A_151 = vector.shape_cast %get3A_150 : vector<1x16xf32> to vector<16xf32>
        %get3A_152 = arith.index_cast %scan3A_22 : i32 to index
        %get3A_153 = arith.constant 144 : index
        %get3A_154 = tpu.vector_load %arg10[%get3A_152, %get3A_153] {strides = array<i32>} : memref<40x256xf32, #tpu.memory_space<vmem>>, vector<1x16xf32>,
        %get3A_155 = vector.shape_cast %get3A_154 : vector<1x16xf32> to vector<16xf32>
        %add3A_156 = arith.addf %get3A_151, %get3A_155 : vector<16xf32>
        %swap3A_157 = arith.index_cast %scan3A_22 : i32 to index
        %swap3A_158 = arith.constant 144 : index
        %swap3A_159 = tpu.vector_load %arg9[%swap3A_157, %swap3A_158] {strides = array<i32>} : memref<40x256xf32, #tpu.memory_space<vmem>>, vector<1x16xf32>,
        %swap3A_160 = vector.shape_cast %swap3A_159 : vector<1x16xf32> to vector<16xf32>
        %swap3A_161 = vector.shape_cast %add3A_156 : vector<16xf32> to vector<1x16xf32>
        tpu.vector_store %arg9[%swap3A_157, %swap3A_158], %swap3A_161 {strides = array<i32>} : memref<40x256xf32, #tpu.memory_space<vmem>>, vector<1x16xf32>,
        %get3A_162 = arith.index_cast %scan3A_22 : i32 to index
        %get3A_163 = arith.constant 160 : index
        %get3A_164 = tpu.vector_load %arg9[%get3A_162, %get3A_163] {strides = array<i32>} : memref<40x256xf32, #tpu.memory_space<vmem>>, vector<1x16xf32>,
        %get3A_165 = vector.shape_cast %get3A_164 : vector<1x16xf32> to vector<16xf32>
        %get3A_166 = arith.index_cast %scan3A_22 : i32 to index
        %get3A_167 = arith.constant 160 : index
        %get3A_168 = tpu.vector_load %arg10[%get3A_166, %get3A_167] {strides = array<i32>} : memref<40x256xf32, #tpu.memory_space<vmem>>, vector<1x16xf32>,
        %get3A_169 = vector.shape_cast %get3A_168 : vector<1x16xf32> to vector<16xf32>
        %add3A_170 = arith.addf %get3A_165, %get3A_169 : vector<16xf32>
        %swap3A_171 = arith.index_cast %scan3A_22 : i32 to index
        %swap3A_172 = arith.constant 160 : index
        %swap3A_173 = tpu.vector_load %arg9[%swap3A_171, %swap3A_172] {strides = array<i32>} : memref<40x256xf32, #tpu.memory_space<vmem>>, vector<1x16xf32>,
        %swap3A_174 = vector.shape_cast %swap3A_173 : vector<1x16xf32> to vector<16xf32>
        %swap3A_175 = vector.shape_cast %add3A_170 : vector<16xf32> to vector<1x16xf32>
        tpu.vector_store %arg9[%swap3A_171, %swap3A_172], %swap3A_175 {strides = array<i32>} : memref<40x256xf32, #tpu.memory_space<vmem>>, vector<1x16xf32>,
        %get3A_176 = arith.index_cast %scan3A_22 : i32 to index
        %get3A_177 = arith.constant 176 : index
        %get3A_178 = tpu.vector_load %arg9[%get3A_176, %get3A_177] {strides = array<i32>} : memref<40x256xf32, #tpu.memory_space<vmem>>, vector<1x16xf32>,
        %get3A_179 = vector.shape_cast %get3A_178 : vector<1x16xf32> to vector<16xf32>
        %get3A_180 = arith.index_cast %scan3A_22 : i32 to index
        %get3A_181 = arith.constant 176 : index
        %get3A_182 = tpu.vector_load %arg10[%get3A_180, %get3A_181] {strides = array<i32>} : memref<40x256xf32, #tpu.memory_space<vmem>>, vector<1x16xf32>,
        %get3A_183 = vector.shape_cast %get3A_182 : vector<1x16xf32> to vector<16xf32>
        %add3A_184 = arith.addf %get3A_179, %get3A_183 : vector<16xf32>
        %swap3A_185 = arith.index_cast %scan3A_22 : i32 to index
        %swap3A_186 = arith.constant 176 : index
        %swap3A_187 = tpu.vector_load %arg9[%swap3A_185, %swap3A_186] {strides = array<i32>} : memref<40x256xf32, #tpu.memory_space<vmem>>, vector<1x16xf32>,
        %swap3A_188 = vector.shape_cast %swap3A_187 : vector<1x16xf32> to vector<16xf32>
        %swap3A_189 = vector.shape_cast %add3A_184 : vector<16xf32> to vector<1x16xf32>
        tpu.vector_store %arg9[%swap3A_185, %swap3A_186], %swap3A_189 {strides = array<i32>} : memref<40x256xf32, #tpu.memory_space<vmem>>, vector<1x16xf32>,
        %get3A_190 = arith.index_cast %scan3A_22 : i32 to index
        %get3A_191 = arith.constant 192 : index
        %get3A_192 = tpu.vector_load %arg9[%get3A_190, %get3A_191] {strides = array<i32>} : memref<40x256xf32, #tpu.memory_space<vmem>>, vector<1x16xf32>,
        %get3A_193 = vector.shape_cast %get3A_192 : vector<1x16xf32> to vector<16xf32>
        %get3A_194 = arith.index_cast %scan3A_22 : i32 to index
        %get3A_195 = arith.constant 192 : index
        %get3A_196 = tpu.vector_load %arg10[%get3A_194, %get3A_195] {strides = array<i32>} : memref<40x256xf32, #tpu.memory_space<vmem>>, vector<1x16xf32>,
        %get3A_197 = vector.shape_cast %get3A_196 : vector<1x16xf32> to vector<16xf32>
        %add3A_198 = arith.addf %get3A_193, %get3A_197 : vector<16xf32>
        %swap3A_199 = arith.index_cast %scan3A_22 : i32 to index
        %swap3A_200 = arith.constant 192 : index
        %swap3A_201 = tpu.vector_load %arg9[%swap3A_199, %swap3A_200] {strides = array<i32>} : memref<40x256xf32, #tpu.memory_space<vmem>>, vector<1x16xf32>,
        %swap3A_202 = vector.shape_cast %swap3A_201 : vector<1x16xf32> to vector<16xf32>
        %swap3A_203 = vector.shape_cast %add3A_198 : vector<16xf32> to vector<1x16xf32>
        tpu.vector_store %arg9[%swap3A_199, %swap3A_200], %swap3A_203 {strides = array<i32>} : memref<40x256xf32, #tpu.memory_space<vmem>>, vector<1x16xf32>,
        %get3A_204 = arith.index_cast %scan3A_22 : i32 to index
        %get3A_205 = arith.constant 208 : index
        %get3A_206 = tpu.vector_load %arg9[%get3A_204, %get3A_205] {strides = array<i32>} : memref<40x256xf32, #tpu.memory_space<vmem>>, vector<1x16xf32>,
        %get3A_207 = vector.shape_cast %get3A_206 : vector<1x16xf32> to vector<16xf32>
        %get3A_208 = arith.index_cast %scan3A_22 : i32 to index
        %get3A_209 = arith.constant 208 : index
        %get3A_210 = tpu.vector_load %arg10[%get3A_208, %get3A_209] {strides = array<i32>} : memref<40x256xf32, #tpu.memory_space<vmem>>, vector<1x16xf32>,
        %get3A_211 = vector.shape_cast %get3A_210 : vector<1x16xf32> to vector<16xf32>
        %add3A_212 = arith.addf %get3A_207, %get3A_211 : vector<16xf32>
        %swap3A_213 = arith.index_cast %scan3A_22 : i32 to index
        %swap3A_214 = arith.constant 208 : index
        %swap3A_215 = tpu.vector_load %arg9[%swap3A_213, %swap3A_214] {strides = array<i32>} : memref<40x256xf32, #tpu.memory_space<vmem>>, vector<1x16xf32>,
        %swap3A_216 = vector.shape_cast %swap3A_215 : vector<1x16xf32> to vector<16xf32>
        %swap3A_217 = vector.shape_cast %add3A_212 : vector<16xf32> to vector<1x16xf32>
        tpu.vector_store %arg9[%swap3A_213, %swap3A_214], %swap3A_217 {strides = array<i32>} : memref<40x256xf32, #tpu.memory_space<vmem>>, vector<1x16xf32>,
        %get3A_218 = arith.index_cast %scan3A_22 : i32 to index
        %get3A_219 = arith.constant 224 : index
        %get3A_220 = tpu.vector_load %arg9[%get3A_218, %get3A_219] {strides = array<i32>} : memref<40x256xf32, #tpu.memory_space<vmem>>, vector<1x16xf32>,
        %get3A_221 = vector.shape_cast %get3A_220 : vector<1x16xf32> to vector<16xf32>
        %get3A_222 = arith.index_cast %scan3A_22 : i32 to index
        %get3A_223 = arith.constant 224 : index
        %get3A_224 = tpu.vector_load %arg10[%get3A_222, %get3A_223] {strides = array<i32>} : memref<40x256xf32, #tpu.memory_space<vmem>>, vector<1x16xf32>,
        %get3A_225 = vector.shape_cast %get3A_224 : vector<1x16xf32> to vector<16xf32>
        %add3A_226 = arith.addf %get3A_221, %get3A_225 : vector<16xf32>
        %swap3A_227 = arith.index_cast %scan3A_22 : i32 to index
        %swap3A_228 = arith.constant 224 : index
        %swap3A_229 = tpu.vector_load %arg9[%swap3A_227, %swap3A_228] {strides = array<i32>} : memref<40x256xf32, #tpu.memory_space<vmem>>, vector<1x16xf32>,
        %swap3A_230 = vector.shape_cast %swap3A_229 : vector<1x16xf32> to vector<16xf32>
        %swap3A_231 = vector.shape_cast %add3A_226 : vector<16xf32> to vector<1x16xf32>
        tpu.vector_store %arg9[%swap3A_227, %swap3A_228], %swap3A_231 {strides = array<i32>} : memref<40x256xf32, #tpu.memory_space<vmem>>, vector<1x16xf32>,
        %get3A_232 = arith.index_cast %scan3A_22 : i32 to index
        %get3A_233 = arith.constant 240 : index
        %get3A_234 = tpu.vector_load %arg9[%get3A_232, %get3A_233] {strides = array<i32>} : memref<40x256xf32, #tpu.memory_space<vmem>>, vector<1x16xf32>,
        %get3A_235 = vector.shape_cast %get3A_234 : vector<1x16xf32> to vector<16xf32>
        %get3A_236 = arith.index_cast %scan3A_22 : i32 to index
        %get3A_237 = arith.constant 240 : index
        %get3A_238 = tpu.vector_load %arg10[%get3A_236, %get3A_237] {strides = array<i32>} : memref<40x256xf32, #tpu.memory_space<vmem>>, vector<1x16xf32>,
        %get3A_239 = vector.shape_cast %get3A_238 : vector<1x16xf32> to vector<16xf32>
        %add3A_240 = arith.addf %get3A_235, %get3A_239 : vector<16xf32>
        %swap3A_241 = arith.index_cast %scan3A_22 : i32 to index
        %swap3A_242 = arith.constant 240 : index
        %swap3A_243 = tpu.vector_load %arg9[%swap3A_241, %swap3A_242] {strides = array<i32>} : memref<40x256xf32, #tpu.memory_space<vmem>>, vector<1x16xf32>,
        %swap3A_244 = vector.shape_cast %swap3A_243 : vector<1x16xf32> to vector<16xf32>
        %swap3A_245 = vector.shape_cast %add3A_240 : vector<16xf32> to vector<1x16xf32>
        tpu.vector_store %arg9[%swap3A_241, %swap3A_242], %swap3A_245 {strides = array<i32>} : memref<40x256xf32, #tpu.memory_space<vmem>>, vector<1x16xf32>,
        %scan3A_246 = arith.constant 0 : i32
        scf.yield %scan3A_246 : i32
      }
      %scan3A_17 = arith.constant 40 : i32
      %mul3A_18 = arith.constant 40 : i32
      %mul3A_19 = arith.muli %scan3A_9, %mul3A_18 : i32
      %add3A_20 = arith.addi %mul3A_2, %mul3A_19 : i32
      "tpu.region"() ({
        %run_scoped3A = tpu.sem_alloc : memref<!tpu.dma_semaphore, #tpu.memory_space<semaphore_mem>>
        %dma_start3A = arith.constant 0 : i32
        %dma_start3A_22 = tpu.memref_slice %arg6[%add3A_20, %dma_start3A] : memref<160000x256xf32, #tpu.memory_space<hbm>> -> memref<40x256xf32, #tpu.memory_space<hbm>>
        %dma_start3A_23 = arith.constant 0 : i32
        %dma_start3A_24 = tpu.memref_slice %arg6[%add3A_20, %dma_start3A_23] : memref<160000x256xf32, #tpu.memory_space<hbm>> -> memref<40x256xf32, #tpu.memory_space<hbm>>
        tpu.enqueue_dma source(%arg9 : memref<40x256xf32, #tpu.memory_space<vmem>>) target(%dma_start3A_24 : memref<40x256xf32, #tpu.memory_space<hbm>>) target_semaphore(%run_scoped3A : memref<!tpu.dma_semaphore, #tpu.memory_space<semaphore_mem>>)
        %dma_wait3A = arith.constant 0 : i32
        %dma_wait3A_25 = tpu.memref_slice %arg6[%add3A_20, %dma_wait3A] : memref<160000x256xf32, #tpu.memory_space<hbm>> -> memref<40x256xf32, #tpu.memory_space<hbm>>
        %dma_wait3A_26 = arith.constant 0 : i32
        %dma_wait3A_27 = tpu.memref_slice %arg6[%add3A_20, %dma_wait3A_26] : memref<160000x256xf32, #tpu.memory_space<hbm>> -> memref<40x256xf32, #tpu.memory_space<hbm>>
        tpu.wait_dma2 semaphore(%run_scoped3A : memref<!tpu.dma_semaphore, #tpu.memory_space<semaphore_mem>>) src(%arg9 : memref<40x256xf32, #tpu.memory_space<vmem>>) dst(%dma_wait3A_27 : memref<40x256xf32, #tpu.memory_space<hbm>>)
        tpu.yield
      }) : () -> ()
      %scan3A_21 = arith.constant 0 : i32
      scf.yield %scan3A_21 : i32
    }
    %scan3A_8 = arith.constant 125 : i32
    return
  }
}

#map = affine_map<(d0, d1) -> (0, 0)>
#map1 = affine_map<(d0, d1) -> (0, 0, 0)>
module attributes {stable_mosaic.version = 14 : i64} {
  func.func @k(%arg0: i32, %arg1: i32, %arg2: memref<160000x128xf32, #tpu.memory_space<hbm>>, %arg3: memref<160000x128xf32, #tpu.memory_space<hbm>>, %arg4: memref<16x125x80xi32, #tpu.memory_space<hbm>>, %arg5: memref<10000x128xf32, #tpu.memory_space<hbm>>, %arg6: memref<10000x128xf32, #tpu.memory_space<hbm>>, %arg7: memref<125x80xi32, #tpu.memory_space<vmem>>, %arg8: memref<80x128xf32, #tpu.memory_space<vmem>>, %arg9: memref<10008x128xf32, #tpu.memory_space<vmem_shared>>) attributes {dimension_semantics = [#tpu.dimension_semantics<core_parallel>, #tpu.dimension_semantics<subcore_parallel>], iteration_bounds = array<i64: 2, 16>, scalar_prefetch = 0 : i64, scratch_operands = 3 : i64, tpu.core_type = #tpu.core_type<sc_vector_subcore>, window_params = [{transform_indices = #map}, {transform_indices = #map}, {transform_indices = #map1}, {transform_indices = #map}, {transform_indices = #map}]} {
    %broadcast_in_dim3A = arith.constant 0.000000e+00 : f32
    %broadcast_in_dim3A_0 = vector.broadcast %broadcast_in_dim3A : f32 to vector<16xf32>
    %scan3A = arith.constant 0 : i32
    %scan3A_1 = arith.constant 0 : i32
    %scan3A_2 = arith.constant 80 : i32
    %scan3A_3 = arith.addi %scan3A_1, %scan3A_2 : i32
    %scan3A_4 = arith.constant 1 : i32
    %scan3A_5 = scf.for %scan3A_60 = %scan3A_1 to %scan3A_3 step %scan3A_4 iter_args(%scan3A_61 = %scan3A) -> (i32)  : i32 {
      %swap3A = arith.index_cast %scan3A_60 : i32 to index
      %swap3A_62 = arith.constant 0 : index
      %swap3A_63 = tpu.vector_load %arg8[%swap3A, %swap3A_62] {strides = array<i32>} : memref<80x128xf32, #tpu.memory_space<vmem>>, vector<1x16xf32>,
      %swap3A_64 = vector.shape_cast %swap3A_63 : vector<1x16xf32> to vector<16xf32>
      %swap3A_65 = vector.shape_cast %broadcast_in_dim3A_0 : vector<16xf32> to vector<1x16xf32>
      tpu.vector_store %arg8[%swap3A, %swap3A_62], %swap3A_65 {strides = array<i32>} : memref<80x128xf32, #tpu.memory_space<vmem>>, vector<1x16xf32>,
      %swap3A_66 = arith.index_cast %scan3A_60 : i32 to index
      %swap3A_67 = arith.constant 16 : index
      %swap3A_68 = tpu.vector_load %arg8[%swap3A_66, %swap3A_67] {strides = array<i32>} : memref<80x128xf32, #tpu.memory_space<vmem>>, vector<1x16xf32>,
      %swap3A_69 = vector.shape_cast %swap3A_68 : vector<1x16xf32> to vector<16xf32>
      %swap3A_70 = vector.shape_cast %broadcast_in_dim3A_0 : vector<16xf32> to vector<1x16xf32>
      tpu.vector_store %arg8[%swap3A_66, %swap3A_67], %swap3A_70 {strides = array<i32>} : memref<80x128xf32, #tpu.memory_space<vmem>>, vector<1x16xf32>,
      %swap3A_71 = arith.index_cast %scan3A_60 : i32 to index
      %swap3A_72 = arith.constant 32 : index
      %swap3A_73 = tpu.vector_load %arg8[%swap3A_71, %swap3A_72] {strides = array<i32>} : memref<80x128xf32, #tpu.memory_space<vmem>>, vector<1x16xf32>,
      %swap3A_74 = vector.shape_cast %swap3A_73 : vector<1x16xf32> to vector<16xf32>
      %swap3A_75 = vector.shape_cast %broadcast_in_dim3A_0 : vector<16xf32> to vector<1x16xf32>
      tpu.vector_store %arg8[%swap3A_71, %swap3A_72], %swap3A_75 {strides = array<i32>} : memref<80x128xf32, #tpu.memory_space<vmem>>, vector<1x16xf32>,
      %swap3A_76 = arith.index_cast %scan3A_60 : i32 to index
      %swap3A_77 = arith.constant 48 : index
      %swap3A_78 = tpu.vector_load %arg8[%swap3A_76, %swap3A_77] {strides = array<i32>} : memref<80x128xf32, #tpu.memory_space<vmem>>, vector<1x16xf32>,
      %swap3A_79 = vector.shape_cast %swap3A_78 : vector<1x16xf32> to vector<16xf32>
      %swap3A_80 = vector.shape_cast %broadcast_in_dim3A_0 : vector<16xf32> to vector<1x16xf32>
      tpu.vector_store %arg8[%swap3A_76, %swap3A_77], %swap3A_80 {strides = array<i32>} : memref<80x128xf32, #tpu.memory_space<vmem>>, vector<1x16xf32>,
      %swap3A_81 = arith.index_cast %scan3A_60 : i32 to index
      %swap3A_82 = arith.constant 64 : index
      %swap3A_83 = tpu.vector_load %arg8[%swap3A_81, %swap3A_82] {strides = array<i32>} : memref<80x128xf32, #tpu.memory_space<vmem>>, vector<1x16xf32>,
      %swap3A_84 = vector.shape_cast %swap3A_83 : vector<1x16xf32> to vector<16xf32>
      %swap3A_85 = vector.shape_cast %broadcast_in_dim3A_0 : vector<16xf32> to vector<1x16xf32>
      tpu.vector_store %arg8[%swap3A_81, %swap3A_82], %swap3A_85 {strides = array<i32>} : memref<80x128xf32, #tpu.memory_space<vmem>>, vector<1x16xf32>,
      %swap3A_86 = arith.index_cast %scan3A_60 : i32 to index
      %swap3A_87 = arith.constant 80 : index
      %swap3A_88 = tpu.vector_load %arg8[%swap3A_86, %swap3A_87] {strides = array<i32>} : memref<80x128xf32, #tpu.memory_space<vmem>>, vector<1x16xf32>,
      %swap3A_89 = vector.shape_cast %swap3A_88 : vector<1x16xf32> to vector<16xf32>
      %swap3A_90 = vector.shape_cast %broadcast_in_dim3A_0 : vector<16xf32> to vector<1x16xf32>
      tpu.vector_store %arg8[%swap3A_86, %swap3A_87], %swap3A_90 {strides = array<i32>} : memref<80x128xf32, #tpu.memory_space<vmem>>, vector<1x16xf32>,
      %swap3A_91 = arith.index_cast %scan3A_60 : i32 to index
      %swap3A_92 = arith.constant 96 : index
      %swap3A_93 = tpu.vector_load %arg8[%swap3A_91, %swap3A_92] {strides = array<i32>} : memref<80x128xf32, #tpu.memory_space<vmem>>, vector<1x16xf32>,
      %swap3A_94 = vector.shape_cast %swap3A_93 : vector<1x16xf32> to vector<16xf32>
      %swap3A_95 = vector.shape_cast %broadcast_in_dim3A_0 : vector<16xf32> to vector<1x16xf32>
      tpu.vector_store %arg8[%swap3A_91, %swap3A_92], %swap3A_95 {strides = array<i32>} : memref<80x128xf32, #tpu.memory_space<vmem>>, vector<1x16xf32>,
      %swap3A_96 = arith.index_cast %scan3A_60 : i32 to index
      %swap3A_97 = arith.constant 112 : index
      %swap3A_98 = tpu.vector_load %arg8[%swap3A_96, %swap3A_97] {strides = array<i32>} : memref<80x128xf32, #tpu.memory_space<vmem>>, vector<1x16xf32>,
      %swap3A_99 = vector.shape_cast %swap3A_98 : vector<1x16xf32> to vector<16xf32>
      %swap3A_100 = vector.shape_cast %broadcast_in_dim3A_0 : vector<16xf32> to vector<1x16xf32>
      tpu.vector_store %arg8[%swap3A_96, %swap3A_97], %swap3A_100 {strides = array<i32>} : memref<80x128xf32, #tpu.memory_space<vmem>>, vector<1x16xf32>,
      %scan3A_101 = arith.constant 0 : i32
      scf.yield %scan3A_101 : i32
    }
    %scan3A_6 = arith.constant 80 : i32
    %mul3A = arith.constant 624 : i32
    %mul3A_7 = arith.muli %arg1, %mul3A : i32
    %add3A = arith.constant 0 : i32
    %add3A_8 = arith.addi %mul3A_7, %add3A : i32
    "tpu.region"() ({
      %run_scoped3A = tpu.sem_alloc : memref<!tpu.dma_semaphore, #tpu.memory_space<semaphore_mem>>
      %dma_start3A = arith.constant 0 : i32
      %dma_start3A_60 = tpu.memref_slice %arg9[%add3A_8, %dma_start3A] : memref<10008x128xf32, #tpu.memory_space<vmem_shared>> -> memref<80x128xf32, #tpu.memory_space<vmem_shared>>
      %dma_start3A_61 = arith.constant 0 : i32
      %dma_start3A_62 = tpu.memref_slice %arg9[%add3A_8, %dma_start3A_61] : memref<10008x128xf32, #tpu.memory_space<vmem_shared>> -> memref<80x128xf32, #tpu.memory_space<vmem_shared>>
      tpu.enqueue_dma source(%arg8 : memref<80x128xf32, #tpu.memory_space<vmem>>) target(%dma_start3A_62 : memref<80x128xf32, #tpu.memory_space<vmem_shared>>) target_semaphore(%run_scoped3A : memref<!tpu.dma_semaphore, #tpu.memory_space<semaphore_mem>>)
      %dma_wait3A = arith.constant 0 : i32
      %dma_wait3A_63 = tpu.memref_slice %arg9[%add3A_8, %dma_wait3A] : memref<10008x128xf32, #tpu.memory_space<vmem_shared>> -> memref<80x128xf32, #tpu.memory_space<vmem_shared>>
      %dma_wait3A_64 = arith.constant 0 : i32
      %dma_wait3A_65 = tpu.memref_slice %arg9[%add3A_8, %dma_wait3A_64] : memref<10008x128xf32, #tpu.memory_space<vmem_shared>> -> memref<80x128xf32, #tpu.memory_space<vmem_shared>>
      tpu.wait_dma2 semaphore(%run_scoped3A : memref<!tpu.dma_semaphore, #tpu.memory_space<semaphore_mem>>) src(%arg8 : memref<80x128xf32, #tpu.memory_space<vmem>>) dst(%dma_wait3A_65 : memref<80x128xf32, #tpu.memory_space<vmem_shared>>)
      tpu.yield
    }) : () -> ()
    %add3A_9 = arith.constant 80 : i32
    %add3A_10 = arith.addi %mul3A_7, %add3A_9 : i32
    "tpu.region"() ({
      %run_scoped3A = tpu.sem_alloc : memref<!tpu.dma_semaphore, #tpu.memory_space<semaphore_mem>>
      %dma_start3A = arith.constant 0 : i32
      %dma_start3A_60 = tpu.memref_slice %arg9[%add3A_10, %dma_start3A] : memref<10008x128xf32, #tpu.memory_space<vmem_shared>> -> memref<80x128xf32, #tpu.memory_space<vmem_shared>>
      %dma_start3A_61 = arith.constant 0 : i32
      %dma_start3A_62 = tpu.memref_slice %arg9[%add3A_10, %dma_start3A_61] : memref<10008x128xf32, #tpu.memory_space<vmem_shared>> -> memref<80x128xf32, #tpu.memory_space<vmem_shared>>
      tpu.enqueue_dma source(%arg8 : memref<80x128xf32, #tpu.memory_space<vmem>>) target(%dma_start3A_62 : memref<80x128xf32, #tpu.memory_space<vmem_shared>>) target_semaphore(%run_scoped3A : memref<!tpu.dma_semaphore, #tpu.memory_space<semaphore_mem>>)
      %dma_wait3A = arith.constant 0 : i32
      %dma_wait3A_63 = tpu.memref_slice %arg9[%add3A_10, %dma_wait3A] : memref<10008x128xf32, #tpu.memory_space<vmem_shared>> -> memref<80x128xf32, #tpu.memory_space<vmem_shared>>
      %dma_wait3A_64 = arith.constant 0 : i32
      %dma_wait3A_65 = tpu.memref_slice %arg9[%add3A_10, %dma_wait3A_64] : memref<10008x128xf32, #tpu.memory_space<vmem_shared>> -> memref<80x128xf32, #tpu.memory_space<vmem_shared>>
      tpu.wait_dma2 semaphore(%run_scoped3A : memref<!tpu.dma_semaphore, #tpu.memory_space<semaphore_mem>>) src(%arg8 : memref<80x128xf32, #tpu.memory_space<vmem>>) dst(%dma_wait3A_65 : memref<80x128xf32, #tpu.memory_space<vmem_shared>>)
      tpu.yield
    }) : () -> ()
    %add3A_11 = arith.constant 160 : i32
    %add3A_12 = arith.addi %mul3A_7, %add3A_11 : i32
    "tpu.region"() ({
      %run_scoped3A = tpu.sem_alloc : memref<!tpu.dma_semaphore, #tpu.memory_space<semaphore_mem>>
      %dma_start3A = arith.constant 0 : i32
      %dma_start3A_60 = tpu.memref_slice %arg9[%add3A_12, %dma_start3A] : memref<10008x128xf32, #tpu.memory_space<vmem_shared>> -> memref<80x128xf32, #tpu.memory_space<vmem_shared>>
      %dma_start3A_61 = arith.constant 0 : i32
      %dma_start3A_62 = tpu.memref_slice %arg9[%add3A_12, %dma_start3A_61] : memref<10008x128xf32, #tpu.memory_space<vmem_shared>> -> memref<80x128xf32, #tpu.memory_space<vmem_shared>>
      tpu.enqueue_dma source(%arg8 : memref<80x128xf32, #tpu.memory_space<vmem>>) target(%dma_start3A_62 : memref<80x128xf32, #tpu.memory_space<vmem_shared>>) target_semaphore(%run_scoped3A : memref<!tpu.dma_semaphore, #tpu.memory_space<semaphore_mem>>)
      %dma_wait3A = arith.constant 0 : i32
      %dma_wait3A_63 = tpu.memref_slice %arg9[%add3A_12, %dma_wait3A] : memref<10008x128xf32, #tpu.memory_space<vmem_shared>> -> memref<80x128xf32, #tpu.memory_space<vmem_shared>>
      %dma_wait3A_64 = arith.constant 0 : i32
      %dma_wait3A_65 = tpu.memref_slice %arg9[%add3A_12, %dma_wait3A_64] : memref<10008x128xf32, #tpu.memory_space<vmem_shared>> -> memref<80x128xf32, #tpu.memory_space<vmem_shared>>
      tpu.wait_dma2 semaphore(%run_scoped3A : memref<!tpu.dma_semaphore, #tpu.memory_space<semaphore_mem>>) src(%arg8 : memref<80x128xf32, #tpu.memory_space<vmem>>) dst(%dma_wait3A_65 : memref<80x128xf32, #tpu.memory_space<vmem_shared>>)
      tpu.yield
    }) : () -> ()
    %add3A_13 = arith.constant 240 : i32
    %add3A_14 = arith.addi %mul3A_7, %add3A_13 : i32
    "tpu.region"() ({
      %run_scoped3A = tpu.sem_alloc : memref<!tpu.dma_semaphore, #tpu.memory_space<semaphore_mem>>
      %dma_start3A = arith.constant 0 : i32
      %dma_start3A_60 = tpu.memref_slice %arg9[%add3A_14, %dma_start3A] : memref<10008x128xf32, #tpu.memory_space<vmem_shared>> -> memref<80x128xf32, #tpu.memory_space<vmem_shared>>
      %dma_start3A_61 = arith.constant 0 : i32
      %dma_start3A_62 = tpu.memref_slice %arg9[%add3A_14, %dma_start3A_61] : memref<10008x128xf32, #tpu.memory_space<vmem_shared>> -> memref<80x128xf32, #tpu.memory_space<vmem_shared>>
      tpu.enqueue_dma source(%arg8 : memref<80x128xf32, #tpu.memory_space<vmem>>) target(%dma_start3A_62 : memref<80x128xf32, #tpu.memory_space<vmem_shared>>) target_semaphore(%run_scoped3A : memref<!tpu.dma_semaphore, #tpu.memory_space<semaphore_mem>>)
      %dma_wait3A = arith.constant 0 : i32
      %dma_wait3A_63 = tpu.memref_slice %arg9[%add3A_14, %dma_wait3A] : memref<10008x128xf32, #tpu.memory_space<vmem_shared>> -> memref<80x128xf32, #tpu.memory_space<vmem_shared>>
      %dma_wait3A_64 = arith.constant 0 : i32
      %dma_wait3A_65 = tpu.memref_slice %arg9[%add3A_14, %dma_wait3A_64] : memref<10008x128xf32, #tpu.memory_space<vmem_shared>> -> memref<80x128xf32, #tpu.memory_space<vmem_shared>>
      tpu.wait_dma2 semaphore(%run_scoped3A : memref<!tpu.dma_semaphore, #tpu.memory_space<semaphore_mem>>) src(%arg8 : memref<80x128xf32, #tpu.memory_space<vmem>>) dst(%dma_wait3A_65 : memref<80x128xf32, #tpu.memory_space<vmem_shared>>)
      tpu.yield
    }) : () -> ()
    %add3A_15 = arith.constant 320 : i32
    %add3A_16 = arith.addi %mul3A_7, %add3A_15 : i32
    "tpu.region"() ({
      %run_scoped3A = tpu.sem_alloc : memref<!tpu.dma_semaphore, #tpu.memory_space<semaphore_mem>>
      %dma_start3A = arith.constant 0 : i32
      %dma_start3A_60 = tpu.memref_slice %arg9[%add3A_16, %dma_start3A] : memref<10008x128xf32, #tpu.memory_space<vmem_shared>> -> memref<80x128xf32, #tpu.memory_space<vmem_shared>>
      %dma_start3A_61 = arith.constant 0 : i32
      %dma_start3A_62 = tpu.memref_slice %arg9[%add3A_16, %dma_start3A_61] : memref<10008x128xf32, #tpu.memory_space<vmem_shared>> -> memref<80x128xf32, #tpu.memory_space<vmem_shared>>
      tpu.enqueue_dma source(%arg8 : memref<80x128xf32, #tpu.memory_space<vmem>>) target(%dma_start3A_62 : memref<80x128xf32, #tpu.memory_space<vmem_shared>>) target_semaphore(%run_scoped3A : memref<!tpu.dma_semaphore, #tpu.memory_space<semaphore_mem>>)
      %dma_wait3A = arith.constant 0 : i32
      %dma_wait3A_63 = tpu.memref_slice %arg9[%add3A_16, %dma_wait3A] : memref<10008x128xf32, #tpu.memory_space<vmem_shared>> -> memref<80x128xf32, #tpu.memory_space<vmem_shared>>
      %dma_wait3A_64 = arith.constant 0 : i32
      %dma_wait3A_65 = tpu.memref_slice %arg9[%add3A_16, %dma_wait3A_64] : memref<10008x128xf32, #tpu.memory_space<vmem_shared>> -> memref<80x128xf32, #tpu.memory_space<vmem_shared>>
      tpu.wait_dma2 semaphore(%run_scoped3A : memref<!tpu.dma_semaphore, #tpu.memory_space<semaphore_mem>>) src(%arg8 : memref<80x128xf32, #tpu.memory_space<vmem>>) dst(%dma_wait3A_65 : memref<80x128xf32, #tpu.memory_space<vmem_shared>>)
      tpu.yield
    }) : () -> ()
    %add3A_17 = arith.constant 400 : i32
    %add3A_18 = arith.addi %mul3A_7, %add3A_17 : i32
    "tpu.region"() ({
      %run_scoped3A = tpu.sem_alloc : memref<!tpu.dma_semaphore, #tpu.memory_space<semaphore_mem>>
      %dma_start3A = arith.constant 0 : i32
      %dma_start3A_60 = tpu.memref_slice %arg9[%add3A_18, %dma_start3A] : memref<10008x128xf32, #tpu.memory_space<vmem_shared>> -> memref<80x128xf32, #tpu.memory_space<vmem_shared>>
      %dma_start3A_61 = arith.constant 0 : i32
      %dma_start3A_62 = tpu.memref_slice %arg9[%add3A_18, %dma_start3A_61] : memref<10008x128xf32, #tpu.memory_space<vmem_shared>> -> memref<80x128xf32, #tpu.memory_space<vmem_shared>>
      tpu.enqueue_dma source(%arg8 : memref<80x128xf32, #tpu.memory_space<vmem>>) target(%dma_start3A_62 : memref<80x128xf32, #tpu.memory_space<vmem_shared>>) target_semaphore(%run_scoped3A : memref<!tpu.dma_semaphore, #tpu.memory_space<semaphore_mem>>)
      %dma_wait3A = arith.constant 0 : i32
      %dma_wait3A_63 = tpu.memref_slice %arg9[%add3A_18, %dma_wait3A] : memref<10008x128xf32, #tpu.memory_space<vmem_shared>> -> memref<80x128xf32, #tpu.memory_space<vmem_shared>>
      %dma_wait3A_64 = arith.constant 0 : i32
      %dma_wait3A_65 = tpu.memref_slice %arg9[%add3A_18, %dma_wait3A_64] : memref<10008x128xf32, #tpu.memory_space<vmem_shared>> -> memref<80x128xf32, #tpu.memory_space<vmem_shared>>
      tpu.wait_dma2 semaphore(%run_scoped3A : memref<!tpu.dma_semaphore, #tpu.memory_space<semaphore_mem>>) src(%arg8 : memref<80x128xf32, #tpu.memory_space<vmem>>) dst(%dma_wait3A_65 : memref<80x128xf32, #tpu.memory_space<vmem_shared>>)
      tpu.yield
    }) : () -> ()
    %add3A_19 = arith.constant 480 : i32
    %add3A_20 = arith.addi %mul3A_7, %add3A_19 : i32
    "tpu.region"() ({
      %run_scoped3A = tpu.sem_alloc : memref<!tpu.dma_semaphore, #tpu.memory_space<semaphore_mem>>
      %dma_start3A = arith.constant 0 : i32
      %dma_start3A_60 = tpu.memref_slice %arg9[%add3A_20, %dma_start3A] : memref<10008x128xf32, #tpu.memory_space<vmem_shared>> -> memref<80x128xf32, #tpu.memory_space<vmem_shared>>
      %dma_start3A_61 = arith.constant 0 : i32
      %dma_start3A_62 = tpu.memref_slice %arg9[%add3A_20, %dma_start3A_61] : memref<10008x128xf32, #tpu.memory_space<vmem_shared>> -> memref<80x128xf32, #tpu.memory_space<vmem_shared>>
      tpu.enqueue_dma source(%arg8 : memref<80x128xf32, #tpu.memory_space<vmem>>) target(%dma_start3A_62 : memref<80x128xf32, #tpu.memory_space<vmem_shared>>) target_semaphore(%run_scoped3A : memref<!tpu.dma_semaphore, #tpu.memory_space<semaphore_mem>>)
      %dma_wait3A = arith.constant 0 : i32
      %dma_wait3A_63 = tpu.memref_slice %arg9[%add3A_20, %dma_wait3A] : memref<10008x128xf32, #tpu.memory_space<vmem_shared>> -> memref<80x128xf32, #tpu.memory_space<vmem_shared>>
      %dma_wait3A_64 = arith.constant 0 : i32
      %dma_wait3A_65 = tpu.memref_slice %arg9[%add3A_20, %dma_wait3A_64] : memref<10008x128xf32, #tpu.memory_space<vmem_shared>> -> memref<80x128xf32, #tpu.memory_space<vmem_shared>>
      tpu.wait_dma2 semaphore(%run_scoped3A : memref<!tpu.dma_semaphore, #tpu.memory_space<semaphore_mem>>) src(%arg8 : memref<80x128xf32, #tpu.memory_space<vmem>>) dst(%dma_wait3A_65 : memref<80x128xf32, #tpu.memory_space<vmem_shared>>)
      tpu.yield
    }) : () -> ()
    %add3A_21 = arith.constant 560 : i32
    %add3A_22 = arith.addi %mul3A_7, %add3A_21 : i32
    "tpu.region"() ({
      %run_scoped3A = tpu.sem_alloc : memref<!tpu.dma_semaphore, #tpu.memory_space<semaphore_mem>>
      %dma_start3A = arith.constant 0 : i32
      %dma_start3A_60 = arith.constant 0 : i32
      %dma_start3A_61 = tpu.memref_slice %arg8[%dma_start3A, %dma_start3A_60] : memref<80x128xf32, #tpu.memory_space<vmem>> -> memref<64x128xf32, #tpu.memory_space<vmem>>
      %dma_start3A_62 = arith.constant 0 : i32
      %dma_start3A_63 = tpu.memref_slice %arg9[%add3A_22, %dma_start3A_62] : memref<10008x128xf32, #tpu.memory_space<vmem_shared>> -> memref<64x128xf32, #tpu.memory_space<vmem_shared>>
      %dma_start3A_64 = arith.constant 0 : i32
      %dma_start3A_65 = tpu.memref_slice %arg9[%add3A_22, %dma_start3A_64] : memref<10008x128xf32, #tpu.memory_space<vmem_shared>> -> memref<64x128xf32, #tpu.memory_space<vmem_shared>>
      %dma_start3A_66 = arith.constant 0 : i32
      %dma_start3A_67 = arith.constant 0 : i32
      %dma_start3A_68 = tpu.memref_slice %arg8[%dma_start3A_66, %dma_start3A_67] : memref<80x128xf32, #tpu.memory_space<vmem>> -> memref<64x128xf32, #tpu.memory_space<vmem>>
      tpu.enqueue_dma source(%dma_start3A_68 : memref<64x128xf32, #tpu.memory_space<vmem>>) target(%dma_start3A_65 : memref<64x128xf32, #tpu.memory_space<vmem_shared>>) target_semaphore(%run_scoped3A : memref<!tpu.dma_semaphore, #tpu.memory_space<semaphore_mem>>)
      %dma_wait3A = arith.constant 0 : i32
      %dma_wait3A_69 = arith.constant 0 : i32
      %dma_wait3A_70 = tpu.memref_slice %arg8[%dma_wait3A, %dma_wait3A_69] : memref<80x128xf32, #tpu.memory_space<vmem>> -> memref<64x128xf32, #tpu.memory_space<vmem>>
      %dma_wait3A_71 = arith.constant 0 : i32
      %dma_wait3A_72 = tpu.memref_slice %arg9[%add3A_22, %dma_wait3A_71] : memref<10008x128xf32, #tpu.memory_space<vmem_shared>> -> memref<64x128xf32, #tpu.memory_space<vmem_shared>>
      %dma_wait3A_73 = arith.constant 0 : i32
      %dma_wait3A_74 = tpu.memref_slice %arg9[%add3A_22, %dma_wait3A_73] : memref<10008x128xf32, #tpu.memory_space<vmem_shared>> -> memref<64x128xf32, #tpu.memory_space<vmem_shared>>
      %dma_wait3A_75 = arith.constant 0 : i32
      %dma_wait3A_76 = arith.constant 0 : i32
      %dma_wait3A_77 = tpu.memref_slice %arg8[%dma_wait3A_75, %dma_wait3A_76] : memref<80x128xf32, #tpu.memory_space<vmem>> -> memref<64x128xf32, #tpu.memory_space<vmem>>
      tpu.wait_dma2 semaphore(%run_scoped3A : memref<!tpu.dma_semaphore, #tpu.memory_space<semaphore_mem>>) src(%dma_wait3A_77 : memref<64x128xf32, #tpu.memory_space<vmem>>) dst(%dma_wait3A_74 : memref<64x128xf32, #tpu.memory_space<vmem_shared>>)
      tpu.yield
    }) : () -> ()
    %eq3A = arith.constant 15 : i32
    %eq3A_23 = arith.cmpi eq, %arg1, %eq3A : i32
    %convert_element_type3A = arith.extui %eq3A_23 : i1 to i32
    %cond3A = arith.constant 0 : i32
    %cond3A_24 = arith.cmpi ne, %convert_element_type3A, %cond3A : i32
    scf.if %cond3A_24 {
      "tpu.region"() ({
        %run_scoped3A = tpu.sem_alloc : memref<!tpu.dma_semaphore, #tpu.memory_space<semaphore_mem>>
        %dma_start3A = arith.constant 0 : i32
        %dma_start3A_60 = arith.constant 0 : i32
        %dma_start3A_61 = tpu.memref_slice %arg8[%dma_start3A, %dma_start3A_60] : memref<80x128xf32, #tpu.memory_space<vmem>> -> memref<16x128xf32, #tpu.memory_space<vmem>>
        %dma_start3A_62 = arith.constant 9984 : i32
        %dma_start3A_63 = arith.constant 0 : i32
        %dma_start3A_64 = tpu.memref_slice %arg9[%dma_start3A_62, %dma_start3A_63] : memref<10008x128xf32, #tpu.memory_space<vmem_shared>> -> memref<16x128xf32, #tpu.memory_space<vmem_shared>>
        %dma_start3A_65 = arith.constant 9984 : i32
        %dma_start3A_66 = arith.constant 0 : i32
        %dma_start3A_67 = tpu.memref_slice %arg9[%dma_start3A_65, %dma_start3A_66] : memref<10008x128xf32, #tpu.memory_space<vmem_shared>> -> memref<16x128xf32, #tpu.memory_space<vmem_shared>>
        %dma_start3A_68 = arith.constant 0 : i32
        %dma_start3A_69 = arith.constant 0 : i32
        %dma_start3A_70 = tpu.memref_slice %arg8[%dma_start3A_68, %dma_start3A_69] : memref<80x128xf32, #tpu.memory_space<vmem>> -> memref<16x128xf32, #tpu.memory_space<vmem>>
        tpu.enqueue_dma source(%dma_start3A_70 : memref<16x128xf32, #tpu.memory_space<vmem>>) target(%dma_start3A_67 : memref<16x128xf32, #tpu.memory_space<vmem_shared>>) target_semaphore(%run_scoped3A : memref<!tpu.dma_semaphore, #tpu.memory_space<semaphore_mem>>)
        %dma_wait3A = arith.constant 0 : i32
        %dma_wait3A_71 = arith.constant 0 : i32
        %dma_wait3A_72 = tpu.memref_slice %arg8[%dma_wait3A, %dma_wait3A_71] : memref<80x128xf32, #tpu.memory_space<vmem>> -> memref<16x128xf32, #tpu.memory_space<vmem>>
        %dma_wait3A_73 = arith.constant 9984 : i32
        %dma_wait3A_74 = arith.constant 0 : i32
        %dma_wait3A_75 = tpu.memref_slice %arg9[%dma_wait3A_73, %dma_wait3A_74] : memref<10008x128xf32, #tpu.memory_space<vmem_shared>> -> memref<16x128xf32, #tpu.memory_space<vmem_shared>>
        %dma_wait3A_76 = arith.constant 9984 : i32
        %dma_wait3A_77 = arith.constant 0 : i32
        %dma_wait3A_78 = tpu.memref_slice %arg9[%dma_wait3A_76, %dma_wait3A_77] : memref<10008x128xf32, #tpu.memory_space<vmem_shared>> -> memref<16x128xf32, #tpu.memory_space<vmem_shared>>
        %dma_wait3A_79 = arith.constant 0 : i32
        %dma_wait3A_80 = arith.constant 0 : i32
        %dma_wait3A_81 = tpu.memref_slice %arg8[%dma_wait3A_79, %dma_wait3A_80] : memref<80x128xf32, #tpu.memory_space<vmem>> -> memref<16x128xf32, #tpu.memory_space<vmem>>
        tpu.wait_dma2 semaphore(%run_scoped3A : memref<!tpu.dma_semaphore, #tpu.memory_space<semaphore_mem>>) src(%dma_wait3A_81 : memref<16x128xf32, #tpu.memory_space<vmem>>) dst(%dma_wait3A_78 : memref<16x128xf32, #tpu.memory_space<vmem_shared>>)
        tpu.yield
      }) : () -> ()
    } else {
    }
    "tpu.region"() ({
      %run_scoped3A = tpu.sem_alloc : memref<!tpu.dma_semaphore, #tpu.memory_space<semaphore_mem>>
      %dma_start3A = arith.constant 0 : i32
      %dma_start3A_60 = arith.constant 0 : i32
      %dma_start3A_61 = tpu.memref_slice %arg4[%arg1, %dma_start3A, %dma_start3A_60] : memref<16x125x80xi32, #tpu.memory_space<hbm>> -> memref<1x125x80xi32, #tpu.memory_space<hbm>>
      %dma_start3A_62 = tpu.memref_squeeze %dma_start3A_61 : memref<1x125x80xi32, #tpu.memory_space<hbm>> -> memref<125x80xi32, #tpu.memory_space<hbm>>
      %dma_start3A_63 = arith.constant 0 : i32
      %dma_start3A_64 = arith.constant 0 : i32
      %dma_start3A_65 = tpu.memref_slice %arg4[%arg1, %dma_start3A_63, %dma_start3A_64] : memref<16x125x80xi32, #tpu.memory_space<hbm>> -> memref<1x125x80xi32, #tpu.memory_space<hbm>>
      %dma_start3A_66 = tpu.memref_squeeze %dma_start3A_65 : memref<1x125x80xi32, #tpu.memory_space<hbm>> -> memref<125x80xi32, #tpu.memory_space<hbm>>
      tpu.enqueue_dma source(%dma_start3A_66 : memref<125x80xi32, #tpu.memory_space<hbm>>) target(%arg7 : memref<125x80xi32, #tpu.memory_space<vmem>>) target_semaphore(%run_scoped3A : memref<!tpu.dma_semaphore, #tpu.memory_space<semaphore_mem>>)
      %dma_wait3A = arith.constant 0 : i32
      %dma_wait3A_67 = arith.constant 0 : i32
      %dma_wait3A_68 = tpu.memref_slice %arg4[%arg1, %dma_wait3A, %dma_wait3A_67] : memref<16x125x80xi32, #tpu.memory_space<hbm>> -> memref<1x125x80xi32, #tpu.memory_space<hbm>>
      %dma_wait3A_69 = tpu.memref_squeeze %dma_wait3A_68 : memref<1x125x80xi32, #tpu.memory_space<hbm>> -> memref<125x80xi32, #tpu.memory_space<hbm>>
      %dma_wait3A_70 = arith.constant 0 : i32
      %dma_wait3A_71 = arith.constant 0 : i32
      %dma_wait3A_72 = tpu.memref_slice %arg4[%arg1, %dma_wait3A_70, %dma_wait3A_71] : memref<16x125x80xi32, #tpu.memory_space<hbm>> -> memref<1x125x80xi32, #tpu.memory_space<hbm>>
      %dma_wait3A_73 = tpu.memref_squeeze %dma_wait3A_72 : memref<1x125x80xi32, #tpu.memory_space<hbm>> -> memref<125x80xi32, #tpu.memory_space<hbm>>
      tpu.wait_dma2 semaphore(%run_scoped3A : memref<!tpu.dma_semaphore, #tpu.memory_space<semaphore_mem>>) src(%dma_wait3A_73 : memref<125x80xi32, #tpu.memory_space<hbm>>) dst(%arg7 : memref<125x80xi32, #tpu.memory_space<vmem>>)
      tpu.yield
    }) : () -> ()
    %barrier3A = arith.constant 0 : index
    tpu.barrier barrier_id(%barrier3A)
    %mul3A_25 = arith.constant 10000 : i32
    %mul3A_26 = arith.muli %arg1, %mul3A_25 : i32
    %scan3A_27 = arith.constant 0 : i32
    %scan3A_28 = arith.constant 0 : i32
    %scan3A_29 = arith.constant 125 : i32
    %scan3A_30 = arith.addi %scan3A_28, %scan3A_29 : i32
    %scan3A_31 = arith.constant 1 : i32
    %scan3A_32 = scf.for %scan3A_60 = %scan3A_28 to %scan3A_30 step %scan3A_31 iter_args(%scan3A_61 = %scan3A_27) -> (i32)  : i32 {
      %mul3A_62 = arith.constant 80 : i32
      %mul3A_63 = arith.muli %scan3A_60, %mul3A_62 : i32
      %add3A_64 = arith.addi %mul3A_26, %mul3A_63 : i32
      %eq3A_65 = arith.constant 0 : i32
      %eq3A_66 = arith.cmpi eq, %arg0, %eq3A_65 : i32
      %convert_element_type3A_67 = arith.extui %eq3A_66 : i1 to i32
      %cond3A_68 = arith.constant 0 : i32
      %cond3A_69 = arith.cmpi ne, %convert_element_type3A_67, %cond3A_68 : i32
      scf.if %cond3A_69 {
        "tpu.region"() ({
          %run_scoped3A = tpu.sem_alloc : memref<!tpu.dma_semaphore, #tpu.memory_space<semaphore_mem>>
          %dma_start3A = arith.constant 0 : i32
          %dma_start3A_76 = tpu.memref_slice %arg2[%add3A_64, %dma_start3A] : memref<160000x128xf32, #tpu.memory_space<hbm>> -> memref<80x128xf32, #tpu.memory_space<hbm>>
          %dma_start3A_77 = arith.constant 0 : i32
          %dma_start3A_78 = tpu.memref_slice %arg2[%add3A_64, %dma_start3A_77] : memref<160000x128xf32, #tpu.memory_space<hbm>> -> memref<80x128xf32, #tpu.memory_space<hbm>>
          tpu.enqueue_dma source(%dma_start3A_78 : memref<80x128xf32, #tpu.memory_space<hbm>>) target(%arg8 : memref<80x128xf32, #tpu.memory_space<vmem>>) target_semaphore(%run_scoped3A : memref<!tpu.dma_semaphore, #tpu.memory_space<semaphore_mem>>)
          %dma_wait3A = arith.constant 0 : i32
          %dma_wait3A_79 = tpu.memref_slice %arg2[%add3A_64, %dma_wait3A] : memref<160000x128xf32, #tpu.memory_space<hbm>> -> memref<80x128xf32, #tpu.memory_space<hbm>>
          %dma_wait3A_80 = arith.constant 0 : i32
          %dma_wait3A_81 = tpu.memref_slice %arg2[%add3A_64, %dma_wait3A_80] : memref<160000x128xf32, #tpu.memory_space<hbm>> -> memref<80x128xf32, #tpu.memory_space<hbm>>
          tpu.wait_dma2 semaphore(%run_scoped3A : memref<!tpu.dma_semaphore, #tpu.memory_space<semaphore_mem>>) src(%dma_wait3A_81 : memref<80x128xf32, #tpu.memory_space<hbm>>) dst(%arg8 : memref<80x128xf32, #tpu.memory_space<vmem>>)
          tpu.yield
        }) : () -> ()
      } else {
      }
      %eq3A_70 = arith.constant 1 : i32
      %eq3A_71 = arith.cmpi eq, %arg0, %eq3A_70 : i32
      %convert_element_type3A_72 = arith.extui %eq3A_71 : i1 to i32
      %cond3A_73 = arith.constant 0 : i32
      %cond3A_74 = arith.cmpi ne, %convert_element_type3A_72, %cond3A_73 : i32
      scf.if %cond3A_74 {
        "tpu.region"() ({
          %run_scoped3A = tpu.sem_alloc : memref<!tpu.dma_semaphore, #tpu.memory_space<semaphore_mem>>
          %dma_start3A = arith.constant 0 : i32
          %dma_start3A_76 = tpu.memref_slice %arg3[%add3A_64, %dma_start3A] : memref<160000x128xf32, #tpu.memory_space<hbm>> -> memref<80x128xf32, #tpu.memory_space<hbm>>
          %dma_start3A_77 = arith.constant 0 : i32
          %dma_start3A_78 = tpu.memref_slice %arg3[%add3A_64, %dma_start3A_77] : memref<160000x128xf32, #tpu.memory_space<hbm>> -> memref<80x128xf32, #tpu.memory_space<hbm>>
          tpu.enqueue_dma source(%dma_start3A_78 : memref<80x128xf32, #tpu.memory_space<hbm>>) target(%arg8 : memref<80x128xf32, #tpu.memory_space<vmem>>) target_semaphore(%run_scoped3A : memref<!tpu.dma_semaphore, #tpu.memory_space<semaphore_mem>>)
          %dma_wait3A = arith.constant 0 : i32
          %dma_wait3A_79 = tpu.memref_slice %arg3[%add3A_64, %dma_wait3A] : memref<160000x128xf32, #tpu.memory_space<hbm>> -> memref<80x128xf32, #tpu.memory_space<hbm>>
          %dma_wait3A_80 = arith.constant 0 : i32
          %dma_wait3A_81 = tpu.memref_slice %arg3[%add3A_64, %dma_wait3A_80] : memref<160000x128xf32, #tpu.memory_space<hbm>> -> memref<80x128xf32, #tpu.memory_space<hbm>>
          tpu.wait_dma2 semaphore(%run_scoped3A : memref<!tpu.dma_semaphore, #tpu.memory_space<semaphore_mem>>) src(%dma_wait3A_81 : memref<80x128xf32, #tpu.memory_space<hbm>>) dst(%arg8 : memref<80x128xf32, #tpu.memory_space<vmem>>)
          tpu.yield
        }) : () -> ()
      } else {
      }
      "tpu.region"() ({
        %run_scoped3A = tpu.sem_alloc : memref<!tpu.dma_semaphore, #tpu.memory_space<semaphore_mem>>
        %dma_start3A = arith.constant 0 : i32
        %dma_start3A_76 = tpu.memref_slice %arg7[%scan3A_60, %dma_start3A] : memref<125x80xi32, #tpu.memory_space<vmem>> -> memref<1x80xi32, #tpu.memory_space<vmem>>
        %dma_start3A_77 = tpu.memref_squeeze %dma_start3A_76 : memref<1x80xi32, #tpu.memory_space<vmem>> -> memref<80xi32, #tpu.memory_space<vmem>>
        %dma_start3A_78 = arith.constant 0 : i32
        %dma_start3A_79 = arith.constant 0 : i32
        %dma_start3A_80 = tpu.memref_slice %arg9[%dma_start3A_78, %dma_start3A_79] : memref<10008x128xf32, #tpu.memory_space<vmem_shared>> -> memref<10008x128xf32, #tpu.memory_space<vmem_shared>>
        tpu.enqueue_indirect_dma source(%arg8 : memref<80x128xf32, #tpu.memory_space<vmem>>) target(%dma_start3A_80 : memref<10008x128xf32, #tpu.memory_space<vmem_shared>>) offsets(%dma_start3A_77 : memref<80xi32, #tpu.memory_space<vmem>>) semaphore(%run_scoped3A : memref<!tpu.dma_semaphore, #tpu.memory_space<semaphore_mem>>) {add = true}
        %dma_wait3A = arith.constant 0 : i32
        %dma_wait3A_81 = tpu.memref_slice %arg7[%scan3A_60, %dma_wait3A] : memref<125x80xi32, #tpu.memory_space<vmem>> -> memref<1x80xi32, #tpu.memory_space<vmem>>
        %dma_wait3A_82 = tpu.memref_squeeze %dma_wait3A_81 : memref<1x80xi32, #tpu.memory_space<vmem>> -> memref<80xi32, #tpu.memory_space<vmem>>
        %dma_wait3A_83 = arith.constant 0 : i32
        %dma_wait3A_84 = arith.constant 0 : i32
        %dma_wait3A_85 = tpu.memref_slice %arg9[%dma_wait3A_83, %dma_wait3A_84] : memref<10008x128xf32, #tpu.memory_space<vmem_shared>> -> memref<10008x128xf32, #tpu.memory_space<vmem_shared>>
        tpu.wait_indirect_dma semaphore(%run_scoped3A : memref<!tpu.dma_semaphore, #tpu.memory_space<semaphore_mem>>) src(%arg8 : memref<80x128xf32, #tpu.memory_space<vmem>>) dst(%dma_wait3A_85 : memref<10008x128xf32, #tpu.memory_space<vmem_shared>>)
        tpu.yield
      }) : () -> ()
      %scan3A_75 = arith.constant 0 : i32
      scf.yield %scan3A_75 : i32
    }
    %scan3A_33 = arith.constant 125 : i32
    %barrier3A_34 = arith.constant 0 : index
    tpu.barrier barrier_id(%barrier3A_34)
    %mul3A_35 = arith.constant 624 : i32
    %mul3A_36 = arith.muli %arg1, %mul3A_35 : i32
    %eq3A_37 = arith.constant 15 : i32
    %eq3A_38 = arith.cmpi eq, %arg1, %eq3A_37 : i32
    %eq3A_39 = arith.constant 0 : i32
    %eq3A_40 = arith.cmpi eq, %arg0, %eq3A_39 : i32
    %convert_element_type3A_41 = arith.extui %eq3A_40 : i1 to i32
    %cond3A_42 = arith.constant 0 : i32
    %cond3A_43 = arith.cmpi ne, %convert_element_type3A_41, %cond3A_42 : i32
    scf.if %cond3A_43 {
      "tpu.region"() ({
        %run_scoped3A = tpu.sem_alloc : memref<!tpu.dma_semaphore, #tpu.memory_space<semaphore_mem>>
        %dma_start3A = arith.constant 0 : i32
        %dma_start3A_60 = tpu.memref_slice %arg5[%mul3A_36, %dma_start3A] : memref<10000x128xf32, #tpu.memory_space<hbm>> -> memref<624x128xf32, #tpu.memory_space<hbm>>
        %dma_start3A_61 = arith.constant 0 : i32
        %dma_start3A_62 = tpu.memref_slice %arg9[%mul3A_36, %dma_start3A_61] : memref<10008x128xf32, #tpu.memory_space<vmem_shared>> -> memref<624x128xf32, #tpu.memory_space<vmem_shared>>
        tpu.enqueue_dma source(%dma_start3A_62 : memref<624x128xf32, #tpu.memory_space<vmem_shared>>) target(%dma_start3A_60 : memref<624x128xf32, #tpu.memory_space<hbm>>) target_semaphore(%run_scoped3A : memref<!tpu.dma_semaphore, #tpu.memory_space<semaphore_mem>>)
        %dma_wait3A = arith.constant 0 : i32
        %dma_wait3A_63 = tpu.memref_slice %arg5[%mul3A_36, %dma_wait3A] : memref<10000x128xf32, #tpu.memory_space<hbm>> -> memref<624x128xf32, #tpu.memory_space<hbm>>
        %dma_wait3A_64 = arith.constant 0 : i32
        %dma_wait3A_65 = tpu.memref_slice %arg9[%mul3A_36, %dma_wait3A_64] : memref<10008x128xf32, #tpu.memory_space<vmem_shared>> -> memref<624x128xf32, #tpu.memory_space<vmem_shared>>
        tpu.wait_dma2 semaphore(%run_scoped3A : memref<!tpu.dma_semaphore, #tpu.memory_space<semaphore_mem>>) src(%dma_wait3A_65 : memref<624x128xf32, #tpu.memory_space<vmem_shared>>) dst(%dma_wait3A_63 : memref<624x128xf32, #tpu.memory_space<hbm>>)
        tpu.yield
      }) : () -> ()
    } else {
    }
    %eq3A_44 = arith.constant 0 : i32
    %eq3A_45 = arith.cmpi eq, %arg0, %eq3A_44 : i32
    %and3A = arith.andi %eq3A_45, %eq3A_38 : i1
    %convert_element_type3A_46 = arith.extui %and3A : i1 to i32
    %cond3A_47 = arith.constant 0 : i32
    %cond3A_48 = arith.cmpi ne, %convert_element_type3A_46, %cond3A_47 : i32
    scf.if %cond3A_48 {
      "tpu.region"() ({
        %run_scoped3A = tpu.sem_alloc : memref<!tpu.dma_semaphore, #tpu.memory_space<semaphore_mem>>
        %dma_start3A = arith.constant 9984 : i32
        %dma_start3A_60 = arith.constant 0 : i32
        %dma_start3A_61 = tpu.memref_slice %arg5[%dma_start3A, %dma_start3A_60] : memref<10000x128xf32, #tpu.memory_space<hbm>> -> memref<16x128xf32, #tpu.memory_space<hbm>>
        %dma_start3A_62 = arith.constant 9984 : i32
        %dma_start3A_63 = arith.constant 0 : i32
        %dma_start3A_64 = tpu.memref_slice %arg9[%dma_start3A_62, %dma_start3A_63] : memref<10008x128xf32, #tpu.memory_space<vmem_shared>> -> memref<16x128xf32, #tpu.memory_space<vmem_shared>>
        tpu.enqueue_dma source(%dma_start3A_64 : memref<16x128xf32, #tpu.memory_space<vmem_shared>>) target(%dma_start3A_61 : memref<16x128xf32, #tpu.memory_space<hbm>>) target_semaphore(%run_scoped3A : memref<!tpu.dma_semaphore, #tpu.memory_space<semaphore_mem>>)
        %dma_wait3A = arith.constant 9984 : i32
        %dma_wait3A_65 = arith.constant 0 : i32
        %dma_wait3A_66 = tpu.memref_slice %arg5[%dma_wait3A, %dma_wait3A_65] : memref<10000x128xf32, #tpu.memory_space<hbm>> -> memref<16x128xf32, #tpu.memory_space<hbm>>
        %dma_wait3A_67 = arith.constant 9984 : i32
        %dma_wait3A_68 = arith.constant 0 : i32
        %dma_wait3A_69 = tpu.memref_slice %arg9[%dma_wait3A_67, %dma_wait3A_68] : memref<10008x128xf32, #tpu.memory_space<vmem_shared>> -> memref<16x128xf32, #tpu.memory_space<vmem_shared>>
        tpu.wait_dma2 semaphore(%run_scoped3A : memref<!tpu.dma_semaphore, #tpu.memory_space<semaphore_mem>>) src(%dma_wait3A_69 : memref<16x128xf32, #tpu.memory_space<vmem_shared>>) dst(%dma_wait3A_66 : memref<16x128xf32, #tpu.memory_space<hbm>>)
        tpu.yield
      }) : () -> ()
    } else {
    }
    %eq3A_49 = arith.constant 1 : i32
    %eq3A_50 = arith.cmpi eq, %arg0, %eq3A_49 : i32
    %convert_element_type3A_51 = arith.extui %eq3A_50 : i1 to i32
    %cond3A_52 = arith.constant 0 : i32
    %cond3A_53 = arith.cmpi ne, %convert_element_type3A_51, %cond3A_52 : i32
    scf.if %cond3A_53 {
      "tpu.region"() ({
        %run_scoped3A = tpu.sem_alloc : memref<!tpu.dma_semaphore, #tpu.memory_space<semaphore_mem>>
        %dma_start3A = arith.constant 0 : i32
        %dma_start3A_60 = tpu.memref_slice %arg6[%mul3A_36, %dma_start3A] : memref<10000x128xf32, #tpu.memory_space<hbm>> -> memref<624x128xf32, #tpu.memory_space<hbm>>
        %dma_start3A_61 = arith.constant 0 : i32
        %dma_start3A_62 = tpu.memref_slice %arg9[%mul3A_36, %dma_start3A_61] : memref<10008x128xf32, #tpu.memory_space<vmem_shared>> -> memref<624x128xf32, #tpu.memory_space<vmem_shared>>
        tpu.enqueue_dma source(%dma_start3A_62 : memref<624x128xf32, #tpu.memory_space<vmem_shared>>) target(%dma_start3A_60 : memref<624x128xf32, #tpu.memory_space<hbm>>) target_semaphore(%run_scoped3A : memref<!tpu.dma_semaphore, #tpu.memory_space<semaphore_mem>>)
        %dma_wait3A = arith.constant 0 : i32
        %dma_wait3A_63 = tpu.memref_slice %arg6[%mul3A_36, %dma_wait3A] : memref<10000x128xf32, #tpu.memory_space<hbm>> -> memref<624x128xf32, #tpu.memory_space<hbm>>
        %dma_wait3A_64 = arith.constant 0 : i32
        %dma_wait3A_65 = tpu.memref_slice %arg9[%mul3A_36, %dma_wait3A_64] : memref<10008x128xf32, #tpu.memory_space<vmem_shared>> -> memref<624x128xf32, #tpu.memory_space<vmem_shared>>
        tpu.wait_dma2 semaphore(%run_scoped3A : memref<!tpu.dma_semaphore, #tpu.memory_space<semaphore_mem>>) src(%dma_wait3A_65 : memref<624x128xf32, #tpu.memory_space<vmem_shared>>) dst(%dma_wait3A_63 : memref<624x128xf32, #tpu.memory_space<hbm>>)
        tpu.yield
      }) : () -> ()
    } else {
    }
    %eq3A_54 = arith.constant 1 : i32
    %eq3A_55 = arith.cmpi eq, %arg0, %eq3A_54 : i32
    %and3A_56 = arith.andi %eq3A_55, %eq3A_38 : i1
    %convert_element_type3A_57 = arith.extui %and3A_56 : i1 to i32
    %cond3A_58 = arith.constant 0 : i32
    %cond3A_59 = arith.cmpi ne, %convert_element_type3A_57, %cond3A_58 : i32
    scf.if %cond3A_59 {
      "tpu.region"() ({
        %run_scoped3A = tpu.sem_alloc : memref<!tpu.dma_semaphore, #tpu.memory_space<semaphore_mem>>
        %dma_start3A = arith.constant 9984 : i32
        %dma_start3A_60 = arith.constant 0 : i32
        %dma_start3A_61 = tpu.memref_slice %arg6[%dma_start3A, %dma_start3A_60] : memref<10000x128xf32, #tpu.memory_space<hbm>> -> memref<16x128xf32, #tpu.memory_space<hbm>>
        %dma_start3A_62 = arith.constant 9984 : i32
        %dma_start3A_63 = arith.constant 0 : i32
        %dma_start3A_64 = tpu.memref_slice %arg9[%dma_start3A_62, %dma_start3A_63] : memref<10008x128xf32, #tpu.memory_space<vmem_shared>> -> memref<16x128xf32, #tpu.memory_space<vmem_shared>>
        tpu.enqueue_dma source(%dma_start3A_64 : memref<16x128xf32, #tpu.memory_space<vmem_shared>>) target(%dma_start3A_61 : memref<16x128xf32, #tpu.memory_space<hbm>>) target_semaphore(%run_scoped3A : memref<!tpu.dma_semaphore, #tpu.memory_space<semaphore_mem>>)
        %dma_wait3A = arith.constant 9984 : i32
        %dma_wait3A_65 = arith.constant 0 : i32
        %dma_wait3A_66 = tpu.memref_slice %arg6[%dma_wait3A, %dma_wait3A_65] : memref<10000x128xf32, #tpu.memory_space<hbm>> -> memref<16x128xf32, #tpu.memory_space<hbm>>
        %dma_wait3A_67 = arith.constant 9984 : i32
        %dma_wait3A_68 = arith.constant 0 : i32
        %dma_wait3A_69 = tpu.memref_slice %arg9[%dma_wait3A_67, %dma_wait3A_68] : memref<10008x128xf32, #tpu.memory_space<vmem_shared>> -> memref<16x128xf32, #tpu.memory_space<vmem_shared>>
        tpu.wait_dma2 semaphore(%run_scoped3A : memref<!tpu.dma_semaphore, #tpu.memory_space<semaphore_mem>>) src(%dma_wait3A_69 : memref<16x128xf32, #tpu.memory_space<vmem_shared>>) dst(%dma_wait3A_66 : memref<16x128xf32, #tpu.memory_space<hbm>>)
        tpu.yield
      }) : () -> ()
    } else {
    }
    return
  }
}

module attributes {stable_mosaic.version = 14 : i64} {
  func.func @_prep_body(%arg0: memref<2883x256xf32, #tpu.memory_space<vmem>>, %arg1: memref<256x256xf32, #tpu.memory_space<vmem>>, %arg2: memref<256x256xf32, #tpu.memory_space<vmem>>, %arg3: memref<2883x256xf32, #tpu.memory_space<vmem>>, %arg4: memref<2883x256xf32, #tpu.memory_space<vmem>>) attributes {dimension_semantics = [], scalar_prefetch = 0 : i64, scratch_operands = 0 : i64, tpu.core_type = #tpu.core_type<tc>} {
    %get3A = arith.constant 0 : index
    %get3A_0 = arith.constant 0 : index
    %get3A_1 = vector.load %arg0[%get3A, %get3A_0] : memref<2883x256xf32, #tpu.memory_space<vmem>>, vector<2883x256xf32>
    %get3A_2 = arith.constant 0 : index
    %get3A_3 = arith.constant 0 : index
    %get3A_4 = vector.load %arg1[%get3A_2, %get3A_3] : memref<256x256xf32, #tpu.memory_space<vmem>>, vector<256x256xf32>
    %dot_general3A = arith.constant dense<0.000000e+00> : vector<2883x256xf32>
    %dot_general3A_5 = tpu.matmul %get3A_1, %get3A_4, %dot_general3A {dimension_numbers = #tpu.dot_dimension_numbers<[1], [0], [0], [1], [0, 0, 1, 1], [], []>, transpose_lhs_hint = false} : vector<2883x256xf32>, vector<256x256xf32>, vector<2883x256xf32> -> vector<2883x256xf32>
    %swap3A = arith.constant 0 : index
    %swap3A_6 = arith.constant 0 : index
    %swap3A_7 = vector.load %arg3[%swap3A, %swap3A_6] : memref<2883x256xf32, #tpu.memory_space<vmem>>, vector<2883x256xf32>
    tpu.vector_store %arg3[%swap3A, %swap3A_6], %dot_general3A_5 {strides = array<i32>} : memref<2883x256xf32, #tpu.memory_space<vmem>>, vector<2883x256xf32>,
    %get3A_8 = arith.constant 0 : index
    %get3A_9 = arith.constant 0 : index
    %get3A_10 = vector.load %arg2[%get3A_8, %get3A_9] : memref<256x256xf32, #tpu.memory_space<vmem>>, vector<256x256xf32>
    %dot_general3A_11 = arith.constant dense<0.000000e+00> : vector<2883x256xf32>
    %dot_general3A_12 = tpu.matmul %dot_general3A_5, %get3A_10, %dot_general3A_11 {dimension_numbers = #tpu.dot_dimension_numbers<[1], [0], [0], [1], [0, 0, 1, 1], [], []>, transpose_lhs_hint = false} : vector<2883x256xf32>, vector<256x256xf32>, vector<2883x256xf32> -> vector<2883x256xf32>
    %swap3A_13 = arith.constant 0 : index
    %swap3A_14 = arith.constant 0 : index
    %swap3A_15 = vector.load %arg4[%swap3A_13, %swap3A_14] : memref<2883x256xf32, #tpu.memory_space<vmem>>, vector<2883x256xf32>
    tpu.vector_store %arg4[%swap3A_13, %swap3A_14], %dot_general3A_12 {strides = array<i32>} : memref<2883x256xf32, #tpu.memory_space<vmem>>, vector<2883x256xf32>,
    return
  }
}

module attributes {stable_mosaic.version = 14 : i64} {
  func.func @_edge0_body(%arg0: i32, %arg1: memref<640x3xf32, #tpu.memory_space<vmem>>, %arg2: memref<640x256xf32, #tpu.memory_space<vmem>>, %arg3: memref<3x256xf32, #tpu.memory_space<vmem>>, %arg4: memref<1x256xf32, #tpu.memory_space<vmem>>, %arg5: memref<1x256xf32, #tpu.memory_space<vmem>>, %arg6: memref<1x256xf32, #tpu.memory_space<vmem>>, %arg7: memref<256x256xf32, #tpu.memory_space<vmem>>, %arg8: memref<1x256xf32, #tpu.memory_space<vmem>>, %arg9: memref<640x128xf32, #tpu.memory_space<vmem>>, %arg10: memref<640x128xf32, #tpu.memory_space<vmem>>) attributes {dimension_semantics = [#tpu.dimension_semantics<arbitrary>], iteration_bounds = array<i64: 250>, scalar_prefetch = 0 : i64, scratch_operands = 0 : i64, tpu.core_type = #tpu.core_type<tc>, window_params = [{transform_indices = @transform_0, window_bounds = array<i64: 640, 3>}, {transform_indices = @transform_1, window_bounds = array<i64: 640, 256>}, {pipeline_mode = #tpu.pipeline_mode<synchronous>, transform_indices = @transform_2, window_bounds = array<i64: 3, 256>}, {pipeline_mode = #tpu.pipeline_mode<synchronous>, transform_indices = @transform_3, window_bounds = array<i64: 1, 256>}, {pipeline_mode = #tpu.pipeline_mode<synchronous>, transform_indices = @transform_4, window_bounds = array<i64: 1, 256>}, {pipeline_mode = #tpu.pipeline_mode<synchronous>, transform_indices = @transform_5, window_bounds = array<i64: 1, 256>}, {pipeline_mode = #tpu.pipeline_mode<synchronous>, transform_indices = @transform_6, window_bounds = array<i64: 256, 256>}, {pipeline_mode = #tpu.pipeline_mode<synchronous>, transform_indices = @transform_7, window_bounds = array<i64: 1, 256>}, {transform_indices = @transform_8, window_bounds = array<i64: 640, 128>}, {transform_indices = @transform_9, window_bounds = array<i64: 640, 128>}]} {
    %get3A = arith.constant 0 : index
    %get3A_0 = arith.constant 0 : index
    %get3A_1 = vector.load %arg1[%get3A, %get3A_0] : memref<640x3xf32, #tpu.memory_space<vmem>>, vector<640x3xf32>
    %get3A_2 = arith.constant 0 : index
    %get3A_3 = arith.constant 0 : index
    %get3A_4 = vector.load %arg3[%get3A_2, %get3A_3] : memref<3x256xf32, #tpu.memory_space<vmem>>, vector<3x256xf32>
    %dot_general3A = arith.constant dense<0.000000e+00> : vector<640x256xf32>
    %dot_general3A_5 = tpu.matmul %get3A_1, %get3A_4, %dot_general3A {dimension_numbers = #tpu.dot_dimension_numbers<[1], [0], [0], [1], [0, 0, 1, 1], [], []>, transpose_lhs_hint = false} : vector<640x3xf32>, vector<3x256xf32>, vector<640x256xf32> -> vector<640x256xf32>
    %get3A_6 = arith.constant 0 : index
    %get3A_7 = arith.constant 0 : index
    %get3A_8 = vector.load %arg2[%get3A_6, %get3A_7] : memref<640x256xf32, #tpu.memory_space<vmem>>, vector<640x256xf32>
    %add3A = arith.addf %dot_general3A_5, %get3A_8 : vector<640x256xf32>
    %get3A_9 = arith.constant 0 : index
    %get3A_10 = arith.constant 0 : index
    %get3A_11 = vector.load %arg4[%get3A_9, %get3A_10] : memref<1x256xf32, #tpu.memory_space<vmem>>, vector<1x256xf32>
    %add3A_12 = vector.broadcast %get3A_11 : vector<1x256xf32> to vector<640x256xf32>
    %add3A_13 = arith.addf %add3A, %add3A_12 : vector<640x256xf32>
    %max3A = arith.constant 0.000000e+00 : f32
    %max3A_14 = vector.broadcast %max3A : f32 to vector<640x256xf32>
    %max3A_15 = arith.maximumf %add3A_13, %max3A_14 : vector<640x256xf32>
    %get3A_16 = arith.constant 0 : index
    %get3A_17 = arith.constant 0 : index
    %get3A_18 = vector.load %arg5[%get3A_16, %get3A_17] : memref<1x256xf32, #tpu.memory_space<vmem>>, vector<1x256xf32>
    %get3A_19 = arith.constant 0 : index
    %get3A_20 = arith.constant 0 : index
    %get3A_21 = vector.load %arg6[%get3A_19, %get3A_20] : memref<1x256xf32, #tpu.memory_space<vmem>>, vector<1x256xf32>
    %reduce_sum3A = arith.constant dense<0.000000e+00> : vector<640xf32>
    %reduce_sum3A_22 = vector.multi_reduction <add>, %max3A_15, %reduce_sum3A [1] : vector<640x256xf32> to vector<640xf32>
    %broadcast_in_dim3A = vector.shape_cast %reduce_sum3A_22 : vector<640xf32> to vector<640x1xf32>
    %div3A = arith.constant 2.560000e+02 : f32
    %div3A_23 = vector.broadcast %div3A : f32 to vector<640x1xf32>
    %div3A_24 = arith.divf %broadcast_in_dim3A, %div3A_23 : vector<640x1xf32>
    %sub3A = vector.broadcast %div3A_24 : vector<640x1xf32> to vector<640x256xf32>
    %sub3A_25 = arith.subf %max3A_15, %sub3A : vector<640x256xf32>
    %integer_pow3A = arith.mulf %sub3A_25, %sub3A_25 : vector<640x256xf32>
    %reduce_sum3A_26 = arith.constant dense<0.000000e+00> : vector<640xf32>
    %reduce_sum3A_27 = vector.multi_reduction <add>, %integer_pow3A, %reduce_sum3A_26 [1] : vector<640x256xf32> to vector<640xf32>
    %broadcast_in_dim3A_28 = vector.shape_cast %reduce_sum3A_27 : vector<640xf32> to vector<640x1xf32>
    %div3A_29 = arith.constant 2.560000e+02 : f32
    %div3A_30 = vector.broadcast %div3A_29 : f32 to vector<640x1xf32>
    %div3A_31 = arith.divf %broadcast_in_dim3A_28, %div3A_30 : vector<640x1xf32>
    %sub3A_32 = vector.broadcast %div3A_24 : vector<640x1xf32> to vector<640x256xf32>
    %sub3A_33 = arith.subf %max3A_15, %sub3A_32 : vector<640x256xf32>
    %add3A_34 = arith.constant 9.99999974E-6 : f32
    %add3A_35 = vector.broadcast %add3A_34 : f32 to vector<640x1xf32>
    %add3A_36 = arith.addf %div3A_31, %add3A_35 : vector<640x1xf32>
    %rsqrt3A = math.rsqrt %add3A_36 : vector<640x1xf32>
    %mul3A = vector.broadcast %rsqrt3A : vector<640x1xf32> to vector<640x256xf32>
    %mul3A_37 = arith.mulf %sub3A_33, %mul3A : vector<640x256xf32>
    %mul3A_38 = vector.broadcast %get3A_18 : vector<1x256xf32> to vector<640x256xf32>
    %mul3A_39 = arith.mulf %mul3A_37, %mul3A_38 : vector<640x256xf32>
    %add3A_40 = vector.broadcast %get3A_21 : vector<1x256xf32> to vector<640x256xf32>
    %add3A_41 = arith.addf %mul3A_39, %add3A_40 : vector<640x256xf32>
    %get3A_42 = arith.constant 0 : index
    %get3A_43 = arith.constant 0 : index
    %get3A_44 = vector.load %arg7[%get3A_42, %get3A_43] : memref<256x256xf32, #tpu.memory_space<vmem>>, vector<256x256xf32>
    %dot_general3A_45 = arith.constant dense<0.000000e+00> : vector<640x256xf32>
    %dot_general3A_46 = tpu.matmul %add3A_41, %get3A_44, %dot_general3A_45 {dimension_numbers = #tpu.dot_dimension_numbers<[1], [0], [0], [1], [0, 0, 1, 1], [], []>, transpose_lhs_hint = false} : vector<640x256xf32>, vector<256x256xf32>, vector<640x256xf32> -> vector<640x256xf32>
    %get3A_47 = arith.constant 0 : index
    %get3A_48 = arith.constant 0 : index
    %get3A_49 = vector.load %arg8[%get3A_47, %get3A_48] : memref<1x256xf32, #tpu.memory_space<vmem>>, vector<1x256xf32>
    %add3A_50 = vector.broadcast %get3A_49 : vector<1x256xf32> to vector<640x256xf32>
    %add3A_51 = arith.addf %dot_general3A_46, %add3A_50 : vector<640x256xf32>
    %slice3A = vector.extract_strided_slice %add3A_51 {offsets = [0, 0], sizes = [640, 128], strides = [1, 1]} : vector<640x256xf32> to vector<640x128xf32>
    %swap3A = arith.constant 0 : index
    %swap3A_52 = arith.constant 0 : index
    %swap3A_53 = vector.load %arg9[%swap3A, %swap3A_52] : memref<640x128xf32, #tpu.memory_space<vmem>>, vector<640x128xf32>
    tpu.vector_store %arg9[%swap3A, %swap3A_52], %slice3A {strides = array<i32>} : memref<640x128xf32, #tpu.memory_space<vmem>>, vector<640x128xf32>,
    %slice3A_54 = vector.extract_strided_slice %add3A_51 {offsets = [0, 128], sizes = [640, 128], strides = [1, 1]} : vector<640x256xf32> to vector<640x128xf32>
    %swap3A_55 = arith.constant 0 : index
    %swap3A_56 = arith.constant 0 : index
    %swap3A_57 = vector.load %arg10[%swap3A_55, %swap3A_56] : memref<640x128xf32, #tpu.memory_space<vmem>>, vector<640x128xf32>
    tpu.vector_store %arg10[%swap3A_55, %swap3A_56], %slice3A_54 {strides = array<i32>} : memref<640x128xf32, #tpu.memory_space<vmem>>, vector<640x128xf32>,
    return
  }
  func.func @transform_0(%arg0: i32) -> (i32, i32) {
    %c0_i32 = arith.constant 0 : i32
    %c0_i32_0 = arith.constant 0 : i32
    return %arg0, %c0_i32 : i32, i32
  }
  func.func @transform_1(%arg0: i32) -> (i32, i32) {
    %c0_i32 = arith.constant 0 : i32
    %c0_i32_0 = arith.constant 0 : i32
    return %arg0, %c0_i32 : i32, i32
  }
  func.func @transform_2(%arg0: i32) -> (i32, i32) {
    %c0_i32 = arith.constant 0 : i32
    %c0_i32_0 = arith.constant 0 : i32
    %c0_i32_1 = arith.constant 0 : i32
    return %c0_i32, %c0_i32_0 : i32, i32
  }
  func.func @transform_3(%arg0: i32) -> (i32, i32) {
    %c0_i32 = arith.constant 0 : i32
    %c0_i32_0 = arith.constant 0 : i32
    %c0_i32_1 = arith.constant 0 : i32
    return %c0_i32, %c0_i32_0 : i32, i32
  }
  func.func @transform_4(%arg0: i32) -> (i32, i32) {
    %c0_i32 = arith.constant 0 : i32
    %c0_i32_0 = arith.constant 0 : i32
    %c0_i32_1 = arith.constant 0 : i32
    return %c0_i32, %c0_i32_0 : i32, i32
  }
  func.func @transform_5(%arg0: i32) -> (i32, i32) {
    %c0_i32 = arith.constant 0 : i32
    %c0_i32_0 = arith.constant 0 : i32
    %c0_i32_1 = arith.constant 0 : i32
    return %c0_i32, %c0_i32_0 : i32, i32
  }
  func.func @transform_6(%arg0: i32) -> (i32, i32) {
    %c0_i32 = arith.constant 0 : i32
    %c0_i32_0 = arith.constant 0 : i32
    %c0_i32_1 = arith.constant 0 : i32
    return %c0_i32, %c0_i32_0 : i32, i32
  }
  func.func @transform_7(%arg0: i32) -> (i32, i32) {
    %c0_i32 = arith.constant 0 : i32
    %c0_i32_0 = arith.constant 0 : i32
    %c0_i32_1 = arith.constant 0 : i32
    return %c0_i32, %c0_i32_0 : i32, i32
  }
  func.func @transform_8(%arg0: i32) -> (i32, i32) {
    %c0_i32 = arith.constant 0 : i32
    %c0_i32_0 = arith.constant 0 : i32
    return %arg0, %c0_i32 : i32, i32
  }
  func.func @transform_9(%arg0: i32) -> (i32, i32) {
    %c0_i32 = arith.constant 0 : i32
    %c0_i32_0 = arith.constant 0 : i32
    return %arg0, %c0_i32 : i32, i32
  }
}

module attributes {stable_mosaic.version = 14 : i64} {
  func.func @_nsph_body(%arg0: memref<2883x256xf32, #tpu.memory_space<vmem>>, %arg1: memref<256x256xf32, #tpu.memory_space<vmem>>, %arg2: memref<1x256xf32, #tpu.memory_space<vmem>>, %arg3: memref<1x256xf32, #tpu.memory_space<vmem>>, %arg4: memref<1x256xf32, #tpu.memory_space<vmem>>, %arg5: memref<256x256xf32, #tpu.memory_space<vmem>>, %arg6: memref<1x256xf32, #tpu.memory_space<vmem>>, %arg7: memref<256x256xf32, #tpu.memory_space<vmem>>, %arg8: memref<2883x256xf32, #tpu.memory_space<vmem>>, %arg9: memref<2883x256xf32, #tpu.memory_space<vmem>>) attributes {dimension_semantics = [], scalar_prefetch = 0 : i64, scratch_operands = 0 : i64, tpu.core_type = #tpu.core_type<tc>} {
    %get3A = arith.constant 0 : index
    %get3A_0 = arith.constant 0 : index
    %get3A_1 = vector.load %arg0[%get3A, %get3A_0] : memref<2883x256xf32, #tpu.memory_space<vmem>>, vector<2883x256xf32>
    %get3A_2 = arith.constant 0 : index
    %get3A_3 = arith.constant 0 : index
    %get3A_4 = vector.load %arg1[%get3A_2, %get3A_3] : memref<256x256xf32, #tpu.memory_space<vmem>>, vector<256x256xf32>
    %dot_general3A = arith.constant dense<0.000000e+00> : vector<2883x256xf32>
    %dot_general3A_5 = tpu.matmul %get3A_1, %get3A_4, %dot_general3A {dimension_numbers = #tpu.dot_dimension_numbers<[1], [0], [0], [1], [0, 0, 1, 1], [], []>, transpose_lhs_hint = false} : vector<2883x256xf32>, vector<256x256xf32>, vector<2883x256xf32> -> vector<2883x256xf32>
    %get3A_6 = arith.constant 0 : index
    %get3A_7 = arith.constant 0 : index
    %get3A_8 = vector.load %arg2[%get3A_6, %get3A_7] : memref<1x256xf32, #tpu.memory_space<vmem>>, vector<1x256xf32>
    %add3A = vector.broadcast %get3A_8 : vector<1x256xf32> to vector<2883x256xf32>
    %add3A_9 = arith.addf %dot_general3A_5, %add3A : vector<2883x256xf32>
    %max3A = arith.constant 0.000000e+00 : f32
    %max3A_10 = vector.broadcast %max3A : f32 to vector<2883x256xf32>
    %max3A_11 = arith.maximumf %add3A_9, %max3A_10 : vector<2883x256xf32>
    %get3A_12 = arith.constant 0 : index
    %get3A_13 = arith.constant 0 : index
    %get3A_14 = vector.load %arg3[%get3A_12, %get3A_13] : memref<1x256xf32, #tpu.memory_space<vmem>>, vector<1x256xf32>
    %get3A_15 = arith.constant 0 : index
    %get3A_16 = arith.constant 0 : index
    %get3A_17 = vector.load %arg4[%get3A_15, %get3A_16] : memref<1x256xf32, #tpu.memory_space<vmem>>, vector<1x256xf32>
    %reduce_sum3A = arith.constant dense<0.000000e+00> : vector<2883xf32>
    %reduce_sum3A_18 = vector.multi_reduction <add>, %max3A_11, %reduce_sum3A [1] : vector<2883x256xf32> to vector<2883xf32>
    %broadcast_in_dim3A = vector.shape_cast %reduce_sum3A_18 : vector<2883xf32> to vector<2883x1xf32>
    %div3A = arith.constant 2.560000e+02 : f32
    %div3A_19 = vector.broadcast %div3A : f32 to vector<2883x1xf32>
    %div3A_20 = arith.divf %broadcast_in_dim3A, %div3A_19 : vector<2883x1xf32>
    %sub3A = vector.broadcast %div3A_20 : vector<2883x1xf32> to vector<2883x256xf32>
    %sub3A_21 = arith.subf %max3A_11, %sub3A : vector<2883x256xf32>
    %integer_pow3A = arith.mulf %sub3A_21, %sub3A_21 : vector<2883x256xf32>
    %reduce_sum3A_22 = arith.constant dense<0.000000e+00> : vector<2883xf32>
    %reduce_sum3A_23 = vector.multi_reduction <add>, %integer_pow3A, %reduce_sum3A_22 [1] : vector<2883x256xf32> to vector<2883xf32>
    %broadcast_in_dim3A_24 = vector.shape_cast %reduce_sum3A_23 : vector<2883xf32> to vector<2883x1xf32>
    %div3A_25 = arith.constant 2.560000e+02 : f32
    %div3A_26 = vector.broadcast %div3A_25 : f32 to vector<2883x1xf32>
    %div3A_27 = arith.divf %broadcast_in_dim3A_24, %div3A_26 : vector<2883x1xf32>
    %sub3A_28 = vector.broadcast %div3A_20 : vector<2883x1xf32> to vector<2883x256xf32>
    %sub3A_29 = arith.subf %max3A_11, %sub3A_28 : vector<2883x256xf32>
    %add3A_30 = arith.constant 9.99999974E-6 : f32
    %add3A_31 = vector.broadcast %add3A_30 : f32 to vector<2883x1xf32>
    %add3A_32 = arith.addf %div3A_27, %add3A_31 : vector<2883x1xf32>
    %rsqrt3A = math.rsqrt %add3A_32 : vector<2883x1xf32>
    %mul3A = vector.broadcast %rsqrt3A : vector<2883x1xf32> to vector<2883x256xf32>
    %mul3A_33 = arith.mulf %sub3A_29, %mul3A : vector<2883x256xf32>
    %mul3A_34 = vector.broadcast %get3A_14 : vector<1x256xf32> to vector<2883x256xf32>
    %mul3A_35 = arith.mulf %mul3A_33, %mul3A_34 : vector<2883x256xf32>
    %add3A_36 = vector.broadcast %get3A_17 : vector<1x256xf32> to vector<2883x256xf32>
    %add3A_37 = arith.addf %mul3A_35, %add3A_36 : vector<2883x256xf32>
    %get3A_38 = arith.constant 0 : index
    %get3A_39 = arith.constant 0 : index
    %get3A_40 = vector.load %arg5[%get3A_38, %get3A_39] : memref<256x256xf32, #tpu.memory_space<vmem>>, vector<256x256xf32>
    %dot_general3A_41 = arith.constant dense<0.000000e+00> : vector<2883x256xf32>
    %dot_general3A_42 = tpu.matmul %add3A_37, %get3A_40, %dot_general3A_41 {dimension_numbers = #tpu.dot_dimension_numbers<[1], [0], [0], [1], [0, 0, 1, 1], [], []>, transpose_lhs_hint = false} : vector<2883x256xf32>, vector<256x256xf32>, vector<2883x256xf32> -> vector<2883x256xf32>
    %get3A_43 = arith.constant 0 : index
    %get3A_44 = arith.constant 0 : index
    %get3A_45 = vector.load %arg6[%get3A_43, %get3A_44] : memref<1x256xf32, #tpu.memory_space<vmem>>, vector<1x256xf32>
    %add3A_46 = vector.broadcast %get3A_45 : vector<1x256xf32> to vector<2883x256xf32>
    %add3A_47 = arith.addf %dot_general3A_42, %add3A_46 : vector<2883x256xf32>
    %swap3A = arith.constant 0 : index
    %swap3A_48 = arith.constant 0 : index
    %swap3A_49 = vector.load %arg8[%swap3A, %swap3A_48] : memref<2883x256xf32, #tpu.memory_space<vmem>>, vector<2883x256xf32>
    tpu.vector_store %arg8[%swap3A, %swap3A_48], %add3A_47 {strides = array<i32>} : memref<2883x256xf32, #tpu.memory_space<vmem>>, vector<2883x256xf32>,
    %get3A_50 = arith.constant 0 : index
    %get3A_51 = arith.constant 0 : index
    %get3A_52 = vector.load %arg7[%get3A_50, %get3A_51] : memref<256x256xf32, #tpu.memory_space<vmem>>, vector<256x256xf32>
    %dot_general3A_53 = arith.constant dense<0.000000e+00> : vector<2883x256xf32>
    %dot_general3A_54 = tpu.matmul %add3A_47, %get3A_52, %dot_general3A_53 {dimension_numbers = #tpu.dot_dimension_numbers<[1], [0], [0], [1], [0, 0, 1, 1], [], []>, transpose_lhs_hint = false} : vector<2883x256xf32>, vector<256x256xf32>, vector<2883x256xf32> -> vector<2883x256xf32>
    %swap3A_55 = arith.constant 0 : index
    %swap3A_56 = arith.constant 0 : index
    %swap3A_57 = vector.load %arg9[%swap3A_55, %swap3A_56] : memref<2883x256xf32, #tpu.memory_space<vmem>>, vector<2883x256xf32>
    tpu.vector_store %arg9[%swap3A_55, %swap3A_56], %dot_general3A_54 {strides = array<i32>} : memref<2883x256xf32, #tpu.memory_space<vmem>>, vector<2883x256xf32>,
    return
  }
}

module attributes {stable_mosaic.version = 14 : i64} {
  func.func @_nsp0_body(%arg0: i32, %arg1: memref<2000x128xf32, #tpu.memory_space<vmem>>, %arg2: memref<2000x128xf32, #tpu.memory_space<vmem>>, %arg3: memref<128x256xf32, #tpu.memory_space<vmem>>, %arg4: memref<128x256xf32, #tpu.memory_space<vmem>>, %arg5: memref<1x256xf32, #tpu.memory_space<vmem>>, %arg6: memref<1x256xf32, #tpu.memory_space<vmem>>, %arg7: memref<1x256xf32, #tpu.memory_space<vmem>>, %arg8: memref<256x256xf32, #tpu.memory_space<vmem>>, %arg9: memref<1x256xf32, #tpu.memory_space<vmem>>, %arg10: memref<256x256xf32, #tpu.memory_space<vmem>>, %arg11: memref<2000x256xf32, #tpu.memory_space<vmem>>, %arg12: memref<2000x256xf32, #tpu.memory_space<vmem>>) attributes {dimension_semantics = [#tpu.dimension_semantics<arbitrary>], iteration_bounds = array<i64: 5>, scalar_prefetch = 0 : i64, scratch_operands = 0 : i64, tpu.core_type = #tpu.core_type<tc>, window_params = [{transform_indices = @transform_0, window_bounds = array<i64: 2000, 128>}, {transform_indices = @transform_1, window_bounds = array<i64: 2000, 128>}, {pipeline_mode = #tpu.pipeline_mode<synchronous>, transform_indices = @transform_2, window_bounds = array<i64: 128, 256>}, {pipeline_mode = #tpu.pipeline_mode<synchronous>, transform_indices = @transform_3, window_bounds = array<i64: 128, 256>}, {pipeline_mode = #tpu.pipeline_mode<synchronous>, transform_indices = @transform_4, window_bounds = array<i64: 1, 256>}, {pipeline_mode = #tpu.pipeline_mode<synchronous>, transform_indices = @transform_5, window_bounds = array<i64: 1, 256>}, {pipeline_mode = #tpu.pipeline_mode<synchronous>, transform_indices = @transform_6, window_bounds = array<i64: 1, 256>}, {pipeline_mode = #tpu.pipeline_mode<synchronous>, transform_indices = @transform_7, window_bounds = array<i64: 256, 256>}, {pipeline_mode = #tpu.pipeline_mode<synchronous>, transform_indices = @transform_8, window_bounds = array<i64: 1, 256>}, {pipeline_mode = #tpu.pipeline_mode<synchronous>, transform_indices = @transform_9, window_bounds = array<i64: 256, 256>}, {transform_indices = @transform_10, window_bounds = array<i64: 2000, 256>}, {transform_indices = @transform_11, window_bounds = array<i64: 2000, 256>}]} {
    %get3A = arith.constant 0 : index
    %get3A_0 = arith.constant 0 : index
    %get3A_1 = vector.load %arg1[%get3A, %get3A_0] : memref<2000x128xf32, #tpu.memory_space<vmem>>, vector<2000x128xf32>
    %get3A_2 = arith.constant 0 : index
    %get3A_3 = arith.constant 0 : index
    %get3A_4 = vector.load %arg3[%get3A_2, %get3A_3] : memref<128x256xf32, #tpu.memory_space<vmem>>, vector<128x256xf32>
    %dot_general3A = arith.constant dense<0.000000e+00> : vector<2000x256xf32>
    %dot_general3A_5 = tpu.matmul %get3A_1, %get3A_4, %dot_general3A {dimension_numbers = #tpu.dot_dimension_numbers<[1], [0], [0], [1], [0, 0, 1, 1], [], []>, transpose_lhs_hint = false} : vector<2000x128xf32>, vector<128x256xf32>, vector<2000x256xf32> -> vector<2000x256xf32>
    %get3A_6 = arith.constant 0 : index
    %get3A_7 = arith.constant 0 : index
    %get3A_8 = vector.load %arg2[%get3A_6, %get3A_7] : memref<2000x128xf32, #tpu.memory_space<vmem>>, vector<2000x128xf32>
    %get3A_9 = arith.constant 0 : index
    %get3A_10 = arith.constant 0 : index
    %get3A_11 = vector.load %arg4[%get3A_9, %get3A_10] : memref<128x256xf32, #tpu.memory_space<vmem>>, vector<128x256xf32>
    %dot_general3A_12 = arith.constant dense<0.000000e+00> : vector<2000x256xf32>
    %dot_general3A_13 = tpu.matmul %get3A_8, %get3A_11, %dot_general3A_12 {dimension_numbers = #tpu.dot_dimension_numbers<[1], [0], [0], [1], [0, 0, 1, 1], [], []>, transpose_lhs_hint = false} : vector<2000x128xf32>, vector<128x256xf32>, vector<2000x256xf32> -> vector<2000x256xf32>
    %add3A = arith.addf %dot_general3A_5, %dot_general3A_13 : vector<2000x256xf32>
    %get3A_14 = arith.constant 0 : index
    %get3A_15 = arith.constant 0 : index
    %get3A_16 = vector.load %arg5[%get3A_14, %get3A_15] : memref<1x256xf32, #tpu.memory_space<vmem>>, vector<1x256xf32>
    %add3A_17 = vector.broadcast %get3A_16 : vector<1x256xf32> to vector<2000x256xf32>
    %add3A_18 = arith.addf %add3A, %add3A_17 : vector<2000x256xf32>
    %max3A = arith.constant 0.000000e+00 : f32
    %max3A_19 = vector.broadcast %max3A : f32 to vector<2000x256xf32>
    %max3A_20 = arith.maximumf %add3A_18, %max3A_19 : vector<2000x256xf32>
    %get3A_21 = arith.constant 0 : index
    %get3A_22 = arith.constant 0 : index
    %get3A_23 = vector.load %arg6[%get3A_21, %get3A_22] : memref<1x256xf32, #tpu.memory_space<vmem>>, vector<1x256xf32>
    %get3A_24 = arith.constant 0 : index
    %get3A_25 = arith.constant 0 : index
    %get3A_26 = vector.load %arg7[%get3A_24, %get3A_25] : memref<1x256xf32, #tpu.memory_space<vmem>>, vector<1x256xf32>
    %reduce_sum3A = arith.constant dense<0.000000e+00> : vector<2000xf32>
    %reduce_sum3A_27 = vector.multi_reduction <add>, %max3A_20, %reduce_sum3A [1] : vector<2000x256xf32> to vector<2000xf32>
    %broadcast_in_dim3A = vector.shape_cast %reduce_sum3A_27 : vector<2000xf32> to vector<2000x1xf32>
    %div3A = arith.constant 2.560000e+02 : f32
    %div3A_28 = vector.broadcast %div3A : f32 to vector<2000x1xf32>
    %div3A_29 = arith.divf %broadcast_in_dim3A, %div3A_28 : vector<2000x1xf32>
    %sub3A = vector.broadcast %div3A_29 : vector<2000x1xf32> to vector<2000x256xf32>
    %sub3A_30 = arith.subf %max3A_20, %sub3A : vector<2000x256xf32>
    %integer_pow3A = arith.mulf %sub3A_30, %sub3A_30 : vector<2000x256xf32>
    %reduce_sum3A_31 = arith.constant dense<0.000000e+00> : vector<2000xf32>
    %reduce_sum3A_32 = vector.multi_reduction <add>, %integer_pow3A, %reduce_sum3A_31 [1] : vector<2000x256xf32> to vector<2000xf32>
    %broadcast_in_dim3A_33 = vector.shape_cast %reduce_sum3A_32 : vector<2000xf32> to vector<2000x1xf32>
    %div3A_34 = arith.constant 2.560000e+02 : f32
    %div3A_35 = vector.broadcast %div3A_34 : f32 to vector<2000x1xf32>
    %div3A_36 = arith.divf %broadcast_in_dim3A_33, %div3A_35 : vector<2000x1xf32>
    %sub3A_37 = vector.broadcast %div3A_29 : vector<2000x1xf32> to vector<2000x256xf32>
    %sub3A_38 = arith.subf %max3A_20, %sub3A_37 : vector<2000x256xf32>
    %add3A_39 = arith.constant 9.99999974E-6 : f32
    %add3A_40 = vector.broadcast %add3A_39 : f32 to vector<2000x1xf32>
    %add3A_41 = arith.addf %div3A_36, %add3A_40 : vector<2000x1xf32>
    %rsqrt3A = math.rsqrt %add3A_41 : vector<2000x1xf32>
    %mul3A = vector.broadcast %rsqrt3A : vector<2000x1xf32> to vector<2000x256xf32>
    %mul3A_42 = arith.mulf %sub3A_38, %mul3A : vector<2000x256xf32>
    %mul3A_43 = vector.broadcast %get3A_23 : vector<1x256xf32> to vector<2000x256xf32>
    %mul3A_44 = arith.mulf %mul3A_42, %mul3A_43 : vector<2000x256xf32>
    %add3A_45 = vector.broadcast %get3A_26 : vector<1x256xf32> to vector<2000x256xf32>
    %add3A_46 = arith.addf %mul3A_44, %add3A_45 : vector<2000x256xf32>
    %get3A_47 = arith.constant 0 : index
    %get3A_48 = arith.constant 0 : index
    %get3A_49 = vector.load %arg8[%get3A_47, %get3A_48] : memref<256x256xf32, #tpu.memory_space<vmem>>, vector<256x256xf32>
    %dot_general3A_50 = arith.constant dense<0.000000e+00> : vector<2000x256xf32>
    %dot_general3A_51 = tpu.matmul %add3A_46, %get3A_49, %dot_general3A_50 {dimension_numbers = #tpu.dot_dimension_numbers<[1], [0], [0], [1], [0, 0, 1, 1], [], []>, transpose_lhs_hint = false} : vector<2000x256xf32>, vector<256x256xf32>, vector<2000x256xf32> -> vector<2000x256xf32>
    %get3A_52 = arith.constant 0 : index
    %get3A_53 = arith.constant 0 : index
    %get3A_54 = vector.load %arg9[%get3A_52, %get3A_53] : memref<1x256xf32, #tpu.memory_space<vmem>>, vector<1x256xf32>
    %add3A_55 = vector.broadcast %get3A_54 : vector<1x256xf32> to vector<2000x256xf32>
    %add3A_56 = arith.addf %dot_general3A_51, %add3A_55 : vector<2000x256xf32>
    %swap3A = arith.constant 0 : index
    %swap3A_57 = arith.constant 0 : index
    %swap3A_58 = vector.load %arg11[%swap3A, %swap3A_57] : memref<2000x256xf32, #tpu.memory_space<vmem>>, vector<2000x256xf32>
    tpu.vector_store %arg11[%swap3A, %swap3A_57], %add3A_56 {strides = array<i32>} : memref<2000x256xf32, #tpu.memory_space<vmem>>, vector<2000x256xf32>,
    %get3A_59 = arith.constant 0 : index
    %get3A_60 = arith.constant 0 : index
    %get3A_61 = vector.load %arg10[%get3A_59, %get3A_60] : memref<256x256xf32, #tpu.memory_space<vmem>>, vector<256x256xf32>
    %dot_general3A_62 = arith.constant dense<0.000000e+00> : vector<2000x256xf32>
    %dot_general3A_63 = tpu.matmul %add3A_56, %get3A_61, %dot_general3A_62 {dimension_numbers = #tpu.dot_dimension_numbers<[1], [0], [0], [1], [0, 0, 1, 1], [], []>, transpose_lhs_hint = false} : vector<2000x256xf32>, vector<256x256xf32>, vector<2000x256xf32> -> vector<2000x256xf32>
    %swap3A_64 = arith.constant 0 : index
    %swap3A_65 = arith.constant 0 : index
    %swap3A_66 = vector.load %arg12[%swap3A_64, %swap3A_65] : memref<2000x256xf32, #tpu.memory_space<vmem>>, vector<2000x256xf32>
    tpu.vector_store %arg12[%swap3A_64, %swap3A_65], %dot_general3A_63 {strides = array<i32>} : memref<2000x256xf32, #tpu.memory_space<vmem>>, vector<2000x256xf32>,
    return
  }
  func.func @transform_0(%arg0: i32) -> (i32, i32) {
    %c0_i32 = arith.constant 0 : i32
    %c0_i32_0 = arith.constant 0 : i32
    return %arg0, %c0_i32 : i32, i32
  }
  func.func @transform_1(%arg0: i32) -> (i32, i32) {
    %c0_i32 = arith.constant 0 : i32
    %c0_i32_0 = arith.constant 0 : i32
    return %arg0, %c0_i32 : i32, i32
  }
  func.func @transform_2(%arg0: i32) -> (i32, i32) {
    %c0_i32 = arith.constant 0 : i32
    %c0_i32_0 = arith.constant 0 : i32
    %c0_i32_1 = arith.constant 0 : i32
    return %c0_i32, %c0_i32_0 : i32, i32
  }
  func.func @transform_3(%arg0: i32) -> (i32, i32) {
    %c0_i32 = arith.constant 0 : i32
    %c0_i32_0 = arith.constant 0 : i32
    %c0_i32_1 = arith.constant 0 : i32
    return %c0_i32, %c0_i32_0 : i32, i32
  }
  func.func @transform_4(%arg0: i32) -> (i32, i32) {
    %c0_i32 = arith.constant 0 : i32
    %c0_i32_0 = arith.constant 0 : i32
    %c0_i32_1 = arith.constant 0 : i32
    return %c0_i32, %c0_i32_0 : i32, i32
  }
  func.func @transform_5(%arg0: i32) -> (i32, i32) {
    %c0_i32 = arith.constant 0 : i32
    %c0_i32_0 = arith.constant 0 : i32
    %c0_i32_1 = arith.constant 0 : i32
    return %c0_i32, %c0_i32_0 : i32, i32
  }
  func.func @transform_6(%arg0: i32) -> (i32, i32) {
    %c0_i32 = arith.constant 0 : i32
    %c0_i32_0 = arith.constant 0 : i32
    %c0_i32_1 = arith.constant 0 : i32
    return %c0_i32, %c0_i32_0 : i32, i32
  }
  func.func @transform_7(%arg0: i32) -> (i32, i32) {
    %c0_i32 = arith.constant 0 : i32
    %c0_i32_0 = arith.constant 0 : i32
    %c0_i32_1 = arith.constant 0 : i32
    return %c0_i32, %c0_i32_0 : i32, i32
  }
  func.func @transform_8(%arg0: i32) -> (i32, i32) {
    %c0_i32 = arith.constant 0 : i32
    %c0_i32_0 = arith.constant 0 : i32
    %c0_i32_1 = arith.constant 0 : i32
    return %c0_i32, %c0_i32_0 : i32, i32
  }
  func.func @transform_9(%arg0: i32) -> (i32, i32) {
    %c0_i32 = arith.constant 0 : i32
    %c0_i32_0 = arith.constant 0 : i32
    %c0_i32_1 = arith.constant 0 : i32
    return %c0_i32, %c0_i32_0 : i32, i32
  }
  func.func @transform_10(%arg0: i32) -> (i32, i32) {
    %c0_i32 = arith.constant 0 : i32
    %c0_i32_0 = arith.constant 0 : i32
    return %arg0, %c0_i32 : i32, i32
  }
  func.func @transform_11(%arg0: i32) -> (i32, i32) {
    %c0_i32 = arith.constant 0 : i32
    %c0_i32_0 = arith.constant 0 : i32
    return %arg0, %c0_i32 : i32, i32
  }
}

module attributes {stable_mosaic.version = 14 : i64} {
  func.func @_edge_body(%arg0: i32, %arg1: memref<640x128xf32, #tpu.memory_space<vmem>>, %arg2: memref<640x128xf32, #tpu.memory_space<vmem>>, %arg3: memref<640x256xf32, #tpu.memory_space<vmem>>, %arg4: memref<128x256xf32, #tpu.memory_space<vmem>>, %arg5: memref<128x256xf32, #tpu.memory_space<vmem>>, %arg6: memref<1x256xf32, #tpu.memory_space<vmem>>, %arg7: memref<1x256xf32, #tpu.memory_space<vmem>>, %arg8: memref<1x256xf32, #tpu.memory_space<vmem>>, %arg9: memref<256x256xf32, #tpu.memory_space<vmem>>, %arg10: memref<1x256xf32, #tpu.memory_space<vmem>>, %arg11: memref<640x128xf32, #tpu.memory_space<vmem>>, %arg12: memref<640x128xf32, #tpu.memory_space<vmem>>) attributes {dimension_semantics = [#tpu.dimension_semantics<arbitrary>], iteration_bounds = array<i64: 250>, scalar_prefetch = 0 : i64, scratch_operands = 0 : i64, tpu.core_type = #tpu.core_type<tc>, window_params = [{transform_indices = @transform_0, window_bounds = array<i64: 640, 128>}, {transform_indices = @transform_1, window_bounds = array<i64: 640, 128>}, {transform_indices = @transform_2, window_bounds = array<i64: 640, 256>}, {pipeline_mode = #tpu.pipeline_mode<synchronous>, transform_indices = @transform_3, window_bounds = array<i64: 128, 256>}, {pipeline_mode = #tpu.pipeline_mode<synchronous>, transform_indices = @transform_4, window_bounds = array<i64: 128, 256>}, {pipeline_mode = #tpu.pipeline_mode<synchronous>, transform_indices = @transform_5, window_bounds = array<i64: 1, 256>}, {pipeline_mode = #tpu.pipeline_mode<synchronous>, transform_indices = @transform_6, window_bounds = array<i64: 1, 256>}, {pipeline_mode = #tpu.pipeline_mode<synchronous>, transform_indices = @transform_7, window_bounds = array<i64: 1, 256>}, {pipeline_mode = #tpu.pipeline_mode<synchronous>, transform_indices = @transform_8, window_bounds = array<i64: 256, 256>}, {pipeline_mode = #tpu.pipeline_mode<synchronous>, transform_indices = @transform_9, window_bounds = array<i64: 1, 256>}, {transform_indices = @transform_10, window_bounds = array<i64: 640, 128>}, {transform_indices = @transform_11, window_bounds = array<i64: 640, 128>}]} {
    %get3A = arith.constant 0 : index
    %get3A_0 = arith.constant 0 : index
    %get3A_1 = vector.load %arg1[%get3A, %get3A_0] : memref<640x128xf32, #tpu.memory_space<vmem>>, vector<640x128xf32>
    %get3A_2 = arith.constant 0 : index
    %get3A_3 = arith.constant 0 : index
    %get3A_4 = vector.load %arg4[%get3A_2, %get3A_3] : memref<128x256xf32, #tpu.memory_space<vmem>>, vector<128x256xf32>
    %dot_general3A = arith.constant dense<0.000000e+00> : vector<640x256xf32>
    %dot_general3A_5 = tpu.matmul %get3A_1, %get3A_4, %dot_general3A {dimension_numbers = #tpu.dot_dimension_numbers<[1], [0], [0], [1], [0, 0, 1, 1], [], []>, transpose_lhs_hint = false} : vector<640x128xf32>, vector<128x256xf32>, vector<640x256xf32> -> vector<640x256xf32>
    %get3A_6 = arith.constant 0 : index
    %get3A_7 = arith.constant 0 : index
    %get3A_8 = vector.load %arg2[%get3A_6, %get3A_7] : memref<640x128xf32, #tpu.memory_space<vmem>>, vector<640x128xf32>
    %get3A_9 = arith.constant 0 : index
    %get3A_10 = arith.constant 0 : index
    %get3A_11 = vector.load %arg5[%get3A_9, %get3A_10] : memref<128x256xf32, #tpu.memory_space<vmem>>, vector<128x256xf32>
    %dot_general3A_12 = arith.constant dense<0.000000e+00> : vector<640x256xf32>
    %dot_general3A_13 = tpu.matmul %get3A_8, %get3A_11, %dot_general3A_12 {dimension_numbers = #tpu.dot_dimension_numbers<[1], [0], [0], [1], [0, 0, 1, 1], [], []>, transpose_lhs_hint = false} : vector<640x128xf32>, vector<128x256xf32>, vector<640x256xf32> -> vector<640x256xf32>
    %add3A = arith.addf %dot_general3A_5, %dot_general3A_13 : vector<640x256xf32>
    %get3A_14 = arith.constant 0 : index
    %get3A_15 = arith.constant 0 : index
    %get3A_16 = vector.load %arg3[%get3A_14, %get3A_15] : memref<640x256xf32, #tpu.memory_space<vmem>>, vector<640x256xf32>
    %add3A_17 = arith.addf %add3A, %get3A_16 : vector<640x256xf32>
    %get3A_18 = arith.constant 0 : index
    %get3A_19 = arith.constant 0 : index
    %get3A_20 = vector.load %arg6[%get3A_18, %get3A_19] : memref<1x256xf32, #tpu.memory_space<vmem>>, vector<1x256xf32>
    %add3A_21 = vector.broadcast %get3A_20 : vector<1x256xf32> to vector<640x256xf32>
    %add3A_22 = arith.addf %add3A_17, %add3A_21 : vector<640x256xf32>
    %max3A = arith.constant 0.000000e+00 : f32
    %max3A_23 = vector.broadcast %max3A : f32 to vector<640x256xf32>
    %max3A_24 = arith.maximumf %add3A_22, %max3A_23 : vector<640x256xf32>
    %get3A_25 = arith.constant 0 : index
    %get3A_26 = arith.constant 0 : index
    %get3A_27 = vector.load %arg7[%get3A_25, %get3A_26] : memref<1x256xf32, #tpu.memory_space<vmem>>, vector<1x256xf32>
    %get3A_28 = arith.constant 0 : index
    %get3A_29 = arith.constant 0 : index
    %get3A_30 = vector.load %arg8[%get3A_28, %get3A_29] : memref<1x256xf32, #tpu.memory_space<vmem>>, vector<1x256xf32>
    %reduce_sum3A = arith.constant dense<0.000000e+00> : vector<640xf32>
    %reduce_sum3A_31 = vector.multi_reduction <add>, %max3A_24, %reduce_sum3A [1] : vector<640x256xf32> to vector<640xf32>
    %broadcast_in_dim3A = vector.shape_cast %reduce_sum3A_31 : vector<640xf32> to vector<640x1xf32>
    %div3A = arith.constant 2.560000e+02 : f32
    %div3A_32 = vector.broadcast %div3A : f32 to vector<640x1xf32>
    %div3A_33 = arith.divf %broadcast_in_dim3A, %div3A_32 : vector<640x1xf32>
    %sub3A = vector.broadcast %div3A_33 : vector<640x1xf32> to vector<640x256xf32>
    %sub3A_34 = arith.subf %max3A_24, %sub3A : vector<640x256xf32>
    %integer_pow3A = arith.mulf %sub3A_34, %sub3A_34 : vector<640x256xf32>
    %reduce_sum3A_35 = arith.constant dense<0.000000e+00> : vector<640xf32>
    %reduce_sum3A_36 = vector.multi_reduction <add>, %integer_pow3A, %reduce_sum3A_35 [1] : vector<640x256xf32> to vector<640xf32>
    %broadcast_in_dim3A_37 = vector.shape_cast %reduce_sum3A_36 : vector<640xf32> to vector<640x1xf32>
    %div3A_38 = arith.constant 2.560000e+02 : f32
    %div3A_39 = vector.broadcast %div3A_38 : f32 to vector<640x1xf32>
    %div3A_40 = arith.divf %broadcast_in_dim3A_37, %div3A_39 : vector<640x1xf32>
    %sub3A_41 = vector.broadcast %div3A_33 : vector<640x1xf32> to vector<640x256xf32>
    %sub3A_42 = arith.subf %max3A_24, %sub3A_41 : vector<640x256xf32>
    %add3A_43 = arith.constant 9.99999974E-6 : f32
    %add3A_44 = vector.broadcast %add3A_43 : f32 to vector<640x1xf32>
    %add3A_45 = arith.addf %div3A_40, %add3A_44 : vector<640x1xf32>
    %rsqrt3A = math.rsqrt %add3A_45 : vector<640x1xf32>
    %mul3A = vector.broadcast %rsqrt3A : vector<640x1xf32> to vector<640x256xf32>
    %mul3A_46 = arith.mulf %sub3A_42, %mul3A : vector<640x256xf32>
    %mul3A_47 = vector.broadcast %get3A_27 : vector<1x256xf32> to vector<640x256xf32>
    %mul3A_48 = arith.mulf %mul3A_46, %mul3A_47 : vector<640x256xf32>
    %add3A_49 = vector.broadcast %get3A_30 : vector<1x256xf32> to vector<640x256xf32>
    %add3A_50 = arith.addf %mul3A_48, %add3A_49 : vector<640x256xf32>
    %get3A_51 = arith.constant 0 : index
    %get3A_52 = arith.constant 0 : index
    %get3A_53 = vector.load %arg9[%get3A_51, %get3A_52] : memref<256x256xf32, #tpu.memory_space<vmem>>, vector<256x256xf32>
    %dot_general3A_54 = arith.constant dense<0.000000e+00> : vector<640x256xf32>
    %dot_general3A_55 = tpu.matmul %add3A_50, %get3A_53, %dot_general3A_54 {dimension_numbers = #tpu.dot_dimension_numbers<[1], [0], [0], [1], [0, 0, 1, 1], [], []>, transpose_lhs_hint = false} : vector<640x256xf32>, vector<256x256xf32>, vector<640x256xf32> -> vector<640x256xf32>
    %get3A_56 = arith.constant 0 : index
    %get3A_57 = arith.constant 0 : index
    %get3A_58 = vector.load %arg10[%get3A_56, %get3A_57] : memref<1x256xf32, #tpu.memory_space<vmem>>, vector<1x256xf32>
    %add3A_59 = vector.broadcast %get3A_58 : vector<1x256xf32> to vector<640x256xf32>
    %add3A_60 = arith.addf %dot_general3A_55, %add3A_59 : vector<640x256xf32>
    %slice3A = vector.extract_strided_slice %add3A_60 {offsets = [0, 0], sizes = [640, 128], strides = [1, 1]} : vector<640x256xf32> to vector<640x128xf32>
    %swap3A = arith.constant 0 : index
    %swap3A_61 = arith.constant 0 : index
    %swap3A_62 = vector.load %arg11[%swap3A, %swap3A_61] : memref<640x128xf32, #tpu.memory_space<vmem>>, vector<640x128xf32>
    tpu.vector_store %arg11[%swap3A, %swap3A_61], %slice3A {strides = array<i32>} : memref<640x128xf32, #tpu.memory_space<vmem>>, vector<640x128xf32>,
    %slice3A_63 = vector.extract_strided_slice %add3A_60 {offsets = [0, 128], sizes = [640, 128], strides = [1, 1]} : vector<640x256xf32> to vector<640x128xf32>
    %swap3A_64 = arith.constant 0 : index
    %swap3A_65 = arith.constant 0 : index
    %swap3A_66 = vector.load %arg12[%swap3A_64, %swap3A_65] : memref<640x128xf32, #tpu.memory_space<vmem>>, vector<640x128xf32>
    tpu.vector_store %arg12[%swap3A_64, %swap3A_65], %slice3A_63 {strides = array<i32>} : memref<640x128xf32, #tpu.memory_space<vmem>>, vector<640x128xf32>,
    return
  }
  func.func @transform_0(%arg0: i32) -> (i32, i32) {
    %c0_i32 = arith.constant 0 : i32
    %c0_i32_0 = arith.constant 0 : i32
    return %arg0, %c0_i32 : i32, i32
  }
  func.func @transform_1(%arg0: i32) -> (i32, i32) {
    %c0_i32 = arith.constant 0 : i32
    %c0_i32_0 = arith.constant 0 : i32
    return %arg0, %c0_i32 : i32, i32
  }
  func.func @transform_2(%arg0: i32) -> (i32, i32) {
    %c0_i32 = arith.constant 0 : i32
    %c0_i32_0 = arith.constant 0 : i32
    return %arg0, %c0_i32 : i32, i32
  }
  func.func @transform_3(%arg0: i32) -> (i32, i32) {
    %c0_i32 = arith.constant 0 : i32
    %c0_i32_0 = arith.constant 0 : i32
    %c0_i32_1 = arith.constant 0 : i32
    return %c0_i32, %c0_i32_0 : i32, i32
  }
  func.func @transform_4(%arg0: i32) -> (i32, i32) {
    %c0_i32 = arith.constant 0 : i32
    %c0_i32_0 = arith.constant 0 : i32
    %c0_i32_1 = arith.constant 0 : i32
    return %c0_i32, %c0_i32_0 : i32, i32
  }
  func.func @transform_5(%arg0: i32) -> (i32, i32) {
    %c0_i32 = arith.constant 0 : i32
    %c0_i32_0 = arith.constant 0 : i32
    %c0_i32_1 = arith.constant 0 : i32
    return %c0_i32, %c0_i32_0 : i32, i32
  }
  func.func @transform_6(%arg0: i32) -> (i32, i32) {
    %c0_i32 = arith.constant 0 : i32
    %c0_i32_0 = arith.constant 0 : i32
    %c0_i32_1 = arith.constant 0 : i32
    return %c0_i32, %c0_i32_0 : i32, i32
  }
  func.func @transform_7(%arg0: i32) -> (i32, i32) {
    %c0_i32 = arith.constant 0 : i32
    %c0_i32_0 = arith.constant 0 : i32
    %c0_i32_1 = arith.constant 0 : i32
    return %c0_i32, %c0_i32_0 : i32, i32
  }
  func.func @transform_8(%arg0: i32) -> (i32, i32) {
    %c0_i32 = arith.constant 0 : i32
    %c0_i32_0 = arith.constant 0 : i32
    %c0_i32_1 = arith.constant 0 : i32
    return %c0_i32, %c0_i32_0 : i32, i32
  }
  func.func @transform_9(%arg0: i32) -> (i32, i32) {
    %c0_i32 = arith.constant 0 : i32
    %c0_i32_0 = arith.constant 0 : i32
    %c0_i32_1 = arith.constant 0 : i32
    return %c0_i32, %c0_i32_0 : i32, i32
  }
  func.func @transform_10(%arg0: i32) -> (i32, i32) {
    %c0_i32 = arith.constant 0 : i32
    %c0_i32_0 = arith.constant 0 : i32
    return %arg0, %c0_i32 : i32, i32
  }
  func.func @transform_11(%arg0: i32) -> (i32, i32) {
    %c0_i32 = arith.constant 0 : i32
    %c0_i32_0 = arith.constant 0 : i32
    return %arg0, %c0_i32 : i32, i32
  }
}

module attributes {stable_mosaic.version = 14 : i64} {
  func.func @_nsph_body(%arg0: memref<2883x256xf32, #tpu.memory_space<vmem>>, %arg1: memref<256x256xf32, #tpu.memory_space<vmem>>, %arg2: memref<1x256xf32, #tpu.memory_space<vmem>>, %arg3: memref<1x256xf32, #tpu.memory_space<vmem>>, %arg4: memref<1x256xf32, #tpu.memory_space<vmem>>, %arg5: memref<256x256xf32, #tpu.memory_space<vmem>>, %arg6: memref<1x256xf32, #tpu.memory_space<vmem>>, %arg7: memref<256x256xf32, #tpu.memory_space<vmem>>, %arg8: memref<2883x256xf32, #tpu.memory_space<vmem>>, %arg9: memref<2883x256xf32, #tpu.memory_space<vmem>>) attributes {dimension_semantics = [], scalar_prefetch = 0 : i64, scratch_operands = 0 : i64, tpu.core_type = #tpu.core_type<tc>} {
    %get3A = arith.constant 0 : index
    %get3A_0 = arith.constant 0 : index
    %get3A_1 = vector.load %arg0[%get3A, %get3A_0] : memref<2883x256xf32, #tpu.memory_space<vmem>>, vector<2883x256xf32>
    %get3A_2 = arith.constant 0 : index
    %get3A_3 = arith.constant 0 : index
    %get3A_4 = vector.load %arg1[%get3A_2, %get3A_3] : memref<256x256xf32, #tpu.memory_space<vmem>>, vector<256x256xf32>
    %dot_general3A = arith.constant dense<0.000000e+00> : vector<2883x256xf32>
    %dot_general3A_5 = tpu.matmul %get3A_1, %get3A_4, %dot_general3A {dimension_numbers = #tpu.dot_dimension_numbers<[1], [0], [0], [1], [0, 0, 1, 1], [], []>, transpose_lhs_hint = false} : vector<2883x256xf32>, vector<256x256xf32>, vector<2883x256xf32> -> vector<2883x256xf32>
    %get3A_6 = arith.constant 0 : index
    %get3A_7 = arith.constant 0 : index
    %get3A_8 = vector.load %arg2[%get3A_6, %get3A_7] : memref<1x256xf32, #tpu.memory_space<vmem>>, vector<1x256xf32>
    %add3A = vector.broadcast %get3A_8 : vector<1x256xf32> to vector<2883x256xf32>
    %add3A_9 = arith.addf %dot_general3A_5, %add3A : vector<2883x256xf32>
    %max3A = arith.constant 0.000000e+00 : f32
    %max3A_10 = vector.broadcast %max3A : f32 to vector<2883x256xf32>
    %max3A_11 = arith.maximumf %add3A_9, %max3A_10 : vector<2883x256xf32>
    %get3A_12 = arith.constant 0 : index
    %get3A_13 = arith.constant 0 : index
    %get3A_14 = vector.load %arg3[%get3A_12, %get3A_13] : memref<1x256xf32, #tpu.memory_space<vmem>>, vector<1x256xf32>
    %get3A_15 = arith.constant 0 : index
    %get3A_16 = arith.constant 0 : index
    %get3A_17 = vector.load %arg4[%get3A_15, %get3A_16] : memref<1x256xf32, #tpu.memory_space<vmem>>, vector<1x256xf32>
    %reduce_sum3A = arith.constant dense<0.000000e+00> : vector<2883xf32>
    %reduce_sum3A_18 = vector.multi_reduction <add>, %max3A_11, %reduce_sum3A [1] : vector<2883x256xf32> to vector<2883xf32>
    %broadcast_in_dim3A = vector.shape_cast %reduce_sum3A_18 : vector<2883xf32> to vector<2883x1xf32>
    %div3A = arith.constant 2.560000e+02 : f32
    %div3A_19 = vector.broadcast %div3A : f32 to vector<2883x1xf32>
    %div3A_20 = arith.divf %broadcast_in_dim3A, %div3A_19 : vector<2883x1xf32>
    %sub3A = vector.broadcast %div3A_20 : vector<2883x1xf32> to vector<2883x256xf32>
    %sub3A_21 = arith.subf %max3A_11, %sub3A : vector<2883x256xf32>
    %integer_pow3A = arith.mulf %sub3A_21, %sub3A_21 : vector<2883x256xf32>
    %reduce_sum3A_22 = arith.constant dense<0.000000e+00> : vector<2883xf32>
    %reduce_sum3A_23 = vector.multi_reduction <add>, %integer_pow3A, %reduce_sum3A_22 [1] : vector<2883x256xf32> to vector<2883xf32>
    %broadcast_in_dim3A_24 = vector.shape_cast %reduce_sum3A_23 : vector<2883xf32> to vector<2883x1xf32>
    %div3A_25 = arith.constant 2.560000e+02 : f32
    %div3A_26 = vector.broadcast %div3A_25 : f32 to vector<2883x1xf32>
    %div3A_27 = arith.divf %broadcast_in_dim3A_24, %div3A_26 : vector<2883x1xf32>
    %sub3A_28 = vector.broadcast %div3A_20 : vector<2883x1xf32> to vector<2883x256xf32>
    %sub3A_29 = arith.subf %max3A_11, %sub3A_28 : vector<2883x256xf32>
    %add3A_30 = arith.constant 9.99999974E-6 : f32
    %add3A_31 = vector.broadcast %add3A_30 : f32 to vector<2883x1xf32>
    %add3A_32 = arith.addf %div3A_27, %add3A_31 : vector<2883x1xf32>
    %rsqrt3A = math.rsqrt %add3A_32 : vector<2883x1xf32>
    %mul3A = vector.broadcast %rsqrt3A : vector<2883x1xf32> to vector<2883x256xf32>
    %mul3A_33 = arith.mulf %sub3A_29, %mul3A : vector<2883x256xf32>
    %mul3A_34 = vector.broadcast %get3A_14 : vector<1x256xf32> to vector<2883x256xf32>
    %mul3A_35 = arith.mulf %mul3A_33, %mul3A_34 : vector<2883x256xf32>
    %add3A_36 = vector.broadcast %get3A_17 : vector<1x256xf32> to vector<2883x256xf32>
    %add3A_37 = arith.addf %mul3A_35, %add3A_36 : vector<2883x256xf32>
    %get3A_38 = arith.constant 0 : index
    %get3A_39 = arith.constant 0 : index
    %get3A_40 = vector.load %arg5[%get3A_38, %get3A_39] : memref<256x256xf32, #tpu.memory_space<vmem>>, vector<256x256xf32>
    %dot_general3A_41 = arith.constant dense<0.000000e+00> : vector<2883x256xf32>
    %dot_general3A_42 = tpu.matmul %add3A_37, %get3A_40, %dot_general3A_41 {dimension_numbers = #tpu.dot_dimension_numbers<[1], [0], [0], [1], [0, 0, 1, 1], [], []>, transpose_lhs_hint = false} : vector<2883x256xf32>, vector<256x256xf32>, vector<2883x256xf32> -> vector<2883x256xf32>
    %get3A_43 = arith.constant 0 : index
    %get3A_44 = arith.constant 0 : index
    %get3A_45 = vector.load %arg6[%get3A_43, %get3A_44] : memref<1x256xf32, #tpu.memory_space<vmem>>, vector<1x256xf32>
    %add3A_46 = vector.broadcast %get3A_45 : vector<1x256xf32> to vector<2883x256xf32>
    %add3A_47 = arith.addf %dot_general3A_42, %add3A_46 : vector<2883x256xf32>
    %swap3A = arith.constant 0 : index
    %swap3A_48 = arith.constant 0 : index
    %swap3A_49 = vector.load %arg8[%swap3A, %swap3A_48] : memref<2883x256xf32, #tpu.memory_space<vmem>>, vector<2883x256xf32>
    tpu.vector_store %arg8[%swap3A, %swap3A_48], %add3A_47 {strides = array<i32>} : memref<2883x256xf32, #tpu.memory_space<vmem>>, vector<2883x256xf32>,
    %get3A_50 = arith.constant 0 : index
    %get3A_51 = arith.constant 0 : index
    %get3A_52 = vector.load %arg7[%get3A_50, %get3A_51] : memref<256x256xf32, #tpu.memory_space<vmem>>, vector<256x256xf32>
    %dot_general3A_53 = arith.constant dense<0.000000e+00> : vector<2883x256xf32>
    %dot_general3A_54 = tpu.matmul %add3A_47, %get3A_52, %dot_general3A_53 {dimension_numbers = #tpu.dot_dimension_numbers<[1], [0], [0], [1], [0, 0, 1, 1], [], []>, transpose_lhs_hint = false} : vector<2883x256xf32>, vector<256x256xf32>, vector<2883x256xf32> -> vector<2883x256xf32>
    %swap3A_55 = arith.constant 0 : index
    %swap3A_56 = arith.constant 0 : index
    %swap3A_57 = vector.load %arg9[%swap3A_55, %swap3A_56] : memref<2883x256xf32, #tpu.memory_space<vmem>>, vector<2883x256xf32>
    tpu.vector_store %arg9[%swap3A_55, %swap3A_56], %dot_general3A_54 {strides = array<i32>} : memref<2883x256xf32, #tpu.memory_space<vmem>>, vector<2883x256xf32>,
    return
  }
}

module attributes {stable_mosaic.version = 14 : i64} {
  func.func @_nsp_body(%arg0: i32, %arg1: memref<2000x256xf32, #tpu.memory_space<vmem>>, %arg2: memref<2000x128xf32, #tpu.memory_space<vmem>>, %arg3: memref<2000x128xf32, #tpu.memory_space<vmem>>, %arg4: memref<256x256xf32, #tpu.memory_space<vmem>>, %arg5: memref<128x256xf32, #tpu.memory_space<vmem>>, %arg6: memref<128x256xf32, #tpu.memory_space<vmem>>, %arg7: memref<1x256xf32, #tpu.memory_space<vmem>>, %arg8: memref<1x256xf32, #tpu.memory_space<vmem>>, %arg9: memref<1x256xf32, #tpu.memory_space<vmem>>, %arg10: memref<256x256xf32, #tpu.memory_space<vmem>>, %arg11: memref<1x256xf32, #tpu.memory_space<vmem>>, %arg12: memref<256x256xf32, #tpu.memory_space<vmem>>, %arg13: memref<2000x256xf32, #tpu.memory_space<vmem>>, %arg14: memref<2000x256xf32, #tpu.memory_space<vmem>>) attributes {dimension_semantics = [#tpu.dimension_semantics<arbitrary>], iteration_bounds = array<i64: 5>, scalar_prefetch = 0 : i64, scratch_operands = 0 : i64, tpu.core_type = #tpu.core_type<tc>, window_params = [{transform_indices = @transform_0, window_bounds = array<i64: 2000, 256>}, {transform_indices = @transform_1, window_bounds = array<i64: 2000, 128>}, {transform_indices = @transform_2, window_bounds = array<i64: 2000, 128>}, {pipeline_mode = #tpu.pipeline_mode<synchronous>, transform_indices = @transform_3, window_bounds = array<i64: 256, 256>}, {pipeline_mode = #tpu.pipeline_mode<synchronous>, transform_indices = @transform_4, window_bounds = array<i64: 128, 256>}, {pipeline_mode = #tpu.pipeline_mode<synchronous>, transform_indices = @transform_5, window_bounds = array<i64: 128, 256>}, {pipeline_mode = #tpu.pipeline_mode<synchronous>, transform_indices = @transform_6, window_bounds = array<i64: 1, 256>}, {pipeline_mode = #tpu.pipeline_mode<synchronous>, transform_indices = @transform_7, window_bounds = array<i64: 1, 256>}, {pipeline_mode = #tpu.pipeline_mode<synchronous>, transform_indices = @transform_8, window_bounds = array<i64: 1, 256>}, {pipeline_mode = #tpu.pipeline_mode<synchronous>, transform_indices = @transform_9, window_bounds = array<i64: 256, 256>}, {pipeline_mode = #tpu.pipeline_mode<synchronous>, transform_indices = @transform_10, window_bounds = array<i64: 1, 256>}, {pipeline_mode = #tpu.pipeline_mode<synchronous>, transform_indices = @transform_11, window_bounds = array<i64: 256, 256>}, {transform_indices = @transform_12, window_bounds = array<i64: 2000, 256>}, {transform_indices = @transform_13, window_bounds = array<i64: 2000, 256>}]} {
    %get3A = arith.constant 0 : index
    %get3A_0 = arith.constant 0 : index
    %get3A_1 = vector.load %arg1[%get3A, %get3A_0] : memref<2000x256xf32, #tpu.memory_space<vmem>>, vector<2000x256xf32>
    %get3A_2 = arith.constant 0 : index
    %get3A_3 = arith.constant 0 : index
    %get3A_4 = vector.load %arg4[%get3A_2, %get3A_3] : memref<256x256xf32, #tpu.memory_space<vmem>>, vector<256x256xf32>
    %dot_general3A = arith.constant dense<0.000000e+00> : vector<2000x256xf32>
    %dot_general3A_5 = tpu.matmul %get3A_1, %get3A_4, %dot_general3A {dimension_numbers = #tpu.dot_dimension_numbers<[1], [0], [0], [1], [0, 0, 1, 1], [], []>, transpose_lhs_hint = false} : vector<2000x256xf32>, vector<256x256xf32>, vector<2000x256xf32> -> vector<2000x256xf32>
    %get3A_6 = arith.constant 0 : index
    %get3A_7 = arith.constant 0 : index
    %get3A_8 = vector.load %arg2[%get3A_6, %get3A_7] : memref<2000x128xf32, #tpu.memory_space<vmem>>, vector<2000x128xf32>
    %get3A_9 = arith.constant 0 : index
    %get3A_10 = arith.constant 0 : index
    %get3A_11 = vector.load %arg5[%get3A_9, %get3A_10] : memref<128x256xf32, #tpu.memory_space<vmem>>, vector<128x256xf32>
    %dot_general3A_12 = arith.constant dense<0.000000e+00> : vector<2000x256xf32>
    %dot_general3A_13 = tpu.matmul %get3A_8, %get3A_11, %dot_general3A_12 {dimension_numbers = #tpu.dot_dimension_numbers<[1], [0], [0], [1], [0, 0, 1, 1], [], []>, transpose_lhs_hint = false} : vector<2000x128xf32>, vector<128x256xf32>, vector<2000x256xf32> -> vector<2000x256xf32>
    %add3A = arith.addf %dot_general3A_5, %dot_general3A_13 : vector<2000x256xf32>
    %get3A_14 = arith.constant 0 : index
    %get3A_15 = arith.constant 0 : index
    %get3A_16 = vector.load %arg3[%get3A_14, %get3A_15] : memref<2000x128xf32, #tpu.memory_space<vmem>>, vector<2000x128xf32>
    %get3A_17 = arith.constant 0 : index
    %get3A_18 = arith.constant 0 : index
    %get3A_19 = vector.load %arg6[%get3A_17, %get3A_18] : memref<128x256xf32, #tpu.memory_space<vmem>>, vector<128x256xf32>
    %dot_general3A_20 = arith.constant dense<0.000000e+00> : vector<2000x256xf32>
    %dot_general3A_21 = tpu.matmul %get3A_16, %get3A_19, %dot_general3A_20 {dimension_numbers = #tpu.dot_dimension_numbers<[1], [0], [0], [1], [0, 0, 1, 1], [], []>, transpose_lhs_hint = false} : vector<2000x128xf32>, vector<128x256xf32>, vector<2000x256xf32> -> vector<2000x256xf32>
    %add3A_22 = arith.addf %add3A, %dot_general3A_21 : vector<2000x256xf32>
    %get3A_23 = arith.constant 0 : index
    %get3A_24 = arith.constant 0 : index
    %get3A_25 = vector.load %arg7[%get3A_23, %get3A_24] : memref<1x256xf32, #tpu.memory_space<vmem>>, vector<1x256xf32>
    %add3A_26 = vector.broadcast %get3A_25 : vector<1x256xf32> to vector<2000x256xf32>
    %add3A_27 = arith.addf %add3A_22, %add3A_26 : vector<2000x256xf32>
    %max3A = arith.constant 0.000000e+00 : f32
    %max3A_28 = vector.broadcast %max3A : f32 to vector<2000x256xf32>
    %max3A_29 = arith.maximumf %add3A_27, %max3A_28 : vector<2000x256xf32>
    %get3A_30 = arith.constant 0 : index
    %get3A_31 = arith.constant 0 : index
    %get3A_32 = vector.load %arg8[%get3A_30, %get3A_31] : memref<1x256xf32, #tpu.memory_space<vmem>>, vector<1x256xf32>
    %get3A_33 = arith.constant 0 : index
    %get3A_34 = arith.constant 0 : index
    %get3A_35 = vector.load %arg9[%get3A_33, %get3A_34] : memref<1x256xf32, #tpu.memory_space<vmem>>, vector<1x256xf32>
    %reduce_sum3A = arith.constant dense<0.000000e+00> : vector<2000xf32>
    %reduce_sum3A_36 = vector.multi_reduction <add>, %max3A_29, %reduce_sum3A [1] : vector<2000x256xf32> to vector<2000xf32>
    %broadcast_in_dim3A = vector.shape_cast %reduce_sum3A_36 : vector<2000xf32> to vector<2000x1xf32>
    %div3A = arith.constant 2.560000e+02 : f32
    %div3A_37 = vector.broadcast %div3A : f32 to vector<2000x1xf32>
    %div3A_38 = arith.divf %broadcast_in_dim3A, %div3A_37 : vector<2000x1xf32>
    %sub3A = vector.broadcast %div3A_38 : vector<2000x1xf32> to vector<2000x256xf32>
    %sub3A_39 = arith.subf %max3A_29, %sub3A : vector<2000x256xf32>
    %integer_pow3A = arith.mulf %sub3A_39, %sub3A_39 : vector<2000x256xf32>
    %reduce_sum3A_40 = arith.constant dense<0.000000e+00> : vector<2000xf32>
    %reduce_sum3A_41 = vector.multi_reduction <add>, %integer_pow3A, %reduce_sum3A_40 [1] : vector<2000x256xf32> to vector<2000xf32>
    %broadcast_in_dim3A_42 = vector.shape_cast %reduce_sum3A_41 : vector<2000xf32> to vector<2000x1xf32>
    %div3A_43 = arith.constant 2.560000e+02 : f32
    %div3A_44 = vector.broadcast %div3A_43 : f32 to vector<2000x1xf32>
    %div3A_45 = arith.divf %broadcast_in_dim3A_42, %div3A_44 : vector<2000x1xf32>
    %sub3A_46 = vector.broadcast %div3A_38 : vector<2000x1xf32> to vector<2000x256xf32>
    %sub3A_47 = arith.subf %max3A_29, %sub3A_46 : vector<2000x256xf32>
    %add3A_48 = arith.constant 9.99999974E-6 : f32
    %add3A_49 = vector.broadcast %add3A_48 : f32 to vector<2000x1xf32>
    %add3A_50 = arith.addf %div3A_45, %add3A_49 : vector<2000x1xf32>
    %rsqrt3A = math.rsqrt %add3A_50 : vector<2000x1xf32>
    %mul3A = vector.broadcast %rsqrt3A : vector<2000x1xf32> to vector<2000x256xf32>
    %mul3A_51 = arith.mulf %sub3A_47, %mul3A : vector<2000x256xf32>
    %mul3A_52 = vector.broadcast %get3A_32 : vector<1x256xf32> to vector<2000x256xf32>
    %mul3A_53 = arith.mulf %mul3A_51, %mul3A_52 : vector<2000x256xf32>
    %add3A_54 = vector.broadcast %get3A_35 : vector<1x256xf32> to vector<2000x256xf32>
    %add3A_55 = arith.addf %mul3A_53, %add3A_54 : vector<2000x256xf32>
    %get3A_56 = arith.constant 0 : index
    %get3A_57 = arith.constant 0 : index
    %get3A_58 = vector.load %arg10[%get3A_56, %get3A_57] : memref<256x256xf32, #tpu.memory_space<vmem>>, vector<256x256xf32>
    %dot_general3A_59 = arith.constant dense<0.000000e+00> : vector<2000x256xf32>
    %dot_general3A_60 = tpu.matmul %add3A_55, %get3A_58, %dot_general3A_59 {dimension_numbers = #tpu.dot_dimension_numbers<[1], [0], [0], [1], [0, 0, 1, 1], [], []>, transpose_lhs_hint = false} : vector<2000x256xf32>, vector<256x256xf32>, vector<2000x256xf32> -> vector<2000x256xf32>
    %get3A_61 = arith.constant 0 : index
    %get3A_62 = arith.constant 0 : index
    %get3A_63 = vector.load %arg11[%get3A_61, %get3A_62] : memref<1x256xf32, #tpu.memory_space<vmem>>, vector<1x256xf32>
    %add3A_64 = vector.broadcast %get3A_63 : vector<1x256xf32> to vector<2000x256xf32>
    %add3A_65 = arith.addf %dot_general3A_60, %add3A_64 : vector<2000x256xf32>
    %swap3A = arith.constant 0 : index
    %swap3A_66 = arith.constant 0 : index
    %swap3A_67 = vector.load %arg13[%swap3A, %swap3A_66] : memref<2000x256xf32, #tpu.memory_space<vmem>>, vector<2000x256xf32>
    tpu.vector_store %arg13[%swap3A, %swap3A_66], %add3A_65 {strides = array<i32>} : memref<2000x256xf32, #tpu.memory_space<vmem>>, vector<2000x256xf32>,
    %get3A_68 = arith.constant 0 : index
    %get3A_69 = arith.constant 0 : index
    %get3A_70 = vector.load %arg12[%get3A_68, %get3A_69] : memref<256x256xf32, #tpu.memory_space<vmem>>, vector<256x256xf32>
    %dot_general3A_71 = arith.constant dense<0.000000e+00> : vector<2000x256xf32>
    %dot_general3A_72 = tpu.matmul %add3A_65, %get3A_70, %dot_general3A_71 {dimension_numbers = #tpu.dot_dimension_numbers<[1], [0], [0], [1], [0, 0, 1, 1], [], []>, transpose_lhs_hint = false} : vector<2000x256xf32>, vector<256x256xf32>, vector<2000x256xf32> -> vector<2000x256xf32>
    %swap3A_73 = arith.constant 0 : index
    %swap3A_74 = arith.constant 0 : index
    %swap3A_75 = vector.load %arg14[%swap3A_73, %swap3A_74] : memref<2000x256xf32, #tpu.memory_space<vmem>>, vector<2000x256xf32>
    tpu.vector_store %arg14[%swap3A_73, %swap3A_74], %dot_general3A_72 {strides = array<i32>} : memref<2000x256xf32, #tpu.memory_space<vmem>>, vector<2000x256xf32>,
    return
  }
  func.func @transform_0(%arg0: i32) -> (i32, i32) {
    %c0_i32 = arith.constant 0 : i32
    %c0_i32_0 = arith.constant 0 : i32
    return %arg0, %c0_i32 : i32, i32
  }
  func.func @transform_1(%arg0: i32) -> (i32, i32) {
    %c0_i32 = arith.constant 0 : i32
    %c0_i32_0 = arith.constant 0 : i32
    return %arg0, %c0_i32 : i32, i32
  }
  func.func @transform_2(%arg0: i32) -> (i32, i32) {
    %c0_i32 = arith.constant 0 : i32
    %c0_i32_0 = arith.constant 0 : i32
    return %arg0, %c0_i32 : i32, i32
  }
  func.func @transform_3(%arg0: i32) -> (i32, i32) {
    %c0_i32 = arith.constant 0 : i32
    %c0_i32_0 = arith.constant 0 : i32
    %c0_i32_1 = arith.constant 0 : i32
    return %c0_i32, %c0_i32_0 : i32, i32
  }
  func.func @transform_4(%arg0: i32) -> (i32, i32) {
    %c0_i32 = arith.constant 0 : i32
    %c0_i32_0 = arith.constant 0 : i32
    %c0_i32_1 = arith.constant 0 : i32
    return %c0_i32, %c0_i32_0 : i32, i32
  }
  func.func @transform_5(%arg0: i32) -> (i32, i32) {
    %c0_i32 = arith.constant 0 : i32
    %c0_i32_0 = arith.constant 0 : i32
    %c0_i32_1 = arith.constant 0 : i32
    return %c0_i32, %c0_i32_0 : i32, i32
  }
  func.func @transform_6(%arg0: i32) -> (i32, i32) {
    %c0_i32 = arith.constant 0 : i32
    %c0_i32_0 = arith.constant 0 : i32
    %c0_i32_1 = arith.constant 0 : i32
    return %c0_i32, %c0_i32_0 : i32, i32
  }
  func.func @transform_7(%arg0: i32) -> (i32, i32) {
    %c0_i32 = arith.constant 0 : i32
    %c0_i32_0 = arith.constant 0 : i32
    %c0_i32_1 = arith.constant 0 : i32
    return %c0_i32, %c0_i32_0 : i32, i32
  }
  func.func @transform_8(%arg0: i32) -> (i32, i32) {
    %c0_i32 = arith.constant 0 : i32
    %c0_i32_0 = arith.constant 0 : i32
    %c0_i32_1 = arith.constant 0 : i32
    return %c0_i32, %c0_i32_0 : i32, i32
  }
  func.func @transform_9(%arg0: i32) -> (i32, i32) {
    %c0_i32 = arith.constant 0 : i32
    %c0_i32_0 = arith.constant 0 : i32
    %c0_i32_1 = arith.constant 0 : i32
    return %c0_i32, %c0_i32_0 : i32, i32
  }
  func.func @transform_10(%arg0: i32) -> (i32, i32) {
    %c0_i32 = arith.constant 0 : i32
    %c0_i32_0 = arith.constant 0 : i32
    %c0_i32_1 = arith.constant 0 : i32
    return %c0_i32, %c0_i32_0 : i32, i32
  }
  func.func @transform_11(%arg0: i32) -> (i32, i32) {
    %c0_i32 = arith.constant 0 : i32
    %c0_i32_0 = arith.constant 0 : i32
    %c0_i32_1 = arith.constant 0 : i32
    return %c0_i32, %c0_i32_0 : i32, i32
  }
  func.func @transform_12(%arg0: i32) -> (i32, i32) {
    %c0_i32 = arith.constant 0 : i32
    %c0_i32_0 = arith.constant 0 : i32
    return %arg0, %c0_i32 : i32, i32
  }
  func.func @transform_13(%arg0: i32) -> (i32, i32) {
    %c0_i32 = arith.constant 0 : i32
    %c0_i32_0 = arith.constant 0 : i32
    return %arg0, %c0_i32 : i32, i32
  }
}

module attributes {stable_mosaic.version = 14 : i64} {
  func.func @_nfin_body(%arg0: i32, %arg1: memref<2000x256xf32, #tpu.memory_space<vmem>>, %arg2: memref<2000x128xf32, #tpu.memory_space<vmem>>, %arg3: memref<2000x128xf32, #tpu.memory_space<vmem>>, %arg4: memref<256x256xf32, #tpu.memory_space<vmem>>, %arg5: memref<128x256xf32, #tpu.memory_space<vmem>>, %arg6: memref<128x256xf32, #tpu.memory_space<vmem>>, %arg7: memref<1x256xf32, #tpu.memory_space<vmem>>, %arg8: memref<1x256xf32, #tpu.memory_space<vmem>>, %arg9: memref<1x256xf32, #tpu.memory_space<vmem>>, %arg10: memref<256x256xf32, #tpu.memory_space<vmem>>, %arg11: memref<1x256xf32, #tpu.memory_space<vmem>>, %arg12: memref<256x256xf32, #tpu.memory_space<vmem>>, %arg13: memref<1x256xf32, #tpu.memory_space<vmem>>, %arg14: memref<1x256xf32, #tpu.memory_space<vmem>>, %arg15: memref<1x256xf32, #tpu.memory_space<vmem>>, %arg16: memref<256x78xf32, #tpu.memory_space<vmem>>, %arg17: memref<1x78xf32, #tpu.memory_space<vmem>>, %arg18: memref<2000x78xf32, #tpu.memory_space<vmem>>) attributes {dimension_semantics = [#tpu.dimension_semantics<arbitrary>], iteration_bounds = array<i64: 5>, scalar_prefetch = 0 : i64, scratch_operands = 0 : i64, tpu.core_type = #tpu.core_type<tc>, window_params = [{transform_indices = @transform_0, window_bounds = array<i64: 2000, 256>}, {transform_indices = @transform_1, window_bounds = array<i64: 2000, 128>}, {transform_indices = @transform_2, window_bounds = array<i64: 2000, 128>}, {pipeline_mode = #tpu.pipeline_mode<synchronous>, transform_indices = @transform_3, window_bounds = array<i64: 256, 256>}, {pipeline_mode = #tpu.pipeline_mode<synchronous>, transform_indices = @transform_4, window_bounds = array<i64: 128, 256>}, {pipeline_mode = #tpu.pipeline_mode<synchronous>, transform_indices = @transform_5, window_bounds = array<i64: 128, 256>}, {pipeline_mode = #tpu.pipeline_mode<synchronous>, transform_indices = @transform_6, window_bounds = array<i64: 1, 256>}, {pipeline_mode = #tpu.pipeline_mode<synchronous>, transform_indices = @transform_7, window_bounds = array<i64: 1, 256>}, {pipeline_mode = #tpu.pipeline_mode<synchronous>, transform_indices = @transform_8, window_bounds = array<i64: 1, 256>}, {pipeline_mode = #tpu.pipeline_mode<synchronous>, transform_indices = @transform_9, window_bounds = array<i64: 256, 256>}, {pipeline_mode = #tpu.pipeline_mode<synchronous>, transform_indices = @transform_10, window_bounds = array<i64: 1, 256>}, {pipeline_mode = #tpu.pipeline_mode<synchronous>, transform_indices = @transform_11, window_bounds = array<i64: 256, 256>}, {pipeline_mode = #tpu.pipeline_mode<synchronous>, transform_indices = @transform_12, window_bounds = array<i64: 1, 256>}, {pipeline_mode = #tpu.pipeline_mode<synchronous>, transform_indices = @transform_13, window_bounds = array<i64: 1, 256>}, {pipeline_mode = #tpu.pipeline_mode<synchronous>, transform_indices = @transform_14, window_bounds = array<i64: 1, 256>}, {pipeline_mode = #tpu.pipeline_mode<synchronous>, transform_indices = @transform_15, window_bounds = array<i64: 256, 78>}, {pipeline_mode = #tpu.pipeline_mode<synchronous>, transform_indices = @transform_16, window_bounds = array<i64: 1, 78>}, {transform_indices = @transform_17, window_bounds = array<i64: 2000, 78>}]} {
    %get3A = arith.constant 0 : index
    %get3A_0 = arith.constant 0 : index
    %get3A_1 = vector.load %arg1[%get3A, %get3A_0] : memref<2000x256xf32, #tpu.memory_space<vmem>>, vector<2000x256xf32>
    %get3A_2 = arith.constant 0 : index
    %get3A_3 = arith.constant 0 : index
    %get3A_4 = vector.load %arg4[%get3A_2, %get3A_3] : memref<256x256xf32, #tpu.memory_space<vmem>>, vector<256x256xf32>
    %dot_general3A = arith.constant dense<0.000000e+00> : vector<2000x256xf32>
    %dot_general3A_5 = tpu.matmul %get3A_1, %get3A_4, %dot_general3A {dimension_numbers = #tpu.dot_dimension_numbers<[1], [0], [0], [1], [0, 0, 1, 1], [], []>, transpose_lhs_hint = false} : vector<2000x256xf32>, vector<256x256xf32>, vector<2000x256xf32> -> vector<2000x256xf32>
    %get3A_6 = arith.constant 0 : index
    %get3A_7 = arith.constant 0 : index
    %get3A_8 = vector.load %arg2[%get3A_6, %get3A_7] : memref<2000x128xf32, #tpu.memory_space<vmem>>, vector<2000x128xf32>
    %get3A_9 = arith.constant 0 : index
    %get3A_10 = arith.constant 0 : index
    %get3A_11 = vector.load %arg5[%get3A_9, %get3A_10] : memref<128x256xf32, #tpu.memory_space<vmem>>, vector<128x256xf32>
    %dot_general3A_12 = arith.constant dense<0.000000e+00> : vector<2000x256xf32>
    %dot_general3A_13 = tpu.matmul %get3A_8, %get3A_11, %dot_general3A_12 {dimension_numbers = #tpu.dot_dimension_numbers<[1], [0], [0], [1], [0, 0, 1, 1], [], []>, transpose_lhs_hint = false} : vector<2000x128xf32>, vector<128x256xf32>, vector<2000x256xf32> -> vector<2000x256xf32>
    %add3A = arith.addf %dot_general3A_5, %dot_general3A_13 : vector<2000x256xf32>
    %get3A_14 = arith.constant 0 : index
    %get3A_15 = arith.constant 0 : index
    %get3A_16 = vector.load %arg3[%get3A_14, %get3A_15] : memref<2000x128xf32, #tpu.memory_space<vmem>>, vector<2000x128xf32>
    %get3A_17 = arith.constant 0 : index
    %get3A_18 = arith.constant 0 : index
    %get3A_19 = vector.load %arg6[%get3A_17, %get3A_18] : memref<128x256xf32, #tpu.memory_space<vmem>>, vector<128x256xf32>
    %dot_general3A_20 = arith.constant dense<0.000000e+00> : vector<2000x256xf32>
    %dot_general3A_21 = tpu.matmul %get3A_16, %get3A_19, %dot_general3A_20 {dimension_numbers = #tpu.dot_dimension_numbers<[1], [0], [0], [1], [0, 0, 1, 1], [], []>, transpose_lhs_hint = false} : vector<2000x128xf32>, vector<128x256xf32>, vector<2000x256xf32> -> vector<2000x256xf32>
    %add3A_22 = arith.addf %add3A, %dot_general3A_21 : vector<2000x256xf32>
    %get3A_23 = arith.constant 0 : index
    %get3A_24 = arith.constant 0 : index
    %get3A_25 = vector.load %arg7[%get3A_23, %get3A_24] : memref<1x256xf32, #tpu.memory_space<vmem>>, vector<1x256xf32>
    %add3A_26 = vector.broadcast %get3A_25 : vector<1x256xf32> to vector<2000x256xf32>
    %add3A_27 = arith.addf %add3A_22, %add3A_26 : vector<2000x256xf32>
    %max3A = arith.constant 0.000000e+00 : f32
    %max3A_28 = vector.broadcast %max3A : f32 to vector<2000x256xf32>
    %max3A_29 = arith.maximumf %add3A_27, %max3A_28 : vector<2000x256xf32>
    %get3A_30 = arith.constant 0 : index
    %get3A_31 = arith.constant 0 : index
    %get3A_32 = vector.load %arg8[%get3A_30, %get3A_31] : memref<1x256xf32, #tpu.memory_space<vmem>>, vector<1x256xf32>
    %get3A_33 = arith.constant 0 : index
    %get3A_34 = arith.constant 0 : index
    %get3A_35 = vector.load %arg9[%get3A_33, %get3A_34] : memref<1x256xf32, #tpu.memory_space<vmem>>, vector<1x256xf32>
    %reduce_sum3A = arith.constant dense<0.000000e+00> : vector<2000xf32>
    %reduce_sum3A_36 = vector.multi_reduction <add>, %max3A_29, %reduce_sum3A [1] : vector<2000x256xf32> to vector<2000xf32>
    %broadcast_in_dim3A = vector.shape_cast %reduce_sum3A_36 : vector<2000xf32> to vector<2000x1xf32>
    %div3A = arith.constant 2.560000e+02 : f32
    %div3A_37 = vector.broadcast %div3A : f32 to vector<2000x1xf32>
    %div3A_38 = arith.divf %broadcast_in_dim3A, %div3A_37 : vector<2000x1xf32>
    %sub3A = vector.broadcast %div3A_38 : vector<2000x1xf32> to vector<2000x256xf32>
    %sub3A_39 = arith.subf %max3A_29, %sub3A : vector<2000x256xf32>
    %integer_pow3A = arith.mulf %sub3A_39, %sub3A_39 : vector<2000x256xf32>
    %reduce_sum3A_40 = arith.constant dense<0.000000e+00> : vector<2000xf32>
    %reduce_sum3A_41 = vector.multi_reduction <add>, %integer_pow3A, %reduce_sum3A_40 [1] : vector<2000x256xf32> to vector<2000xf32>
    %broadcast_in_dim3A_42 = vector.shape_cast %reduce_sum3A_41 : vector<2000xf32> to vector<2000x1xf32>
    %div3A_43 = arith.constant 2.560000e+02 : f32
    %div3A_44 = vector.broadcast %div3A_43 : f32 to vector<2000x1xf32>
    %div3A_45 = arith.divf %broadcast_in_dim3A_42, %div3A_44 : vector<2000x1xf32>
    %sub3A_46 = vector.broadcast %div3A_38 : vector<2000x1xf32> to vector<2000x256xf32>
    %sub3A_47 = arith.subf %max3A_29, %sub3A_46 : vector<2000x256xf32>
    %add3A_48 = arith.constant 9.99999974E-6 : f32
    %add3A_49 = vector.broadcast %add3A_48 : f32 to vector<2000x1xf32>
    %add3A_50 = arith.addf %div3A_45, %add3A_49 : vector<2000x1xf32>
    %rsqrt3A = math.rsqrt %add3A_50 : vector<2000x1xf32>
    %mul3A = vector.broadcast %rsqrt3A : vector<2000x1xf32> to vector<2000x256xf32>
    %mul3A_51 = arith.mulf %sub3A_47, %mul3A : vector<2000x256xf32>
    %mul3A_52 = vector.broadcast %get3A_32 : vector<1x256xf32> to vector<2000x256xf32>
    %mul3A_53 = arith.mulf %mul3A_51, %mul3A_52 : vector<2000x256xf32>
    %add3A_54 = vector.broadcast %get3A_35 : vector<1x256xf32> to vector<2000x256xf32>
    %add3A_55 = arith.addf %mul3A_53, %add3A_54 : vector<2000x256xf32>
    %get3A_56 = arith.constant 0 : index
    %get3A_57 = arith.constant 0 : index
    %get3A_58 = vector.load %arg10[%get3A_56, %get3A_57] : memref<256x256xf32, #tpu.memory_space<vmem>>, vector<256x256xf32>
    %dot_general3A_59 = arith.constant dense<0.000000e+00> : vector<2000x256xf32>
    %dot_general3A_60 = tpu.matmul %add3A_55, %get3A_58, %dot_general3A_59 {dimension_numbers = #tpu.dot_dimension_numbers<[1], [0], [0], [1], [0, 0, 1, 1], [], []>, transpose_lhs_hint = false} : vector<2000x256xf32>, vector<256x256xf32>, vector<2000x256xf32> -> vector<2000x256xf32>
    %get3A_61 = arith.constant 0 : index
    %get3A_62 = arith.constant 0 : index
    %get3A_63 = vector.load %arg11[%get3A_61, %get3A_62] : memref<1x256xf32, #tpu.memory_space<vmem>>, vector<1x256xf32>
    %add3A_64 = vector.broadcast %get3A_63 : vector<1x256xf32> to vector<2000x256xf32>
    %add3A_65 = arith.addf %dot_general3A_60, %add3A_64 : vector<2000x256xf32>
    %get3A_66 = arith.constant 0 : index
    %get3A_67 = arith.constant 0 : index
    %get3A_68 = vector.load %arg12[%get3A_66, %get3A_67] : memref<256x256xf32, #tpu.memory_space<vmem>>, vector<256x256xf32>
    %dot_general3A_69 = arith.constant dense<0.000000e+00> : vector<2000x256xf32>
    %dot_general3A_70 = tpu.matmul %add3A_65, %get3A_68, %dot_general3A_69 {dimension_numbers = #tpu.dot_dimension_numbers<[1], [0], [0], [1], [0, 0, 1, 1], [], []>, transpose_lhs_hint = false} : vector<2000x256xf32>, vector<256x256xf32>, vector<2000x256xf32> -> vector<2000x256xf32>
    %get3A_71 = arith.constant 0 : index
    %get3A_72 = arith.constant 0 : index
    %get3A_73 = vector.load %arg13[%get3A_71, %get3A_72] : memref<1x256xf32, #tpu.memory_space<vmem>>, vector<1x256xf32>
    %add3A_74 = vector.broadcast %get3A_73 : vector<1x256xf32> to vector<2000x256xf32>
    %add3A_75 = arith.addf %dot_general3A_70, %add3A_74 : vector<2000x256xf32>
    %max3A_76 = arith.constant 0.000000e+00 : f32
    %max3A_77 = vector.broadcast %max3A_76 : f32 to vector<2000x256xf32>
    %max3A_78 = arith.maximumf %add3A_75, %max3A_77 : vector<2000x256xf32>
    %get3A_79 = arith.constant 0 : index
    %get3A_80 = arith.constant 0 : index
    %get3A_81 = vector.load %arg14[%get3A_79, %get3A_80] : memref<1x256xf32, #tpu.memory_space<vmem>>, vector<1x256xf32>
    %get3A_82 = arith.constant 0 : index
    %get3A_83 = arith.constant 0 : index
    %get3A_84 = vector.load %arg15[%get3A_82, %get3A_83] : memref<1x256xf32, #tpu.memory_space<vmem>>, vector<1x256xf32>
    %reduce_sum3A_85 = arith.constant dense<0.000000e+00> : vector<2000xf32>
    %reduce_sum3A_86 = vector.multi_reduction <add>, %max3A_78, %reduce_sum3A_85 [1] : vector<2000x256xf32> to vector<2000xf32>
    %broadcast_in_dim3A_87 = vector.shape_cast %reduce_sum3A_86 : vector<2000xf32> to vector<2000x1xf32>
    %div3A_88 = arith.constant 2.560000e+02 : f32
    %div3A_89 = vector.broadcast %div3A_88 : f32 to vector<2000x1xf32>
    %div3A_90 = arith.divf %broadcast_in_dim3A_87, %div3A_89 : vector<2000x1xf32>
    %sub3A_91 = vector.broadcast %div3A_90 : vector<2000x1xf32> to vector<2000x256xf32>
    %sub3A_92 = arith.subf %max3A_78, %sub3A_91 : vector<2000x256xf32>
    %integer_pow3A_93 = arith.mulf %sub3A_92, %sub3A_92 : vector<2000x256xf32>
    %reduce_sum3A_94 = arith.constant dense<0.000000e+00> : vector<2000xf32>
    %reduce_sum3A_95 = vector.multi_reduction <add>, %integer_pow3A_93, %reduce_sum3A_94 [1] : vector<2000x256xf32> to vector<2000xf32>
    %broadcast_in_dim3A_96 = vector.shape_cast %reduce_sum3A_95 : vector<2000xf32> to vector<2000x1xf32>
    %div3A_97 = arith.constant 2.560000e+02 : f32
    %div3A_98 = vector.broadcast %div3A_97 : f32 to vector<2000x1xf32>
    %div3A_99 = arith.divf %broadcast_in_dim3A_96, %div3A_98 : vector<2000x1xf32>
    %sub3A_100 = vector.broadcast %div3A_90 : vector<2000x1xf32> to vector<2000x256xf32>
    %sub3A_101 = arith.subf %max3A_78, %sub3A_100 : vector<2000x256xf32>
    %add3A_102 = arith.constant 9.99999974E-6 : f32
    %add3A_103 = vector.broadcast %add3A_102 : f32 to vector<2000x1xf32>
    %add3A_104 = arith.addf %div3A_99, %add3A_103 : vector<2000x1xf32>
    %rsqrt3A_105 = math.rsqrt %add3A_104 : vector<2000x1xf32>
    %mul3A_106 = vector.broadcast %rsqrt3A_105 : vector<2000x1xf32> to vector<2000x256xf32>
    %mul3A_107 = arith.mulf %sub3A_101, %mul3A_106 : vector<2000x256xf32>
    %mul3A_108 = vector.broadcast %get3A_81 : vector<1x256xf32> to vector<2000x256xf32>
    %mul3A_109 = arith.mulf %mul3A_107, %mul3A_108 : vector<2000x256xf32>
    %add3A_110 = vector.broadcast %get3A_84 : vector<1x256xf32> to vector<2000x256xf32>
    %add3A_111 = arith.addf %mul3A_109, %add3A_110 : vector<2000x256xf32>
    %get3A_112 = arith.constant 0 : index
    %get3A_113 = arith.constant 0 : index
    %get3A_114 = vector.load %arg16[%get3A_112, %get3A_113] : memref<256x78xf32, #tpu.memory_space<vmem>>, vector<256x78xf32>
    %dot_general3A_115 = arith.constant dense<0.000000e+00> : vector<2000x78xf32>
    %dot_general3A_116 = tpu.matmul %add3A_111, %get3A_114, %dot_general3A_115 {dimension_numbers = #tpu.dot_dimension_numbers<[1], [0], [0], [1], [0, 0, 1, 1], [], []>, transpose_lhs_hint = false} : vector<2000x256xf32>, vector<256x78xf32>, vector<2000x78xf32> -> vector<2000x78xf32>
    %get3A_117 = arith.constant 0 : index
    %get3A_118 = arith.constant 0 : index
    %get3A_119 = vector.load %arg17[%get3A_117, %get3A_118] : memref<1x78xf32, #tpu.memory_space<vmem>>, vector<1x78xf32>
    %add3A_120 = vector.broadcast %get3A_119 : vector<1x78xf32> to vector<2000x78xf32>
    %add3A_121 = arith.addf %dot_general3A_116, %add3A_120 : vector<2000x78xf32>
    %swap3A = arith.constant 0 : index
    %swap3A_122 = arith.constant 0 : index
    %swap3A_123 = vector.load %arg18[%swap3A, %swap3A_122] : memref<2000x78xf32, #tpu.memory_space<vmem>>, vector<2000x78xf32>
    tpu.vector_store %arg18[%swap3A, %swap3A_122], %add3A_121 {strides = array<i32>} : memref<2000x78xf32, #tpu.memory_space<vmem>>, vector<2000x78xf32>,
    return
  }
  func.func @transform_0(%arg0: i32) -> (i32, i32) {
    %c0_i32 = arith.constant 0 : i32
    %c0_i32_0 = arith.constant 0 : i32
    return %arg0, %c0_i32 : i32, i32
  }
  func.func @transform_1(%arg0: i32) -> (i32, i32) {
    %c0_i32 = arith.constant 0 : i32
    %c0_i32_0 = arith.constant 0 : i32
    return %arg0, %c0_i32 : i32, i32
  }
  func.func @transform_2(%arg0: i32) -> (i32, i32) {
    %c0_i32 = arith.constant 0 : i32
    %c0_i32_0 = arith.constant 0 : i32
    return %arg0, %c0_i32 : i32, i32
  }
  func.func @transform_3(%arg0: i32) -> (i32, i32) {
    %c0_i32 = arith.constant 0 : i32
    %c0_i32_0 = arith.constant 0 : i32
    %c0_i32_1 = arith.constant 0 : i32
    return %c0_i32, %c0_i32_0 : i32, i32
  }
  func.func @transform_4(%arg0: i32) -> (i32, i32) {
    %c0_i32 = arith.constant 0 : i32
    %c0_i32_0 = arith.constant 0 : i32
    %c0_i32_1 = arith.constant 0 : i32
    return %c0_i32, %c0_i32_0 : i32, i32
  }
  func.func @transform_5(%arg0: i32) -> (i32, i32) {
    %c0_i32 = arith.constant 0 : i32
    %c0_i32_0 = arith.constant 0 : i32
    %c0_i32_1 = arith.constant 0 : i32
    return %c0_i32, %c0_i32_0 : i32, i32
  }
  func.func @transform_6(%arg0: i32) -> (i32, i32) {
    %c0_i32 = arith.constant 0 : i32
    %c0_i32_0 = arith.constant 0 : i32
    %c0_i32_1 = arith.constant 0 : i32
    return %c0_i32, %c0_i32_0 : i32, i32
  }
  func.func @transform_7(%arg0: i32) -> (i32, i32) {
    %c0_i32 = arith.constant 0 : i32
    %c0_i32_0 = arith.constant 0 : i32
    %c0_i32_1 = arith.constant 0 : i32
    return %c0_i32, %c0_i32_0 : i32, i32
  }
  func.func @transform_8(%arg0: i32) -> (i32, i32) {
    %c0_i32 = arith.constant 0 : i32
    %c0_i32_0 = arith.constant 0 : i32
    %c0_i32_1 = arith.constant 0 : i32
    return %c0_i32, %c0_i32_0 : i32, i32
  }
  func.func @transform_9(%arg0: i32) -> (i32, i32) {
    %c0_i32 = arith.constant 0 : i32
    %c0_i32_0 = arith.constant 0 : i32
    %c0_i32_1 = arith.constant 0 : i32
    return %c0_i32, %c0_i32_0 : i32, i32
  }
  func.func @transform_10(%arg0: i32) -> (i32, i32) {
    %c0_i32 = arith.constant 0 : i32
    %c0_i32_0 = arith.constant 0 : i32
    %c0_i32_1 = arith.constant 0 : i32
    return %c0_i32, %c0_i32_0 : i32, i32
  }
  func.func @transform_11(%arg0: i32) -> (i32, i32) {
    %c0_i32 = arith.constant 0 : i32
    %c0_i32_0 = arith.constant 0 : i32
    %c0_i32_1 = arith.constant 0 : i32
    return %c0_i32, %c0_i32_0 : i32, i32
  }
  func.func @transform_12(%arg0: i32) -> (i32, i32) {
    %c0_i32 = arith.constant 0 : i32
    %c0_i32_0 = arith.constant 0 : i32
    %c0_i32_1 = arith.constant 0 : i32
    return %c0_i32, %c0_i32_0 : i32, i32
  }
  func.func @transform_13(%arg0: i32) -> (i32, i32) {
    %c0_i32 = arith.constant 0 : i32
    %c0_i32_0 = arith.constant 0 : i32
    %c0_i32_1 = arith.constant 0 : i32
    return %c0_i32, %c0_i32_0 : i32, i32
  }
  func.func @transform_14(%arg0: i32) -> (i32, i32) {
    %c0_i32 = arith.constant 0 : i32
    %c0_i32_0 = arith.constant 0 : i32
    %c0_i32_1 = arith.constant 0 : i32
    return %c0_i32, %c0_i32_0 : i32, i32
  }
  func.func @transform_15(%arg0: i32) -> (i32, i32) {
    %c0_i32 = arith.constant 0 : i32
    %c0_i32_0 = arith.constant 0 : i32
    %c0_i32_1 = arith.constant 0 : i32
    return %c0_i32, %c0_i32_0 : i32, i32
  }
  func.func @transform_16(%arg0: i32) -> (i32, i32) {
    %c0_i32 = arith.constant 0 : i32
    %c0_i32_0 = arith.constant 0 : i32
    %c0_i32_1 = arith.constant 0 : i32
    return %c0_i32, %c0_i32_0 : i32, i32
  }
  func.func @transform_17(%arg0: i32) -> (i32, i32) {
    %c0_i32 = arith.constant 0 : i32
    %c0_i32_0 = arith.constant 0 : i32
    return %arg0, %c0_i32 : i32, i32
  }
}

</mosaic_0001>

<sc_bundles>
// kernel: kernel.17.cloned.1.call-start
scs
__scs_entry_jumppad:
0x0: {  	(pc) =	sbr.rel $0x88, $3  }
0x1: {  	(tag) =	ssettag $0x0;
	lr =	simm.s32 $0x1  }
0x2: {  	[smem:$0x3F72] =	sst lr;
	_ =	strace $0xD0000000  }
0x3: {  	_ = 	snop  }
0x4: {  	_ = 	snop  }
0x5: {  	_ = 	snop  }
0x6: {  	_ = 	snop  }
0x7: {  	_ = 	snop  }
__scs_overlays_trampoline_lowered:
0x8: {  	[smem:$0x3F81] =	sst s0  }
0x9: {  	[smem:$0x3F82] =	sst s1  }
0xa: {  	[smem:$0x3F83] =	sst s2  }
0xb: {  	[smem:$0x3F84] =	sst s3  }
0xc: {  	[smem:$0x3F85] =	sst s4  }
0xd: {  	[smem:$0x3F86] =	sst s5  }
0xe: {  	[smem:$0x3F87] =	sst s6  }
0xf: {  	[smem:$0x3F88] =	sst s7  }
0x10: {  	[smem:$0x3F89] =	sst s8  }
0x11: {  	[smem:$0x3F8A] =	sst s9;
	s0 =	simm.s32 @!p0 $0x0  }
0x12: {  	s1 =	sld [smem:$0x3F70];
	s0 =	simm.s32 @p0 $0x1  }
0x13: {  	[smem:$0x3F8B] =	sst s0;
	s0 =	simm.s32 @!p1 $0x0  }
0x14: {  	s2 =	sld [smem:$0x3F6F];
	s0 =	simm.s32 @p1 $0x1  }
0x15: {  	[smem:$0x3F8C] =	sst s0;
	s0 =	simm.s32 @!p2 $0x0  }
0x16: {  	s3 =	sld [smem:$0x3FDB];
	s0 =	simm.s32 @p2 $0x1  }
0x17: {  	s4 =	simm.s32 $0x1BF5;
	[smem:$0x3F8E] =	sst s0  }
0x18: {  	s0 =	sld [smem:$0x3F71];
	_ =	swait.ge [sflag:s4], $0x0  }
0x19: {  	s7 =	sld [smem:$0x3F72]  }
0x1a: {  	s8 =	sadd.s32 $0xFFFFE003, lr  }
0x1b: {  	s9 =	sadd.s32 $0xFFFFFEF7, lr;
	s5 =	simm.s32 $0xFFFFFFFF;
	p2 =	slt.u32 s8, $0xFFFFF086  }
0x1c: {  	p1 =	slt.u32 s9, $0xF7A;
	s5 =	simm.s32 @!p2 $0x0  }
0x1d: {  	s5 =	simm.s32 @p1 $0x1;
	p0 =	seq.s32 s7, s2  }
0x1e: {  	s7 =	smul.u32 @!p0 $0xF7A, s2;
	p2 =	seq.s32 @!p0 s5, $0x0  }
0x1f: {  	s9 =	smul.u32 $0xF7A, s1;
	s8 =	simm.s32 @!p0 $0x1BF5;
	p2 =	por !p2, p0  }
0x20: {  	[sflag:s8] =	ssyncset.s32 @!p0 $0xFFFFF086;
	s6 =	sadd.s32 @!p0 s3, s7;
	s7 =	simm.s32 @!p0 $0x108  }
0x21: {  	s3 =	sadd.s32 s3, s9;
	s6 =	sadd.s32 @!p0 $0x88, s6;
	s7 =	simm.s32 @p2 $0x1082  }
0x22: {  	[simem:s7], [sflag:s8] =	dma.local @!p0 [hbm:s6], $0xF7A  }
0x23: {  	s9 =	sor.u32 $0xD0000000, s2;
	s6 =	simm.s32 $0x108;
	_ =	swait.ge @!p0 [sflag:s8], $0x0  }
0x24: {  	s3 =	sadd.s32 $0x88, s3;
	s6 =	simm.s32 @!p1 $0x1082;
	[sflag:s4] =	ssyncset.s32 $0xFFFFF086  }
0x25: {  	[simem:s6], [sflag:s4] =	dma.local [hbm:s3], $0xF7A  }
0x26: {  	[smem:$0x3F72] =	sst s1;
	(tag) =	ssettag s2;
	_ =	strace s9  }
0x27: {  	s1 =	sld [smem:$0x3F82]  }
0x28: {  	s2 =	sld [smem:$0x3F83]  }
0x29: {  	s4 =	sld [smem:$0x3F85]  }
0x2a: {  	p0 =	seq.s32 s5, $0x0;
	s5 =	sld [smem:$0x3F86]  }
0x2b: {  	s6 =	sld [smem:$0x3F87]  }
0x2c: {  	s7 =	sld [smem:$0x3F88]  }
0x2d: {  	s3 =	simm.s32 $0x108;
	s8 =	sld [smem:$0x3F89]  }
0x2e: {  	s3 =	simm.s32 @!p0 $0x1082;
	s9 =	sld [smem:$0x3F8A]  }
0x2f: {  	lr =	sadd.s32 s0, s3;
	s0 =	sld [smem:$0x3F81]  }
0x30: {  	s3 =	sld [smem:$0x3F84]  }
0x31: {  	[smem:$0x3F8D] =	sst s10  }
0x32: {  	s10 =	sld [smem:$0x3F8B];
	_ =	sdelay $0x3  }
0x33: {  	p0 =	seq.s32 s10, $0x1;
	s10 =	sld [smem:$0x3F8D];
	_ =	sdelay $0x3  }
0x34: {  	[smem:$0x3F8D] =	sst s10  }
0x35: {  	s10 =	sld [smem:$0x3F8C];
	_ =	sdelay $0x3  }
0x36: {  	p1 =	seq.s32 s10, $0x1;
	s10 =	sld [smem:$0x3F8D];
	_ =	sdelay $0x3  }
0x37: {  	[smem:$0x3F8D] =	sst s10  }
0x38: {  	s10 =	sld [smem:$0x3F8E]  }
0x39: {  	_ = 	snop;
	(pc) =	sbr.ind lr, $3  }
0x3a: {  	_ = 	snop  }
0x3b: {  	_ = 	snop  }
0x3c: {  	p2 =	seq.s32 s10, $0x1;
	s10 =	sld [smem:$0x3F8D]  }
0x3d: {  	_ =	shalt  }
0x3e: {  	_ =	shalt  }
0x3f: {  	_ =	shalt  }
0x40: {  	_ =	shalt  }
0x41: {  	_ =	shalt  }
0x42: {  	_ =	shalt  }
0x43: {  	_ =	shalt  }
0x44: {  	_ =	shalt  }
0x45: {  	_ =	shalt  }
0x46: {  	_ =	shalt  }
0x47: {  	_ =	shalt  }
0x48: {  	_ =	shalt  }
0x49: {  	_ =	shalt  }
0x4a: {  	_ =	shalt  }
0x4b: {  	_ =	shalt  }
0x4c: {  	_ =	shalt  }
0x4d: {  	_ =	shalt  }
0x4e: {  	_ =	shalt  }
0x4f: {  	_ =	shalt  }
0x50: {  	_ =	shalt  }
0x51: {  	_ =	shalt  }
0x52: {  	_ =	shalt  }
0x53: {  	_ =	shalt  }
0x54: {  	_ =	shalt  }
0x55: {  	_ =	shalt  }
0x56: {  	_ =	shalt  }
0x57: {  	_ =	shalt  }
0x58: {  	_ =	shalt  }
0x59: {  	_ =	shalt  }
0x5a: {  	_ =	shalt  }
0x5b: {  	_ =	shalt  }
0x5c: {  	_ =	shalt  }
0x5d: {  	_ =	shalt  }
0x5e: {  	_ =	shalt  }
0x5f: {  	_ =	shalt  }
0x60: {  	_ =	shalt  }
0x61: {  	_ =	shalt  }
0x62: {  	_ =	shalt  }
0x63: {  	_ =	shalt  }
0x64: {  	_ =	shalt  }
0x65: {  	_ =	shalt  }
0x66: {  	_ =	shalt  }
0x67: {  	_ =	shalt  }
0x68: {  	_ =	shalt  }
0x69: {  	_ =	shalt  }
0x6a: {  	_ =	shalt  }
0x6b: {  	_ =	shalt  }
0x6c: {  	_ =	shalt  }
0x6d: {  	_ =	shalt  }
0x6e: {  	_ =	shalt  }
0x6f: {  	_ =	shalt  }
0x70: {  	_ =	shalt  }
0x71: {  	_ =	shalt  }
0x72: {  	_ =	shalt  }
0x73: {  	_ =	shalt  }
0x74: {  	_ =	shalt  }
0x75: {  	_ =	shalt  }
0x76: {  	_ =	shalt  }
0x77: {  	_ =	shalt  }
0x78: {  	_ =	shalt  }
0x79: {  	_ =	shalt  }
0x7a: {  	_ =	shalt  }
0x7b: {  	_ =	shalt  }
0x7c: {  	_ =	shalt  }
0x7d: {  	_ =	shalt  }
0x7e: {  	_ =	shalt  }
0x7f: {  	_ =	shalt  }
0x80: {  	_ =	shalt  }
0x81: {  	_ =	shalt  }
0x82: {  	_ =	shalt  }
0x83: {  	_ =	shalt  }
0x84: {  	_ =	shalt  }
0x85: {  	_ =	shalt  }
0x86: {  	_ =	shalt  }
0x87: {  	_ =	shalt  }
.Lfunc_end0:
.L_simem_size_0:
called_computation_lowered:
.L_overlay_start_0:
0x88: {  	s2 =	sld [smem:$0x3FD9]  }
0x89: {  	s3 =	sld [smem:$0x3FFE];
	_ =	sdelay $0x1  }
0x8a: {  	s1 =	srdreg.scid  }
0x8b: {  	s0 =	sand.u32 $0x1, s1  }
0x8c: {  	s17 =	sshll.u32 s0, $0xA;
	s2 =	sadd.s32 s3, s2  }
0x8d: {  	s2 =	sadd.s32 s2, s17  }
0x8e: {  	[smem:$0x3F99] =	sst s2  }
0x8f: {  	_ = 	snop  }
0x90: {  	s2 =	sld [smem:$0x3FD0];
	(tm) =	ssettm $0x1  }
0x91: {  	s18 =	sld [smem:$0x3FFB];
	_ =	sdelay $0x3  }
0x92: {  	_ =	strace s18  }
0x93: {  	s3 =	sld [smem:$0x3FFC];
	_ =	sdelay $0x3  }
0x94: {  	_ =	strace s3  }
0x95: {  	s3 =	sld [smem:$0x3FFD];
	_ =	sdelay $0x3  }
0x96: {  	_ =	strace s3  }
0x97: {  	_ =	strace $0x8FFFFFFF  }
0x98: {  	s19 =	sld [smem:$0x3FDB];
	_ =	sdelay $0x1  }
0x99: {  	s4 =	simm.s32 $_scs_section_size  }
0x9a: {  	s5 =	simm.s32 $_size__tile_overlayer_lowered;
	s6 =	simm.s32 $_tile_overlayer_lowered  }
0x9b: {  	s22 =	simm.s32 $0x1BFF;
	s21 =	sshll.u32 s6, $0x1;
	s3 =	sadd.s32 s4, s19  }
0x9c: {  	s7 =	simm.s32 $0x0;
	s20 =	sshll.u32 s5, $0x1;
	s5 =	sadd.s32 s21, s3  }
0x9d: {  	[timem:s7], [sflag:s22] =	dma.local [hbm:s5], s20  }
0x9e: {  	_ =	swait.ge [sflag:s22], s20  }
0x9f: {  	s4 =	ssub.s32 $0x0, s20;
	[sflag:s22] =	ssyncset.done $0x0  }
0xa0: {  	[sflag:s22] =	ssyncadd.s32 s4;
	_ =	sdelay $0x1  }
0xa1: {  	s23 =	simm.s32 $0x1B8B  }
0xa2: {  	_ =	swait.ge [sflag:s23], $0x1  }
0xa3: {  	[sflag:s23] =	ssyncset.done $0x0  }
0xa4: {  	s25 =	simm.s32 $0x1B8E;
	s24 =	sld [smem:$0x3FFE];
	[sflag:s23] =	ssyncadd.s32 $0xFFFFFFFF  }
0xa5: {  	s26 =	simm.s32 $execute0_lowered;
	[smem:$0x3FD2] =	sst s25  }
0xa6: {  	s5 =	sshll.u32 s26, $0x1;
	_ =	strace $0x80000046;
	[dreg:$0x1] =	wrdreg $0xFFFFFFFF  }
0xa7: {  	s28 =	simm.s32 $_size_execute0_lowered;
	s3 =	sadd.s32 s3, s5;
	[dreg:$0x0] =	wrdreg $0x0  }
0xa8: {  	s5 =	sshll.u32 s28, $0x1;
	[dreg:$0x2] =	wrdreg s3  }
0xa9: {  	[dreg:$0x3] =	wrdreg s5  }
0xaa: {  	[dreg:$0x4] =	wrdreg $0xC0  }
0xab: {  	_ =	task [dreg:s7], $0x5FFFF  }
0xac: {  	[dreg:$0x1] =	wrdreg $0xFFFFFFFF  }
0xad: {  	[dreg:$0x0] =	wrdreg $0x60  }
0xae: {  	[dreg:$0x2] =	wrdreg s2  }
0xaf: {  	[dreg:$0x3] =	wrdreg s24  }
0xb0: {  	[dreg:$0x4] =	wrdreg $0x9  }
0xb1: {  	_ =	task.clear_ibuf [dreg:s7], $0x5FFFF;
	_ =	strace $0x90000046  }
0xb2: {  	s29 =	simm.s32 $0x9;
	_ =	strace $0x80000048  }
0xb3: {  	_ =	swait.ge [sflag:s29], $0x1  }
0xb4: {  	[sflag:s29] =	ssyncadd.s32 $0xFFFFFFFF  }
0xb5: {  	_ =	strace $0x90000048  }
0xb6: {  	_ =	sfence  }
0xb7: {  	s30 =	sld [smem:$0x0];
	_ =	sdelay $0x2  }
0xb8: {  	s31 =	sshll.u32 s1, $0xD;
	s1 =	sshrl.u32 s1, $0x2  }
0xb9: {  	s3 =	sand.u32 $0x4000, s31;
	s1 =	sadd.s32 s1, s30  }
0xba: {  	s0 =	sor.u32 s3, s0;
	s1 =	sshll.u32 s1, $0x11  }
0xbb: {  	s0 =	sor.u32 s1, s0  }
0xbc: {  	s0 =	sadd.s32 $0x8F2B, s0  }
0xbd: {  	[sflag:s0] =	ssyncadd.remote.s32 $0x1  }
0xbe: {  	_ =	sfence.sel $0xFFFF  }
0xbf: {  	[dreg:$0x0] =	wrdreg $0xFFFFFFFF;
	(pc) =	sbr.abs _section_cstart, $3  }
0xc0: {  	[dreg:$0x1] =	wrdreg $0xFFFFFFFF  }
0xc1: {  	_ =	task.clear_ibuf [dreg:s7], $0x2FFFF;
	_ =	strace $0x9FFFFFFF  }
0xc2: {  	(tm) =	ssettm $0x7FFFFFFF  }
0xc3: {  	_ =	shalt  }
tec
execute0_lowered:
.L_overlay_start_1:
0x0: {  	(tag) =	ssettag $0x1  }
0x1: {  	s1 =	rddreg [dreg:$0x0]  }
0x2: {  	s4 =	rddreg [dreg:$0x1]  }
0x3: {  	s0 =	rddreg [dreg:$0x2]  }
0x4: {  	s3 =	simm.s32 $0x0;
	s5 =	srdreg.scid;
	s2 =	stileid.u32  }
0x5: {  	s9 =	simm.s32 $0x4800;
	s10 =	simm.s32 $0x5000;
	s11 =	simm.s32 $0x5800  }
0x6: {  	s12 =	simm.s32 $0x6000;
	s13 =	simm.s32 $0x0;
	[smem:$0x7FF] =	sst s3  }
0x7: {  	s5 =	sand.u32 $0x1, s5;
	s6 =	sshll.u32 s2, $0xC;
	s8 =	smul.u32 $0x4E200, s2  }
0x8: {  	_ =	strace $0x80000047;
	s7 =	sshll.u32 s5, $0xB;
	s29 =	ssub.s32 $0x2, s5  }
0x9: {  	s5 =	smul.u32 $0x27100, s5;
	s6 =	sor.u32 s7, s6;
	s30 =	sshrl.u32 s29, $0x1  }
0xa: {  	v2 =	vlaneseq.u32;
	s8 =	sadd.s32 s8, s4;
	s6 =	sadd.s32 s6, s4;
	s7 =	ssub.s32 s29, s30  }
0xb: {  	vm0 =	vmmov $0xffff;
	v1 =	vshrl.u32 v2, $0x3;
	s31 =	sadd.s32 s5, s8;
	s8 =	simm.s32 $0x4000;
	s4 =	sadd.s32 $0xBC00, s6  }
0xc: {  	v0 =	vand.u32 $0x7, v2;
	v2 =	vor.u32 $0x8, v2;
	v1 =	vmul.u32 $0x8, v1;
	s5 =	smax.u32 s7, $0x1;
	s6 =	sadd.s32 $0x32600, s31;
	s7 =	simm.s32 $0x1  }
.LBB2_1:
0xd: {  	[tilespmem:s3], [sflag:$0x1] =	stream.linear.gather [hbm4b:s4+s3], $0x3E80, $0x38;
	[tilespmem:$0x6800] =	vst v63  }
0xe: {  	_ =	swait.ge [sflag:s7], $0x3E80  }
0xf: {  	[sflag:s7] =	ssyncset.done $0x0  }
0x10: {  	s14 =	simm.s32 $0x20;
	s15 =	simm.s32 $0x0;
	[sflag:s7] =	ssyncadd.s32 $0xFFFFC180  }
.LBB2_2:
0x11: {  	v3 =	vld [tilespmem:s14+$0xFFFFFFE0];
	_ =	sdelay $0x4  }
0x12: {  	v4 =	vshll.u32 v3, $0x1  }
0x13: {  	v3 =	vand.u32 $0x7, v3;
	v4 =	vand.u32 $0xFFFFFFF0, v4  }
0x14: {  	v3 =	vor.u32 v3, v4  }
0x15: {  	v4 =	vperm.xlane v3, v0;
	_ =	sdelay $0x1  }
0x16: {  	v3 =	vperm.xlane v3, v2;
	v4 =	vadd.s32 v1, v4;
	_ =	sdelay $0x1  }
0x17: {  	v3 =	vadd.s32 v1, v3;
	_ =	sdelay $0x2  }
0x18: {  	[tilespmem:s8], [sflag:$0x1] =	stream.indirect_vreg.gather [hbm4b:s1+s3], $0x80, v4, vm0, $0xb8;
	[tilespmem:$0x6800] =	vst v63  }
0x19: {  	_ = 	snop  }
0x1a: {  	[tilespmem:s9], [sflag:$0x1] =	stream.indirect_vreg.gather [hbm4b:s1+s3], $0x80, v3, vm0, $0xb8;
	[tilespmem:$0x6800] =	vst v63  }
0x1b: {  	v3 =	vld [tilespmem:s14+$0xFFFFFFF0];
	_ =	sdelay $0x4  }
0x1c: {  	v62 =	vshll.u32 v3, $0x1  }
0x1d: {  	v3 =	vand.u32 $0x7, v3;
	v4 =	vand.u32 $0xFFFFFFF0, v62  }
0x1e: {  	v3 =	vor.u32 v3, v4  }
0x1f: {  	v4 =	vperm.xlane v3, v0;
	_ =	sdelay $0x1  }
0x20: {  	v3 =	vperm.xlane v3, v2;
	v4 =	vadd.s32 v1, v4;
	_ =	sdelay $0x1  }
0x21: {  	v3 =	vadd.s32 v1, v3;
	_ =	sdelay $0x2  }
0x22: {  	[tilespmem:s10], [sflag:$0x1] =	stream.indirect_vreg.gather [hbm4b:s1+s3], $0x80, v4, vm0, $0xb8;
	[tilespmem:$0x6800] =	vst v63  }
0x23: {  	_ = 	snop  }
0x24: {  	[tilespmem:s11], [sflag:$0x1] =	stream.indirect_vreg.gather [hbm4b:s1+s3], $0x80, v3, vm0, $0xb8;
	[tilespmem:$0x6800] =	vst v63  }
0x25: {  	v3 =	vld.msk [tilespmem:s14+$0x0], $0xff;
	_ =	sdelay $0x4  }
0x26: {  	v63 =	vshll.u32 v3, $0x1  }
0x27: {  	v3 =	vand.u32 $0x7, v3;
	v4 =	vand.u32 $0xFFFFFFF0, v63  }
0x28: {  	v3 =	vor.u32 v3, v4  }
0x29: {  	v3 =	vperm.xlane v3, v0;
	_ =	sdelay $0x1  }
0x2a: {  	v3 =	vadd.s32 v1, v3;
	_ =	sdelay $0x4  }
0x2b: {  	[tilespmem:s12], [sflag:$0x1] =	stream.indirect_vreg.gather [hbm4b:s1+s3], $0x80, v3, vm0, $0xb8;
	[tilespmem:$0x6800] =	vst v63  }
0x2c: {  	_ =	swait.ge [sflag:s7], $0x2800  }
0x2d: {  	p0 =	sne.s32 s15, $0x26C00;
	[sflag:s7] =	ssyncset.done $0x0  }
.Ltmp0:
0x2e: {  	s16 =	sadd.s32 s15, s6;
	[sflag:s7] =	ssyncadd.s32 $0xFFFFD800;
	(pc) =	sbr.rel @p0 .LBB2_2-.Ltmp0, $4  }
0x2f: {  	[hbm4b:s16+s3] =	stream.linear.scatter [tilespmem:s8], [sflag:$0x1], $0x2800, $0x38;
	[tilespmem:$0x6800] =	vst v63  }
0x30: {  	_ =	swait.ge [sflag:s7], $0x2800  }
0x31: {  	[sflag:s7] =	ssyncset.done $0x0  }
0x32: {  	s15 =	sadd.s32 $0x500, s15;
	s14 =	sadd.s32 $0x80, s14;
	[sflag:s7] =	ssyncadd.s32 $0xFFFFD800  }
0x33: {  	s13 =	sadd.s32 $0x1, s13  }
0x34: {  	p0 =	sne.s32 s13, s5  }
.Ltmp1:
0x35: {  	_ = 	snop;
	(pc) =	sbr.rel @p0 .LBB2_1-.Ltmp1, $1  }
0x36: {  	_ =	sdelay $0x3  }
0x37: {  	_ =	sfence.sel $0x180000  }
0x38: {  	[bflag:$0x0] =	sbarrier.arrive $0xFFFF  }
0x39: {  	p0 =	sne.s32 s2, $0x0;
	_ =	strace $0x90000047  }
0x3a: {  	s0 =	sadd.s32 @!p0 $0x100000, s0;
	[bflag:$0x2] =	sbarrier.arrive $0xFFFF  }
0x3b: {  	[sflag:s0] =	ssyncadd.tile.s32 @!p0 $0x1;
	_ =	shalt  }
.Lfunc_end2:
_tile_overlayer_lowered:
.L_overlay_start_2:
0x3c: {  	(tag) =	ssettag $0x2  }
0x3d: {  	s0 =	rddreg [dreg:$0x0];
	s2 =	stileid.u32  }
0x3e: {  	s1 =	rddreg [dreg:$0x1];
	p0 =	sne.s32 s2, $0x0  }
0x3f: {  	s3 =	rddreg [dreg:$0x2];
	[bflag:$0x3] =	sbarrier.arrive $0xFFFF;
	s2 =	simm.s32 @!p0 $0x1C01  }
0x40: {  	[timem:s3], [sflag:s2] =	dma.local @!p0 [hbm:s0], s1  }
0x41: {  	s0 =	simm.s32 @!p0 $0x1  }
0x42: {  	_ =	swait.ge @!p0 [sflag:s0], s1  }
0x43: {  	s1 =	ssub.s32 @!p0 $0x0, s1;
	[sflag:s0] =	ssyncset.done @!p0 $0x0  }
0x44: {  	[sflag:s0] =	ssyncadd.s32 @!p0 s1  }
0x45: {  	[bflag:$0x3] =	sbarrier.arrive $0xFFFF  }
0x46: {  	_ =	shalt  }

// kernel: kernel.20.cloned.1.call-start
scs
__scs_entry_jumppad:
0x0: {  	(pc) =	sbr.rel $0x88, $3  }
0x1: {  	(tag) =	ssettag $0x0;
	lr =	simm.s32 $0x1  }
0x2: {  	[smem:$0x3F72] =	sst lr;
	_ =	strace $0xD0000000  }
0x3: {  	_ = 	snop  }
0x4: {  	_ = 	snop  }
0x5: {  	_ = 	snop  }
0x6: {  	_ = 	snop  }
0x7: {  	_ = 	snop  }
__scs_overlays_trampoline_lowered:
0x8: {  	[smem:$0x3F81] =	sst s0  }
0x9: {  	[smem:$0x3F82] =	sst s1  }
0xa: {  	[smem:$0x3F83] =	sst s2  }
0xb: {  	[smem:$0x3F84] =	sst s3  }
0xc: {  	[smem:$0x3F85] =	sst s4  }
0xd: {  	[smem:$0x3F86] =	sst s5  }
0xe: {  	[smem:$0x3F87] =	sst s6  }
0xf: {  	[smem:$0x3F88] =	sst s7  }
0x10: {  	[smem:$0x3F89] =	sst s8  }
0x11: {  	[smem:$0x3F8A] =	sst s9;
	s0 =	simm.s32 @!p0 $0x0  }
0x12: {  	s1 =	sld [smem:$0x3F70];
	s0 =	simm.s32 @p0 $0x1  }
0x13: {  	[smem:$0x3F8B] =	sst s0;
	s0 =	simm.s32 @!p1 $0x0  }
0x14: {  	s2 =	sld [smem:$0x3F6F];
	s0 =	simm.s32 @p1 $0x1  }
0x15: {  	[smem:$0x3F8C] =	sst s0;
	s0 =	simm.s32 @!p2 $0x0  }
0x16: {  	s3 =	sld [smem:$0x3FDB];
	s0 =	simm.s32 @p2 $0x1  }
0x17: {  	s4 =	simm.s32 $0x1BF5;
	[smem:$0x3F8E] =	sst s0  }
0x18: {  	s0 =	sld [smem:$0x3F71];
	_ =	swait.ge [sflag:s4], $0x0  }
0x19: {  	s7 =	sld [smem:$0x3F72]  }
0x1a: {  	s8 =	sadd.s32 $0xFFFFE003, lr  }
0x1b: {  	s9 =	sadd.s32 $0xFFFFFEF7, lr;
	s5 =	simm.s32 $0xFFFFFFFF;
	p2 =	slt.u32 s8, $0xFFFFF086  }
0x1c: {  	p1 =	slt.u32 s9, $0xF7A;
	s5 =	simm.s32 @!p2 $0x0  }
0x1d: {  	s5 =	simm.s32 @p1 $0x1;
	p0 =	seq.s32 s7, s2  }
0x1e: {  	s7 =	smul.u32 @!p0 $0xF7A, s2;
	p2 =	seq.s32 @!p0 s5, $0x0  }
0x1f: {  	s9 =	smul.u32 $0xF7A, s1;
	s8 =	simm.s32 @!p0 $0x1BF5;
	p2 =	por !p2, p0  }
0x20: {  	[sflag:s8] =	ssyncset.s32 @!p0 $0xFFFFF086;
	s6 =	sadd.s32 @!p0 s3, s7;
	s7 =	simm.s32 @!p0 $0x108  }
0x21: {  	s3 =	sadd.s32 s3, s9;
	s6 =	sadd.s32 @!p0 $0x88, s6;
	s7 =	simm.s32 @p2 $0x1082  }
0x22: {  	[simem:s7], [sflag:s8] =	dma.local @!p0 [hbm:s6], $0xF7A  }
0x23: {  	s9 =	sor.u32 $0xD0000000, s2;
	s6 =	simm.s32 $0x108;
	_ =	swait.ge @!p0 [sflag:s8], $0x0  }
0x24: {  	s3 =	sadd.s32 $0x88, s3;
	s6 =	simm.s32 @!p1 $0x1082;
	[sflag:s4] =	ssyncset.s32 $0xFFFFF086  }
0x25: {  	[simem:s6], [sflag:s4] =	dma.local [hbm:s3], $0xF7A  }
0x26: {  	[smem:$0x3F72] =	sst s1;
	(tag) =	ssettag s2;
	_ =	strace s9  }
0x27: {  	s1 =	sld [smem:$0x3F82]  }
0x28: {  	s2 =	sld [smem:$0x3F83]  }
0x29: {  	s4 =	sld [smem:$0x3F85]  }
0x2a: {  	p0 =	seq.s32 s5, $0x0;
	s5 =	sld [smem:$0x3F86]  }
0x2b: {  	s6 =	sld [smem:$0x3F87]  }
0x2c: {  	s7 =	sld [smem:$0x3F88]  }
0x2d: {  	s3 =	simm.s32 $0x108;
	s8 =	sld [smem:$0x3F89]  }
0x2e: {  	s3 =	simm.s32 @!p0 $0x1082;
	s9 =	sld [smem:$0x3F8A]  }
0x2f: {  	lr =	sadd.s32 s0, s3;
	s0 =	sld [smem:$0x3F81]  }
0x30: {  	s3 =	sld [smem:$0x3F84]  }
0x31: {  	[smem:$0x3F8D] =	sst s10  }
0x32: {  	s10 =	sld [smem:$0x3F8B];
	_ =	sdelay $0x3  }
0x33: {  	p0 =	seq.s32 s10, $0x1;
	s10 =	sld [smem:$0x3F8D];
	_ =	sdelay $0x3  }
0x34: {  	[smem:$0x3F8D] =	sst s10  }
0x35: {  	s10 =	sld [smem:$0x3F8C];
	_ =	sdelay $0x3  }
0x36: {  	p1 =	seq.s32 s10, $0x1;
	s10 =	sld [smem:$0x3F8D];
	_ =	sdelay $0x3  }
0x37: {  	[smem:$0x3F8D] =	sst s10  }
0x38: {  	s10 =	sld [smem:$0x3F8E]  }
0x39: {  	_ = 	snop;
	(pc) =	sbr.ind lr, $3  }
0x3a: {  	_ = 	snop  }
0x3b: {  	_ = 	snop  }
0x3c: {  	p2 =	seq.s32 s10, $0x1;
	s10 =	sld [smem:$0x3F8D]  }
0x3d: {  	_ =	shalt  }
0x3e: {  	_ =	shalt  }
0x3f: {  	_ =	shalt  }
0x40: {  	_ =	shalt  }
0x41: {  	_ =	shalt  }
0x42: {  	_ =	shalt  }
0x43: {  	_ =	shalt  }
0x44: {  	_ =	shalt  }
0x45: {  	_ =	shalt  }
0x46: {  	_ =	shalt  }
0x47: {  	_ =	shalt  }
0x48: {  	_ =	shalt  }
0x49: {  	_ =	shalt  }
0x4a: {  	_ =	shalt  }
0x4b: {  	_ =	shalt  }
0x4c: {  	_ =	shalt  }
0x4d: {  	_ =	shalt  }
0x4e: {  	_ =	shalt  }
0x4f: {  	_ =	shalt  }
0x50: {  	_ =	shalt  }
0x51: {  	_ =	shalt  }
0x52: {  	_ =	shalt  }
0x53: {  	_ =	shalt  }
0x54: {  	_ =	shalt  }
0x55: {  	_ =	shalt  }
0x56: {  	_ =	shalt  }
0x57: {  	_ =	shalt  }
0x58: {  	_ =	shalt  }
0x59: {  	_ =	shalt  }
0x5a: {  	_ =	shalt  }
0x5b: {  	_ =	shalt  }
0x5c: {  	_ =	shalt  }
0x5d: {  	_ =	shalt  }
0x5e: {  	_ =	shalt  }
0x5f: {  	_ =	shalt  }
0x60: {  	_ =	shalt  }
0x61: {  	_ =	shalt  }
0x62: {  	_ =	shalt  }
0x63: {  	_ =	shalt  }
0x64: {  	_ =	shalt  }
0x65: {  	_ =	shalt  }
0x66: {  	_ =	shalt  }
0x67: {  	_ =	shalt  }
0x68: {  	_ =	shalt  }
0x69: {  	_ =	shalt  }
0x6a: {  	_ =	shalt  }
0x6b: {  	_ =	shalt  }
0x6c: {  	_ =	shalt  }
0x6d: {  	_ =	shalt  }
0x6e: {  	_ =	shalt  }
0x6f: {  	_ =	shalt  }
0x70: {  	_ =	shalt  }
0x71: {  	_ =	shalt  }
0x72: {  	_ =	shalt  }
0x73: {  	_ =	shalt  }
0x74: {  	_ =	shalt  }
0x75: {  	_ =	shalt  }
0x76: {  	_ =	shalt  }
0x77: {  	_ =	shalt  }
0x78: {  	_ =	shalt  }
0x79: {  	_ =	shalt  }
0x7a: {  	_ =	shalt  }
0x7b: {  	_ =	shalt  }
0x7c: {  	_ =	shalt  }
0x7d: {  	_ =	shalt  }
0x7e: {  	_ =	shalt  }
0x7f: {  	_ =	shalt  }
0x80: {  	_ =	shalt  }
0x81: {  	_ =	shalt  }
0x82: {  	_ =	shalt  }
0x83: {  	_ =	shalt  }
0x84: {  	_ =	shalt  }
0x85: {  	_ =	shalt  }
0x86: {  	_ =	shalt  }
0x87: {  	_ =	shalt  }
.Lfunc_end0:
.L_simem_size_0:
called_computation.1_lowered:
.L_overlay_start_0:
0x88: {  	s2 =	sld [smem:$0x3FD9]  }
0x89: {  	s3 =	sld [smem:$0x3FFE];
	_ =	sdelay $0x1  }
0x8a: {  	s1 =	srdreg.scid  }
0x8b: {  	s0 =	sand.u32 $0x1, s1  }
0x8c: {  	s16 =	sshll.u32 s0, $0xA;
	s2 =	sadd.s32 s3, s2  }
0x8d: {  	s2 =	sadd.s32 s2, s16  }
0x8e: {  	[smem:$0x3F99] =	sst s2  }
0x8f: {  	_ = 	snop  }
0x90: {  	(tm) =	ssettm $0x1  }
0x91: {  	s17 =	sld [smem:$0x3FFB];
	_ =	sdelay $0x3  }
0x92: {  	_ =	strace s17  }
0x93: {  	s2 =	sld [smem:$0x3FFC];
	_ =	sdelay $0x3  }
0x94: {  	_ =	strace s2  }
0x95: {  	s2 =	sld [smem:$0x3FFD];
	_ =	sdelay $0x3  }
0x96: {  	_ =	strace s2  }
0x97: {  	_ =	strace $0x8FFFFFFF  }
0x98: {  	s18 =	sld [smem:$0x3FDB];
	_ =	sdelay $0x1  }
0x99: {  	s19 =	simm.s32 $_scs_section_size  }
0x9a: {  	s4 =	simm.s32 $_size__tile_overlayer_lowered;
	s5 =	simm.s32 $_tile_overlayer_lowered  }
0x9b: {  	s22 =	simm.s32 $0x1BFF;
	s21 =	sshll.u32 s5, $0x1;
	s2 =	sadd.s32 s19, s18  }
0x9c: {  	s6 =	simm.s32 $0x0;
	s20 =	sshll.u32 s4, $0x1;
	s4 =	sadd.s32 s21, s2  }
0x9d: {  	[timem:s6], [sflag:s22] =	dma.local [hbm:s4], s20  }
0x9e: {  	_ =	swait.ge [sflag:s22], s20  }
0x9f: {  	s3 =	ssub.s32 $0x0, s20;
	[sflag:s22] =	ssyncset.done $0x0  }
0xa0: {  	[sflag:s22] =	ssyncadd.s32 s3;
	_ =	sdelay $0x1  }
0xa1: {  	s23 =	simm.s32 $0x1B8B  }
0xa2: {  	_ =	swait.ge [sflag:s23], $0x1  }
0xa3: {  	[sflag:s23] =	ssyncset.done $0x0  }
0xa4: {  	s25 =	simm.s32 $0x1B8E;
	s24 =	sld [smem:$0x3FFE];
	[sflag:s23] =	ssyncadd.s32 $0xFFFFFFFF  }
0xa5: {  	s26 =	simm.s32 $execute0_lowered;
	[smem:$0x3FD2] =	sst s25  }
0xa6: {  	s4 =	sshll.u32 s26, $0x1;
	_ =	strace $0x80000049;
	[dreg:$0x1] =	wrdreg $0xFFFFFFFF  }
0xa7: {  	s28 =	simm.s32 $_size_execute0_lowered;
	s2 =	sadd.s32 s2, s4;
	[dreg:$0x0] =	wrdreg $0x0  }
0xa8: {  	s4 =	sshll.u32 s28, $0x1;
	[dreg:$0x2] =	wrdreg s2  }
0xa9: {  	[dreg:$0x3] =	wrdreg s4  }
0xaa: {  	[dreg:$0x4] =	wrdreg $0xC0  }
0xab: {  	_ =	task [dreg:s6], $0x5FFFF  }
0xac: {  	[dreg:$0x1] =	wrdreg $0xFFFFFFFF  }
0xad: {  	[dreg:$0x0] =	wrdreg $0x60  }
0xae: {  	[dreg:$0x2] =	wrdreg s24  }
0xaf: {  	[dreg:$0x3] =	wrdreg $0x68000  }
0xb0: {  	[dreg:$0x4] =	wrdreg $0x9  }
0xb1: {  	_ =	task.clear_ibuf [dreg:s6], $0x5FFFF;
	_ =	strace $0x90000049  }
0xb2: {  	s29 =	simm.s32 $0x9;
	_ =	strace $0x8000004B  }
0xb3: {  	_ =	swait.ge [sflag:s29], $0x1  }
0xb4: {  	[sflag:s29] =	ssyncadd.s32 $0xFFFFFFFF  }
0xb5: {  	_ =	strace $0x9000004B  }
0xb6: {  	_ =	sfence  }
0xb7: {  	s30 =	sld [smem:$0x0];
	_ =	sdelay $0x2  }
0xb8: {  	s31 =	sshll.u32 s1, $0xD;
	s1 =	sshrl.u32 s1, $0x2  }
0xb9: {  	s3 =	sand.u32 $0x4000, s31;
	s1 =	sadd.s32 s1, s30  }
0xba: {  	s0 =	sor.u32 s3, s0;
	s1 =	sshll.u32 s1, $0x11  }
0xbb: {  	s0 =	sor.u32 s1, s0  }
0xbc: {  	s0 =	sadd.s32 $0x8F2B, s0  }
0xbd: {  	[sflag:s0] =	ssyncadd.remote.s32 $0x1  }
0xbe: {  	_ =	sfence.sel $0xFFFF  }
0xbf: {  	[dreg:$0x0] =	wrdreg $0xFFFFFFFF;
	(pc) =	sbr.abs _section_cstart, $3  }
0xc0: {  	[dreg:$0x1] =	wrdreg $0xFFFFFFFF  }
0xc1: {  	_ =	task.clear_ibuf [dreg:s6], $0x2FFFF;
	_ =	strace $0x9FFFFFFF  }
0xc2: {  	(tm) =	ssettm $0x7FFFFFFF  }
0xc3: {  	_ =	shalt  }
tec
execute0_lowered:
.L_overlay_start_1:
0x0: {  	(tag) =	ssettag $0x1  }
0x1: {  	s17 =	rddreg [dreg:$0x0]  }
0x2: {  	s1 =	rddreg [dreg:$0x1]  }
0x3: {  	s0 =	rddreg [dreg:$0x2];
	s3 =	simm.s32 $0x0  }
0x4: {  	s2 =	stileid.u32;
	s4 =	srdreg.scid;
	s23 =	simm.s32 $0x0  }
0x5: {  	[smem:$0x7FF] =	sst s3;
	s19 =	sadd.s32 $0x78D600, s17;
	s5 =	smul.u32 $0x4E000, s2  }
0x6: {  	s18 =	sadd.s32 $0x9FE600, s17;
	s6 =	sshll.u32 s2, $0xB;
	s22 =	sand.u32 $0x1, s4  }
0x7: {  	s7 =	smul.u32 $0x2700, s2;
	s12 =	sadd.s32 $0x138000, s1;
	s15 =	sadd.s32 $0x59600, s17  }
0x8: {  	s21 =	smul.u32 $0x27100, s2;
	p1 =	sne.s32 s2, $0xF;
	_ =	strace $0x8000004A  }
0x9: {  	s8 =	ssub.s32 $0x2, s22;
	s13 =	sadd.s32 s6, s17;
	p0 =	seq.s32 s22, $0x1  }
0xa: {  	p2 =	sne.s32 s22, $0x0;
	s22 =	simm.s32 $0x50;
	s30 =	sshrl.u32 s5, $0x2  }
0xb: {  	s31 =	sshrl.u32 s8, $0x1;
	s16 =	sadd.s32 s7, s17;
	s13 =	sadd.s32 $0x785600, s13  }
0xc: {  	s17 =	sadd.s32 $0x80800, s17;
	s19 =	smov.u32 @p0 s18;
	p3 =	sne.s32 @!p2 s2, $0xF  }
0xd: {  	p4 =	sne.s32 @p0 s2, $0xF;
	s4 =	sadd.s32 s30, s1;
	s20 =	ssub.s32 s8, s31  }
0xe: {  	s14 =	sadd.s32 $0x32600, s16;
	s16 =	sadd.s32 $0x59800, s16;
	s19 =	sadd.s32 s21, s19  }
0xf: {  	s21 =	simm.s32 $0x1;
	p3 =	por p3, p2;
	p4 =	por p4, !p0  }
0x10: {  	s5 =	sadd.s32 $0x2800, s4;
	s6 =	sadd.s32 $0x5000, s4;
	s7 =	sadd.s32 $0x7800, s4  }
0x11: {  	s8 =	sadd.s32 $0xA000, s4;
	s9 =	sadd.s32 $0xC800, s4;
	s10 =	sadd.s32 $0xF000, s4  }
0x12: {  	v0 =	vimm.f32 $0.0e+00;
	s11 =	sadd.s32 $0x11800, s4;
	s18 =	smax.u32 s20, $0x1;
	s20 =	simm.s32 $0x4000  }
.LBB2_1:
0x13: {  	s24 =	simm.s32 $0x0;
	s25 =	simm.s32 $0x200  }
.LBB2_2:
0x14: {  	p5 =	sne.s32 s25, $0x9E00;
	[tilespmem:s24+$0x4070] =	vst v0  }
0x15: {  	[tilespmem:s24+$0x4000] =	vst v0  }
0x16: {  	[tilespmem:s24+$0x4010] =	vst v0  }
.Ltmp0:
0x17: {  	[tilespmem:s24+$0x4020] =	vst v0;
	(pc) =	sbr.rel @p5 .LBB2_2-.Ltmp0, $4  }
0x18: {  	[tilespmem:s24+$0x4030] =	vst v0  }
0x19: {  	[tilespmem:s24+$0x4040] =	vst v0  }
0x1a: {  	[tilespmem:s24+$0x4050] =	vst v0  }
0x1b: {  	[tilespmem:s24+$0x4060] =	vst v0;
	s24 =	sshra.s32 s25, $0x2;
	s25 =	sadd.s32 $0x200, s25  }
0x1c: {  	[tilespmem:s24+$0x4070] =	vst v0  }
0x1d: {  	[tilespmem:s24+$0x4000] =	vst v0  }
0x1e: {  	[tilespmem:s24+$0x4010] =	vst v0  }
0x1f: {  	[tilespmem:s24+$0x4020] =	vst v0  }
0x20: {  	[tilespmem:s24+$0x4030] =	vst v0  }
0x21: {  	[tilespmem:s24+$0x4040] =	vst v0  }
0x22: {  	[tilespmem:s24+$0x4050] =	vst v0  }
0x23: {  	[tilespmem:s24+$0x4060] =	vst v0  }
0x24: {  	[spmem:s4] =	stream.linear.scatter [tilespmem:s20], [sflag:$0x1], $0x2800, $0x38;
	[tilespmem:$0x1A0C0] =	vst v63  }
0x25: {  	_ =	swait.ge [sflag:s21], $0x2800  }
0x26: {  	[sflag:s21] =	ssyncset.done $0x0  }
0x27: {  	[sflag:s21] =	ssyncadd.s32 $0xFFFFD800  }
0x28: {  	[spmem:s5] =	stream.linear.scatter [tilespmem:s20], [sflag:$0x1], $0x2800, $0x38;
	[tilespmem:$0x1A0C0] =	vst v63  }
0x29: {  	_ =	swait.ge [sflag:s21], $0x2800  }
0x2a: {  	[sflag:s21] =	ssyncset.done $0x0  }
0x2b: {  	[sflag:s21] =	ssyncadd.s32 $0xFFFFD800  }
0x2c: {  	[spmem:s6] =	stream.linear.scatter [tilespmem:s20], [sflag:$0x1], $0x2800, $0x38;
	[tilespmem:$0x1A0C0] =	vst v63  }
0x2d: {  	_ =	swait.ge [sflag:s21], $0x2800  }
0x2e: {  	[sflag:s21] =	ssyncset.done $0x0  }
0x2f: {  	[sflag:s21] =	ssyncadd.s32 $0xFFFFD800  }
0x30: {  	[spmem:s7] =	stream.linear.scatter [tilespmem:s20], [sflag:$0x1], $0x2800, $0x38;
	[tilespmem:$0x1A0C0] =	vst v63  }
0x31: {  	_ =	swait.ge [sflag:s21], $0x2800  }
0x32: {  	[sflag:s21] =	ssyncset.done $0x0  }
0x33: {  	[sflag:s21] =	ssyncadd.s32 $0xFFFFD800  }
0x34: {  	[spmem:s8] =	stream.linear.scatter [tilespmem:s20], [sflag:$0x1], $0x2800, $0x38;
	[tilespmem:$0x1A0C0] =	vst v63  }
0x35: {  	_ =	swait.ge [sflag:s21], $0x2800  }
0x36: {  	[sflag:s21] =	ssyncset.done $0x0  }
0x37: {  	[sflag:s21] =	ssyncadd.s32 $0xFFFFD800  }
0x38: {  	[spmem:s9] =	stream.linear.scatter [tilespmem:s20], [sflag:$0x1], $0x2800, $0x38;
	[tilespmem:$0x1A0C0] =	vst v63  }
0x39: {  	_ =	swait.ge [sflag:s21], $0x2800  }
0x3a: {  	[sflag:s21] =	ssyncset.done $0x0  }
0x3b: {  	[sflag:s21] =	ssyncadd.s32 $0xFFFFD800  }
0x3c: {  	[spmem:s10] =	stream.linear.scatter [tilespmem:s20], [sflag:$0x1], $0x2800, $0x38;
	[tilespmem:$0x1A0C0] =	vst v63  }
0x3d: {  	_ =	swait.ge [sflag:s21], $0x2800  }
0x3e: {  	[sflag:s21] =	ssyncset.done $0x0  }
0x3f: {  	[sflag:s21] =	ssyncadd.s32 $0xFFFFD800  }
0x40: {  	[spmem:s11] =	stream.linear.scatter [tilespmem:s20], [sflag:$0x1], $0x2000, $0x38;
	[tilespmem:$0x1A0C0] =	vst v63  }
0x41: {  	_ =	swait.ge [sflag:s21], $0x2000  }
0x42: {  	[sflag:s21] =	ssyncset.done $0x0  }
0x43: {  	s24 =	simm.s32 @!p1 $0x4000;
	[sflag:s21] =	ssyncadd.s32 $0xFFFFE000  }
0x44: {  	[spmem:s12] =	stream.linear.scatter @!p1 [tilespmem:s24], [sflag:$0x1], $0x800, $0x38;
	[tilespmem:$0x1A0C0] =	vst v63  }
0x45: {  	s24 =	simm.s32 @!p1 $0x1  }
0x46: {  	_ =	swait.ge @!p1 [sflag:s24], $0x800  }
0x47: {  	[sflag:s24] =	ssyncset.done @!p1 $0x0  }
0x48: {  	s30 =	simm.s32 $0x0;
	[sflag:s24] =	ssyncadd.s32 @!p1 $0xFFFFF800  }
0x49: {  	[tilespmem:s30], [sflag:$0x1] =	stream.linear.gather [hbm4b:s13+s30], $0x3E80, $0x38;
	[tilespmem:$0x1A0C0] =	vst v63  }
0x4a: {  	_ =	swait.ge [sflag:s21], $0x3E80  }
0x4b: {  	[sflag:s21] =	ssyncset.done $0x0  }
0x4c: {  	[sflag:s21] =	ssyncadd.s32 $0xFFFFC180  }
0x4d: {  	[bflag:$0x0] =	sbarrier.arrive $0xFFFF  }
0x4e: {  	[tilespmem:s20], [sflag:$0x1] =	stream.linear.gather [hbm4b:s19+s3], $0x2800, $0x38;
	[tilespmem:$0x1A0C0] =	vst v63  }
0x4f: {  	_ =	swait.ge [sflag:s21], $0x2800  }
0x50: {  	[sflag:s21] =	ssyncset.done $0x0  }
0x51: {  	s31 =	simm.s32 $0x0;
	[sflag:s21] =	ssyncadd.s32 $0xFFFFD800  }
0x52: {  	[spmem:s1] =	stream.indirect.scatter.add.f32 [tilespmem:s20], [sflag:$0x1], $0x80, s31, s22, $0xb8;
	[tilespmem:$0x1A0C0] =	vst v63  }
0x53: {  	_ =	swait.ge [sflag:s21], $0x2800  }
0x54: {  	s25 =	smov.u32 s19;
	s24 =	simm.s32 $0x200;
	[sflag:s21] =	ssyncset.done $0x0  }
.LBB2_4:
0x55: {  	p5 =	sne.s32 s24, $0xF800;
	[sflag:s21] =	ssyncadd.s32 $0xFFFFD800;
	s25 =	sadd.s32 $0x500, s25  }
0x56: {  	[tilespmem:s20], [sflag:$0x1] =	stream.linear.gather [hbm4b:s25+s3], $0x2800, $0x38;
	[tilespmem:$0x1A0C0] =	vst v63  }
0x57: {  	s26 =	smov.u32 s24;
	s24 =	sadd.s32 $0x200, s24;
	_ =	swait.ge [sflag:s21], $0x2800  }
.Ltmp1:
0x58: {  	[sflag:s21] =	ssyncset.done $0x0;
	(pc) =	sbr.rel @p5 .LBB2_4-.Ltmp1, $4  }
0x59: {  	s26 =	sshra.s32 s26, $0x2;
	[sflag:s21] =	ssyncadd.s32 $0xFFFFD800  }
0x5a: {  	[spmem:s1] =	stream.indirect.scatter.add.f32 [tilespmem:s20], [sflag:$0x1], $0x80, s26, s22, $0xb8;
	[tilespmem:$0x1A0C0] =	vst v63  }
0x5b: {  	_ =	swait.ge [sflag:s21], $0x2800  }
0x5c: {  	[sflag:s21] =	ssyncset.done $0x0  }
0x5d: {  	[sflag:s21] =	ssyncadd.s32 $0xFFFFD800;
	s24 =	sshll.u32 @!p2 s2, $0x6  }
0x5e: {  	s25 =	sshrl.u32 @!p2 s4, $0x3;
	[bflag:$0x0] =	sbarrier.arrive $0xFFFF;
	s24 =	sor.u32 @!p2 $0x1C01, s24  }
0x5f: {  	[hbm:s14], [sflag:s24] =	dma.local @!p2 [spmem:s25], $0x2700  }
0x60: {  	s24 =	simm.s32 @!p2 $0x1  }
0x61: {  	_ =	swait.ge @!p2 [sflag:s24], $0x2700  }
0x62: {  	[sflag:s24] =	ssyncset.done @!p2 $0x0  }
0x63: {  	s25 =	simm.s32 @!p3 $0x1FC1;
	[sflag:s24] =	ssyncadd.s32 @!p2 $0xFFFFD900;
	s24 =	sshrl.u32 @!p3 s12, $0x3  }
0x64: {  	[hbm:s15], [sflag:s25] =	dma.local @!p3 [spmem:s24], $0x100  }
0x65: {  	s24 =	simm.s32 @!p3 $0x1  }
0x66: {  	_ =	swait.ge @!p3 [sflag:s24], $0x100  }
0x67: {  	s25 =	sshll.u32 @p0 s2, $0x6;
	[sflag:s24] =	ssyncset.done @!p3 $0x0  }
0x68: {  	[sflag:s24] =	ssyncadd.s32 @!p3 $0xFFFFFF00;
	s24 =	sor.u32 @p0 $0x1C01, s25;
	s25 =	sshrl.u32 @p0 s4, $0x3  }
0x69: {  	[hbm:s16], [sflag:s24] =	dma.local @p0 [spmem:s25], $0x2700  }
0x6a: {  	s24 =	simm.s32 @p0 $0x1  }
0x6b: {  	s23 =	sadd.s32 $0x1, s23;
	_ =	swait.ge @p0 [sflag:s24], $0x2700  }
0x6c: {  	p5 =	sne.s32 s23, s18;
	[sflag:s24] =	ssyncset.done @p0 $0x0  }
0x6d: {  	s25 =	simm.s32 @!p4 $0x1FC1;
	[sflag:s24] =	ssyncadd.s32 @p0 $0xFFFFD900;
	s24 =	sshrl.u32 @!p4 s12, $0x3  }
0x6e: {  	[hbm:s17], [sflag:s25] =	dma.local @!p4 [spmem:s24], $0x100  }
.Ltmp2:
0x6f: {  	_ = 	snop;
	(pc) =	sbr.rel @p5 .LBB2_1-.Ltmp2, $4  }
0x70: {  	s24 =	simm.s32 @!p4 $0x1  }
0x71: {  	_ =	swait.ge @!p4 [sflag:s24], $0x100  }
0x72: {  	[sflag:s24] =	ssyncset.done @!p4 $0x0  }
0x73: {  	[sflag:s24] =	ssyncadd.s32 @!p4 $0xFFFFFF00  }
0x74: {  	_ =	sfence.sel $0x180000  }
0x75: {  	[bflag:$0x0] =	sbarrier.arrive $0xFFFF  }
0x76: {  	p0 =	sne.s32 s2, $0x0;
	_ =	strace $0x9000004A  }
0x77: {  	s0 =	sadd.s32 @!p0 $0x100000, s0;
	[bflag:$0x2] =	sbarrier.arrive $0xFFFF  }
0x78: {  	[sflag:s0] =	ssyncadd.tile.s32 @!p0 $0x1;
	_ =	shalt  }
.Lfunc_end2:
_tile_overlayer_lowered:
.L_overlay_start_2:
0x79: {  	(tag) =	ssettag $0x2  }
0x7a: {  	s0 =	rddreg [dreg:$0x0];
	s2 =	stileid.u32  }
0x7b: {  	s1 =	rddreg [dreg:$0x1];
	p0 =	sne.s32 s2, $0x0  }
0x7c: {  	s3 =	rddreg [dreg:$0x2];
	[bflag:$0x3] =	sbarrier.arrive $0xFFFF;
	s2 =	simm.s32 @!p0 $0x1C01  }
0x7d: {  	[timem:s3], [sflag:s2] =	dma.local @!p0 [hbm:s0], s1  }
0x7e: {  	s0 =	simm.s32 @!p0 $0x1  }
0x7f: {  	_ =	swait.ge @!p0 [sflag:s0], s1  }
0x80: {  	s1 =	ssub.s32 @!p0 $0x0, s1;
	[sflag:s0] =	ssyncset.done @!p0 $0x0  }
0x81: {  	[sflag:s0] =	ssyncadd.s32 @!p0 s1  }
0x82: {  	[bflag:$0x3] =	sbarrier.arrive $0xFFFF  }
0x83: {  	_ =	shalt  }

// kernel: kernel.23.cloned.1.call-start
scs
__scs_entry_jumppad:
0x0: {  	(pc) =	sbr.rel $0x88, $3  }
0x1: {  	(tag) =	ssettag $0x0;
	lr =	simm.s32 $0x1  }
0x2: {  	[smem:$0x3F72] =	sst lr;
	_ =	strace $0xD0000000  }
0x3: {  	_ = 	snop  }
0x4: {  	_ = 	snop  }
0x5: {  	_ = 	snop  }
0x6: {  	_ = 	snop  }
0x7: {  	_ = 	snop  }
__scs_overlays_trampoline_lowered:
0x8: {  	[smem:$0x3F81] =	sst s0  }
0x9: {  	[smem:$0x3F82] =	sst s1  }
0xa: {  	[smem:$0x3F83] =	sst s2  }
0xb: {  	[smem:$0x3F84] =	sst s3  }
0xc: {  	[smem:$0x3F85] =	sst s4  }
0xd: {  	[smem:$0x3F86] =	sst s5  }
0xe: {  	[smem:$0x3F87] =	sst s6  }
0xf: {  	[smem:$0x3F88] =	sst s7  }
0x10: {  	[smem:$0x3F89] =	sst s8  }
0x11: {  	[smem:$0x3F8A] =	sst s9;
	s0 =	simm.s32 @!p0 $0x0  }
0x12: {  	s1 =	sld [smem:$0x3F70];
	s0 =	simm.s32 @p0 $0x1  }
0x13: {  	[smem:$0x3F8B] =	sst s0;
	s0 =	simm.s32 @!p1 $0x0  }
0x14: {  	s2 =	sld [smem:$0x3F6F];
	s0 =	simm.s32 @p1 $0x1  }
0x15: {  	[smem:$0x3F8C] =	sst s0;
	s0 =	simm.s32 @!p2 $0x0  }
0x16: {  	s3 =	sld [smem:$0x3FDB];
	s0 =	simm.s32 @p2 $0x1  }
0x17: {  	s4 =	simm.s32 $0x1BF5;
	[smem:$0x3F8E] =	sst s0  }
0x18: {  	s0 =	sld [smem:$0x3F71];
	_ =	swait.ge [sflag:s4], $0x0  }
0x19: {  	s7 =	sld [smem:$0x3F72]  }
0x1a: {  	s8 =	sadd.s32 $0xFFFFE003, lr  }
0x1b: {  	s9 =	sadd.s32 $0xFFFFFEF7, lr;
	s5 =	simm.s32 $0xFFFFFFFF;
	p2 =	slt.u32 s8, $0xFFFFF086  }
0x1c: {  	p1 =	slt.u32 s9, $0xF7A;
	s5 =	simm.s32 @!p2 $0x0  }
0x1d: {  	s5 =	simm.s32 @p1 $0x1;
	p0 =	seq.s32 s7, s2  }
0x1e: {  	s7 =	smul.u32 @!p0 $0xF7A, s2;
	p2 =	seq.s32 @!p0 s5, $0x0  }
0x1f: {  	s9 =	smul.u32 $0xF7A, s1;
	s8 =	simm.s32 @!p0 $0x1BF5;
	p2 =	por !p2, p0  }
0x20: {  	[sflag:s8] =	ssyncset.s32 @!p0 $0xFFFFF086;
	s6 =	sadd.s32 @!p0 s3, s7;
	s7 =	simm.s32 @!p0 $0x108  }
0x21: {  	s3 =	sadd.s32 s3, s9;
	s6 =	sadd.s32 @!p0 $0x88, s6;
	s7 =	simm.s32 @p2 $0x1082  }
0x22: {  	[simem:s7], [sflag:s8] =	dma.local @!p0 [hbm:s6], $0xF7A  }
0x23: {  	s9 =	sor.u32 $0xD0000000, s2;
	s6 =	simm.s32 $0x108;
	_ =	swait.ge @!p0 [sflag:s8], $0x0  }
0x24: {  	s3 =	sadd.s32 $0x88, s3;
	s6 =	simm.s32 @!p1 $0x1082;
	[sflag:s4] =	ssyncset.s32 $0xFFFFF086  }
0x25: {  	[simem:s6], [sflag:s4] =	dma.local [hbm:s3], $0xF7A  }
0x26: {  	[smem:$0x3F72] =	sst s1;
	(tag) =	ssettag s2;
	_ =	strace s9  }
0x27: {  	s1 =	sld [smem:$0x3F82]  }
0x28: {  	s2 =	sld [smem:$0x3F83]  }
0x29: {  	s4 =	sld [smem:$0x3F85]  }
0x2a: {  	p0 =	seq.s32 s5, $0x0;
	s5 =	sld [smem:$0x3F86]  }
0x2b: {  	s6 =	sld [smem:$0x3F87]  }
0x2c: {  	s7 =	sld [smem:$0x3F88]  }
0x2d: {  	s3 =	simm.s32 $0x108;
	s8 =	sld [smem:$0x3F89]  }
0x2e: {  	s3 =	simm.s32 @!p0 $0x1082;
	s9 =	sld [smem:$0x3F8A]  }
0x2f: {  	lr =	sadd.s32 s0, s3;
	s0 =	sld [smem:$0x3F81]  }
0x30: {  	s3 =	sld [smem:$0x3F84]  }
0x31: {  	[smem:$0x3F8D] =	sst s10  }
0x32: {  	s10 =	sld [smem:$0x3F8B];
	_ =	sdelay $0x3  }
0x33: {  	p0 =	seq.s32 s10, $0x1;
	s10 =	sld [smem:$0x3F8D];
	_ =	sdelay $0x3  }
0x34: {  	[smem:$0x3F8D] =	sst s10  }
0x35: {  	s10 =	sld [smem:$0x3F8C];
	_ =	sdelay $0x3  }
0x36: {  	p1 =	seq.s32 s10, $0x1;
	s10 =	sld [smem:$0x3F8D];
	_ =	sdelay $0x3  }
0x37: {  	[smem:$0x3F8D] =	sst s10  }
0x38: {  	s10 =	sld [smem:$0x3F8E]  }
0x39: {  	_ = 	snop;
	(pc) =	sbr.ind lr, $3  }
0x3a: {  	_ = 	snop  }
0x3b: {  	_ = 	snop  }
0x3c: {  	p2 =	seq.s32 s10, $0x1;
	s10 =	sld [smem:$0x3F8D]  }
0x3d: {  	_ =	shalt  }
0x3e: {  	_ =	shalt  }
0x3f: {  	_ =	shalt  }
0x40: {  	_ =	shalt  }
0x41: {  	_ =	shalt  }
0x42: {  	_ =	shalt  }
0x43: {  	_ =	shalt  }
0x44: {  	_ =	shalt  }
0x45: {  	_ =	shalt  }
0x46: {  	_ =	shalt  }
0x47: {  	_ =	shalt  }
0x48: {  	_ =	shalt  }
0x49: {  	_ =	shalt  }
0x4a: {  	_ =	shalt  }
0x4b: {  	_ =	shalt  }
0x4c: {  	_ =	shalt  }
0x4d: {  	_ =	shalt  }
0x4e: {  	_ =	shalt  }
0x4f: {  	_ =	shalt  }
0x50: {  	_ =	shalt  }
0x51: {  	_ =	shalt  }
0x52: {  	_ =	shalt  }
0x53: {  	_ =	shalt  }
0x54: {  	_ =	shalt  }
0x55: {  	_ =	shalt  }
0x56: {  	_ =	shalt  }
0x57: {  	_ =	shalt  }
0x58: {  	_ =	shalt  }
0x59: {  	_ =	shalt  }
0x5a: {  	_ =	shalt  }
0x5b: {  	_ =	shalt  }
0x5c: {  	_ =	shalt  }
0x5d: {  	_ =	shalt  }
0x5e: {  	_ =	shalt  }
0x5f: {  	_ =	shalt  }
0x60: {  	_ =	shalt  }
0x61: {  	_ =	shalt  }
0x62: {  	_ =	shalt  }
0x63: {  	_ =	shalt  }
0x64: {  	_ =	shalt  }
0x65: {  	_ =	shalt  }
0x66: {  	_ =	shalt  }
0x67: {  	_ =	shalt  }
0x68: {  	_ =	shalt  }
0x69: {  	_ =	shalt  }
0x6a: {  	_ =	shalt  }
0x6b: {  	_ =	shalt  }
0x6c: {  	_ =	shalt  }
0x6d: {  	_ =	shalt  }
0x6e: {  	_ =	shalt  }
0x6f: {  	_ =	shalt  }
0x70: {  	_ =	shalt  }
0x71: {  	_ =	shalt  }
0x72: {  	_ =	shalt  }
0x73: {  	_ =	shalt  }
0x74: {  	_ =	shalt  }
0x75: {  	_ =	shalt  }
0x76: {  	_ =	shalt  }
0x77: {  	_ =	shalt  }
0x78: {  	_ =	shalt  }
0x79: {  	_ =	shalt  }
0x7a: {  	_ =	shalt  }
0x7b: {  	_ =	shalt  }
0x7c: {  	_ =	shalt  }
0x7d: {  	_ =	shalt  }
0x7e: {  	_ =	shalt  }
0x7f: {  	_ =	shalt  }
0x80: {  	_ =	shalt  }
0x81: {  	_ =	shalt  }
0x82: {  	_ =	shalt  }
0x83: {  	_ =	shalt  }
0x84: {  	_ =	shalt  }
0x85: {  	_ =	shalt  }
0x86: {  	_ =	shalt  }
0x87: {  	_ =	shalt  }
.Lfunc_end0:
.L_simem_size_0:
called_computation.2_lowered:
.L_overlay_start_0:
0x88: {  	s2 =	sld [smem:$0x3FD9]  }
0x89: {  	s3 =	sld [smem:$0x3FFE];
	_ =	sdelay $0x1  }
0x8a: {  	s1 =	srdreg.scid  }
0x8b: {  	s0 =	sand.u32 $0x1, s1  }
0x8c: {  	s17 =	sshll.u32 s0, $0xA;
	s2 =	sadd.s32 s3, s2  }
0x8d: {  	s2 =	sadd.s32 s2, s17  }
0x8e: {  	[smem:$0x3F99] =	sst s2  }
0x8f: {  	_ = 	snop  }
0x90: {  	s2 =	sld [smem:$0x3FD0];
	(tm) =	ssettm $0x1  }
0x91: {  	s18 =	sld [smem:$0x3FFB];
	_ =	sdelay $0x3  }
0x92: {  	_ =	strace s18  }
0x93: {  	s3 =	sld [smem:$0x3FFC];
	_ =	sdelay $0x3  }
0x94: {  	_ =	strace s3  }
0x95: {  	s3 =	sld [smem:$0x3FFD];
	_ =	sdelay $0x3  }
0x96: {  	_ =	strace s3  }
0x97: {  	_ =	strace $0x8FFFFFFF  }
0x98: {  	s19 =	sld [smem:$0x3FDB];
	_ =	sdelay $0x1  }
0x99: {  	s4 =	simm.s32 $_scs_section_size  }
0x9a: {  	s5 =	simm.s32 $_size__tile_overlayer_lowered;
	s6 =	simm.s32 $_tile_overlayer_lowered  }
0x9b: {  	s22 =	simm.s32 $0x1BFF;
	s21 =	sshll.u32 s6, $0x1;
	s3 =	sadd.s32 s4, s19  }
0x9c: {  	s7 =	simm.s32 $0x0;
	s20 =	sshll.u32 s5, $0x1;
	s5 =	sadd.s32 s21, s3  }
0x9d: {  	[timem:s7], [sflag:s22] =	dma.local [hbm:s5], s20  }
0x9e: {  	_ =	swait.ge [sflag:s22], s20  }
0x9f: {  	s4 =	ssub.s32 $0x0, s20;
	[sflag:s22] =	ssyncset.done $0x0  }
0xa0: {  	[sflag:s22] =	ssyncadd.s32 s4;
	_ =	sdelay $0x1  }
0xa1: {  	s23 =	simm.s32 $0x1B8B  }
0xa2: {  	_ =	swait.ge [sflag:s23], $0x1  }
0xa3: {  	[sflag:s23] =	ssyncset.done $0x0  }
0xa4: {  	s25 =	simm.s32 $0x1B8E;
	s24 =	sld [smem:$0x3FFE];
	[sflag:s23] =	ssyncadd.s32 $0xFFFFFFFF  }
0xa5: {  	s26 =	simm.s32 $execute0_lowered;
	[smem:$0x3FD2] =	sst s25  }
0xa6: {  	s5 =	sshll.u32 s26, $0x1;
	_ =	strace $0x8000004C;
	[dreg:$0x1] =	wrdreg $0xFFFFFFFF  }
0xa7: {  	s28 =	simm.s32 $_size_execute0_lowered;
	s3 =	sadd.s32 s3, s5;
	[dreg:$0x0] =	wrdreg $0x0  }
0xa8: {  	s5 =	sshll.u32 s28, $0x1;
	[dreg:$0x2] =	wrdreg s3  }
0xa9: {  	[dreg:$0x3] =	wrdreg s5  }
0xaa: {  	[dreg:$0x4] =	wrdreg $0xC0  }
0xab: {  	_ =	task [dreg:s7], $0x5FFFF  }
0xac: {  	[dreg:$0x1] =	wrdreg $0xFFFFFFFF  }
0xad: {  	[dreg:$0x0] =	wrdreg $0x60  }
0xae: {  	[dreg:$0x2] =	wrdreg s2  }
0xaf: {  	[dreg:$0x3] =	wrdreg s24  }
0xb0: {  	[dreg:$0x4] =	wrdreg $0x9  }
0xb1: {  	_ =	task.clear_ibuf [dreg:s7], $0x5FFFF;
	_ =	strace $0x9000004C  }
0xb2: {  	s29 =	simm.s32 $0x9;
	_ =	strace $0x8000004E  }
0xb3: {  	_ =	swait.ge [sflag:s29], $0x1  }
0xb4: {  	[sflag:s29] =	ssyncadd.s32 $0xFFFFFFFF  }
0xb5: {  	_ =	strace $0x9000004E  }
0xb6: {  	_ =	sfence  }
0xb7: {  	s30 =	sld [smem:$0x0];
	_ =	sdelay $0x2  }
0xb8: {  	s31 =	sshll.u32 s1, $0xD;
	s1 =	sshrl.u32 s1, $0x2  }
0xb9: {  	s3 =	sand.u32 $0x4000, s31;
	s1 =	sadd.s32 s1, s30  }
0xba: {  	s0 =	sor.u32 s3, s0;
	s1 =	sshll.u32 s1, $0x11  }
0xbb: {  	s0 =	sor.u32 s1, s0  }
0xbc: {  	s0 =	sadd.s32 $0x8F2B, s0  }
0xbd: {  	[sflag:s0] =	ssyncadd.remote.s32 $0x1  }
0xbe: {  	_ =	sfence.sel $0xFFFF  }
0xbf: {  	[dreg:$0x0] =	wrdreg $0xFFFFFFFF;
	(pc) =	sbr.abs _section_cstart, $3  }
0xc0: {  	[dreg:$0x1] =	wrdreg $0xFFFFFFFF  }
0xc1: {  	_ =	task.clear_ibuf [dreg:s7], $0x2FFFF;
	_ =	strace $0x9FFFFFFF  }
0xc2: {  	(tm) =	ssettm $0x7FFFFFFF  }
0xc3: {  	_ =	shalt  }
tec
execute0_lowered:
.L_overlay_start_1:
0x0: {  	(tag) =	ssettag $0x1  }
0x1: {  	s1 =	rddreg [dreg:$0x0]  }
0x2: {  	s5 =	rddreg [dreg:$0x1]  }
0x3: {  	s0 =	rddreg [dreg:$0x2];
	s3 =	simm.s32 $0x0;
	s4 =	srdreg.scid  }
0x4: {  	s2 =	stileid.u32;
	s10 =	simm.s32 $0x1;
	s11 =	simm.s32 $0x4000  }
0x5: {  	s12 =	simm.s32 $0x8000;
	s13 =	simm.s32 $0x8800;
	s14 =	simm.s32 $0x9000  }
0x6: {  	s15 =	simm.s32 $0x9800;
	s16 =	simm.s32 $0xA000;
	s17 =	simm.s32 $0xA800  }
0x7: {  	s18 =	simm.s32 $0xB000;
	s19 =	simm.s32 $0xB800;
	s20 =	simm.s32 $0xC000  }
0x8: {  	s21 =	simm.s32 $0xC800;
	s6 =	sand.u32 $0x1, s4;
	s31 =	sshll.u32 s2, $0x1  }
0x9: {  	s22 =	simm.s32 $0x0;
	[smem:$0x7FF] =	sst s3;
	s7 =	sor.u32 s6, s31  }
0xa: {  	s4 =	sadd.s32 $0x32600, s5;
	s6 =	ssub.s32 $0x2, s6;
	s8 =	sshll.u32 s7, $0xB  }
0xb: {  	v2 =	vlaneseq.u32;
	_ =	strace $0x8000004D;
	s9 =	sshrl.u32 s6, $0x1;
	s8 =	sadd.s32 s8, s5  }
0xc: {  	vm0 =	vmmov $0xffff;
	v1 =	vshrl.u32 v2, $0x3;
	s5 =	sadd.s32 $0xDEC00, s5;
	s9 =	ssub.s32 s6, s9;
	s6 =	smul.u32 $0x1388, s7  }
0xd: {  	v0 =	vand.u32 $0x7, v2;
	v2 =	vor.u32 $0x8, v2;
	v1 =	vmul.u32 $0x8, v1;
	s7 =	sadd.s32 $0xBC00, s8;
	s8 =	sadd.s32 $0x80A00, s8;
	s9 =	smax.u32 s9, $0x1  }
.LBB2_1:
0xe: {  	[tilespmem:s3], [sflag:$0x1] =	stream.linear.gather [hbm4b:s7+s3], $0x3E80, $0x38;
	[tilespmem:$0xD000] =	vst v63  }
0xf: {  	_ =	swait.ge [sflag:s10], $0x3E80  }
0x10: {  	[sflag:s10] =	ssyncset.done $0x0  }
0x11: {  	[sflag:s10] =	ssyncadd.s32 $0xFFFFC180  }
0x12: {  	[tilespmem:s11], [sflag:$0x1] =	stream.linear.gather [hbm4b:s8+s3], $0x3E80, $0x38;
	[tilespmem:$0xD000] =	vst v63  }
0x13: {  	_ =	swait.ge [sflag:s10], $0x3E80  }
0x14: {  	[sflag:s10] =	ssyncset.done $0x0  }
0x15: {  	s23 =	simm.s32 $0x0;
	[sflag:s10] =	ssyncadd.s32 $0xFFFFC180  }
.LBB2_2:
0x16: {  	s24 =	sshll.u32 s23, $0x7  }
0x17: {  	v3 =	vld [tilespmem:s24+$0x0];
	_ =	sdelay $0x4  }
0x18: {  	v4 =	vshll.u32 v3, $0x1  }
0x19: {  	v3 =	vand.u32 $0x7, v3;
	v4 =	vand.u32 $0xFFFFFFF0, v4  }
0x1a: {  	v3 =	vor.u32 v3, v4  }
0x1b: {  	v4 =	vperm.xlane v3, v0;
	_ =	sdelay $0x1  }
0x1c: {  	v3 =	vperm.xlane v3, v2;
	v4 =	vadd.s32 v1, v4;
	_ =	sdelay $0x1  }
0x1d: {  	v3 =	vadd.s32 v1, v3;
	_ =	sdelay $0x1  }
0x1e: {  	s25 =	simm.s32 $0x0  }
0x1f: {  	[tilespmem:s12], [sflag:$0x1] =	stream.indirect_vreg.gather [hbm4b:s1+s25], $0x80, v4, vm0, $0xb8;
	[tilespmem:$0xD000] =	vst v63  }
0x20: {  	_ = 	snop  }
0x21: {  	[tilespmem:s13], [sflag:$0x1] =	stream.indirect_vreg.gather [hbm4b:s1+s25], $0x80, v3, vm0, $0xb8;
	[tilespmem:$0xD000] =	vst v63  }
0x22: {  	v3 =	vld [tilespmem:s24+$0x10];
	_ =	sdelay $0x4  }
0x23: {  	v4 =	vshll.u32 v3, $0x1  }
0x24: {  	v3 =	vand.u32 $0x7, v3;
	v4 =	vand.u32 $0xFFFFFFF0, v4  }
0x25: {  	v3 =	vor.u32 v3, v4  }
0x26: {  	v4 =	vperm.xlane v3, v0;
	_ =	sdelay $0x1  }
0x27: {  	v3 =	vperm.xlane v3, v2;
	v4 =	vadd.s32 v1, v4;
	_ =	sdelay $0x1  }
0x28: {  	v3 =	vadd.s32 v1, v3;
	_ =	sdelay $0x2  }
0x29: {  	[tilespmem:s14], [sflag:$0x1] =	stream.indirect_vreg.gather [hbm4b:s1+s25], $0x80, v4, vm0, $0xb8;
	[tilespmem:$0xD000] =	vst v63  }
0x2a: {  	s26 =	sor.u32 $0x20, s24  }
0x2b: {  	[tilespmem:s15], [sflag:$0x1] =	stream.indirect_vreg.gather [hbm4b:s1+s25], $0x80, v3, vm0, $0xb8;
	[tilespmem:$0xD000] =	vst v63  }
0x2c: {  	v3 =	vld.msk [tilespmem:s26+$0x0], $0xff;
	_ =	sdelay $0x4  }
0x2d: {  	v4 =	vshll.u32 v3, $0x1  }
0x2e: {  	v3 =	vand.u32 $0x7, v3;
	v4 =	vand.u32 $0xFFFFFFF0, v4  }
0x2f: {  	v3 =	vor.u32 v3, v4  }
0x30: {  	v3 =	vperm.xlane v3, v0;
	_ =	sdelay $0x1  }
0x31: {  	v3 =	vadd.s32 v1, v3;
	_ =	sdelay $0x4  }
0x32: {  	[tilespmem:s16], [sflag:$0x1] =	stream.indirect_vreg.gather [hbm4b:s1+s25], $0x80, v3, vm0, $0xb8;
	[tilespmem:$0xD000] =	vst v63  }
0x33: {  	_ =	swait.ge [sflag:s10], $0x2800  }
0x34: {  	[sflag:s10] =	ssyncset.done $0x0  }
0x35: {  	[sflag:s10] =	ssyncadd.s32 $0xFFFFD800  }
0x36: {  	v3 =	vld [tilespmem:s24+$0x4000];
	_ =	sdelay $0x4  }
0x37: {  	v4 =	vshll.u32 v3, $0x1  }
0x38: {  	v3 =	vand.u32 $0x7, v3;
	v4 =	vand.u32 $0xFFFFFFF0, v4  }
0x39: {  	v3 =	vor.u32 v3, v4  }
0x3a: {  	v4 =	vperm.xlane v3, v0;
	_ =	sdelay $0x1  }
0x3b: {  	v3 =	vperm.xlane v3, v2;
	v4 =	vadd.s32 v1, v4;
	_ =	sdelay $0x1  }
0x3c: {  	v3 =	vadd.s32 v1, v3;
	_ =	sdelay $0x2  }
0x3d: {  	[tilespmem:s17], [sflag:$0x1] =	stream.indirect_vreg.gather [hbm4b:s4+s25], $0x80, v4, vm0, $0xb8;
	[tilespmem:$0xD000] =	vst v63  }
0x3e: {  	_ = 	snop  }
0x3f: {  	[tilespmem:s18], [sflag:$0x1] =	stream.indirect_vreg.gather [hbm4b:s4+s25], $0x80, v3, vm0, $0xb8;
	[tilespmem:$0xD000] =	vst v63  }
0x40: {  	v3 =	vld [tilespmem:s24+$0x4010];
	_ =	sdelay $0x4  }
0x41: {  	v4 =	vshll.u32 v3, $0x1  }
0x42: {  	v3 =	vand.u32 $0x7, v3;
	v4 =	vand.u32 $0xFFFFFFF0, v4  }
0x43: {  	v3 =	vor.u32 v3, v4  }
0x44: {  	v4 =	vperm.xlane v3, v0;
	_ =	sdelay $0x1  }
0x45: {  	v3 =	vperm.xlane v3, v2;
	v4 =	vadd.s32 v1, v4;
	_ =	sdelay $0x1  }
0x46: {  	v3 =	vadd.s32 v1, v3;
	_ =	sdelay $0x2  }
0x47: {  	[tilespmem:s19], [sflag:$0x1] =	stream.indirect_vreg.gather [hbm4b:s4+s25], $0x80, v4, vm0, $0xb8;
	[tilespmem:$0xD000] =	vst v63  }
0x48: {  	_ = 	snop  }
0x49: {  	[tilespmem:s20], [sflag:$0x1] =	stream.indirect_vreg.gather [hbm4b:s4+s25], $0x80, v3, vm0, $0xb8;
	[tilespmem:$0xD000] =	vst v63  }
0x4a: {  	v3 =	vld.msk [tilespmem:s24+$0x4020], $0xff;
	_ =	sdelay $0x4  }
0x4b: {  	v4 =	vshll.u32 v3, $0x1  }
0x4c: {  	v3 =	vand.u32 $0x7, v3;
	v4 =	vand.u32 $0xFFFFFFF0, v4  }
0x4d: {  	v3 =	vor.u32 v3, v4  }
0x4e: {  	v3 =	vperm.xlane v3, v0;
	_ =	sdelay $0x1  }
0x4f: {  	v3 =	vadd.s32 v1, v3;
	_ =	sdelay $0x4  }
0x50: {  	[tilespmem:s21], [sflag:$0x1] =	stream.indirect_vreg.gather [hbm4b:s4+s25], $0x80, v3, vm0, $0xb8;
	[tilespmem:$0xD000] =	vst v63  }
0x51: {  	_ =	swait.ge [sflag:s10], $0x2800  }
0x52: {  	s31 =	sand.u32 $0x3800, s25;
	s25 =	sand.u32 $0x380, s25;
	[sflag:s10] =	ssyncset.done $0x0  }
0x53: {  	s24 =	sor.u32 s25, s31;
	[sflag:s10] =	ssyncadd.s32 $0xFFFFD800  }
0x54: {  	v10 =	vld [tilespmem:s24+$0xA800]  }
0x55: {  	v11 =	vld [tilespmem:s24+$0xA810]  }
0x56: {  	v12 =	vld [tilespmem:s24+$0xA820]  }
0x57: {  	v13 =	vld [tilespmem:s24+$0xA830]  }
0x58: {  	v14 =	vld [tilespmem:s24+$0xA840]  }
0x59: {  	v15 =	vld [tilespmem:s24+$0xA850]  }
0x5a: {  	v16 =	vld [tilespmem:s24+$0xA860]  }
0x5b: {  	v17 =	vld [tilespmem:s24+$0xA870]  }
0x5c: {  	v18 =	vld [tilespmem:s24+$0xAC00]  }
0x5d: {  	v9 =	vld [tilespmem:s24+$0xAC10]  }
0x5e: {  	v8 =	vld [tilespmem:s24+$0xAC20]  }
0x5f: {  	v7 =	vld [tilespmem:s24+$0xAC30]  }
0x60: {  	v6 =	vld [tilespmem:s24+$0xAC40]  }
0x61: {  	v5 =	vld [tilespmem:s24+$0xAC50]  }
0x62: {  	v4 =	vld [tilespmem:s24+$0xAC60]  }
0x63: {  	v3 =	vld [tilespmem:s24+$0xAC70]  }
0x64: {  	v19 =	vld [tilespmem:s24+$0x8000]  }
0x65: {  	v20 =	vld [tilespmem:s24+$0x8010]  }
0x66: {  	v21 =	vld [tilespmem:s24+$0x8020]  }
0x67: {  	v22 =	vld [tilespmem:s24+$0x8030]  }
0x68: {  	v23 =	vld [tilespmem:s24+$0x8040]  }
0x69: {  	v10 =	vadd.f32 v10, v19;
	v19 =	vld [tilespmem:s24+$0x8050]  }
0x6a: {  	v61 =	vld [tilespmem:s24+$0x8060];
	v11 =	vadd.f32 v11, v20  }
0x6b: {  	v62 =	vld [tilespmem:s24+$0x8070];
	[tilespmem:s24+$0x8000] =	vst v10;
	v10 =	vadd.f32 v12, v21  }
0x6c: {  	v63 =	vld [tilespmem:s24+$0x8400];
	[tilespmem:s24+$0x8010] =	vst v11;
	v11 =	vadd.f32 v13, v22  }
0x6d: {  	v13 =	vld [tilespmem:s24+$0x8410];
	[tilespmem:s24+$0x8020] =	vst v10;
	v10 =	vadd.f32 v14, v23  }
0x6e: {  	v12 =	vld [tilespmem:s24+$0x8420];
	[tilespmem:s24+$0x8030] =	vst v11;
	v11 =	vadd.f32 v15, v19  }
0x6f: {  	v14 =	vadd.f32 v16, v61;
	[tilespmem:s24+$0x8040] =	vst v10;
	v10 =	vld [tilespmem:s24+$0x8430]  }
0x70: {  	v16 =	vadd.f32 v17, v62;
	[tilespmem:s24+$0x8050] =	vst v11;
	v11 =	vld [tilespmem:s24+$0x8440]  }
0x71: {  	s26 =	simm.s32 $0x100;
	s25 =	simm.s32 $0x80;
	v15 =	vadd.f32 v18, v63;
	[tilespmem:s24+$0x8060] =	vst v14;
	v14 =	vld [tilespmem:s24+$0x8450]  }
.LBB2_3:
0x72: {  	s28 =	sand.u32 $0x3800, s26;
	s29 =	sand.u32 $0x380, s25;
	p0 =	sne.s32 s26, $0x2700;
	[tilespmem:s24+$0x8070] =	vst v16;
	v9 =	vadd.f32 v9, v13;
	v13 =	vld [tilespmem:s24+$0x8460]  }
0x73: {  	s28 =	sor.u32 s29, s28;
	[tilespmem:s24+$0x8400] =	vst v15;
	v8 =	vadd.f32 v8, v12;
	v12 =	vld [tilespmem:s24+$0x8470]  }
0x74: {  	v15 =	vld [tilespmem:s28+$0xA800];
	[tilespmem:s24+$0x8410] =	vst v9;
	v7 =	vadd.f32 v7, v10  }
0x75: {  	v10 =	vld [tilespmem:s28+$0xA810];
	[tilespmem:s24+$0x8420] =	vst v8;
	v6 =	vadd.f32 v6, v11  }
0x76: {  	v11 =	vld [tilespmem:s28+$0xA820];
	[tilespmem:s24+$0x8430] =	vst v7;
	v5 =	vadd.f32 v5, v14  }
0x77: {  	v14 =	vld [tilespmem:s28+$0xA830];
	[tilespmem:s24+$0x8440] =	vst v6;
	v4 =	vadd.f32 v4, v13  }
0x78: {  	v13 =	vld [tilespmem:s28+$0xA840];
	[tilespmem:s24+$0x8450] =	vst v5;
	v3 =	vadd.f32 v3, v12  }
0x79: {  	v12 =	vld [tilespmem:s28+$0xA850];
	[tilespmem:s24+$0x8460] =	vst v4  }
0x7a: {  	v16 =	vld [tilespmem:s28+$0xA860];
	[tilespmem:s24+$0x8470] =	vst v3;
	s24 =	smov.u32 s28  }
0x7b: {  	v17 =	vld [tilespmem:s24+$0xA870]  }
0x7c: {  	v18 =	vld [tilespmem:s24+$0xAC00]  }
0x7d: {  	v9 =	vld [tilespmem:s24+$0xAC10]  }
0x7e: {  	v8 =	vld [tilespmem:s24+$0xAC20]  }
0x7f: {  	v7 =	vld [tilespmem:s24+$0xAC30]  }
0x80: {  	v6 =	vld [tilespmem:s24+$0xAC40]  }
0x81: {  	v5 =	vld [tilespmem:s24+$0xAC50]  }
0x82: {  	v4 =	vld [tilespmem:s24+$0xAC60]  }
0x83: {  	v3 =	vld [tilespmem:s24+$0xAC70]  }
0x84: {  	v19 =	vld [tilespmem:s24+$0x8000]  }
0x85: {  	v20 =	vld [tilespmem:s24+$0x8010]  }
0x86: {  	v21 =	vld [tilespmem:s24+$0x8020]  }
0x87: {  	v22 =	vld [tilespmem:s24+$0x8030]  }
0x88: {  	v23 =	vld [tilespmem:s24+$0x8040]  }
0x89: {  	v15 =	vadd.f32 v15, v19;
	v19 =	vld [tilespmem:s24+$0x8050]  }
0x8a: {  	v10 =	vadd.f32 v10, v20;
	v20 =	vld [tilespmem:s24+$0x8060]  }
0x8b: {  	[tilespmem:s24+$0x8000] =	vst v15;
	v11 =	vadd.f32 v11, v21;
	v15 =	vld [tilespmem:s24+$0x8070]  }
0x8c: {  	[tilespmem:s24+$0x8010] =	vst v10;
	v10 =	vadd.f32 v14, v22;
	v14 =	vld [tilespmem:s24+$0x8400]  }
.Ltmp0:
0x8d: {  	[tilespmem:s24+$0x8020] =	vst v11;
	v11 =	vadd.f32 v13, v23;
	v13 =	vld [tilespmem:s24+$0x8410];
	(pc) =	sbr.rel @p0 .LBB2_3-.Ltmp0, $4  }
0x8e: {  	[tilespmem:s24+$0x8030] =	vst v10;
	v19 =	vadd.f32 v12, v19;
	v12 =	vld [tilespmem:s24+$0x8420]  }
0x8f: {  	[tilespmem:s24+$0x8040] =	vst v11;
	v20 =	vadd.f32 v16, v20;
	v10 =	vld [tilespmem:s24+$0x8430]  }
0x90: {  	[tilespmem:s24+$0x8050] =	vst v19;
	v16 =	vadd.f32 v17, v15;
	v11 =	vld [tilespmem:s24+$0x8440]  }
0x91: {  	s25 =	sadd.s32 $0x80, s25;
	s26 =	sadd.s32 $0x100, s26;
	[tilespmem:s24+$0x8060] =	vst v20;
	v15 =	vadd.f32 v18, v14;
	v14 =	vld [tilespmem:s24+$0x8450]  }
0x92: {  	[tilespmem:s24+$0x8070] =	vst v16;
	v9 =	vadd.f32 v9, v13;
	v62 =	vld [tilespmem:s24+$0x8460]  }
0x93: {  	v63 =	vld [tilespmem:s24+$0x8470];
	[tilespmem:s24+$0x8400] =	vst v15;
	v8 =	vadd.f32 v8, v12  }
0x94: {  	[tilespmem:s24+$0x8410] =	vst v9;
	v7 =	vadd.f32 v7, v10  }
0x95: {  	[tilespmem:s24+$0x8420] =	vst v8;
	v6 =	vadd.f32 v6, v11  }
0x96: {  	s25 =	smul.u32 $0x28, s23;
	[tilespmem:s24+$0x8430] =	vst v7;
	v5 =	vadd.f32 v5, v14  }
0x97: {  	[tilespmem:s24+$0x8440] =	vst v6;
	v4 =	vadd.f32 v4, v62  }
0x98: {  	s23 =	sadd.s32 $0x1, s23;
	s25 =	sadd.s32 s6, s25;
	v3 =	vadd.f32 v3, v63;
	[tilespmem:s24+$0x8450] =	vst v5  }
0x99: {  	p0 =	sne.s32 s23, $0x7D;
	s25 =	sshll.u32 s25, $0x5;
	[tilespmem:s24+$0x8460] =	vst v4  }
.Ltmp1:
0x9a: {  	s31 =	sadd.s32 s5, s25;
	[tilespmem:s24+$0x8470] =	vst v3;
	(pc) =	sbr.rel @p0 .LBB2_2-.Ltmp1, $4  }
0x9b: {  	[hbm4b:s31+s3] =	stream.linear.scatter [tilespmem:s12], [sflag:$0x1], $0x2800, $0x38;
	[tilespmem:$0xD000] =	vst v63  }
0x9c: {  	_ =	swait.ge [sflag:s10], $0x2800  }
0x9d: {  	[sflag:s10] =	ssyncset.done $0x0  }
0x9e: {  	[sflag:s10] =	ssyncadd.s32 $0xFFFFD800  }
0x9f: {  	s22 =	sadd.s32 $0x1, s22  }
0xa0: {  	p0 =	sne.s32 s22, s9  }
.Ltmp2:
0xa1: {  	_ = 	snop;
	(pc) =	sbr.rel @p0 .LBB2_1-.Ltmp2, $1  }
0xa2: {  	_ =	sdelay $0x3  }
0xa3: {  	_ =	sfence.sel $0x180000  }
0xa4: {  	[bflag:$0x0] =	sbarrier.arrive $0xFFFF  }
0xa5: {  	p0 =	sne.s32 s2, $0x0;
	_ =	strace $0x9000004D  }
0xa6: {  	s0 =	sadd.s32 @!p0 $0x100000, s0;
	[bflag:$0x2] =	sbarrier.arrive $0xFFFF  }
0xa7: {  	[sflag:s0] =	ssyncadd.tile.s32 @!p0 $0x1;
	_ =	shalt  }
.Lfunc_end2:
_tile_overlayer_lowered:
.L_overlay_start_2:
0xa8: {  	(tag) =	ssettag $0x2  }
0xa9: {  	s0 =	rddreg [dreg:$0x0];
	s2 =	stileid.u32  }
0xaa: {  	s1 =	rddreg [dreg:$0x1];
	p0 =	sne.s32 s2, $0x0  }
0xab: {  	s3 =	rddreg [dreg:$0x2];
	[bflag:$0x3] =	sbarrier.arrive $0xFFFF;
	s2 =	simm.s32 @!p0 $0x1C01  }
0xac: {  	[timem:s3], [sflag:s2] =	dma.local @!p0 [hbm:s0], s1  }
0xad: {  	s0 =	simm.s32 @!p0 $0x1  }
0xae: {  	_ =	swait.ge @!p0 [sflag:s0], s1  }
0xaf: {  	s1 =	ssub.s32 @!p0 $0x0, s1;
	[sflag:s0] =	ssyncset.done @!p0 $0x0  }
0xb0: {  	[sflag:s0] =	ssyncadd.s32 @!p0 s1  }
0xb1: {  	[bflag:$0x3] =	sbarrier.arrive $0xFFFF  }
0xb2: {  	_ =	shalt  }

// kernel: kernel.26.cloned.1.call-start
scs
__scs_entry_jumppad:
0x0: {  	(pc) =	sbr.rel $0x88, $3  }
0x1: {  	(tag) =	ssettag $0x0;
	lr =	simm.s32 $0x1  }
0x2: {  	[smem:$0x3F72] =	sst lr;
	_ =	strace $0xD0000000  }
0x3: {  	_ = 	snop  }
0x4: {  	_ = 	snop  }
0x5: {  	_ = 	snop  }
0x6: {  	_ = 	snop  }
0x7: {  	_ = 	snop  }
__scs_overlays_trampoline_lowered:
0x8: {  	[smem:$0x3F81] =	sst s0  }
0x9: {  	[smem:$0x3F82] =	sst s1  }
0xa: {  	[smem:$0x3F83] =	sst s2  }
0xb: {  	[smem:$0x3F84] =	sst s3  }
0xc: {  	[smem:$0x3F85] =	sst s4  }
0xd: {  	[smem:$0x3F86] =	sst s5  }
0xe: {  	[smem:$0x3F87] =	sst s6  }
0xf: {  	[smem:$0x3F88] =	sst s7  }
0x10: {  	[smem:$0x3F89] =	sst s8  }
0x11: {  	[smem:$0x3F8A] =	sst s9;
	s0 =	simm.s32 @!p0 $0x0  }
0x12: {  	s1 =	sld [smem:$0x3F70];
	s0 =	simm.s32 @p0 $0x1  }
0x13: {  	[smem:$0x3F8B] =	sst s0;
	s0 =	simm.s32 @!p1 $0x0  }
0x14: {  	s2 =	sld [smem:$0x3F6F];
	s0 =	simm.s32 @p1 $0x1  }
0x15: {  	[smem:$0x3F8C] =	sst s0;
	s0 =	simm.s32 @!p2 $0x0  }
0x16: {  	s3 =	sld [smem:$0x3FDB];
	s0 =	simm.s32 @p2 $0x1  }
0x17: {  	s4 =	simm.s32 $0x1BF5;
	[smem:$0x3F8E] =	sst s0  }
0x18: {  	s0 =	sld [smem:$0x3F71];
	_ =	swait.ge [sflag:s4], $0x0  }
0x19: {  	s7 =	sld [smem:$0x3F72]  }
0x1a: {  	s8 =	sadd.s32 $0xFFFFE003, lr  }
0x1b: {  	s9 =	sadd.s32 $0xFFFFFEF7, lr;
	s5 =	simm.s32 $0xFFFFFFFF;
	p2 =	slt.u32 s8, $0xFFFFF086  }
0x1c: {  	p1 =	slt.u32 s9, $0xF7A;
	s5 =	simm.s32 @!p2 $0x0  }
0x1d: {  	s5 =	simm.s32 @p1 $0x1;
	p0 =	seq.s32 s7, s2  }
0x1e: {  	s7 =	smul.u32 @!p0 $0xF7A, s2;
	p2 =	seq.s32 @!p0 s5, $0x0  }
0x1f: {  	s9 =	smul.u32 $0xF7A, s1;
	s8 =	simm.s32 @!p0 $0x1BF5;
	p2 =	por !p2, p0  }
0x20: {  	[sflag:s8] =	ssyncset.s32 @!p0 $0xFFFFF086;
	s6 =	sadd.s32 @!p0 s3, s7;
	s7 =	simm.s32 @!p0 $0x108  }
0x21: {  	s3 =	sadd.s32 s3, s9;
	s6 =	sadd.s32 @!p0 $0x88, s6;
	s7 =	simm.s32 @p2 $0x1082  }
0x22: {  	[simem:s7], [sflag:s8] =	dma.local @!p0 [hbm:s6], $0xF7A  }
0x23: {  	s9 =	sor.u32 $0xD0000000, s2;
	s6 =	simm.s32 $0x108;
	_ =	swait.ge @!p0 [sflag:s8], $0x0  }
0x24: {  	s3 =	sadd.s32 $0x88, s3;
	s6 =	simm.s32 @!p1 $0x1082;
	[sflag:s4] =	ssyncset.s32 $0xFFFFF086  }
0x25: {  	[simem:s6], [sflag:s4] =	dma.local [hbm:s3], $0xF7A  }
0x26: {  	[smem:$0x3F72] =	sst s1;
	(tag) =	ssettag s2;
	_ =	strace s9  }
0x27: {  	s1 =	sld [smem:$0x3F82]  }
0x28: {  	s2 =	sld [smem:$0x3F83]  }
0x29: {  	s4 =	sld [smem:$0x3F85]  }
0x2a: {  	p0 =	seq.s32 s5, $0x0;
	s5 =	sld [smem:$0x3F86]  }
0x2b: {  	s6 =	sld [smem:$0x3F87]  }
0x2c: {  	s7 =	sld [smem:$0x3F88]  }
0x2d: {  	s3 =	simm.s32 $0x108;
	s8 =	sld [smem:$0x3F89]  }
0x2e: {  	s3 =	simm.s32 @!p0 $0x1082;
	s9 =	sld [smem:$0x3F8A]  }
0x2f: {  	lr =	sadd.s32 s0, s3;
	s0 =	sld [smem:$0x3F81]  }
0x30: {  	s3 =	sld [smem:$0x3F84]  }
0x31: {  	[smem:$0x3F8D] =	sst s10  }
0x32: {  	s10 =	sld [smem:$0x3F8B];
	_ =	sdelay $0x3  }
0x33: {  	p0 =	seq.s32 s10, $0x1;
	s10 =	sld [smem:$0x3F8D];
	_ =	sdelay $0x3  }
0x34: {  	[smem:$0x3F8D] =	sst s10  }
0x35: {  	s10 =	sld [smem:$0x3F8C];
	_ =	sdelay $0x3  }
0x36: {  	p1 =	seq.s32 s10, $0x1;
	s10 =	sld [smem:$0x3F8D];
	_ =	sdelay $0x3  }
0x37: {  	[smem:$0x3F8D] =	sst s10  }
0x38: {  	s10 =	sld [smem:$0x3F8E]  }
0x39: {  	_ = 	snop;
	(pc) =	sbr.ind lr, $3  }
0x3a: {  	_ = 	snop  }
0x3b: {  	_ = 	snop  }
0x3c: {  	p2 =	seq.s32 s10, $0x1;
	s10 =	sld [smem:$0x3F8D]  }
0x3d: {  	_ =	shalt  }
0x3e: {  	_ =	shalt  }
0x3f: {  	_ =	shalt  }
0x40: {  	_ =	shalt  }
0x41: {  	_ =	shalt  }
0x42: {  	_ =	shalt  }
0x43: {  	_ =	shalt  }
0x44: {  	_ =	shalt  }
0x45: {  	_ =	shalt  }
0x46: {  	_ =	shalt  }
0x47: {  	_ =	shalt  }
0x48: {  	_ =	shalt  }
0x49: {  	_ =	shalt  }
0x4a: {  	_ =	shalt  }
0x4b: {  	_ =	shalt  }
0x4c: {  	_ =	shalt  }
0x4d: {  	_ =	shalt  }
0x4e: {  	_ =	shalt  }
0x4f: {  	_ =	shalt  }
0x50: {  	_ =	shalt  }
0x51: {  	_ =	shalt  }
0x52: {  	_ =	shalt  }
0x53: {  	_ =	shalt  }
0x54: {  	_ =	shalt  }
0x55: {  	_ =	shalt  }
0x56: {  	_ =	shalt  }
0x57: {  	_ =	shalt  }
0x58: {  	_ =	shalt  }
0x59: {  	_ =	shalt  }
0x5a: {  	_ =	shalt  }
0x5b: {  	_ =	shalt  }
0x5c: {  	_ =	shalt  }
0x5d: {  	_ =	shalt  }
0x5e: {  	_ =	shalt  }
0x5f: {  	_ =	shalt  }
0x60: {  	_ =	shalt  }
0x61: {  	_ =	shalt  }
0x62: {  	_ =	shalt  }
0x63: {  	_ =	shalt  }
0x64: {  	_ =	shalt  }
0x65: {  	_ =	shalt  }
0x66: {  	_ =	shalt  }
0x67: {  	_ =	shalt  }
0x68: {  	_ =	shalt  }
0x69: {  	_ =	shalt  }
0x6a: {  	_ =	shalt  }
0x6b: {  	_ =	shalt  }
0x6c: {  	_ =	shalt  }
0x6d: {  	_ =	shalt  }
0x6e: {  	_ =	shalt  }
0x6f: {  	_ =	shalt  }
0x70: {  	_ =	shalt  }
0x71: {  	_ =	shalt  }
0x72: {  	_ =	shalt  }
0x73: {  	_ =	shalt  }
0x74: {  	_ =	shalt  }
0x75: {  	_ =	shalt  }
0x76: {  	_ =	shalt  }
0x77: {  	_ =	shalt  }
0x78: {  	_ =	shalt  }
0x79: {  	_ =	shalt  }
0x7a: {  	_ =	shalt  }
0x7b: {  	_ =	shalt  }
0x7c: {  	_ =	shalt  }
0x7d: {  	_ =	shalt  }
0x7e: {  	_ =	shalt  }
0x7f: {  	_ =	shalt  }
0x80: {  	_ =	shalt  }
0x81: {  	_ =	shalt  }
0x82: {  	_ =	shalt  }
0x83: {  	_ =	shalt  }
0x84: {  	_ =	shalt  }
0x85: {  	_ =	shalt  }
0x86: {  	_ =	shalt  }
0x87: {  	_ =	shalt  }
.Lfunc_end0:
.L_simem_size_0:
called_computation.3_lowered:
.L_overlay_start_0:
0x88: {  	s2 =	sld [smem:$0x3FD9]  }
0x89: {  	s3 =	sld [smem:$0x3FFE];
	_ =	sdelay $0x1  }
0x8a: {  	s1 =	srdreg.scid  }
0x8b: {  	s0 =	sand.u32 $0x1, s1  }
0x8c: {  	s16 =	sshll.u32 s0, $0xA;
	s2 =	sadd.s32 s3, s2  }
0x8d: {  	s2 =	sadd.s32 s2, s16  }
0x8e: {  	[smem:$0x3F99] =	sst s2  }
0x8f: {  	_ = 	snop  }
0x90: {  	(tm) =	ssettm $0x1  }
0x91: {  	s17 =	sld [smem:$0x3FFB];
	_ =	sdelay $0x3  }
0x92: {  	_ =	strace s17  }
0x93: {  	s2 =	sld [smem:$0x3FFC];
	_ =	sdelay $0x3  }
0x94: {  	_ =	strace s2  }
0x95: {  	s2 =	sld [smem:$0x3FFD];
	_ =	sdelay $0x3  }
0x96: {  	_ =	strace s2  }
0x97: {  	_ =	strace $0x8FFFFFFF  }
0x98: {  	s18 =	sld [smem:$0x3FDB];
	_ =	sdelay $0x1  }
0x99: {  	s19 =	simm.s32 $_scs_section_size  }
0x9a: {  	s4 =	simm.s32 $_size__tile_overlayer_lowered;
	s5 =	simm.s32 $_tile_overlayer_lowered  }
0x9b: {  	s22 =	simm.s32 $0x1BFF;
	s21 =	sshll.u32 s5, $0x1;
	s2 =	sadd.s32 s19, s18  }
0x9c: {  	s6 =	simm.s32 $0x0;
	s20 =	sshll.u32 s4, $0x1;
	s4 =	sadd.s32 s21, s2  }
0x9d: {  	[timem:s6], [sflag:s22] =	dma.local [hbm:s4], s20  }
0x9e: {  	_ =	swait.ge [sflag:s22], s20  }
0x9f: {  	s3 =	ssub.s32 $0x0, s20;
	[sflag:s22] =	ssyncset.done $0x0  }
0xa0: {  	[sflag:s22] =	ssyncadd.s32 s3;
	_ =	sdelay $0x1  }
0xa1: {  	s23 =	simm.s32 $0x1B8B  }
0xa2: {  	_ =	swait.ge [sflag:s23], $0x1  }
0xa3: {  	[sflag:s23] =	ssyncset.done $0x0  }
0xa4: {  	s25 =	simm.s32 $0x1B8E;
	s24 =	sld [smem:$0x3FFE];
	[sflag:s23] =	ssyncadd.s32 $0xFFFFFFFF  }
0xa5: {  	s26 =	simm.s32 $execute0_lowered;
	[smem:$0x3FD2] =	sst s25  }
0xa6: {  	s4 =	sshll.u32 s26, $0x1;
	_ =	strace $0x8000004F;
	[dreg:$0x1] =	wrdreg $0xFFFFFFFF  }
0xa7: {  	s28 =	simm.s32 $_size_execute0_lowered;
	s2 =	sadd.s32 s2, s4;
	[dreg:$0x0] =	wrdreg $0x0  }
0xa8: {  	s4 =	sshll.u32 s28, $0x1;
	[dreg:$0x2] =	wrdreg s2  }
0xa9: {  	[dreg:$0x3] =	wrdreg s4  }
0xaa: {  	[dreg:$0x4] =	wrdreg $0xC0  }
0xab: {  	_ =	task [dreg:s6], $0x5FFFF  }
0xac: {  	[dreg:$0x1] =	wrdreg $0xFFFFFFFF  }
0xad: {  	[dreg:$0x0] =	wrdreg $0x60  }
0xae: {  	[dreg:$0x2] =	wrdreg s24  }
0xaf: {  	[dreg:$0x3] =	wrdreg $0x68000  }
0xb0: {  	[dreg:$0x4] =	wrdreg $0x9  }
0xb1: {  	_ =	task.clear_ibuf [dreg:s6], $0x5FFFF;
	_ =	strace $0x9000004F  }
0xb2: {  	s29 =	simm.s32 $0x9;
	_ =	strace $0x80000051  }
0xb3: {  	_ =	swait.ge [sflag:s29], $0x1  }
0xb4: {  	[sflag:s29] =	ssyncadd.s32 $0xFFFFFFFF  }
0xb5: {  	_ =	strace $0x90000051  }
0xb6: {  	_ =	sfence  }
0xb7: {  	s30 =	sld [smem:$0x0];
	_ =	sdelay $0x2  }
0xb8: {  	s31 =	sshll.u32 s1, $0xD;
	s1 =	sshrl.u32 s1, $0x2  }
0xb9: {  	s3 =	sand.u32 $0x4000, s31;
	s1 =	sadd.s32 s1, s30  }
0xba: {  	s0 =	sor.u32 s3, s0;
	s1 =	sshll.u32 s1, $0x11  }
0xbb: {  	s0 =	sor.u32 s1, s0  }
0xbc: {  	s0 =	sadd.s32 $0x8F2B, s0  }
0xbd: {  	[sflag:s0] =	ssyncadd.remote.s32 $0x1  }
0xbe: {  	_ =	sfence.sel $0xFFFF  }
0xbf: {  	[dreg:$0x0] =	wrdreg $0xFFFFFFFF;
	(pc) =	sbr.abs _section_cstart, $3  }
0xc0: {  	[dreg:$0x1] =	wrdreg $0xFFFFFFFF  }
0xc1: {  	_ =	task.clear_ibuf [dreg:s6], $0x2FFFF;
	_ =	strace $0x9FFFFFFF  }
0xc2: {  	(tm) =	ssettm $0x7FFFFFFF  }
0xc3: {  	_ =	shalt  }
tec
execute0_lowered:
.L_overlay_start_1:
0x0: {  	(tag) =	ssettag $0x1  }
0x1: {  	s17 =	rddreg [dreg:$0x0]  }
0x2: {  	s1 =	rddreg [dreg:$0x1]  }
0x3: {  	s0 =	rddreg [dreg:$0x2];
	s3 =	simm.s32 $0x0  }
0x4: {  	s2 =	stileid.u32;
	s4 =	srdreg.scid;
	s23 =	simm.s32 $0x0  }
0x5: {  	[smem:$0x7FF] =	sst s3;
	s19 =	sadd.s32 $0xC6F600, s17;
	s5 =	smul.u32 $0x4E000, s2  }
0x6: {  	s18 =	sadd.s32 $0xEE0600, s17;
	s6 =	sshll.u32 s2, $0xB;
	s22 =	sand.u32 $0x1, s4  }
0x7: {  	s7 =	smul.u32 $0x2700, s2;
	s12 =	sadd.s32 $0x138000, s1;
	s15 =	sadd.s32 $0x59600, s17  }
0x8: {  	s21 =	smul.u32 $0x27100, s2;
	p1 =	sne.s32 s2, $0xF;
	_ =	strace $0x80000050  }
0x9: {  	s8 =	ssub.s32 $0x2, s22;
	s13 =	sadd.s32 s6, s17;
	p0 =	seq.s32 s22, $0x1  }
0xa: {  	p2 =	sne.s32 s22, $0x0;
	s22 =	simm.s32 $0x50;
	s30 =	sshrl.u32 s5, $0x2  }
0xb: {  	s31 =	sshrl.u32 s8, $0x1;
	s16 =	sadd.s32 s7, s17;
	s13 =	sadd.s32 $0x785600, s13  }
0xc: {  	s17 =	sadd.s32 $0x80800, s17;
	s19 =	smov.u32 @p0 s18;
	p3 =	sne.s32 @!p2 s2, $0xF  }
0xd: {  	p4 =	sne.s32 @p0 s2, $0xF;
	s4 =	sadd.s32 s30, s1;
	s20 =	ssub.s32 s8, s31  }
0xe: {  	s14 =	sadd.s32 $0x32600, s16;
	s16 =	sadd.s32 $0x59800, s16;
	s19 =	sadd.s32 s21, s19  }
0xf: {  	s21 =	simm.s32 $0x1;
	p3 =	por p3, p2;
	p4 =	por p4, !p0  }
0x10: {  	s5 =	sadd.s32 $0x2800, s4;
	s6 =	sadd.s32 $0x5000, s4;
	s7 =	sadd.s32 $0x7800, s4  }
0x11: {  	s8 =	sadd.s32 $0xA000, s4;
	s9 =	sadd.s32 $0xC800, s4;
	s10 =	sadd.s32 $0xF000, s4  }
0x12: {  	v0 =	vimm.f32 $0.0e+00;
	s11 =	sadd.s32 $0x11800, s4;
	s18 =	smax.u32 s20, $0x1;
	s20 =	simm.s32 $0x4000  }
.LBB2_1:
0x13: {  	s24 =	simm.s32 $0x0;
	s25 =	simm.s32 $0x200  }
.LBB2_2:
0x14: {  	p5 =	sne.s32 s25, $0x9E00;
	[tilespmem:s24+$0x4070] =	vst v0  }
0x15: {  	[tilespmem:s24+$0x4000] =	vst v0  }
0x16: {  	[tilespmem:s24+$0x4010] =	vst v0  }
.Ltmp0:
0x17: {  	[tilespmem:s24+$0x4020] =	vst v0;
	(pc) =	sbr.rel @p5 .LBB2_2-.Ltmp0, $4  }
0x18: {  	[tilespmem:s24+$0x4030] =	vst v0  }
0x19: {  	[tilespmem:s24+$0x4040] =	vst v0  }
0x1a: {  	[tilespmem:s24+$0x4050] =	vst v0  }
0x1b: {  	[tilespmem:s24+$0x4060] =	vst v0;
	s24 =	sshra.s32 s25, $0x2;
	s25 =	sadd.s32 $0x200, s25  }
0x1c: {  	[tilespmem:s24+$0x4070] =	vst v0  }
0x1d: {  	[tilespmem:s24+$0x4000] =	vst v0  }
0x1e: {  	[tilespmem:s24+$0x4010] =	vst v0  }
0x1f: {  	[tilespmem:s24+$0x4020] =	vst v0  }
0x20: {  	[tilespmem:s24+$0x4030] =	vst v0  }
0x21: {  	[tilespmem:s24+$0x4040] =	vst v0  }
0x22: {  	[tilespmem:s24+$0x4050] =	vst v0  }
0x23: {  	[tilespmem:s24+$0x4060] =	vst v0  }
0x24: {  	[spmem:s4] =	stream.linear.scatter [tilespmem:s20], [sflag:$0x1], $0x2800, $0x38;
	[tilespmem:$0x1A0C0] =	vst v63  }
0x25: {  	_ =	swait.ge [sflag:s21], $0x2800  }
0x26: {  	[sflag:s21] =	ssyncset.done $0x0  }
0x27: {  	[sflag:s21] =	ssyncadd.s32 $0xFFFFD800  }
0x28: {  	[spmem:s5] =	stream.linear.scatter [tilespmem:s20], [sflag:$0x1], $0x2800, $0x38;
	[tilespmem:$0x1A0C0] =	vst v63  }
0x29: {  	_ =	swait.ge [sflag:s21], $0x2800  }
0x2a: {  	[sflag:s21] =	ssyncset.done $0x0  }
0x2b: {  	[sflag:s21] =	ssyncadd.s32 $0xFFFFD800  }
0x2c: {  	[spmem:s6] =	stream.linear.scatter [tilespmem:s20], [sflag:$0x1], $0x2800, $0x38;
	[tilespmem:$0x1A0C0] =	vst v63  }
0x2d: {  	_ =	swait.ge [sflag:s21], $0x2800  }
0x2e: {  	[sflag:s21] =	ssyncset.done $0x0  }
0x2f: {  	[sflag:s21] =	ssyncadd.s32 $0xFFFFD800  }
0x30: {  	[spmem:s7] =	stream.linear.scatter [tilespmem:s20], [sflag:$0x1], $0x2800, $0x38;
	[tilespmem:$0x1A0C0] =	vst v63  }
0x31: {  	_ =	swait.ge [sflag:s21], $0x2800  }
0x32: {  	[sflag:s21] =	ssyncset.done $0x0  }
0x33: {  	[sflag:s21] =	ssyncadd.s32 $0xFFFFD800  }
0x34: {  	[spmem:s8] =	stream.linear.scatter [tilespmem:s20], [sflag:$0x1], $0x2800, $0x38;
	[tilespmem:$0x1A0C0] =	vst v63  }
0x35: {  	_ =	swait.ge [sflag:s21], $0x2800  }
0x36: {  	[sflag:s21] =	ssyncset.done $0x0  }
0x37: {  	[sflag:s21] =	ssyncadd.s32 $0xFFFFD800  }
0x38: {  	[spmem:s9] =	stream.linear.scatter [tilespmem:s20], [sflag:$0x1], $0x2800, $0x38;
	[tilespmem:$0x1A0C0] =	vst v63  }
0x39: {  	_ =	swait.ge [sflag:s21], $0x2800  }
0x3a: {  	[sflag:s21] =	ssyncset.done $0x0  }
0x3b: {  	[sflag:s21] =	ssyncadd.s32 $0xFFFFD800  }
0x3c: {  	[spmem:s10] =	stream.linear.scatter [tilespmem:s20], [sflag:$0x1], $0x2800, $0x38;
	[tilespmem:$0x1A0C0] =	vst v63  }
0x3d: {  	_ =	swait.ge [sflag:s21], $0x2800  }
0x3e: {  	[sflag:s21] =	ssyncset.done $0x0  }
0x3f: {  	[sflag:s21] =	ssyncadd.s32 $0xFFFFD800  }
0x40: {  	[spmem:s11] =	stream.linear.scatter [tilespmem:s20], [sflag:$0x1], $0x2000, $0x38;
	[tilespmem:$0x1A0C0] =	vst v63  }
0x41: {  	_ =	swait.ge [sflag:s21], $0x2000  }
0x42: {  	[sflag:s21] =	ssyncset.done $0x0  }
0x43: {  	s24 =	simm.s32 @!p1 $0x4000;
	[sflag:s21] =	ssyncadd.s32 $0xFFFFE000  }
0x44: {  	[spmem:s12] =	stream.linear.scatter @!p1 [tilespmem:s24], [sflag:$0x1], $0x800, $0x38;
	[tilespmem:$0x1A0C0] =	vst v63  }
0x45: {  	s24 =	simm.s32 @!p1 $0x1  }
0x46: {  	_ =	swait.ge @!p1 [sflag:s24], $0x800  }
0x47: {  	[sflag:s24] =	ssyncset.done @!p1 $0x0  }
0x48: {  	s30 =	simm.s32 $0x0;
	[sflag:s24] =	ssyncadd.s32 @!p1 $0xFFFFF800  }
0x49: {  	[tilespmem:s30], [sflag:$0x1] =	stream.linear.gather [hbm4b:s13+s30], $0x3E80, $0x38;
	[tilespmem:$0x1A0C0] =	vst v63  }
0x4a: {  	_ =	swait.ge [sflag:s21], $0x3E80  }
0x4b: {  	[sflag:s21] =	ssyncset.done $0x0  }
0x4c: {  	[sflag:s21] =	ssyncadd.s32 $0xFFFFC180  }
0x4d: {  	[bflag:$0x0] =	sbarrier.arrive $0xFFFF  }
0x4e: {  	[tilespmem:s20], [sflag:$0x1] =	stream.linear.gather [hbm4b:s19+s3], $0x2800, $0x38;
	[tilespmem:$0x1A0C0] =	vst v63  }
0x4f: {  	_ =	swait.ge [sflag:s21], $0x2800  }
0x50: {  	[sflag:s21] =	ssyncset.done $0x0  }
0x51: {  	s31 =	simm.s32 $0x0;
	[sflag:s21] =	ssyncadd.s32 $0xFFFFD800  }
0x52: {  	[spmem:s1] =	stream.indirect.scatter.add.f32 [tilespmem:s20], [sflag:$0x1], $0x80, s31, s22, $0xb8;
	[tilespmem:$0x1A0C0] =	vst v63  }
0x53: {  	_ =	swait.ge [sflag:s21], $0x2800  }
0x54: {  	s25 =	smov.u32 s19;
	s24 =	simm.s32 $0x200;
	[sflag:s21] =	ssyncset.done $0x0  }
.LBB2_4:
0x55: {  	p5 =	sne.s32 s24, $0xF800;
	[sflag:s21] =	ssyncadd.s32 $0xFFFFD800;
	s25 =	sadd.s32 $0x500, s25  }
0x56: {  	[tilespmem:s20], [sflag:$0x1] =	stream.linear.gather [hbm4b:s25+s3], $0x2800, $0x38;
	[tilespmem:$0x1A0C0] =	vst v63  }
0x57: {  	s26 =	smov.u32 s24;
	s24 =	sadd.s32 $0x200, s24;
	_ =	swait.ge [sflag:s21], $0x2800  }
.Ltmp1:
0x58: {  	[sflag:s21] =	ssyncset.done $0x0;
	(pc) =	sbr.rel @p5 .LBB2_4-.Ltmp1, $4  }
0x59: {  	s26 =	sshra.s32 s26, $0x2;
	[sflag:s21] =	ssyncadd.s32 $0xFFFFD800  }
0x5a: {  	[spmem:s1] =	stream.indirect.scatter.add.f32 [tilespmem:s20], [sflag:$0x1], $0x80, s26, s22, $0xb8;
	[tilespmem:$0x1A0C0] =	vst v63  }
0x5b: {  	_ =	swait.ge [sflag:s21], $0x2800  }
0x5c: {  	[sflag:s21] =	ssyncset.done $0x0  }
0x5d: {  	[sflag:s21] =	ssyncadd.s32 $0xFFFFD800;
	s24 =	sshll.u32 @!p2 s2, $0x6  }
0x5e: {  	s25 =	sshrl.u32 @!p2 s4, $0x3;
	[bflag:$0x0] =	sbarrier.arrive $0xFFFF;
	s24 =	sor.u32 @!p2 $0x1C01, s24  }
0x5f: {  	[hbm:s14], [sflag:s24] =	dma.local @!p2 [spmem:s25], $0x2700  }
0x60: {  	s24 =	simm.s32 @!p2 $0x1  }
0x61: {  	_ =	swait.ge @!p2 [sflag:s24], $0x2700  }
0x62: {  	[sflag:s24] =	ssyncset.done @!p2 $0x0  }
0x63: {  	s25 =	simm.s32 @!p3 $0x1FC1;
	[sflag:s24] =	ssyncadd.s32 @!p2 $0xFFFFD900;
	s24 =	sshrl.u32 @!p3 s12, $0x3  }
0x64: {  	[hbm:s15], [sflag:s25] =	dma.local @!p3 [spmem:s24], $0x100  }
0x65: {  	s24 =	simm.s32 @!p3 $0x1  }
0x66: {  	_ =	swait.ge @!p3 [sflag:s24], $0x100  }
0x67: {  	s25 =	sshll.u32 @p0 s2, $0x6;
	[sflag:s24] =	ssyncset.done @!p3 $0x0  }
0x68: {  	[sflag:s24] =	ssyncadd.s32 @!p3 $0xFFFFFF00;
	s24 =	sor.u32 @p0 $0x1C01, s25;
	s25 =	sshrl.u32 @p0 s4, $0x3  }
0x69: {  	[hbm:s16], [sflag:s24] =	dma.local @p0 [spmem:s25], $0x2700  }
0x6a: {  	s24 =	simm.s32 @p0 $0x1  }
0x6b: {  	s23 =	sadd.s32 $0x1, s23;
	_ =	swait.ge @p0 [sflag:s24], $0x2700  }
0x6c: {  	p5 =	sne.s32 s23, s18;
	[sflag:s24] =	ssyncset.done @p0 $0x0  }
0x6d: {  	s25 =	simm.s32 @!p4 $0x1FC1;
	[sflag:s24] =	ssyncadd.s32 @p0 $0xFFFFD900;
	s24 =	sshrl.u32 @!p4 s12, $0x3  }
0x6e: {  	[hbm:s17], [sflag:s25] =	dma.local @!p4 [spmem:s24], $0x100  }
.Ltmp2:
0x6f: {  	_ = 	snop;
	(pc) =	sbr.rel @p5 .LBB2_1-.Ltmp2, $4  }
0x70: {  	s24 =	simm.s32 @!p4 $0x1  }
0x71: {  	_ =	swait.ge @!p4 [sflag:s24], $0x100  }
0x72: {  	[sflag:s24] =	ssyncset.done @!p4 $0x0  }
0x73: {  	[sflag:s24] =	ssyncadd.s32 @!p4 $0xFFFFFF00  }
0x74: {  	_ =	sfence.sel $0x180000  }
0x75: {  	[bflag:$0x0] =	sbarrier.arrive $0xFFFF  }
0x76: {  	p0 =	sne.s32 s2, $0x0;
	_ =	strace $0x90000050  }
0x77: {  	s0 =	sadd.s32 @!p0 $0x100000, s0;
	[bflag:$0x2] =	sbarrier.arrive $0xFFFF  }
0x78: {  	[sflag:s0] =	ssyncadd.tile.s32 @!p0 $0x1;
	_ =	shalt  }
.Lfunc_end2:
_tile_overlayer_lowered:
.L_overlay_start_2:
0x79: {  	(tag) =	ssettag $0x2  }
0x7a: {  	s0 =	rddreg [dreg:$0x0];
	s2 =	stileid.u32  }
0x7b: {  	s1 =	rddreg [dreg:$0x1];
	p0 =	sne.s32 s2, $0x0  }
0x7c: {  	s3 =	rddreg [dreg:$0x2];
	[bflag:$0x3] =	sbarrier.arrive $0xFFFF;
	s2 =	simm.s32 @!p0 $0x1C01  }
0x7d: {  	[timem:s3], [sflag:s2] =	dma.local @!p0 [hbm:s0], s1  }
0x7e: {  	s0 =	simm.s32 @!p0 $0x1  }
0x7f: {  	_ =	swait.ge @!p0 [sflag:s0], s1  }
0x80: {  	s1 =	ssub.s32 @!p0 $0x0, s1;
	[sflag:s0] =	ssyncset.done @!p0 $0x0  }
0x81: {  	[sflag:s0] =	ssyncadd.s32 @!p0 s1  }
0x82: {  	[bflag:$0x3] =	sbarrier.arrive $0xFFFF  }
0x83: {  	_ =	shalt  }

// kernel: kernel.29.cloned.1.call-start
scs
__scs_entry_jumppad:
0x0: {  	(pc) =	sbr.rel $0x88, $3  }
0x1: {  	(tag) =	ssettag $0x0;
	lr =	simm.s32 $0x1  }
0x2: {  	[smem:$0x3F72] =	sst lr;
	_ =	strace $0xD0000000  }
0x3: {  	_ = 	snop  }
0x4: {  	_ = 	snop  }
0x5: {  	_ = 	snop  }
0x6: {  	_ = 	snop  }
0x7: {  	_ = 	snop  }
__scs_overlays_trampoline_lowered:
0x8: {  	[smem:$0x3F81] =	sst s0  }
0x9: {  	[smem:$0x3F82] =	sst s1  }
0xa: {  	[smem:$0x3F83] =	sst s2  }
0xb: {  	[smem:$0x3F84] =	sst s3  }
0xc: {  	[smem:$0x3F85] =	sst s4  }
0xd: {  	[smem:$0x3F86] =	sst s5  }
0xe: {  	[smem:$0x3F87] =	sst s6  }
0xf: {  	[smem:$0x3F88] =	sst s7  }
0x10: {  	[smem:$0x3F89] =	sst s8  }
0x11: {  	[smem:$0x3F8A] =	sst s9;
	s0 =	simm.s32 @!p0 $0x0  }
0x12: {  	s1 =	sld [smem:$0x3F70];
	s0 =	simm.s32 @p0 $0x1  }
0x13: {  	[smem:$0x3F8B] =	sst s0;
	s0 =	simm.s32 @!p1 $0x0  }
0x14: {  	s2 =	sld [smem:$0x3F6F];
	s0 =	simm.s32 @p1 $0x1  }
0x15: {  	[smem:$0x3F8C] =	sst s0;
	s0 =	simm.s32 @!p2 $0x0  }
0x16: {  	s3 =	sld [smem:$0x3FDB];
	s0 =	simm.s32 @p2 $0x1  }
0x17: {  	s4 =	simm.s32 $0x1BF5;
	[smem:$0x3F8E] =	sst s0  }
0x18: {  	s0 =	sld [smem:$0x3F71];
	_ =	swait.ge [sflag:s4], $0x0  }
0x19: {  	s7 =	sld [smem:$0x3F72]  }
0x1a: {  	s8 =	sadd.s32 $0xFFFFE003, lr  }
0x1b: {  	s9 =	sadd.s32 $0xFFFFFEF7, lr;
	s5 =	simm.s32 $0xFFFFFFFF;
	p2 =	slt.u32 s8, $0xFFFFF086  }
0x1c: {  	p1 =	slt.u32 s9, $0xF7A;
	s5 =	simm.s32 @!p2 $0x0  }
0x1d: {  	s5 =	simm.s32 @p1 $0x1;
	p0 =	seq.s32 s7, s2  }
0x1e: {  	s7 =	smul.u32 @!p0 $0xF7A, s2;
	p2 =	seq.s32 @!p0 s5, $0x0  }
0x1f: {  	s9 =	smul.u32 $0xF7A, s1;
	s8 =	simm.s32 @!p0 $0x1BF5;
	p2 =	por !p2, p0  }
0x20: {  	[sflag:s8] =	ssyncset.s32 @!p0 $0xFFFFF086;
	s6 =	sadd.s32 @!p0 s3, s7;
	s7 =	simm.s32 @!p0 $0x108  }
0x21: {  	s3 =	sadd.s32 s3, s9;
	s6 =	sadd.s32 @!p0 $0x88, s6;
	s7 =	simm.s32 @p2 $0x1082  }
0x22: {  	[simem:s7], [sflag:s8] =	dma.local @!p0 [hbm:s6], $0xF7A  }
0x23: {  	s9 =	sor.u32 $0xD0000000, s2;
	s6 =	simm.s32 $0x108;
	_ =	swait.ge @!p0 [sflag:s8], $0x0  }
0x24: {  	s3 =	sadd.s32 $0x88, s3;
	s6 =	simm.s32 @!p1 $0x1082;
	[sflag:s4] =	ssyncset.s32 $0xFFFFF086  }
0x25: {  	[simem:s6], [sflag:s4] =	dma.local [hbm:s3], $0xF7A  }
0x26: {  	[smem:$0x3F72] =	sst s1;
	(tag) =	ssettag s2;
	_ =	strace s9  }
0x27: {  	s1 =	sld [smem:$0x3F82]  }
0x28: {  	s2 =	sld [smem:$0x3F83]  }
0x29: {  	s4 =	sld [smem:$0x3F85]  }
0x2a: {  	p0 =	seq.s32 s5, $0x0;
	s5 =	sld [smem:$0x3F86]  }
0x2b: {  	s6 =	sld [smem:$0x3F87]  }
0x2c: {  	s7 =	sld [smem:$0x3F88]  }
0x2d: {  	s3 =	simm.s32 $0x108;
	s8 =	sld [smem:$0x3F89]  }
0x2e: {  	s3 =	simm.s32 @!p0 $0x1082;
	s9 =	sld [smem:$0x3F8A]  }
0x2f: {  	lr =	sadd.s32 s0, s3;
	s0 =	sld [smem:$0x3F81]  }
0x30: {  	s3 =	sld [smem:$0x3F84]  }
0x31: {  	[smem:$0x3F8D] =	sst s10  }
0x32: {  	s10 =	sld [smem:$0x3F8B];
	_ =	sdelay $0x3  }
0x33: {  	p0 =	seq.s32 s10, $0x1;
	s10 =	sld [smem:$0x3F8D];
	_ =	sdelay $0x3  }
0x34: {  	[smem:$0x3F8D] =	sst s10  }
0x35: {  	s10 =	sld [smem:$0x3F8C];
	_ =	sdelay $0x3  }
0x36: {  	p1 =	seq.s32 s10, $0x1;
	s10 =	sld [smem:$0x3F8D];
	_ =	sdelay $0x3  }
0x37: {  	[smem:$0x3F8D] =	sst s10  }
0x38: {  	s10 =	sld [smem:$0x3F8E]  }
0x39: {  	_ = 	snop;
	(pc) =	sbr.ind lr, $3  }
0x3a: {  	_ = 	snop  }
0x3b: {  	_ = 	snop  }
0x3c: {  	p2 =	seq.s32 s10, $0x1;
	s10 =	sld [smem:$0x3F8D]  }
0x3d: {  	_ =	shalt  }
0x3e: {  	_ =	shalt  }
0x3f: {  	_ =	shalt  }
0x40: {  	_ =	shalt  }
0x41: {  	_ =	shalt  }
0x42: {  	_ =	shalt  }
0x43: {  	_ =	shalt  }
0x44: {  	_ =	shalt  }
0x45: {  	_ =	shalt  }
0x46: {  	_ =	shalt  }
0x47: {  	_ =	shalt  }
0x48: {  	_ =	shalt  }
0x49: {  	_ =	shalt  }
0x4a: {  	_ =	shalt  }
0x4b: {  	_ =	shalt  }
0x4c: {  	_ =	shalt  }
0x4d: {  	_ =	shalt  }
0x4e: {  	_ =	shalt  }
0x4f: {  	_ =	shalt  }
0x50: {  	_ =	shalt  }
0x51: {  	_ =	shalt  }
0x52: {  	_ =	shalt  }
0x53: {  	_ =	shalt  }
0x54: {  	_ =	shalt  }
0x55: {  	_ =	shalt  }
0x56: {  	_ =	shalt  }
0x57: {  	_ =	shalt  }
0x58: {  	_ =	shalt  }
0x59: {  	_ =	shalt  }
0x5a: {  	_ =	shalt  }
0x5b: {  	_ =	shalt  }
0x5c: {  	_ =	shalt  }
0x5d: {  	_ =	shalt  }
0x5e: {  	_ =	shalt  }
0x5f: {  	_ =	shalt  }
0x60: {  	_ =	shalt  }
0x61: {  	_ =	shalt  }
0x62: {  	_ =	shalt  }
0x63: {  	_ =	shalt  }
0x64: {  	_ =	shalt  }
0x65: {  	_ =	shalt  }
0x66: {  	_ =	shalt  }
0x67: {  	_ =	shalt  }
0x68: {  	_ =	shalt  }
0x69: {  	_ =	shalt  }
0x6a: {  	_ =	shalt  }
0x6b: {  	_ =	shalt  }
0x6c: {  	_ =	shalt  }
0x6d: {  	_ =	shalt  }
0x6e: {  	_ =	shalt  }
0x6f: {  	_ =	shalt  }
0x70: {  	_ =	shalt  }
0x71: {  	_ =	shalt  }
0x72: {  	_ =	shalt  }
0x73: {  	_ =	shalt  }
0x74: {  	_ =	shalt  }
0x75: {  	_ =	shalt  }
0x76: {  	_ =	shalt  }
0x77: {  	_ =	shalt  }
0x78: {  	_ =	shalt  }
0x79: {  	_ =	shalt  }
0x7a: {  	_ =	shalt  }
0x7b: {  	_ =	shalt  }
0x7c: {  	_ =	shalt  }
0x7d: {  	_ =	shalt  }
0x7e: {  	_ =	shalt  }
0x7f: {  	_ =	shalt  }
0x80: {  	_ =	shalt  }
0x81: {  	_ =	shalt  }
0x82: {  	_ =	shalt  }
0x83: {  	_ =	shalt  }
0x84: {  	_ =	shalt  }
0x85: {  	_ =	shalt  }
0x86: {  	_ =	shalt  }
0x87: {  	_ =	shalt  }
.Lfunc_end0:
.L_simem_size_0:
called_computation.4_lowered:
.L_overlay_start_0:
0x88: {  	s2 =	sld [smem:$0x3FD9]  }
0x89: {  	s3 =	sld [smem:$0x3FFE];
	_ =	sdelay $0x1  }
0x8a: {  	s1 =	srdreg.scid  }
0x8b: {  	s0 =	sand.u32 $0x1, s1  }
0x8c: {  	s17 =	sshll.u32 s0, $0xA;
	s2 =	sadd.s32 s3, s2  }
0x8d: {  	s2 =	sadd.s32 s2, s17  }
0x8e: {  	[smem:$0x3F99] =	sst s2  }
0x8f: {  	_ = 	snop  }
0x90: {  	s2 =	sld [smem:$0x3FD0];
	(tm) =	ssettm $0x1  }
0x91: {  	s18 =	sld [smem:$0x3FFB];
	_ =	sdelay $0x3  }
0x92: {  	_ =	strace s18  }
0x93: {  	s3 =	sld [smem:$0x3FFC];
	_ =	sdelay $0x3  }
0x94: {  	_ =	strace s3  }
0x95: {  	s3 =	sld [smem:$0x3FFD];
	_ =	sdelay $0x3  }
0x96: {  	_ =	strace s3  }
0x97: {  	_ =	strace $0x8FFFFFFF  }
0x98: {  	s19 =	sld [smem:$0x3FDB];
	_ =	sdelay $0x1  }
0x99: {  	s4 =	simm.s32 $_scs_section_size  }
0x9a: {  	s5 =	simm.s32 $_size__tile_overlayer_lowered;
	s6 =	simm.s32 $_tile_overlayer_lowered  }
0x9b: {  	s22 =	simm.s32 $0x1BFF;
	s21 =	sshll.u32 s6, $0x1;
	s3 =	sadd.s32 s4, s19  }
0x9c: {  	s7 =	simm.s32 $0x0;
	s20 =	sshll.u32 s5, $0x1;
	s5 =	sadd.s32 s21, s3  }
0x9d: {  	[timem:s7], [sflag:s22] =	dma.local [hbm:s5], s20  }
0x9e: {  	_ =	swait.ge [sflag:s22], s20  }
0x9f: {  	s4 =	ssub.s32 $0x0, s20;
	[sflag:s22] =	ssyncset.done $0x0  }
0xa0: {  	[sflag:s22] =	ssyncadd.s32 s4;
	_ =	sdelay $0x1  }
0xa1: {  	s23 =	simm.s32 $0x1B8B  }
0xa2: {  	_ =	swait.ge [sflag:s23], $0x1  }
0xa3: {  	[sflag:s23] =	ssyncset.done $0x0  }
0xa4: {  	s25 =	simm.s32 $0x1B8E;
	s24 =	sld [smem:$0x3FFE];
	[sflag:s23] =	ssyncadd.s32 $0xFFFFFFFF  }
0xa5: {  	s26 =	simm.s32 $execute0_lowered;
	[smem:$0x3FD2] =	sst s25  }
0xa6: {  	s5 =	sshll.u32 s26, $0x1;
	_ =	strace $0x80000052;
	[dreg:$0x1] =	wrdreg $0xFFFFFFFF  }
0xa7: {  	s28 =	simm.s32 $_size_execute0_lowered;
	s3 =	sadd.s32 s3, s5;
	[dreg:$0x0] =	wrdreg $0x0  }
0xa8: {  	s5 =	sshll.u32 s28, $0x1;
	[dreg:$0x2] =	wrdreg s3  }
0xa9: {  	[dreg:$0x3] =	wrdreg s5  }
0xaa: {  	[dreg:$0x4] =	wrdreg $0xC0  }
0xab: {  	_ =	task [dreg:s7], $0x5FFFF  }
0xac: {  	[dreg:$0x1] =	wrdreg $0xFFFFFFFF  }
0xad: {  	[dreg:$0x0] =	wrdreg $0x60  }
0xae: {  	[dreg:$0x2] =	wrdreg s2  }
0xaf: {  	[dreg:$0x3] =	wrdreg s24  }
0xb0: {  	[dreg:$0x4] =	wrdreg $0x9  }
0xb1: {  	_ =	task.clear_ibuf [dreg:s7], $0x5FFFF;
	_ =	strace $0x90000052  }
0xb2: {  	s29 =	simm.s32 $0x9;
	_ =	strace $0x80000054  }
0xb3: {  	_ =	swait.ge [sflag:s29], $0x1  }
0xb4: {  	[sflag:s29] =	ssyncadd.s32 $0xFFFFFFFF  }
0xb5: {  	_ =	strace $0x90000054  }
0xb6: {  	_ =	sfence  }
0xb7: {  	s30 =	sld [smem:$0x0];
	_ =	sdelay $0x2  }
0xb8: {  	s31 =	sshll.u32 s1, $0xD;
	s1 =	sshrl.u32 s1, $0x2  }
0xb9: {  	s3 =	sand.u32 $0x4000, s31;
	s1 =	sadd.s32 s1, s30  }
0xba: {  	s0 =	sor.u32 s3, s0;
	s1 =	sshll.u32 s1, $0x11  }
0xbb: {  	s0 =	sor.u32 s1, s0  }
0xbc: {  	s0 =	sadd.s32 $0x8F2B, s0  }
0xbd: {  	[sflag:s0] =	ssyncadd.remote.s32 $0x1  }
0xbe: {  	_ =	sfence.sel $0xFFFF  }
0xbf: {  	[dreg:$0x0] =	wrdreg $0xFFFFFFFF;
	(pc) =	sbr.abs _section_cstart, $3  }
0xc0: {  	[dreg:$0x1] =	wrdreg $0xFFFFFFFF  }
0xc1: {  	_ =	task.clear_ibuf [dreg:s7], $0x2FFFF;
	_ =	strace $0x9FFFFFFF  }
0xc2: {  	(tm) =	ssettm $0x7FFFFFFF  }
0xc3: {  	_ =	shalt  }
tec
execute0_lowered:
.L_overlay_start_1:
0x0: {  	(tag) =	ssettag $0x1  }
0x1: {  	s1 =	rddreg [dreg:$0x0]  }
0x2: {  	s5 =	rddreg [dreg:$0x1]  }
0x3: {  	s0 =	rddreg [dreg:$0x2];
	s3 =	simm.s32 $0x0;
	s4 =	srdreg.scid  }
0x4: {  	s2 =	stileid.u32;
	s10 =	simm.s32 $0x1;
	s11 =	simm.s32 $0x4000  }
0x5: {  	s12 =	simm.s32 $0x8000;
	s13 =	simm.s32 $0x8800;
	s14 =	simm.s32 $0x9000  }
0x6: {  	s15 =	simm.s32 $0x9800;
	s16 =	simm.s32 $0xA000;
	s17 =	simm.s32 $0xA800  }
0x7: {  	s18 =	simm.s32 $0xB000;
	s19 =	simm.s32 $0xB800;
	s20 =	simm.s32 $0xC000  }
0x8: {  	s21 =	simm.s32 $0xC800;
	s6 =	sand.u32 $0x1, s4;
	s31 =	sshll.u32 s2, $0x1  }
0x9: {  	s22 =	simm.s32 $0x0;
	[smem:$0x7FF] =	sst s3;
	s7 =	sor.u32 s6, s31  }
0xa: {  	s4 =	sadd.s32 $0x1BC00, s5;
	s6 =	ssub.s32 $0x2, s6;
	s8 =	sshll.u32 s7, $0xB  }
0xb: {  	v2 =	vlaneseq.u32;
	_ =	strace $0x80000053;
	s9 =	sshrl.u32 s6, $0x1;
	s8 =	sadd.s32 s8, s5  }
0xc: {  	vm0 =	vmmov $0xffff;
	v1 =	vshrl.u32 v2, $0x3;
	s5 =	sadd.s32 $0x90A00, s5;
	s9 =	ssub.s32 s6, s9;
	s6 =	smul.u32 $0x1388, s7  }
0xd: {  	v0 =	vand.u32 $0x7, v2;
	v2 =	vor.u32 $0x8, v2;
	v1 =	vmul.u32 $0x8, v1;
	s7 =	sadd.s32 $0xBC00, s8;
	s8 =	sadd.s32 $0x80A00, s8;
	s9 =	smax.u32 s9, $0x1  }
.LBB2_1:
0xe: {  	[tilespmem:s3], [sflag:$0x1] =	stream.linear.gather [hbm4b:s7+s3], $0x3E80, $0x38;
	[tilespmem:$0xD000] =	vst v63  }
0xf: {  	_ =	swait.ge [sflag:s10], $0x3E80  }
0x10: {  	[sflag:s10] =	ssyncset.done $0x0  }
0x11: {  	[sflag:s10] =	ssyncadd.s32 $0xFFFFC180  }
0x12: {  	[tilespmem:s11], [sflag:$0x1] =	stream.linear.gather [hbm4b:s8+s3], $0x3E80, $0x38;
	[tilespmem:$0xD000] =	vst v63  }
0x13: {  	_ =	swait.ge [sflag:s10], $0x3E80  }
0x14: {  	[sflag:s10] =	ssyncset.done $0x0  }
0x15: {  	s23 =	simm.s32 $0x0;
	[sflag:s10] =	ssyncadd.s32 $0xFFFFC180  }
.LBB2_2:
0x16: {  	s24 =	sshll.u32 s23, $0x7  }
0x17: {  	v3 =	vld [tilespmem:s24+$0x0];
	_ =	sdelay $0x4  }
0x18: {  	v4 =	vshll.u32 v3, $0x1  }
0x19: {  	v3 =	vand.u32 $0x7, v3;
	v4 =	vand.u32 $0xFFFFFFF0, v4  }
0x1a: {  	v3 =	vor.u32 v3, v4  }
0x1b: {  	v4 =	vperm.xlane v3, v0;
	_ =	sdelay $0x1  }
0x1c: {  	v3 =	vperm.xlane v3, v2;
	v4 =	vadd.s32 v1, v4;
	_ =	sdelay $0x1  }
0x1d: {  	v3 =	vadd.s32 v1, v3;
	_ =	sdelay $0x1  }
0x1e: {  	s25 =	simm.s32 $0x0  }
0x1f: {  	[tilespmem:s12], [sflag:$0x1] =	stream.indirect_vreg.gather [hbm4b:s1+s25], $0x80, v4, vm0, $0xb8;
	[tilespmem:$0xD000] =	vst v63  }
0x20: {  	_ = 	snop  }
0x21: {  	[tilespmem:s13], [sflag:$0x1] =	stream.indirect_vreg.gather [hbm4b:s1+s25], $0x80, v3, vm0, $0xb8;
	[tilespmem:$0xD000] =	vst v63  }
0x22: {  	v3 =	vld [tilespmem:s24+$0x10];
	_ =	sdelay $0x4  }
0x23: {  	v4 =	vshll.u32 v3, $0x1  }
0x24: {  	v3 =	vand.u32 $0x7, v3;
	v4 =	vand.u32 $0xFFFFFFF0, v4  }
0x25: {  	v3 =	vor.u32 v3, v4  }
0x26: {  	v4 =	vperm.xlane v3, v0;
	_ =	sdelay $0x1  }
0x27: {  	v3 =	vperm.xlane v3, v2;
	v4 =	vadd.s32 v1, v4;
	_ =	sdelay $0x1  }
0x28: {  	v3 =	vadd.s32 v1, v3;
	_ =	sdelay $0x2  }
0x29: {  	[tilespmem:s14], [sflag:$0x1] =	stream.indirect_vreg.gather [hbm4b:s1+s25], $0x80, v4, vm0, $0xb8;
	[tilespmem:$0xD000] =	vst v63  }
0x2a: {  	s26 =	sor.u32 $0x20, s24  }
0x2b: {  	[tilespmem:s15], [sflag:$0x1] =	stream.indirect_vreg.gather [hbm4b:s1+s25], $0x80, v3, vm0, $0xb8;
	[tilespmem:$0xD000] =	vst v63  }
0x2c: {  	v3 =	vld.msk [tilespmem:s26+$0x0], $0xff;
	_ =	sdelay $0x4  }
0x2d: {  	v4 =	vshll.u32 v3, $0x1  }
0x2e: {  	v3 =	vand.u32 $0x7, v3;
	v4 =	vand.u32 $0xFFFFFFF0, v4  }
0x2f: {  	v3 =	vor.u32 v3, v4  }
0x30: {  	v3 =	vperm.xlane v3, v0;
	_ =	sdelay $0x1  }
0x31: {  	v3 =	vadd.s32 v1, v3;
	_ =	sdelay $0x4  }
0x32: {  	[tilespmem:s16], [sflag:$0x1] =	stream.indirect_vreg.gather [hbm4b:s1+s25], $0x80, v3, vm0, $0xb8;
	[tilespmem:$0xD000] =	vst v63  }
0x33: {  	_ =	swait.ge [sflag:s10], $0x2800  }
0x34: {  	[sflag:s10] =	ssyncset.done $0x0  }
0x35: {  	[sflag:s10] =	ssyncadd.s32 $0xFFFFD800  }
0x36: {  	v3 =	vld [tilespmem:s24+$0x4000];
	_ =	sdelay $0x4  }
0x37: {  	v4 =	vshll.u32 v3, $0x1  }
0x38: {  	v3 =	vand.u32 $0x7, v3;
	v4 =	vand.u32 $0xFFFFFFF0, v4  }
0x39: {  	v3 =	vor.u32 v3, v4  }
0x3a: {  	v4 =	vperm.xlane v3, v0;
	_ =	sdelay $0x1  }
0x3b: {  	v3 =	vperm.xlane v3, v2;
	v4 =	vadd.s32 v1, v4;
	_ =	sdelay $0x1  }
0x3c: {  	v3 =	vadd.s32 v1, v3;
	_ =	sdelay $0x2  }
0x3d: {  	[tilespmem:s17], [sflag:$0x1] =	stream.indirect_vreg.gather [hbm4b:s4+s25], $0x80, v4, vm0, $0xb8;
	[tilespmem:$0xD000] =	vst v63  }
0x3e: {  	_ = 	snop  }
0x3f: {  	[tilespmem:s18], [sflag:$0x1] =	stream.indirect_vreg.gather [hbm4b:s4+s25], $0x80, v3, vm0, $0xb8;
	[tilespmem:$0xD000] =	vst v63  }
0x40: {  	v3 =	vld [tilespmem:s24+$0x4010];
	_ =	sdelay $0x4  }
0x41: {  	v4 =	vshll.u32 v3, $0x1  }
0x42: {  	v3 =	vand.u32 $0x7, v3;
	v4 =	vand.u32 $0xFFFFFFF0, v4  }
0x43: {  	v3 =	vor.u32 v3, v4  }
0x44: {  	v4 =	vperm.xlane v3, v0;
	_ =	sdelay $0x1  }
0x45: {  	v3 =	vperm.xlane v3, v2;
	v4 =	vadd.s32 v1, v4;
	_ =	sdelay $0x1  }
0x46: {  	v3 =	vadd.s32 v1, v3;
	_ =	sdelay $0x2  }
0x47: {  	[tilespmem:s19], [sflag:$0x1] =	stream.indirect_vreg.gather [hbm4b:s4+s25], $0x80, v4, vm0, $0xb8;
	[tilespmem:$0xD000] =	vst v63  }
0x48: {  	_ = 	snop  }
0x49: {  	[tilespmem:s20], [sflag:$0x1] =	stream.indirect_vreg.gather [hbm4b:s4+s25], $0x80, v3, vm0, $0xb8;
	[tilespmem:$0xD000] =	vst v63  }
0x4a: {  	v3 =	vld.msk [tilespmem:s24+$0x4020], $0xff;
	_ =	sdelay $0x4  }
0x4b: {  	v4 =	vshll.u32 v3, $0x1  }
0x4c: {  	v3 =	vand.u32 $0x7, v3;
	v4 =	vand.u32 $0xFFFFFFF0, v4  }
0x4d: {  	v3 =	vor.u32 v3, v4  }
0x4e: {  	v3 =	vperm.xlane v3, v0;
	_ =	sdelay $0x1  }
0x4f: {  	v3 =	vadd.s32 v1, v3;
	_ =	sdelay $0x4  }
0x50: {  	[tilespmem:s21], [sflag:$0x1] =	stream.indirect_vreg.gather [hbm4b:s4+s25], $0x80, v3, vm0, $0xb8;
	[tilespmem:$0xD000] =	vst v63  }
0x51: {  	_ =	swait.ge [sflag:s10], $0x2800  }
0x52: {  	s31 =	sand.u32 $0x3800, s25;
	s25 =	sand.u32 $0x380, s25;
	[sflag:s10] =	ssyncset.done $0x0  }
0x53: {  	s24 =	sor.u32 s25, s31;
	[sflag:s10] =	ssyncadd.s32 $0xFFFFD800  }
0x54: {  	v10 =	vld [tilespmem:s24+$0xA800]  }
0x55: {  	v11 =	vld [tilespmem:s24+$0xA810]  }
0x56: {  	v12 =	vld [tilespmem:s24+$0xA820]  }
0x57: {  	v13 =	vld [tilespmem:s24+$0xA830]  }
0x58: {  	v14 =	vld [tilespmem:s24+$0xA840]  }
0x59: {  	v15 =	vld [tilespmem:s24+$0xA850]  }
0x5a: {  	v16 =	vld [tilespmem:s24+$0xA860]  }
0x5b: {  	v17 =	vld [tilespmem:s24+$0xA870]  }
0x5c: {  	v18 =	vld [tilespmem:s24+$0xAC00]  }
0x5d: {  	v9 =	vld [tilespmem:s24+$0xAC10]  }
0x5e: {  	v8 =	vld [tilespmem:s24+$0xAC20]  }
0x5f: {  	v7 =	vld [tilespmem:s24+$0xAC30]  }
0x60: {  	v6 =	vld [tilespmem:s24+$0xAC40]  }
0x61: {  	v5 =	vld [tilespmem:s24+$0xAC50]  }
0x62: {  	v4 =	vld [tilespmem:s24+$0xAC60]  }
0x63: {  	v3 =	vld [tilespmem:s24+$0xAC70]  }
0x64: {  	v19 =	vld [tilespmem:s24+$0x8000]  }
0x65: {  	v20 =	vld [tilespmem:s24+$0x8010]  }
0x66: {  	v21 =	vld [tilespmem:s24+$0x8020]  }
0x67: {  	v22 =	vld [tilespmem:s24+$0x8030]  }
0x68: {  	v23 =	vld [tilespmem:s24+$0x8040]  }
0x69: {  	v10 =	vadd.f32 v10, v19;
	v19 =	vld [tilespmem:s24+$0x8050]  }
0x6a: {  	v61 =	vld [tilespmem:s24+$0x8060];
	v11 =	vadd.f32 v11, v20  }
0x6b: {  	v62 =	vld [tilespmem:s24+$0x8070];
	[tilespmem:s24+$0x8000] =	vst v10;
	v10 =	vadd.f32 v12, v21  }
0x6c: {  	v63 =	vld [tilespmem:s24+$0x8400];
	[tilespmem:s24+$0x8010] =	vst v11;
	v11 =	vadd.f32 v13, v22  }
0x6d: {  	v13 =	vld [tilespmem:s24+$0x8410];
	[tilespmem:s24+$0x8020] =	vst v10;
	v10 =	vadd.f32 v14, v23  }
0x6e: {  	v12 =	vld [tilespmem:s24+$0x8420];
	[tilespmem:s24+$0x8030] =	vst v11;
	v11 =	vadd.f32 v15, v19  }
0x6f: {  	v14 =	vadd.f32 v16, v61;
	[tilespmem:s24+$0x8040] =	vst v10;
	v10 =	vld [tilespmem:s24+$0x8430]  }
0x70: {  	v16 =	vadd.f32 v17, v62;
	[tilespmem:s24+$0x8050] =	vst v11;
	v11 =	vld [tilespmem:s24+$0x8440]  }
0x71: {  	s26 =	simm.s32 $0x100;
	s25 =	simm.s32 $0x80;
	v15 =	vadd.f32 v18, v63;
	[tilespmem:s24+$0x8060] =	vst v14;
	v14 =	vld [tilespmem:s24+$0x8450]  }
.LBB2_3:
0x72: {  	s28 =	sand.u32 $0x3800, s26;
	s29 =	sand.u32 $0x380, s25;
	p0 =	sne.s32 s26, $0x2700;
	[tilespmem:s24+$0x8070] =	vst v16;
	v9 =	vadd.f32 v9, v13;
	v13 =	vld [tilespmem:s24+$0x8460]  }
0x73: {  	s28 =	sor.u32 s29, s28;
	[tilespmem:s24+$0x8400] =	vst v15;
	v8 =	vadd.f32 v8, v12;
	v12 =	vld [tilespmem:s24+$0x8470]  }
0x74: {  	v15 =	vld [tilespmem:s28+$0xA800];
	[tilespmem:s24+$0x8410] =	vst v9;
	v7 =	vadd.f32 v7, v10  }
0x75: {  	v10 =	vld [tilespmem:s28+$0xA810];
	[tilespmem:s24+$0x8420] =	vst v8;
	v6 =	vadd.f32 v6, v11  }
0x76: {  	v11 =	vld [tilespmem:s28+$0xA820];
	[tilespmem:s24+$0x8430] =	vst v7;
	v5 =	vadd.f32 v5, v14  }
0x77: {  	v14 =	vld [tilespmem:s28+$0xA830];
	[tilespmem:s24+$0x8440] =	vst v6;
	v4 =	vadd.f32 v4, v13  }
0x78: {  	v13 =	vld [tilespmem:s28+$0xA840];
	[tilespmem:s24+$0x8450] =	vst v5;
	v3 =	vadd.f32 v3, v12  }
0x79: {  	v12 =	vld [tilespmem:s28+$0xA850];
	[tilespmem:s24+$0x8460] =	vst v4  }
0x7a: {  	v16 =	vld [tilespmem:s28+$0xA860];
	[tilespmem:s24+$0x8470] =	vst v3;
	s24 =	smov.u32 s28  }
0x7b: {  	v17 =	vld [tilespmem:s24+$0xA870]  }
0x7c: {  	v18 =	vld [tilespmem:s24+$0xAC00]  }
0x7d: {  	v9 =	vld [tilespmem:s24+$0xAC10]  }
0x7e: {  	v8 =	vld [tilespmem:s24+$0xAC20]  }
0x7f: {  	v7 =	vld [tilespmem:s24+$0xAC30]  }
0x80: {  	v6 =	vld [tilespmem:s24+$0xAC40]  }
0x81: {  	v5 =	vld [tilespmem:s24+$0xAC50]  }
0x82: {  	v4 =	vld [tilespmem:s24+$0xAC60]  }
0x83: {  	v3 =	vld [tilespmem:s24+$0xAC70]  }
0x84: {  	v19 =	vld [tilespmem:s24+$0x8000]  }
0x85: {  	v20 =	vld [tilespmem:s24+$0x8010]  }
0x86: {  	v21 =	vld [tilespmem:s24+$0x8020]  }
0x87: {  	v22 =	vld [tilespmem:s24+$0x8030]  }
0x88: {  	v23 =	vld [tilespmem:s24+$0x8040]  }
0x89: {  	v15 =	vadd.f32 v15, v19;
	v19 =	vld [tilespmem:s24+$0x8050]  }
0x8a: {  	v10 =	vadd.f32 v10, v20;
	v20 =	vld [tilespmem:s24+$0x8060]  }
0x8b: {  	[tilespmem:s24+$0x8000] =	vst v15;
	v11 =	vadd.f32 v11, v21;
	v15 =	vld [tilespmem:s24+$0x8070]  }
0x8c: {  	[tilespmem:s24+$0x8010] =	vst v10;
	v10 =	vadd.f32 v14, v22;
	v14 =	vld [tilespmem:s24+$0x8400]  }
.Ltmp0:
0x8d: {  	[tilespmem:s24+$0x8020] =	vst v11;
	v11 =	vadd.f32 v13, v23;
	v13 =	vld [tilespmem:s24+$0x8410];
	(pc) =	sbr.rel @p0 .LBB2_3-.Ltmp0, $4  }
0x8e: {  	[tilespmem:s24+$0x8030] =	vst v10;
	v19 =	vadd.f32 v12, v19;
	v12 =	vld [tilespmem:s24+$0x8420]  }
0x8f: {  	[tilespmem:s24+$0x8040] =	vst v11;
	v20 =	vadd.f32 v16, v20;
	v10 =	vld [tilespmem:s24+$0x8430]  }
0x90: {  	[tilespmem:s24+$0x8050] =	vst v19;
	v16 =	vadd.f32 v17, v15;
	v11 =	vld [tilespmem:s24+$0x8440]  }
0x91: {  	s25 =	sadd.s32 $0x80, s25;
	s26 =	sadd.s32 $0x100, s26;
	[tilespmem:s24+$0x8060] =	vst v20;
	v15 =	vadd.f32 v18, v14;
	v14 =	vld [tilespmem:s24+$0x8450]  }
0x92: {  	[tilespmem:s24+$0x8070] =	vst v16;
	v9 =	vadd.f32 v9, v13;
	v62 =	vld [tilespmem:s24+$0x8460]  }
0x93: {  	v63 =	vld [tilespmem:s24+$0x8470];
	[tilespmem:s24+$0x8400] =	vst v15;
	v8 =	vadd.f32 v8, v12  }
0x94: {  	[tilespmem:s24+$0x8410] =	vst v9;
	v7 =	vadd.f32 v7, v10  }
0x95: {  	[tilespmem:s24+$0x8420] =	vst v8;
	v6 =	vadd.f32 v6, v11  }
0x96: {  	s25 =	smul.u32 $0x28, s23;
	[tilespmem:s24+$0x8430] =	vst v7;
	v5 =	vadd.f32 v5, v14  }
0x97: {  	[tilespmem:s24+$0x8440] =	vst v6;
	v4 =	vadd.f32 v4, v62  }
0x98: {  	s23 =	sadd.s32 $0x1, s23;
	s25 =	sadd.s32 s6, s25;
	v3 =	vadd.f32 v3, v63;
	[tilespmem:s24+$0x8450] =	vst v5  }
0x99: {  	p0 =	sne.s32 s23, $0x7D;
	s25 =	sshll.u32 s25, $0x5;
	[tilespmem:s24+$0x8460] =	vst v4  }
.Ltmp1:
0x9a: {  	s31 =	sadd.s32 s5, s25;
	[tilespmem:s24+$0x8470] =	vst v3;
	(pc) =	sbr.rel @p0 .LBB2_2-.Ltmp1, $4  }
0x9b: {  	[hbm4b:s31+s3] =	stream.linear.scatter [tilespmem:s12], [sflag:$0x1], $0x2800, $0x38;
	[tilespmem:$0xD000] =	vst v63  }
0x9c: {  	_ =	swait.ge [sflag:s10], $0x2800  }
0x9d: {  	[sflag:s10] =	ssyncset.done $0x0  }
0x9e: {  	[sflag:s10] =	ssyncadd.s32 $0xFFFFD800  }
0x9f: {  	s22 =	sadd.s32 $0x1, s22  }
0xa0: {  	p0 =	sne.s32 s22, s9  }
.Ltmp2:
0xa1: {  	_ = 	snop;
	(pc) =	sbr.rel @p0 .LBB2_1-.Ltmp2, $1  }
0xa2: {  	_ =	sdelay $0x3  }
0xa3: {  	_ =	sfence.sel $0x180000  }
0xa4: {  	[bflag:$0x0] =	sbarrier.arrive $0xFFFF  }
0xa5: {  	p0 =	sne.s32 s2, $0x0;
	_ =	strace $0x90000053  }
0xa6: {  	s0 =	sadd.s32 @!p0 $0x100000, s0;
	[bflag:$0x2] =	sbarrier.arrive $0xFFFF  }
0xa7: {  	[sflag:s0] =	ssyncadd.tile.s32 @!p0 $0x1;
	_ =	shalt  }
.Lfunc_end2:
_tile_overlayer_lowered:
.L_overlay_start_2:
0xa8: {  	(tag) =	ssettag $0x2  }
0xa9: {  	s0 =	rddreg [dreg:$0x0];
	s2 =	stileid.u32  }
0xaa: {  	s1 =	rddreg [dreg:$0x1];
	p0 =	sne.s32 s2, $0x0  }
0xab: {  	s3 =	rddreg [dreg:$0x2];
	[bflag:$0x3] =	sbarrier.arrive $0xFFFF;
	s2 =	simm.s32 @!p0 $0x1C01  }
0xac: {  	[timem:s3], [sflag:s2] =	dma.local @!p0 [hbm:s0], s1  }
0xad: {  	s0 =	simm.s32 @!p0 $0x1  }
0xae: {  	_ =	swait.ge @!p0 [sflag:s0], s1  }
0xaf: {  	s1 =	ssub.s32 @!p0 $0x0, s1;
	[sflag:s0] =	ssyncset.done @!p0 $0x0  }
0xb0: {  	[sflag:s0] =	ssyncadd.s32 @!p0 s1  }
0xb1: {  	[bflag:$0x3] =	sbarrier.arrive $0xFFFF  }
0xb2: {  	_ =	shalt  }

// kernel: kernel.32.cloned.1.call-start
scs
__scs_entry_jumppad:
0x0: {  	(pc) =	sbr.rel $0x88, $3  }
0x1: {  	(tag) =	ssettag $0x0;
	lr =	simm.s32 $0x1  }
0x2: {  	[smem:$0x3F72] =	sst lr;
	_ =	strace $0xD0000000  }
0x3: {  	_ = 	snop  }
0x4: {  	_ = 	snop  }
0x5: {  	_ = 	snop  }
0x6: {  	_ = 	snop  }
0x7: {  	_ = 	snop  }
__scs_overlays_trampoline_lowered:
0x8: {  	[smem:$0x3F81] =	sst s0  }
0x9: {  	[smem:$0x3F82] =	sst s1  }
0xa: {  	[smem:$0x3F83] =	sst s2  }
0xb: {  	[smem:$0x3F84] =	sst s3  }
0xc: {  	[smem:$0x3F85] =	sst s4  }
0xd: {  	[smem:$0x3F86] =	sst s5  }
0xe: {  	[smem:$0x3F87] =	sst s6  }
0xf: {  	[smem:$0x3F88] =	sst s7  }
0x10: {  	[smem:$0x3F89] =	sst s8  }
0x11: {  	[smem:$0x3F8A] =	sst s9;
	s0 =	simm.s32 @!p0 $0x0  }
0x12: {  	s1 =	sld [smem:$0x3F70];
	s0 =	simm.s32 @p0 $0x1  }
0x13: {  	[smem:$0x3F8B] =	sst s0;
	s0 =	simm.s32 @!p1 $0x0  }
0x14: {  	s2 =	sld [smem:$0x3F6F];
	s0 =	simm.s32 @p1 $0x1  }
0x15: {  	[smem:$0x3F8C] =	sst s0;
	s0 =	simm.s32 @!p2 $0x0  }
0x16: {  	s3 =	sld [smem:$0x3FDB];
	s0 =	simm.s32 @p2 $0x1  }
0x17: {  	s4 =	simm.s32 $0x1BF5;
	[smem:$0x3F8E] =	sst s0  }
0x18: {  	s0 =	sld [smem:$0x3F71];
	_ =	swait.ge [sflag:s4], $0x0  }
0x19: {  	s7 =	sld [smem:$0x3F72]  }
0x1a: {  	s8 =	sadd.s32 $0xFFFFE003, lr  }
0x1b: {  	s9 =	sadd.s32 $0xFFFFFEF7, lr;
	s5 =	simm.s32 $0xFFFFFFFF;
	p2 =	slt.u32 s8, $0xFFFFF086  }
0x1c: {  	p1 =	slt.u32 s9, $0xF7A;
	s5 =	simm.s32 @!p2 $0x0  }
0x1d: {  	s5 =	simm.s32 @p1 $0x1;
	p0 =	seq.s32 s7, s2  }
0x1e: {  	s7 =	smul.u32 @!p0 $0xF7A, s2;
	p2 =	seq.s32 @!p0 s5, $0x0  }
0x1f: {  	s9 =	smul.u32 $0xF7A, s1;
	s8 =	simm.s32 @!p0 $0x1BF5;
	p2 =	por !p2, p0  }
0x20: {  	[sflag:s8] =	ssyncset.s32 @!p0 $0xFFFFF086;
	s6 =	sadd.s32 @!p0 s3, s7;
	s7 =	simm.s32 @!p0 $0x108  }
0x21: {  	s3 =	sadd.s32 s3, s9;
	s6 =	sadd.s32 @!p0 $0x88, s6;
	s7 =	simm.s32 @p2 $0x1082  }
0x22: {  	[simem:s7], [sflag:s8] =	dma.local @!p0 [hbm:s6], $0xF7A  }
0x23: {  	s9 =	sor.u32 $0xD0000000, s2;
	s6 =	simm.s32 $0x108;
	_ =	swait.ge @!p0 [sflag:s8], $0x0  }
0x24: {  	s3 =	sadd.s32 $0x88, s3;
	s6 =	simm.s32 @!p1 $0x1082;
	[sflag:s4] =	ssyncset.s32 $0xFFFFF086  }
0x25: {  	[simem:s6], [sflag:s4] =	dma.local [hbm:s3], $0xF7A  }
0x26: {  	[smem:$0x3F72] =	sst s1;
	(tag) =	ssettag s2;
	_ =	strace s9  }
0x27: {  	s1 =	sld [smem:$0x3F82]  }
0x28: {  	s2 =	sld [smem:$0x3F83]  }
0x29: {  	s4 =	sld [smem:$0x3F85]  }
0x2a: {  	p0 =	seq.s32 s5, $0x0;
	s5 =	sld [smem:$0x3F86]  }
0x2b: {  	s6 =	sld [smem:$0x3F87]  }
0x2c: {  	s7 =	sld [smem:$0x3F88]  }
0x2d: {  	s3 =	simm.s32 $0x108;
	s8 =	sld [smem:$0x3F89]  }
0x2e: {  	s3 =	simm.s32 @!p0 $0x1082;
	s9 =	sld [smem:$0x3F8A]  }
0x2f: {  	lr =	sadd.s32 s0, s3;
	s0 =	sld [smem:$0x3F81]  }
0x30: {  	s3 =	sld [smem:$0x3F84]  }
0x31: {  	[smem:$0x3F8D] =	sst s10  }
0x32: {  	s10 =	sld [smem:$0x3F8B];
	_ =	sdelay $0x3  }
0x33: {  	p0 =	seq.s32 s10, $0x1;
	s10 =	sld [smem:$0x3F8D];
	_ =	sdelay $0x3  }
0x34: {  	[smem:$0x3F8D] =	sst s10  }
0x35: {  	s10 =	sld [smem:$0x3F8C];
	_ =	sdelay $0x3  }
0x36: {  	p1 =	seq.s32 s10, $0x1;
	s10 =	sld [smem:$0x3F8D];
	_ =	sdelay $0x3  }
0x37: {  	[smem:$0x3F8D] =	sst s10  }
0x38: {  	s10 =	sld [smem:$0x3F8E]  }
0x39: {  	_ = 	snop;
	(pc) =	sbr.ind lr, $3  }
0x3a: {  	_ = 	snop  }
0x3b: {  	_ = 	snop  }
0x3c: {  	p2 =	seq.s32 s10, $0x1;
	s10 =	sld [smem:$0x3F8D]  }
0x3d: {  	_ =	shalt  }
0x3e: {  	_ =	shalt  }
0x3f: {  	_ =	shalt  }
0x40: {  	_ =	shalt  }
0x41: {  	_ =	shalt  }
0x42: {  	_ =	shalt  }
0x43: {  	_ =	shalt  }
0x44: {  	_ =	shalt  }
0x45: {  	_ =	shalt  }
0x46: {  	_ =	shalt  }
0x47: {  	_ =	shalt  }
0x48: {  	_ =	shalt  }
0x49: {  	_ =	shalt  }
0x4a: {  	_ =	shalt  }
0x4b: {  	_ =	shalt  }
0x4c: {  	_ =	shalt  }
0x4d: {  	_ =	shalt  }
0x4e: {  	_ =	shalt  }
0x4f: {  	_ =	shalt  }
0x50: {  	_ =	shalt  }
0x51: {  	_ =	shalt  }
0x52: {  	_ =	shalt  }
0x53: {  	_ =	shalt  }
0x54: {  	_ =	shalt  }
0x55: {  	_ =	shalt  }
0x56: {  	_ =	shalt  }
0x57: {  	_ =	shalt  }
0x58: {  	_ =	shalt  }
0x59: {  	_ =	shalt  }
0x5a: {  	_ =	shalt  }
0x5b: {  	_ =	shalt  }
0x5c: {  	_ =	shalt  }
0x5d: {  	_ =	shalt  }
0x5e: {  	_ =	shalt  }
0x5f: {  	_ =	shalt  }
0x60: {  	_ =	shalt  }
0x61: {  	_ =	shalt  }
0x62: {  	_ =	shalt  }
0x63: {  	_ =	shalt  }
0x64: {  	_ =	shalt  }
0x65: {  	_ =	shalt  }
0x66: {  	_ =	shalt  }
0x67: {  	_ =	shalt  }
0x68: {  	_ =	shalt  }
0x69: {  	_ =	shalt  }
0x6a: {  	_ =	shalt  }
0x6b: {  	_ =	shalt  }
0x6c: {  	_ =	shalt  }
0x6d: {  	_ =	shalt  }
0x6e: {  	_ =	shalt  }
0x6f: {  	_ =	shalt  }
0x70: {  	_ =	shalt  }
0x71: {  	_ =	shalt  }
0x72: {  	_ =	shalt  }
0x73: {  	_ =	shalt  }
0x74: {  	_ =	shalt  }
0x75: {  	_ =	shalt  }
0x76: {  	_ =	shalt  }
0x77: {  	_ =	shalt  }
0x78: {  	_ =	shalt  }
0x79: {  	_ =	shalt  }
0x7a: {  	_ =	shalt  }
0x7b: {  	_ =	shalt  }
0x7c: {  	_ =	shalt  }
0x7d: {  	_ =	shalt  }
0x7e: {  	_ =	shalt  }
0x7f: {  	_ =	shalt  }
0x80: {  	_ =	shalt  }
0x81: {  	_ =	shalt  }
0x82: {  	_ =	shalt  }
0x83: {  	_ =	shalt  }
0x84: {  	_ =	shalt  }
0x85: {  	_ =	shalt  }
0x86: {  	_ =	shalt  }
0x87: {  	_ =	shalt  }
.Lfunc_end0:
.L_simem_size_0:
called_computation.5_lowered:
.L_overlay_start_0:
0x88: {  	s2 =	sld [smem:$0x3FD9]  }
0x89: {  	s3 =	sld [smem:$0x3FFE];
	_ =	sdelay $0x1  }
0x8a: {  	s1 =	srdreg.scid  }
0x8b: {  	s0 =	sand.u32 $0x1, s1  }
0x8c: {  	s16 =	sshll.u32 s0, $0xA;
	s2 =	sadd.s32 s3, s2  }
0x8d: {  	s2 =	sadd.s32 s2, s16  }
0x8e: {  	[smem:$0x3F99] =	sst s2  }
0x8f: {  	_ = 	snop  }
0x90: {  	(tm) =	ssettm $0x1  }
0x91: {  	s17 =	sld [smem:$0x3FFB];
	_ =	sdelay $0x3  }
0x92: {  	_ =	strace s17  }
0x93: {  	s2 =	sld [smem:$0x3FFC];
	_ =	sdelay $0x3  }
0x94: {  	_ =	strace s2  }
0x95: {  	s2 =	sld [smem:$0x3FFD];
	_ =	sdelay $0x3  }
0x96: {  	_ =	strace s2  }
0x97: {  	_ =	strace $0x8FFFFFFF  }
0x98: {  	s18 =	sld [smem:$0x3FDB];
	_ =	sdelay $0x1  }
0x99: {  	s19 =	simm.s32 $_scs_section_size  }
0x9a: {  	s4 =	simm.s32 $_size__tile_overlayer_lowered;
	s5 =	simm.s32 $_tile_overlayer_lowered  }
0x9b: {  	s22 =	simm.s32 $0x1BFF;
	s21 =	sshll.u32 s5, $0x1;
	s2 =	sadd.s32 s19, s18  }
0x9c: {  	s6 =	simm.s32 $0x0;
	s20 =	sshll.u32 s4, $0x1;
	s4 =	sadd.s32 s21, s2  }
0x9d: {  	[timem:s6], [sflag:s22] =	dma.local [hbm:s4], s20  }
0x9e: {  	_ =	swait.ge [sflag:s22], s20  }
0x9f: {  	s3 =	ssub.s32 $0x0, s20;
	[sflag:s22] =	ssyncset.done $0x0  }
0xa0: {  	[sflag:s22] =	ssyncadd.s32 s3;
	_ =	sdelay $0x1  }
0xa1: {  	s23 =	simm.s32 $0x1B8B  }
0xa2: {  	_ =	swait.ge [sflag:s23], $0x1  }
0xa3: {  	[sflag:s23] =	ssyncset.done $0x0  }
0xa4: {  	s25 =	simm.s32 $0x1B8E;
	s24 =	sld [smem:$0x3FFE];
	[sflag:s23] =	ssyncadd.s32 $0xFFFFFFFF  }
0xa5: {  	s26 =	simm.s32 $execute0_lowered;
	[smem:$0x3FD2] =	sst s25  }
0xa6: {  	s4 =	sshll.u32 s26, $0x1;
	_ =	strace $0x80000055;
	[dreg:$0x1] =	wrdreg $0xFFFFFFFF  }
0xa7: {  	s28 =	simm.s32 $_size_execute0_lowered;
	s2 =	sadd.s32 s2, s4;
	[dreg:$0x0] =	wrdreg $0x0  }
0xa8: {  	s4 =	sshll.u32 s28, $0x1;
	[dreg:$0x2] =	wrdreg s2  }
0xa9: {  	[dreg:$0x3] =	wrdreg s4  }
0xaa: {  	[dreg:$0x4] =	wrdreg $0xC0  }
0xab: {  	_ =	task [dreg:s6], $0x5FFFF  }
0xac: {  	[dreg:$0x1] =	wrdreg $0xFFFFFFFF  }
0xad: {  	[dreg:$0x0] =	wrdreg $0x60  }
0xae: {  	[dreg:$0x2] =	wrdreg s24  }
0xaf: {  	[dreg:$0x3] =	wrdreg $0x68000  }
0xb0: {  	[dreg:$0x4] =	wrdreg $0x9  }
0xb1: {  	_ =	task.clear_ibuf [dreg:s6], $0x5FFFF;
	_ =	strace $0x90000055  }
0xb2: {  	s29 =	simm.s32 $0x9;
	_ =	strace $0x80000057  }
0xb3: {  	_ =	swait.ge [sflag:s29], $0x1  }
0xb4: {  	[sflag:s29] =	ssyncadd.s32 $0xFFFFFFFF  }
0xb5: {  	_ =	strace $0x90000057  }
0xb6: {  	_ =	sfence  }
0xb7: {  	s30 =	sld [smem:$0x0];
	_ =	sdelay $0x2  }
0xb8: {  	s31 =	sshll.u32 s1, $0xD;
	s1 =	sshrl.u32 s1, $0x2  }
0xb9: {  	s3 =	sand.u32 $0x4000, s31;
	s1 =	sadd.s32 s1, s30  }
0xba: {  	s0 =	sor.u32 s3, s0;
	s1 =	sshll.u32 s1, $0x11  }
0xbb: {  	s0 =	sor.u32 s1, s0  }
0xbc: {  	s0 =	sadd.s32 $0x8F2B, s0  }
0xbd: {  	[sflag:s0] =	ssyncadd.remote.s32 $0x1  }
0xbe: {  	_ =	sfence.sel $0xFFFF  }
0xbf: {  	[dreg:$0x0] =	wrdreg $0xFFFFFFFF;
	(pc) =	sbr.abs _section_cstart, $3  }
0xc0: {  	[dreg:$0x1] =	wrdreg $0xFFFFFFFF  }
0xc1: {  	_ =	task.clear_ibuf [dreg:s6], $0x2FFFF;
	_ =	strace $0x9FFFFFFF  }
0xc2: {  	(tm) =	ssettm $0x7FFFFFFF  }
0xc3: {  	_ =	shalt  }
tec
execute0_lowered:
.L_overlay_start_1:
0x0: {  	(tag) =	ssettag $0x1  }
0x1: {  	s17 =	rddreg [dreg:$0x0]  }
0x2: {  	s1 =	rddreg [dreg:$0x1]  }
0x3: {  	s0 =	rddreg [dreg:$0x2];
	s3 =	simm.s32 $0x0  }
0x4: {  	s2 =	stileid.u32;
	s4 =	srdreg.scid;
	s23 =	simm.s32 $0x0  }
0x5: {  	[smem:$0x7FF] =	sst s3;
	s19 =	sadd.s32 $0x7DB800, s17;
	s5 =	smul.u32 $0x4E000, s2  }
0x6: {  	s18 =	sadd.s32 $0x1151600, s17;
	s6 =	sshll.u32 s2, $0xB;
	s22 =	sand.u32 $0x1, s4  }
0x7: {  	s7 =	smul.u32 $0x2700, s2;
	s11 =	sadd.s32 $0x138000, s1;
	s15 =	sadd.s32 $0xA73800, s17  }
0x8: {  	s21 =	smul.u32 $0x27100, s2;
	p1 =	sne.s32 s2, $0xF;
	_ =	strace $0x80000056  }
0x9: {  	s8 =	ssub.s32 $0x2, s22;
	s13 =	sadd.s32 s6, s17;
	p0 =	seq.s32 s22, $0x1  }
0xa: {  	p2 =	sne.s32 s22, $0x0;
	s22 =	simm.s32 $0x50;
	s30 =	sshrl.u32 s5, $0x2  }
0xb: {  	s31 =	sshrl.u32 s8, $0x1;
	s16 =	sadd.s32 s7, s17;
	s13 =	sadd.s32 $0x785600, s13  }
0xc: {  	s17 =	sadd.s32 $0xA9AA00, s17;
	s19 =	smov.u32 @p0 s18;
	p3 =	sne.s32 @!p2 s2, $0xF  }
0xd: {  	p4 =	sne.s32 @p0 s2, $0xF;
	s4 =	sadd.s32 s30, s1;
	s20 =	ssub.s32 s8, s31  }
0xe: {  	s14 =	sadd.s32 $0xA4C800, s16;
	s16 =	sadd.s32 $0xA73A00, s16;
	s19 =	sadd.s32 s21, s19  }
0xf: {  	s21 =	simm.s32 $0x1;
	p3 =	por p3, p2;
	p4 =	por p4, !p0  }
0x10: {  	s5 =	sadd.s32 $0x2800, s4;
	s6 =	sadd.s32 $0x5000, s4;
	s7 =	sadd.s32 $0x7800, s4  }
0x11: {  	s8 =	sadd.s32 $0xA000, s4;
	s9 =	sadd.s32 $0xF000, s4;
	s10 =	sadd.s32 $0x11800, s4  }
0x12: {  	v0 =	vimm.f32 $0.0e+00;
	s12 =	sadd.s32 $0xC800, s4;
	s18 =	smax.u32 s20, $0x1;
	s20 =	simm.s32 $0x4000  }
.LBB2_1:
0x13: {  	s24 =	simm.s32 $0x0;
	s25 =	simm.s32 $0x200  }
.LBB2_2:
0x14: {  	p5 =	sne.s32 s25, $0x9E00;
	[tilespmem:s24+$0x4070] =	vst v0  }
0x15: {  	[tilespmem:s24+$0x4000] =	vst v0  }
0x16: {  	[tilespmem:s24+$0x4010] =	vst v0  }
.Ltmp0:
0x17: {  	[tilespmem:s24+$0x4020] =	vst v0;
	(pc) =	sbr.rel @p5 .LBB2_2-.Ltmp0, $4  }
0x18: {  	[tilespmem:s24+$0x4030] =	vst v0  }
0x19: {  	[tilespmem:s24+$0x4040] =	vst v0  }
0x1a: {  	[tilespmem:s24+$0x4050] =	vst v0  }
0x1b: {  	[tilespmem:s24+$0x4060] =	vst v0;
	s24 =	sshra.s32 s25, $0x2;
	s25 =	sadd.s32 $0x200, s25  }
0x1c: {  	[tilespmem:s24+$0x4070] =	vst v0  }
0x1d: {  	[tilespmem:s24+$0x4000] =	vst v0  }
0x1e: {  	[tilespmem:s24+$0x4010] =	vst v0  }
0x1f: {  	[tilespmem:s24+$0x4020] =	vst v0  }
0x20: {  	[tilespmem:s24+$0x4030] =	vst v0  }
0x21: {  	[tilespmem:s24+$0x4040] =	vst v0  }
0x22: {  	[tilespmem:s24+$0x4050] =	vst v0  }
0x23: {  	[tilespmem:s24+$0x4060] =	vst v0  }
0x24: {  	[spmem:s4] =	stream.linear.scatter [tilespmem:s20], [sflag:$0x1], $0x2800, $0x38;
	[tilespmem:$0x1A0C0] =	vst v63  }
0x25: {  	_ =	swait.ge [sflag:s21], $0x2800  }
0x26: {  	[sflag:s21] =	ssyncset.done $0x0  }
0x27: {  	[sflag:s21] =	ssyncadd.s32 $0xFFFFD800  }
0x28: {  	[spmem:s5] =	stream.linear.scatter [tilespmem:s20], [sflag:$0x1], $0x2800, $0x38;
	[tilespmem:$0x1A0C0] =	vst v63  }
0x29: {  	_ =	swait.ge [sflag:s21], $0x2800  }
0x2a: {  	[sflag:s21] =	ssyncset.done $0x0  }
0x2b: {  	[sflag:s21] =	ssyncadd.s32 $0xFFFFD800  }
0x2c: {  	[spmem:s6] =	stream.linear.scatter [tilespmem:s20], [sflag:$0x1], $0x2800, $0x38;
	[tilespmem:$0x1A0C0] =	vst v63  }
0x2d: {  	_ =	swait.ge [sflag:s21], $0x2800  }
0x2e: {  	[sflag:s21] =	ssyncset.done $0x0  }
0x2f: {  	[sflag:s21] =	ssyncadd.s32 $0xFFFFD800  }
0x30: {  	[spmem:s7] =	stream.linear.scatter [tilespmem:s20], [sflag:$0x1], $0x2800, $0x38;
	[tilespmem:$0x1A0C0] =	vst v63  }
0x31: {  	_ =	swait.ge [sflag:s21], $0x2800  }
0x32: {  	[sflag:s21] =	ssyncset.done $0x0  }
0x33: {  	[sflag:s21] =	ssyncadd.s32 $0xFFFFD800  }
0x34: {  	[spmem:s8] =	stream.linear.scatter [tilespmem:s20], [sflag:$0x1], $0x2800, $0x38;
	[tilespmem:$0x1A0C0] =	vst v63  }
0x35: {  	_ =	swait.ge [sflag:s21], $0x2800  }
0x36: {  	[sflag:s21] =	ssyncset.done $0x0  }
0x37: {  	[sflag:s21] =	ssyncadd.s32 $0xFFFFD800  }
0x38: {  	[spmem:s12] =	stream.linear.scatter [tilespmem:s20], [sflag:$0x1], $0x2800, $0x38;
	[tilespmem:$0x1A0C0] =	vst v63  }
0x39: {  	_ =	swait.ge [sflag:s21], $0x2800  }
0x3a: {  	[sflag:s21] =	ssyncset.done $0x0  }
0x3b: {  	[sflag:s21] =	ssyncadd.s32 $0xFFFFD800  }
0x3c: {  	[spmem:s9] =	stream.linear.scatter [tilespmem:s20], [sflag:$0x1], $0x2800, $0x38;
	[tilespmem:$0x1A0C0] =	vst v63  }
0x3d: {  	_ =	swait.ge [sflag:s21], $0x2800  }
0x3e: {  	[sflag:s21] =	ssyncset.done $0x0  }
0x3f: {  	[sflag:s21] =	ssyncadd.s32 $0xFFFFD800  }
0x40: {  	[spmem:s10] =	stream.linear.scatter [tilespmem:s20], [sflag:$0x1], $0x2000, $0x38;
	[tilespmem:$0x1A0C0] =	vst v63  }
0x41: {  	_ =	swait.ge [sflag:s21], $0x2000  }
0x42: {  	[sflag:s21] =	ssyncset.done $0x0  }
0x43: {  	s24 =	simm.s32 @!p1 $0x4000;
	[sflag:s21] =	ssyncadd.s32 $0xFFFFE000  }
0x44: {  	[spmem:s11] =	stream.linear.scatter @!p1 [tilespmem:s24], [sflag:$0x1], $0x800, $0x38;
	[tilespmem:$0x1A0C0] =	vst v63  }
0x45: {  	s24 =	simm.s32 @!p1 $0x1  }
0x46: {  	_ =	swait.ge @!p1 [sflag:s24], $0x800  }
0x47: {  	[sflag:s24] =	ssyncset.done @!p1 $0x0  }
0x48: {  	s30 =	simm.s32 $0x0;
	[sflag:s24] =	ssyncadd.s32 @!p1 $0xFFFFF800  }
0x49: {  	[tilespmem:s30], [sflag:$0x1] =	stream.linear.gather [hbm4b:s13+s30], $0x3E80, $0x38;
	[tilespmem:$0x1A0C0] =	vst v63  }
0x4a: {  	_ =	swait.ge [sflag:s21], $0x3E80  }
0x4b: {  	[sflag:s21] =	ssyncset.done $0x0  }
0x4c: {  	[sflag:s21] =	ssyncadd.s32 $0xFFFFC180  }
0x4d: {  	[bflag:$0x0] =	sbarrier.arrive $0xFFFF  }
0x4e: {  	[tilespmem:s20], [sflag:$0x1] =	stream.linear.gather [hbm4b:s19+s3], $0x2800, $0x38;
	[tilespmem:$0x1A0C0] =	vst v63  }
0x4f: {  	_ =	swait.ge [sflag:s21], $0x2800  }
0x50: {  	[sflag:s21] =	ssyncset.done $0x0  }
0x51: {  	s31 =	simm.s32 $0x0;
	[sflag:s21] =	ssyncadd.s32 $0xFFFFD800  }
0x52: {  	[spmem:s1] =	stream.indirect.scatter.add.f32 [tilespmem:s20], [sflag:$0x1], $0x80, s31, s22, $0xb8;
	[tilespmem:$0x1A0C0] =	vst v63  }
0x53: {  	_ =	swait.ge [sflag:s21], $0x2800  }
0x54: {  	s25 =	smov.u32 s19;
	s24 =	simm.s32 $0x200;
	[sflag:s21] =	ssyncset.done $0x0  }
.LBB2_4:
0x55: {  	p5 =	sne.s32 s24, $0xF800;
	[sflag:s21] =	ssyncadd.s32 $0xFFFFD800;
	s25 =	sadd.s32 $0x500, s25  }
0x56: {  	[tilespmem:s20], [sflag:$0x1] =	stream.linear.gather [hbm4b:s25+s3], $0x2800, $0x38;
	[tilespmem:$0x1A0C0] =	vst v63  }
0x57: {  	s26 =	smov.u32 s24;
	s24 =	sadd.s32 $0x200, s24;
	_ =	swait.ge [sflag:s21], $0x2800  }
.Ltmp1:
0x58: {  	[sflag:s21] =	ssyncset.done $0x0;
	(pc) =	sbr.rel @p5 .LBB2_4-.Ltmp1, $4  }
0x59: {  	s26 =	sshra.s32 s26, $0x2;
	[sflag:s21] =	ssyncadd.s32 $0xFFFFD800  }
0x5a: {  	[spmem:s1] =	stream.indirect.scatter.add.f32 [tilespmem:s20], [sflag:$0x1], $0x80, s26, s22, $0xb8;
	[tilespmem:$0x1A0C0] =	vst v63  }
0x5b: {  	_ =	swait.ge [sflag:s21], $0x2800  }
0x5c: {  	[sflag:s21] =	ssyncset.done $0x0  }
0x5d: {  	[sflag:s21] =	ssyncadd.s32 $0xFFFFD800;
	s24 =	sshll.u32 @!p2 s2, $0x6  }
0x5e: {  	s25 =	sshrl.u32 @!p2 s4, $0x3;
	[bflag:$0x0] =	sbarrier.arrive $0xFFFF;
	s24 =	sor.u32 @!p2 $0x1C01, s24  }
0x5f: {  	[hbm:s14], [sflag:s24] =	dma.local @!p2 [spmem:s25], $0x2700  }
0x60: {  	s24 =	simm.s32 @!p2 $0x1  }
0x61: {  	_ =	swait.ge @!p2 [sflag:s24], $0x2700  }
0x62: {  	[sflag:s24] =	ssyncset.done @!p2 $0x0  }
0x63: {  	s25 =	simm.s32 @!p3 $0x1FC1;
	[sflag:s24] =	ssyncadd.s32 @!p2 $0xFFFFD900;
	s24 =	sshrl.u32 @!p3 s11, $0x3  }
0x64: {  	[hbm:s15], [sflag:s25] =	dma.local @!p3 [spmem:s24], $0x100  }
0x65: {  	s24 =	simm.s32 @!p3 $0x1  }
0x66: {  	_ =	swait.ge @!p3 [sflag:s24], $0x100  }
0x67: {  	s25 =	sshll.u32 @p0 s2, $0x6;
	[sflag:s24] =	ssyncset.done @!p3 $0x0  }
0x68: {  	[sflag:s24] =	ssyncadd.s32 @!p3 $0xFFFFFF00;
	s24 =	sor.u32 @p0 $0x1C01, s25;
	s25 =	sshrl.u32 @p0 s4, $0x3  }
0x69: {  	[hbm:s16], [sflag:s24] =	dma.local @p0 [spmem:s25], $0x2700  }
0x6a: {  	s24 =	simm.s32 @p0 $0x1  }
0x6b: {  	s23 =	sadd.s32 $0x1, s23;
	_ =	swait.ge @p0 [sflag:s24], $0x2700  }
0x6c: {  	p5 =	sne.s32 s23, s18;
	[sflag:s24] =	ssyncset.done @p0 $0x0  }
0x6d: {  	s25 =	simm.s32 @!p4 $0x1FC1;
	[sflag:s24] =	ssyncadd.s32 @p0 $0xFFFFD900;
	s24 =	sshrl.u32 @!p4 s11, $0x3  }
0x6e: {  	[hbm:s17], [sflag:s25] =	dma.local @!p4 [spmem:s24], $0x100  }
.Ltmp2:
0x6f: {  	_ = 	snop;
	(pc) =	sbr.rel @p5 .LBB2_1-.Ltmp2, $4  }
0x70: {  	s24 =	simm.s32 @!p4 $0x1  }
0x71: {  	_ =	swait.ge @!p4 [sflag:s24], $0x100  }
0x72: {  	[sflag:s24] =	ssyncset.done @!p4 $0x0  }
0x73: {  	[sflag:s24] =	ssyncadd.s32 @!p4 $0xFFFFFF00  }
0x74: {  	_ =	sfence.sel $0x180000  }
0x75: {  	[bflag:$0x0] =	sbarrier.arrive $0xFFFF  }
0x76: {  	p0 =	sne.s32 s2, $0x0;
	_ =	strace $0x90000056  }
0x77: {  	s0 =	sadd.s32 @!p0 $0x100000, s0;
	[bflag:$0x2] =	sbarrier.arrive $0xFFFF  }
0x78: {  	[sflag:s0] =	ssyncadd.tile.s32 @!p0 $0x1;
	_ =	shalt  }
.Lfunc_end2:
_tile_overlayer_lowered:
.L_overlay_start_2:
0x79: {  	(tag) =	ssettag $0x2  }
0x7a: {  	s0 =	rddreg [dreg:$0x0];
	s2 =	stileid.u32  }
0x7b: {  	s1 =	rddreg [dreg:$0x1];
	p0 =	sne.s32 s2, $0x0  }
0x7c: {  	s3 =	rddreg [dreg:$0x2];
	[bflag:$0x3] =	sbarrier.arrive $0xFFFF;
	s2 =	simm.s32 @!p0 $0x1C01  }
0x7d: {  	[timem:s3], [sflag:s2] =	dma.local @!p0 [hbm:s0], s1  }
0x7e: {  	s0 =	simm.s32 @!p0 $0x1  }
0x7f: {  	_ =	swait.ge @!p0 [sflag:s0], s1  }
0x80: {  	s1 =	ssub.s32 @!p0 $0x0, s1;
	[sflag:s0] =	ssyncset.done @!p0 $0x0  }
0x81: {  	[sflag:s0] =	ssyncadd.s32 @!p0 s1  }
0x82: {  	[bflag:$0x3] =	sbarrier.arrive $0xFFFF  }
0x83: {  	_ =	shalt  }

</sc_bundles>
